<compile_context>
chip_gen: v7x
topology: tpu7x:2x2x1
jax: 0.10.2.dev20260603
libtpu: 0.0.44.dev20260713+nightly
codegen_flags: <defaults>
</compile_context>

<pallas_src>
import functools
import math

import jax
import jax.numpy as jnp
from jax import lax
from jax.experimental import pallas as pl
from jax.experimental.pallas import tpu as pltpu
from jax.experimental.pallas import tpu_sc as plsc

N = 10000
E = 320000
D = 128
H = 8
C = 16
NW = 32
CHUNK = 80
NCHUNKS = E // CHUNK
WCHUNKS = NCHUNKS // NW
NPAD = 10240
ROWS_PER_TILE = NPAD // 16
ZB = 128
NB = 10
BN = N // NB
EB = 100
BE = E // EB
MROWS = BE // CHUNK


def _r2(b):
    return b.reshape(1, -1)



def _node_in_body(x_ref, w0, b0, w1, b1, w2, b2, o_ref):
    h = jnp.maximum(jnp.dot(x_ref[...], w0[...], preferred_element_type=jnp.float32) + b0[...], 0.0)
    h = jnp.maximum(jnp.dot(h, w1[...], preferred_element_type=jnp.float32) + b1[...], 0.0)
    o_ref[...] = jnp.dot(h, w2[...], preferred_element_type=jnp.float32) + b2[...]


def _node_in(x, p):
    return pl.pallas_call(
        _node_in_body,
        grid=(NB,),
        in_specs=[
            pl.BlockSpec((BN, 128), lambda i: (i, 0)),
            pl.BlockSpec((128, D), lambda i: (0, 0)),
            pl.BlockSpec((1, D), lambda i: (0, 0)),
            pl.BlockSpec((D, D), lambda i: (0, 0)),
            pl.BlockSpec((1, D), lambda i: (0, 0)),
            pl.BlockSpec((D, D), lambda i: (0, 0)),
            pl.BlockSpec((1, D), lambda i: (0, 0)),
        ],
        out_specs=pl.BlockSpec((BN, D), lambda i: (i, 0)),
        out_shape=jax.ShapeDtypeStruct((N, D), jnp.float32),
    )(x, p["w0"], _r2(p["b0"]), p["w1"], _r2(p["b1"]), p["w2"], _r2(p["b2"]))


def _edge_pre_body(ea_ref, w0, b0, w1, b1, w2, b2,
                   we0, be0, we1, be1, we2, be2,
                   e0_ref, e1_ref, e2_ref, m_ref):
    a = ea_ref[:, :14]
    h = jnp.maximum(jnp.dot(a, w0[...], preferred_element_type=jnp.float32) + b0[...], 0.0)
    h = jnp.maximum(jnp.dot(h, w1[...], preferred_element_type=jnp.float32) + b1[...], 0.0)
    emb = jnp.dot(h, w2[...], preferred_element_type=jnp.float32) + b2[...]
    for we, be, ref in ((we0, be0, e0_ref), (we1, be1, e1_ref), (we2, be2, e2_ref)):
        ref[...] = jnp.dot(emb, we[...], preferred_element_type=jnp.float32) + be[...]
    m = ea_ref[:, 14] * (1.0 - ea_ref[:, 15]) * (0.25)
    m2 = m.reshape(MROWS, CHUNK)
    m_ref[...] = jnp.concatenate(
        [m2, jnp.zeros((MROWS, 128 - CHUNK), jnp.float32)], axis=1)


def _edge_pre(edge_attr, pe, convs):
    wspec = lambda shp: pl.BlockSpec(shp, lambda i: (0, 0))
    return pl.pallas_call(
        _edge_pre_body,
        grid=(EB,),
        in_specs=[
            pl.BlockSpec((BE, 16), lambda i: (i, 0)),
            wspec((14, 16)), wspec((1, 16)),
            wspec((16, 16)), wspec((1, 16)),
            wspec((16, 16)), wspec((1, 16)),
            wspec((16, D)), wspec((1, D)),
            wspec((16, D)), wspec((1, D)),
            wspec((16, D)), wspec((1, D)),
        ],
        out_specs=[
            pl.BlockSpec((BE, D), lambda i: (i, 0)),
            pl.BlockSpec((BE, D), lambda i: (i, 0)),
            pl.BlockSpec((BE, D), lambda i: (i, 0)),
            pl.BlockSpec((MROWS, 128), lambda i: (i, 0)),
        ],
        out_shape=[
            jax.ShapeDtypeStruct((E, D), jnp.float32),
            jax.ShapeDtypeStruct((E, D), jnp.float32),
            jax.ShapeDtypeStruct((E, D), jnp.float32),
            jax.ShapeDtypeStruct((NCHUNKS, 128), jnp.float32),
        ],
    )(edge_attr, pe["w0"], _r2(pe["b0"]), pe["w1"], _r2(pe["b1"]),
      pe["w2"], _r2(pe["b2"]),
      convs[0]["we"], _r2(convs[0]["be"]),
      convs[1]["we"], _r2(convs[1]["be"]),
      convs[2]["we"], _r2(convs[2]["be"]))


def _qkv_first_body(x_ref, wq, bq, wk, bk, wv, bv, ws, bs,
                    q_ref, k_ref, v_ref, s_ref):
    x = x_ref[...]
    q_ref[...] = jnp.dot(x, wq[...], preferred_element_type=jnp.float32) + bq[...]
    k_ref[...] = jnp.dot(x, wk[...], preferred_element_type=jnp.float32) + bk[...]
    v_ref[...] = jnp.dot(x, wv[...], preferred_element_type=jnp.float32) + bv[...]
    s_ref[...] = jnp.dot(x, ws[...], preferred_element_type=jnp.float32) + bs[...]


def _qkv_next_body(a_ref, b_ref, sk_ref, wq, bq, wk, bk, wv, bv, ws, bs,
                   q_ref, k_ref, v_ref, s_ref):
    x = a_ref[...] + b_ref[...] + sk_ref[...]
    q_ref[...] = jnp.dot(x, wq[...], preferred_element_type=jnp.float32) + bq[...]
    k_ref[...] = jnp.dot(x, wk[...], preferred_element_type=jnp.float32) + bk[...]
    v_ref[...] = jnp.dot(x, wv[...], preferred_element_type=jnp.float32) + bv[...]
    s_ref[...] = jnp.dot(x, ws[...], preferred_element_type=jnp.float32) + bs[...]


def _qkv_specs(nin):
    wspec = lambda: pl.BlockSpec((D, D), lambda i: (0, 0))
    bspec = lambda: pl.BlockSpec((1, D), lambda i: (0, 0))
    xspec = [pl.BlockSpec((BN, D), lambda i: (i, 0)) for _ in range(nin)]
    specs = xspec + [s for _ in range(4) for s in (wspec(), bspec())]
    return dict(
        grid=(NB,),
        in_specs=specs,
        out_specs=[pl.BlockSpec((BN, D), lambda i: (i, 0)) for _ in range(4)],
        out_shape=[jax.ShapeDtypeStruct((N, D), jnp.float32)] * 4,
    )


def _qkv_first(x, p):
    return pl.pallas_call(_qkv_first_body, **_qkv_specs(1))(
        x, p["wq"], _r2(p["bq"]), p["wk"], _r2(p["bk"]),
        p["wv"], _r2(p["bv"]), p["ws"], _r2(p["bs"]))


def _qkv_next(a, b, sk, p):
    return pl.pallas_call(_qkv_next_body, **_qkv_specs(3))(
        a, b, sk, p["wq"], _r2(p["bq"]), p["wk"], _r2(p["bk"]),
        p["wv"], _r2(p["bv"]), p["ws"], _r2(p["bs"]))


def _out_mlp_body(a_ref, b_ref, sk_ref, w0, b0, w1, b1, w2, b2, o_ref):
    x = a_ref[...] + b_ref[...] + sk_ref[...]
    h = jnp.maximum(jnp.dot(x, w0[...], preferred_element_type=jnp.float32) + b0[...], 0.0)
    h = jnp.maximum(jnp.dot(h, w1[...], preferred_element_type=jnp.float32) + b1[...], 0.0)
    o_ref[...] = jax.nn.sigmoid(jnp.dot(h, w2[...], preferred_element_type=jnp.float32) + b2[...])


def _out_mlp(a, b, sk, p):
    wspec = lambda shp: pl.BlockSpec(shp, lambda i: (0, 0))
    return pl.pallas_call(
        _out_mlp_body,
        grid=(NB,),
        in_specs=[
            pl.BlockSpec((BN, D), lambda i: (i, 0)),
            pl.BlockSpec((BN, D), lambda i: (i, 0)),
            pl.BlockSpec((BN, D), lambda i: (i, 0)),
            wspec((D, D)), wspec((1, D)),
            wspec((D, D)), wspec((1, D)),
            wspec((D, 1)), wspec((1, 1)),
        ],
        out_specs=pl.BlockSpec((BN, 1), lambda i: (i, 0)),
        out_shape=jax.ShapeDtypeStruct((N, 1), jnp.float32),
    )(a, b, sk, p["w0"], _r2(p["b0"]), p["w1"], _r2(p["b1"]),
      p["w2"], _r2(p["b2"]))



_SC_MESH = plsc.VectorSubcoreMesh(core_axis_name="c", subcore_axis_name="s")


def _sc_edge_body(q_hbm, k_hbm, v_hbm, ea_hbm, m_hbm, src_hbm, dst_hbm,
                  out_hbm,
                  src_v, dst_v, m_v, q_rows, k_rows, v_rows, ea_rows,
                  acc, s0, s1, s2, s3):
    core = lax.axis_index("c")
    sub = lax.axis_index("s")
    wid = sub * 2 + core

    lanes = lax.iota(jnp.int32, 16)
    perms = [(lanes ^ 8)[:, None], (lanes ^ 4)[:, None],
             (lanes ^ 2)[:, None], (lanes ^ 1)[:, None]]
    zero16 = (lanes & 0)[:, None]
    _dn = lax.GatherDimensionNumbers(
        offset_dims=(), collapsed_slice_dims=(0,), start_index_map=(0,))

    def bcast0(xv):
        return lax.gather(xv, zero16, _dn, slice_sizes=(1,),
                          mode=lax.GatherScatterMode.PROMISE_IN_BOUNDS)

    def vsum(xv):
        for p in perms:
            xv = xv + lax.gather(
                xv, p, _dn, slice_sizes=(1,),
                mode=lax.GatherScatterMode.PROMISE_IN_BOUNDS)
        return xv

    zz = jnp.zeros((16,), jnp.float32)

    def zrow(r, carry):
        for j in range(D // 16):
            v_rows[r, pl.ds(j * 16, 16)] = zz
        return carry

    lax.fori_loop(0, CHUNK, zrow, 0)
    for t in range(ROWS_PER_TILE // CHUNK):
        pltpu.sync_copy(v_rows,
                        acc.at[pl.ds(sub * ROWS_PER_TILE + t * CHUNK, CHUNK)])
    plsc.subcore_barrier()

    def chunk_body(t, carry):
        cidx = wid * WCHUNKS + t
        base = cidx * CHUNK
        pltpu.sync_copy(src_hbm.at[pl.ds(base, CHUNK)], src_v)
        pltpu.sync_copy(dst_hbm.at[pl.ds(base, CHUNK)], dst_v)
        cq = pltpu.async_copy(q_hbm.at[dst_v], q_rows, s0)
        ck = pltpu.async_copy(k_hbm.at[src_v], k_rows, s1)
        cv = pltpu.async_copy(v_hbm.at[src_v], v_rows, s2)
        ce = pltpu.async_copy(ea_hbm.at[pl.ds(base, CHUNK)], ea_rows, s3)
        pltpu.sync_copy(m_hbm.at[pl.ds(cidx, 1)], m_v)
        cq.wait()
        ck.wait()
        cv.wait()
        ce.wait()

        def edge_body(e, ecarry):
            m = bcast0(m_v[0, pl.ds(e, 16)])
            for h in range(H):
                sl = pl.ds(h * C, C)
                qv = q_rows[e, sl]
                kv = k_rows[e, sl]
                ev = ea_rows[e, sl]
                s = vsum(qv * (kv + ev))
                v_rows[e, sl] = (v_rows[e, sl] + ev) * (s * m)
            return ecarry

        lax.fori_loop(0, CHUNK, edge_body, 0)
        pltpu.sync_copy(v_rows, acc.at[dst_v], add=True)
        return carry

    lax.fori_loop(0, WCHUNKS, chunk_body, 0)
    plsc.subcore_barrier()

    for t in range(ROWS_PER_TILE // ZB):
        r = sub * ROWS_PER_TILE + t * ZB
        pltpu.sync_copy(acc.at[pl.ds(r, ZB)],
                        out_hbm.at[pl.ds(core * NPAD + r, ZB)])


_sc_edge = pl.kernel(
    _sc_edge_body,
    out_type=jax.ShapeDtypeStruct((2 * NPAD, D), jnp.float32),
    mesh=_SC_MESH,
    scratch_types=[
        pltpu.VMEM((CHUNK,), jnp.int32),
        pltpu.VMEM((CHUNK,), jnp.int32),
        pltpu.VMEM((1, 128), jnp.float32),
        pltpu.VMEM((CHUNK, D), jnp.float32),
        pltpu.VMEM((CHUNK, D), jnp.float32),
        pltpu.VMEM((CHUNK, D), jnp.float32),
        pltpu.VMEM((CHUNK, D), jnp.float32),
        pltpu.VMEM_SHARED((NPAD, D), jnp.float32),
        pltpu.SemaphoreType.DMA,
        pltpu.SemaphoreType.DMA,
        pltpu.SemaphoreType.DMA,
        pltpu.SemaphoreType.DMA,
    ],
)



def kernel(x, edge_index, edge_attr, params):
    src = edge_index[0]
    dst = edge_index[1]

    x1 = _node_in(x, params["i_lin"])
    ea0, ea1, ea2, m2 = _edge_pre(edge_attr, params["edge_lin"],
                                  params["convs"])
    eas = (ea0, ea1, ea2)

    q, k, v, sk = _qkv_first(x1, params["convs"][0])
    out = None
    for l in range(3):
        agg = _sc_edge(q, k, v, eas[l], m2, src, dst)
        a_lo = agg[:N]
        a_hi = agg[NPAD:NPAD + N]
        if l < 2:
            q, k, v, sk = _qkv_next(a_lo, a_hi, sk, params["convs"][l + 1])
        else:
            out = _out_mlp(a_lo, a_hi, sk, params["o_lin"])
    return out

# --- scband reference (transcript-rebuilt; emitter-appended) ---
"""Pipeline reference for scband-graph-transformer-63952063038066 (READ-ONLY COPY).

The authoritative reference and input builder live on the scoring server;
editing this copy changes nothing except your own understanding.
"""

import jax, jax.numpy as jnp
import numpy as np
import math

N = 10000
E = 320000
INPUT_DIM = 128
HIDDEN = 16
HEADS = 8
NUM_LAYERS = 3
EDGE_DIM = 16
HC = HIDDEN * HEADS  # 128


def _lin(x, w, b):
    return x @ w + b


def _mlp3(x, p):
    x = jax.nn.relu(_lin(x, p["w0"], p["b0"]))
    x = jax.nn.relu(_lin(x, p["w1"], p["b1"]))
    return _lin(x, p["w2"], p["b2"])


def _conv(x, edge_index, edge_attr, p):
    # MaskedTransformerConv: TransformerConv with masked, non-softmax attention.
    H, C = HEADS, HIDDEN
    q = _lin(x, p["wq"], p["bq"]).reshape(-1, H, C)
    k = _lin(x, p["wk"], p["bk"]).reshape(-1, H, C)
    v = _lin(x, p["wv"], p["bv"]).reshape(-1, H, C)
    src = edge_index[0]
    dst = edge_index[1]
    # masking from last two edge features
    mask = edge_attr[:, -2] * (1.0 - edge_attr[:, -1])
    ea = _lin(edge_attr[:, :-2], p["we"], p["be"]).reshape(-1, H, C)
    q_i = jnp.take(q, dst, axis=0)
    k_j = jnp.take(k, src, axis=0) + ea
    v_j = jnp.take(v, src, axis=0)
    alpha = (q_i * k_j).sum(axis=-1) / math.sqrt(C)  # [E, H]
    alpha = alpha * mask[:, None]
    # dropout: eval mode / p=0 -> no-op
    msg = (v_j + ea) * alpha[:, :, None]  # [E, H, C]
    out = jax.ops.segment_sum(msg, dst, num_segments=x.shape[0])  # add aggregation
    out = out.reshape(-1, H * C)  # concat heads
    out = out + _lin(x, p["ws"], p["bs"])  # root_weight skip (beta=False)
    return out


def _forward(x, edge_index, edge_attr, params):
    x = _mlp3(x, params["i_lin"])
    edge_emb = _mlp3(edge_attr[:, :-2], params["edge_lin"])
    ea2 = jnp.concatenate([edge_emb, edge_attr[:, -2:]], axis=-1)
    for p in params["convs"]:
        x = _conv(x, edge_index, ea2, p)
    po = params["o_lin"]
    x = jax.nn.relu(_lin(x, po["w0"], po["b0"]))
    x = jax.nn.relu(_lin(x, po["w1"], po["b1"]))
    x = jax.nn.sigmoid(_lin(x, po["w2"], po["b2"]))
    return x


def setup_inputs(seed: int = 0) -> dict:
    key = jax.random.key(seed)
    keys = jax.random.split(key, 64)
    cnt = [0]

    def nk():
        k = keys[cnt[0]]
        cnt[0] += 1
        return k

    def lin_p(din, dout):
        w = jax.random.normal(nk(), (din, dout), jnp.float32) * (1.0 / np.sqrt(din))
        b = jax.random.normal(nk(), (dout,), jnp.float32) * 0.01
        return w, b

    def mlp3_p(d0, dh, dout):
        w0, b0 = lin_p(d0, dh)
        w1, b1 = lin_p(dh, dh)
        w2, b2 = lin_p(dh, dout)
        return {"w0": w0, "b0": b0, "w1": w1, "b1": b1, "w2": w2, "b2": b2}

    params = {
        "i_lin": mlp3_p(INPUT_DIM, HC, HC),
        "edge_lin": mlp3_p(EDGE_DIM - 2, HIDDEN, HIDDEN),
        "o_lin": mlp3_p(HC, HC, 1),
        "convs": [],
    }
    for _ in range(NUM_LAYERS):
        wq, bq = lin_p(HC, HC)
        wk, bk = lin_p(HC, HC)
        wv, bv = lin_p(HC, HC)
        we, be = lin_p(HIDDEN, HC)
        ws, bs = lin_p(HC, HC)
        params["convs"].append({"wq": wq, "bq": bq, "wk": wk, "bk": bk,
                                 "wv": wv, "bv": bv, "we": we, "be": be,
                                 "ws": ws, "bs": bs})

    x = jax.random.normal(nk(), (N, INPUT_DIM), jnp.float32)
    edge_index = jax.random.randint(nk(), (2, E), 0, N, dtype=jnp.int32)
    edge_attr = jax.random.uniform(nk(), (E, EDGE_DIM), dtype=jnp.float32)
    return {"x": x, "edge_index": edge_index, "edge_attr": edge_attr, "params": params}


def reference(x, edge_index, edge_attr, params):
    return _forward(x, edge_index, edge_attr, params)

if __name__ == "__main__":
    import jax
    _d = setup_inputs()
    print(jax.jit(kernel)(*tuple(_d.values())))

</pallas_src>

<mosaic_0001>
#map = affine_map<(d0, d1) -> (0, 0)>
#map1 = affine_map<(d0, d1) -> (0)>
module attributes {stable_mosaic.version = 14 : i64} {
  func.func @_sc_edge_body(%arg0: i32, %arg1: i32, %arg2: memref<10000x128xf32, #tpu.memory_space<hbm>>, %arg3: memref<10000x128xf32, #tpu.memory_space<hbm>>, %arg4: memref<10000x128xf32, #tpu.memory_space<hbm>>, %arg5: memref<320000x128xf32, #tpu.memory_space<hbm>>, %arg6: memref<4000x128xf32, #tpu.memory_space<hbm>>, %arg7: memref<320000xi32, #tpu.memory_space<hbm>>, %arg8: memref<320000xi32, #tpu.memory_space<hbm>>, %arg9: memref<20480x128xf32, #tpu.memory_space<hbm>>, %arg10: memref<80xi32, #tpu.memory_space<vmem>>, %arg11: memref<80xi32, #tpu.memory_space<vmem>>, %arg12: memref<1x128xf32, #tpu.memory_space<vmem>>, %arg13: memref<80x128xf32, #tpu.memory_space<vmem>>, %arg14: memref<80x128xf32, #tpu.memory_space<vmem>>, %arg15: memref<80x128xf32, #tpu.memory_space<vmem>>, %arg16: memref<80x128xf32, #tpu.memory_space<vmem>>, %arg17: memref<10240x128xf32, #tpu.memory_space<vmem_shared>>, %arg18: memref<!tpu.dma_semaphore, #tpu.memory_space<semaphore_mem>>, %arg19: memref<!tpu.dma_semaphore, #tpu.memory_space<semaphore_mem>>, %arg20: memref<!tpu.dma_semaphore, #tpu.memory_space<semaphore_mem>>, %arg21: memref<!tpu.dma_semaphore, #tpu.memory_space<semaphore_mem>>) attributes {dimension_semantics = [#tpu.dimension_semantics<core_parallel>, #tpu.dimension_semantics<subcore_parallel>], iteration_bounds = array<i64: 2, 16>, scalar_prefetch = 0 : i64, scratch_operands = 12 : i64, tpu.core_type = #tpu.core_type<sc_vector_subcore>, window_params = [{transform_indices = #map}, {transform_indices = #map}, {transform_indices = #map}, {transform_indices = #map}, {transform_indices = #map}, {transform_indices = #map1}, {transform_indices = #map1}, {transform_indices = #map}]} {
    %mul3A = arith.constant 2 : i32
    %mul3A_0 = arith.muli %arg1, %mul3A : i32
    %add3A = arith.addi %mul3A_0, %arg0 : i32
    %iota3A = tpu.iota {dimensions = array<i32: 0>} : vector<16xi32>
    %xor3A = arith.constant 8 : i32
    %xor3A_1 = vector.broadcast %xor3A : i32 to vector<16xi32>
    %xor3A_2 = arith.xori %iota3A, %xor3A_1 : vector<16xi32>
    %broadcast_in_dim3A = vector.shape_cast %xor3A_2 : vector<16xi32> to vector<16x1xi32>
    %xor3A_3 = arith.constant 4 : i32
    %xor3A_4 = vector.broadcast %xor3A_3 : i32 to vector<16xi32>
    %xor3A_5 = arith.xori %iota3A, %xor3A_4 : vector<16xi32>
    %broadcast_in_dim3A_6 = vector.shape_cast %xor3A_5 : vector<16xi32> to vector<16x1xi32>
    %xor3A_7 = arith.constant 2 : i32
    %xor3A_8 = vector.broadcast %xor3A_7 : i32 to vector<16xi32>
    %xor3A_9 = arith.xori %iota3A, %xor3A_8 : vector<16xi32>
    %broadcast_in_dim3A_10 = vector.shape_cast %xor3A_9 : vector<16xi32> to vector<16x1xi32>
    %xor3A_11 = arith.constant 1 : i32
    %xor3A_12 = vector.broadcast %xor3A_11 : i32 to vector<16xi32>
    %xor3A_13 = arith.xori %iota3A, %xor3A_12 : vector<16xi32>
    %broadcast_in_dim3A_14 = vector.shape_cast %xor3A_13 : vector<16xi32> to vector<16x1xi32>
    %and3A = arith.constant 0 : i32
    %and3A_15 = vector.broadcast %and3A : i32 to vector<16xi32>
    %and3A_16 = arith.andi %iota3A, %and3A_15 : vector<16xi32>
    %broadcast_in_dim3A_17 = vector.shape_cast %and3A_16 : vector<16xi32> to vector<16x1xi32>
    %broadcast_in_dim3A_18 = arith.constant 0.000000e+00 : f32
    %broadcast_in_dim3A_19 = vector.broadcast %broadcast_in_dim3A_18 : f32 to vector<16xf32>
    %scan3A = arith.constant 0 : i32
    %scan3A_20 = arith.constant 0 : i32
    %scan3A_21 = arith.constant 80 : i32
    %scan3A_22 = arith.addi %scan3A_20, %scan3A_21 : i32
    %scan3A_23 = arith.constant 1 : i32
    scf.for %scan3A_99 = %scan3A_20 to %scan3A_22 step %scan3A_23  : i32 {
      %swap3A = arith.index_cast %scan3A_99 : i32 to index
      %swap3A_100 = arith.constant 0 : index
      %swap3A_101 = tpu.vector_load %arg15[%swap3A, %swap3A_100] {strides = array<i32>} : memref<80x128xf32, #tpu.memory_space<vmem>>, vector<1x16xf32>,
      %swap3A_102 = vector.shape_cast %swap3A_101 : vector<1x16xf32> to vector<16xf32>
      %swap3A_103 = vector.shape_cast %broadcast_in_dim3A_19 : vector<16xf32> to vector<1x16xf32>
      tpu.vector_store %arg15[%swap3A, %swap3A_100], %swap3A_103 {strides = array<i32>} : memref<80x128xf32, #tpu.memory_space<vmem>>, vector<1x16xf32>,
      %swap3A_104 = arith.index_cast %scan3A_99 : i32 to index
      %swap3A_105 = arith.constant 16 : index
      %swap3A_106 = tpu.vector_load %arg15[%swap3A_104, %swap3A_105] {strides = array<i32>} : memref<80x128xf32, #tpu.memory_space<vmem>>, vector<1x16xf32>,
      %swap3A_107 = vector.shape_cast %swap3A_106 : vector<1x16xf32> to vector<16xf32>
      %swap3A_108 = vector.shape_cast %broadcast_in_dim3A_19 : vector<16xf32> to vector<1x16xf32>
      tpu.vector_store %arg15[%swap3A_104, %swap3A_105], %swap3A_108 {strides = array<i32>} : memref<80x128xf32, #tpu.memory_space<vmem>>, vector<1x16xf32>,
      %swap3A_109 = arith.index_cast %scan3A_99 : i32 to index
      %swap3A_110 = arith.constant 32 : index
      %swap3A_111 = tpu.vector_load %arg15[%swap3A_109, %swap3A_110] {strides = array<i32>} : memref<80x128xf32, #tpu.memory_space<vmem>>, vector<1x16xf32>,
      %swap3A_112 = vector.shape_cast %swap3A_111 : vector<1x16xf32> to vector<16xf32>
      %swap3A_113 = vector.shape_cast %broadcast_in_dim3A_19 : vector<16xf32> to vector<1x16xf32>
      tpu.vector_store %arg15[%swap3A_109, %swap3A_110], %swap3A_113 {strides = array<i32>} : memref<80x128xf32, #tpu.memory_space<vmem>>, vector<1x16xf32>,
      %swap3A_114 = arith.index_cast %scan3A_99 : i32 to index
      %swap3A_115 = arith.constant 48 : index
      %swap3A_116 = tpu.vector_load %arg15[%swap3A_114, %swap3A_115] {strides = array<i32>} : memref<80x128xf32, #tpu.memory_space<vmem>>, vector<1x16xf32>,
      %swap3A_117 = vector.shape_cast %swap3A_116 : vector<1x16xf32> to vector<16xf32>
      %swap3A_118 = vector.shape_cast %broadcast_in_dim3A_19 : vector<16xf32> to vector<1x16xf32>
      tpu.vector_store %arg15[%swap3A_114, %swap3A_115], %swap3A_118 {strides = array<i32>} : memref<80x128xf32, #tpu.memory_space<vmem>>, vector<1x16xf32>,
      %swap3A_119 = arith.index_cast %scan3A_99 : i32 to index
      %swap3A_120 = arith.constant 64 : index
      %swap3A_121 = tpu.vector_load %arg15[%swap3A_119, %swap3A_120] {strides = array<i32>} : memref<80x128xf32, #tpu.memory_space<vmem>>, vector<1x16xf32>,
      %swap3A_122 = vector.shape_cast %swap3A_121 : vector<1x16xf32> to vector<16xf32>
      %swap3A_123 = vector.shape_cast %broadcast_in_dim3A_19 : vector<16xf32> to vector<1x16xf32>
      tpu.vector_store %arg15[%swap3A_119, %swap3A_120], %swap3A_123 {strides = array<i32>} : memref<80x128xf32, #tpu.memory_space<vmem>>, vector<1x16xf32>,
      %swap3A_124 = arith.index_cast %scan3A_99 : i32 to index
      %swap3A_125 = arith.constant 80 : index
      %swap3A_126 = tpu.vector_load %arg15[%swap3A_124, %swap3A_125] {strides = array<i32>} : memref<80x128xf32, #tpu.memory_space<vmem>>, vector<1x16xf32>,
      %swap3A_127 = vector.shape_cast %swap3A_126 : vector<1x16xf32> to vector<16xf32>
      %swap3A_128 = vector.shape_cast %broadcast_in_dim3A_19 : vector<16xf32> to vector<1x16xf32>
      tpu.vector_store %arg15[%swap3A_124, %swap3A_125], %swap3A_128 {strides = array<i32>} : memref<80x128xf32, #tpu.memory_space<vmem>>, vector<1x16xf32>,
      %swap3A_129 = arith.index_cast %scan3A_99 : i32 to index
      %swap3A_130 = arith.constant 96 : index
      %swap3A_131 = tpu.vector_load %arg15[%swap3A_129, %swap3A_130] {strides = array<i32>} : memref<80x128xf32, #tpu.memory_space<vmem>>, vector<1x16xf32>,
      %swap3A_132 = vector.shape_cast %swap3A_131 : vector<1x16xf32> to vector<16xf32>
      %swap3A_133 = vector.shape_cast %broadcast_in_dim3A_19 : vector<16xf32> to vector<1x16xf32>
      tpu.vector_store %arg15[%swap3A_129, %swap3A_130], %swap3A_133 {strides = array<i32>} : memref<80x128xf32, #tpu.memory_space<vmem>>, vector<1x16xf32>,
      %swap3A_134 = arith.index_cast %scan3A_99 : i32 to index
      %swap3A_135 = arith.constant 112 : index
      %swap3A_136 = tpu.vector_load %arg15[%swap3A_134, %swap3A_135] {strides = array<i32>} : memref<80x128xf32, #tpu.memory_space<vmem>>, vector<1x16xf32>,
      %swap3A_137 = vector.shape_cast %swap3A_136 : vector<1x16xf32> to vector<16xf32>
      %swap3A_138 = vector.shape_cast %broadcast_in_dim3A_19 : vector<16xf32> to vector<1x16xf32>
      tpu.vector_store %arg15[%swap3A_134, %swap3A_135], %swap3A_138 {strides = array<i32>} : memref<80x128xf32, #tpu.memory_space<vmem>>, vector<1x16xf32>,
    }
    %scan3A_24 = arith.constant 80 : i32
    %mul3A_25 = arith.constant 640 : i32
    %mul3A_26 = arith.muli %arg1, %mul3A_25 : i32
    %add3A_27 = arith.constant 0 : i32
    %add3A_28 = arith.addi %mul3A_26, %add3A_27 : i32
    "tpu.region"() ({
      %run_scoped3A = tpu.sem_alloc : memref<!tpu.dma_semaphore, #tpu.memory_space<semaphore_mem>>
      %dma_start3A = arith.constant 0 : i32
      %dma_start3A_99 = tpu.memref_slice %arg17[%add3A_28, %dma_start3A] : memref<10240x128xf32, #tpu.memory_space<vmem_shared>> -> memref<80x128xf32, #tpu.memory_space<vmem_shared>>
      %dma_start3A_100 = arith.constant 0 : i32
      %dma_start3A_101 = tpu.memref_slice %arg17[%add3A_28, %dma_start3A_100] : memref<10240x128xf32, #tpu.memory_space<vmem_shared>> -> memref<80x128xf32, #tpu.memory_space<vmem_shared>>
      tpu.enqueue_dma source(%arg15 : memref<80x128xf32, #tpu.memory_space<vmem>>) target(%dma_start3A_101 : memref<80x128xf32, #tpu.memory_space<vmem_shared>>) target_semaphore(%run_scoped3A : memref<!tpu.dma_semaphore, #tpu.memory_space<semaphore_mem>>)
      %dma_wait3A = arith.constant 0 : i32
      %dma_wait3A_102 = tpu.memref_slice %arg17[%add3A_28, %dma_wait3A] : memref<10240x128xf32, #tpu.memory_space<vmem_shared>> -> memref<80x128xf32, #tpu.memory_space<vmem_shared>>
      %dma_wait3A_103 = arith.constant 0 : i32
      %dma_wait3A_104 = tpu.memref_slice %arg17[%add3A_28, %dma_wait3A_103] : memref<10240x128xf32, #tpu.memory_space<vmem_shared>> -> memref<80x128xf32, #tpu.memory_space<vmem_shared>>
      tpu.wait_dma2 semaphore(%run_scoped3A : memref<!tpu.dma_semaphore, #tpu.memory_space<semaphore_mem>>) src(%arg15 : memref<80x128xf32, #tpu.memory_space<vmem>>) dst(%dma_wait3A_104 : memref<80x128xf32, #tpu.memory_space<vmem_shared>>)
      tpu.yield
    }) : () -> ()
    %mul3A_29 = arith.constant 640 : i32
    %mul3A_30 = arith.muli %arg1, %mul3A_29 : i32
    %add3A_31 = arith.constant 80 : i32
    %add3A_32 = arith.addi %mul3A_30, %add3A_31 : i32
    "tpu.region"() ({
      %run_scoped3A = tpu.sem_alloc : memref<!tpu.dma_semaphore, #tpu.memory_space<semaphore_mem>>
      %dma_start3A = arith.constant 0 : i32
      %dma_start3A_99 = tpu.memref_slice %arg17[%add3A_32, %dma_start3A] : memref<10240x128xf32, #tpu.memory_space<vmem_shared>> -> memref<80x128xf32, #tpu.memory_space<vmem_shared>>
      %dma_start3A_100 = arith.constant 0 : i32
      %dma_start3A_101 = tpu.memref_slice %arg17[%add3A_32, %dma_start3A_100] : memref<10240x128xf32, #tpu.memory_space<vmem_shared>> -> memref<80x128xf32, #tpu.memory_space<vmem_shared>>
      tpu.enqueue_dma source(%arg15 : memref<80x128xf32, #tpu.memory_space<vmem>>) target(%dma_start3A_101 : memref<80x128xf32, #tpu.memory_space<vmem_shared>>) target_semaphore(%run_scoped3A : memref<!tpu.dma_semaphore, #tpu.memory_space<semaphore_mem>>)
      %dma_wait3A = arith.constant 0 : i32
      %dma_wait3A_102 = tpu.memref_slice %arg17[%add3A_32, %dma_wait3A] : memref<10240x128xf32, #tpu.memory_space<vmem_shared>> -> memref<80x128xf32, #tpu.memory_space<vmem_shared>>
      %dma_wait3A_103 = arith.constant 0 : i32
      %dma_wait3A_104 = tpu.memref_slice %arg17[%add3A_32, %dma_wait3A_103] : memref<10240x128xf32, #tpu.memory_space<vmem_shared>> -> memref<80x128xf32, #tpu.memory_space<vmem_shared>>
      tpu.wait_dma2 semaphore(%run_scoped3A : memref<!tpu.dma_semaphore, #tpu.memory_space<semaphore_mem>>) src(%arg15 : memref<80x128xf32, #tpu.memory_space<vmem>>) dst(%dma_wait3A_104 : memref<80x128xf32, #tpu.memory_space<vmem_shared>>)
      tpu.yield
    }) : () -> ()
    %mul3A_33 = arith.constant 640 : i32
    %mul3A_34 = arith.muli %arg1, %mul3A_33 : i32
    %add3A_35 = arith.constant 160 : i32
    %add3A_36 = arith.addi %mul3A_34, %add3A_35 : i32
    "tpu.region"() ({
      %run_scoped3A = tpu.sem_alloc : memref<!tpu.dma_semaphore, #tpu.memory_space<semaphore_mem>>
      %dma_start3A = arith.constant 0 : i32
      %dma_start3A_99 = tpu.memref_slice %arg17[%add3A_36, %dma_start3A] : memref<10240x128xf32, #tpu.memory_space<vmem_shared>> -> memref<80x128xf32, #tpu.memory_space<vmem_shared>>
      %dma_start3A_100 = arith.constant 0 : i32
      %dma_start3A_101 = tpu.memref_slice %arg17[%add3A_36, %dma_start3A_100] : memref<10240x128xf32, #tpu.memory_space<vmem_shared>> -> memref<80x128xf32, #tpu.memory_space<vmem_shared>>
      tpu.enqueue_dma source(%arg15 : memref<80x128xf32, #tpu.memory_space<vmem>>) target(%dma_start3A_101 : memref<80x128xf32, #tpu.memory_space<vmem_shared>>) target_semaphore(%run_scoped3A : memref<!tpu.dma_semaphore, #tpu.memory_space<semaphore_mem>>)
      %dma_wait3A = arith.constant 0 : i32
      %dma_wait3A_102 = tpu.memref_slice %arg17[%add3A_36, %dma_wait3A] : memref<10240x128xf32, #tpu.memory_space<vmem_shared>> -> memref<80x128xf32, #tpu.memory_space<vmem_shared>>
      %dma_wait3A_103 = arith.constant 0 : i32
      %dma_wait3A_104 = tpu.memref_slice %arg17[%add3A_36, %dma_wait3A_103] : memref<10240x128xf32, #tpu.memory_space<vmem_shared>> -> memref<80x128xf32, #tpu.memory_space<vmem_shared>>
      tpu.wait_dma2 semaphore(%run_scoped3A : memref<!tpu.dma_semaphore, #tpu.memory_space<semaphore_mem>>) src(%arg15 : memref<80x128xf32, #tpu.memory_space<vmem>>) dst(%dma_wait3A_104 : memref<80x128xf32, #tpu.memory_space<vmem_shared>>)
      tpu.yield
    }) : () -> ()
    %mul3A_37 = arith.constant 640 : i32
    %mul3A_38 = arith.muli %arg1, %mul3A_37 : i32
    %add3A_39 = arith.constant 240 : i32
    %add3A_40 = arith.addi %mul3A_38, %add3A_39 : i32
    "tpu.region"() ({
      %run_scoped3A = tpu.sem_alloc : memref<!tpu.dma_semaphore, #tpu.memory_space<semaphore_mem>>
      %dma_start3A = arith.constant 0 : i32
      %dma_start3A_99 = tpu.memref_slice %arg17[%add3A_40, %dma_start3A] : memref<10240x128xf32, #tpu.memory_space<vmem_shared>> -> memref<80x128xf32, #tpu.memory_space<vmem_shared>>
      %dma_start3A_100 = arith.constant 0 : i32
      %dma_start3A_101 = tpu.memref_slice %arg17[%add3A_40, %dma_start3A_100] : memref<10240x128xf32, #tpu.memory_space<vmem_shared>> -> memref<80x128xf32, #tpu.memory_space<vmem_shared>>
      tpu.enqueue_dma source(%arg15 : memref<80x128xf32, #tpu.memory_space<vmem>>) target(%dma_start3A_101 : memref<80x128xf32, #tpu.memory_space<vmem_shared>>) target_semaphore(%run_scoped3A : memref<!tpu.dma_semaphore, #tpu.memory_space<semaphore_mem>>)
      %dma_wait3A = arith.constant 0 : i32
      %dma_wait3A_102 = tpu.memref_slice %arg17[%add3A_40, %dma_wait3A] : memref<10240x128xf32, #tpu.memory_space<vmem_shared>> -> memref<80x128xf32, #tpu.memory_space<vmem_shared>>
      %dma_wait3A_103 = arith.constant 0 : i32
      %dma_wait3A_104 = tpu.memref_slice %arg17[%add3A_40, %dma_wait3A_103] : memref<10240x128xf32, #tpu.memory_space<vmem_shared>> -> memref<80x128xf32, #tpu.memory_space<vmem_shared>>
      tpu.wait_dma2 semaphore(%run_scoped3A : memref<!tpu.dma_semaphore, #tpu.memory_space<semaphore_mem>>) src(%arg15 : memref<80x128xf32, #tpu.memory_space<vmem>>) dst(%dma_wait3A_104 : memref<80x128xf32, #tpu.memory_space<vmem_shared>>)
      tpu.yield
    }) : () -> ()
    %mul3A_41 = arith.constant 640 : i32
    %mul3A_42 = arith.muli %arg1, %mul3A_41 : i32
    %add3A_43 = arith.constant 320 : i32
    %add3A_44 = arith.addi %mul3A_42, %add3A_43 : i32
    "tpu.region"() ({
      %run_scoped3A = tpu.sem_alloc : memref<!tpu.dma_semaphore, #tpu.memory_space<semaphore_mem>>
      %dma_start3A = arith.constant 0 : i32
      %dma_start3A_99 = tpu.memref_slice %arg17[%add3A_44, %dma_start3A] : memref<10240x128xf32, #tpu.memory_space<vmem_shared>> -> memref<80x128xf32, #tpu.memory_space<vmem_shared>>
      %dma_start3A_100 = arith.constant 0 : i32
      %dma_start3A_101 = tpu.memref_slice %arg17[%add3A_44, %dma_start3A_100] : memref<10240x128xf32, #tpu.memory_space<vmem_shared>> -> memref<80x128xf32, #tpu.memory_space<vmem_shared>>
      tpu.enqueue_dma source(%arg15 : memref<80x128xf32, #tpu.memory_space<vmem>>) target(%dma_start3A_101 : memref<80x128xf32, #tpu.memory_space<vmem_shared>>) target_semaphore(%run_scoped3A : memref<!tpu.dma_semaphore, #tpu.memory_space<semaphore_mem>>)
      %dma_wait3A = arith.constant 0 : i32
      %dma_wait3A_102 = tpu.memref_slice %arg17[%add3A_44, %dma_wait3A] : memref<10240x128xf32, #tpu.memory_space<vmem_shared>> -> memref<80x128xf32, #tpu.memory_space<vmem_shared>>
      %dma_wait3A_103 = arith.constant 0 : i32
      %dma_wait3A_104 = tpu.memref_slice %arg17[%add3A_44, %dma_wait3A_103] : memref<10240x128xf32, #tpu.memory_space<vmem_shared>> -> memref<80x128xf32, #tpu.memory_space<vmem_shared>>
      tpu.wait_dma2 semaphore(%run_scoped3A : memref<!tpu.dma_semaphore, #tpu.memory_space<semaphore_mem>>) src(%arg15 : memref<80x128xf32, #tpu.memory_space<vmem>>) dst(%dma_wait3A_104 : memref<80x128xf32, #tpu.memory_space<vmem_shared>>)
      tpu.yield
    }) : () -> ()
    %mul3A_45 = arith.constant 640 : i32
    %mul3A_46 = arith.muli %arg1, %mul3A_45 : i32
    %add3A_47 = arith.constant 400 : i32
    %add3A_48 = arith.addi %mul3A_46, %add3A_47 : i32
    "tpu.region"() ({
      %run_scoped3A = tpu.sem_alloc : memref<!tpu.dma_semaphore, #tpu.memory_space<semaphore_mem>>
      %dma_start3A = arith.constant 0 : i32
      %dma_start3A_99 = tpu.memref_slice %arg17[%add3A_48, %dma_start3A] : memref<10240x128xf32, #tpu.memory_space<vmem_shared>> -> memref<80x128xf32, #tpu.memory_space<vmem_shared>>
      %dma_start3A_100 = arith.constant 0 : i32
      %dma_start3A_101 = tpu.memref_slice %arg17[%add3A_48, %dma_start3A_100] : memref<10240x128xf32, #tpu.memory_space<vmem_shared>> -> memref<80x128xf32, #tpu.memory_space<vmem_shared>>
      tpu.enqueue_dma source(%arg15 : memref<80x128xf32, #tpu.memory_space<vmem>>) target(%dma_start3A_101 : memref<80x128xf32, #tpu.memory_space<vmem_shared>>) target_semaphore(%run_scoped3A : memref<!tpu.dma_semaphore, #tpu.memory_space<semaphore_mem>>)
      %dma_wait3A = arith.constant 0 : i32
      %dma_wait3A_102 = tpu.memref_slice %arg17[%add3A_48, %dma_wait3A] : memref<10240x128xf32, #tpu.memory_space<vmem_shared>> -> memref<80x128xf32, #tpu.memory_space<vmem_shared>>
      %dma_wait3A_103 = arith.constant 0 : i32
      %dma_wait3A_104 = tpu.memref_slice %arg17[%add3A_48, %dma_wait3A_103] : memref<10240x128xf32, #tpu.memory_space<vmem_shared>> -> memref<80x128xf32, #tpu.memory_space<vmem_shared>>
      tpu.wait_dma2 semaphore(%run_scoped3A : memref<!tpu.dma_semaphore, #tpu.memory_space<semaphore_mem>>) src(%arg15 : memref<80x128xf32, #tpu.memory_space<vmem>>) dst(%dma_wait3A_104 : memref<80x128xf32, #tpu.memory_space<vmem_shared>>)
      tpu.yield
    }) : () -> ()
    %mul3A_49 = arith.constant 640 : i32
    %mul3A_50 = arith.muli %arg1, %mul3A_49 : i32
    %add3A_51 = arith.constant 480 : i32
    %add3A_52 = arith.addi %mul3A_50, %add3A_51 : i32
    "tpu.region"() ({
      %run_scoped3A = tpu.sem_alloc : memref<!tpu.dma_semaphore, #tpu.memory_space<semaphore_mem>>
      %dma_start3A = arith.constant 0 : i32
      %dma_start3A_99 = tpu.memref_slice %arg17[%add3A_52, %dma_start3A] : memref<10240x128xf32, #tpu.memory_space<vmem_shared>> -> memref<80x128xf32, #tpu.memory_space<vmem_shared>>
      %dma_start3A_100 = arith.constant 0 : i32
      %dma_start3A_101 = tpu.memref_slice %arg17[%add3A_52, %dma_start3A_100] : memref<10240x128xf32, #tpu.memory_space<vmem_shared>> -> memref<80x128xf32, #tpu.memory_space<vmem_shared>>
      tpu.enqueue_dma source(%arg15 : memref<80x128xf32, #tpu.memory_space<vmem>>) target(%dma_start3A_101 : memref<80x128xf32, #tpu.memory_space<vmem_shared>>) target_semaphore(%run_scoped3A : memref<!tpu.dma_semaphore, #tpu.memory_space<semaphore_mem>>)
      %dma_wait3A = arith.constant 0 : i32
      %dma_wait3A_102 = tpu.memref_slice %arg17[%add3A_52, %dma_wait3A] : memref<10240x128xf32, #tpu.memory_space<vmem_shared>> -> memref<80x128xf32, #tpu.memory_space<vmem_shared>>
      %dma_wait3A_103 = arith.constant 0 : i32
      %dma_wait3A_104 = tpu.memref_slice %arg17[%add3A_52, %dma_wait3A_103] : memref<10240x128xf32, #tpu.memory_space<vmem_shared>> -> memref<80x128xf32, #tpu.memory_space<vmem_shared>>
      tpu.wait_dma2 semaphore(%run_scoped3A : memref<!tpu.dma_semaphore, #tpu.memory_space<semaphore_mem>>) src(%arg15 : memref<80x128xf32, #tpu.memory_space<vmem>>) dst(%dma_wait3A_104 : memref<80x128xf32, #tpu.memory_space<vmem_shared>>)
      tpu.yield
    }) : () -> ()
    %mul3A_53 = arith.constant 640 : i32
    %mul3A_54 = arith.muli %arg1, %mul3A_53 : i32
    %add3A_55 = arith.constant 560 : i32
    %add3A_56 = arith.addi %mul3A_54, %add3A_55 : i32
    "tpu.region"() ({
      %run_scoped3A = tpu.sem_alloc : memref<!tpu.dma_semaphore, #tpu.memory_space<semaphore_mem>>
      %dma_start3A = arith.constant 0 : i32
      %dma_start3A_99 = tpu.memref_slice %arg17[%add3A_56, %dma_start3A] : memref<10240x128xf32, #tpu.memory_space<vmem_shared>> -> memref<80x128xf32, #tpu.memory_space<vmem_shared>>
      %dma_start3A_100 = arith.constant 0 : i32
      %dma_start3A_101 = tpu.memref_slice %arg17[%add3A_56, %dma_start3A_100] : memref<10240x128xf32, #tpu.memory_space<vmem_shared>> -> memref<80x128xf32, #tpu.memory_space<vmem_shared>>
      tpu.enqueue_dma source(%arg15 : memref<80x128xf32, #tpu.memory_space<vmem>>) target(%dma_start3A_101 : memref<80x128xf32, #tpu.memory_space<vmem_shared>>) target_semaphore(%run_scoped3A : memref<!tpu.dma_semaphore, #tpu.memory_space<semaphore_mem>>)
      %dma_wait3A = arith.constant 0 : i32
      %dma_wait3A_102 = tpu.memref_slice %arg17[%add3A_56, %dma_wait3A] : memref<10240x128xf32, #tpu.memory_space<vmem_shared>> -> memref<80x128xf32, #tpu.memory_space<vmem_shared>>
      %dma_wait3A_103 = arith.constant 0 : i32
      %dma_wait3A_104 = tpu.memref_slice %arg17[%add3A_56, %dma_wait3A_103] : memref<10240x128xf32, #tpu.memory_space<vmem_shared>> -> memref<80x128xf32, #tpu.memory_space<vmem_shared>>
      tpu.wait_dma2 semaphore(%run_scoped3A : memref<!tpu.dma_semaphore, #tpu.memory_space<semaphore_mem>>) src(%arg15 : memref<80x128xf32, #tpu.memory_space<vmem>>) dst(%dma_wait3A_104 : memref<80x128xf32, #tpu.memory_space<vmem_shared>>)
      tpu.yield
    }) : () -> ()
    %barrier3A = arith.constant 0 : index
    tpu.barrier barrier_id(%barrier3A)
    %scan3A_57 = arith.constant 0 : i32
    %scan3A_58 = arith.constant 0 : i32
    %scan3A_59 = arith.constant 125 : i32
    %scan3A_60 = arith.addi %scan3A_58, %scan3A_59 : i32
    %scan3A_61 = arith.constant 1 : i32
    scf.for %scan3A_99 = %scan3A_58 to %scan3A_60 step %scan3A_61  : i32 {
      %mul3A_100 = arith.constant 125 : i32
      %mul3A_101 = arith.muli %add3A, %mul3A_100 : i32
      %add3A_102 = arith.addi %mul3A_101, %scan3A_99 : i32
      %mul3A_103 = arith.constant 80 : i32
      %mul3A_104 = arith.muli %add3A_102, %mul3A_103 : i32
      "tpu.region"() ({
        %run_scoped3A = tpu.sem_alloc : memref<!tpu.dma_semaphore, #tpu.memory_space<semaphore_mem>>
        %dma_start3A_135 = tpu.memref_slice %arg7[%mul3A_104] : memref<320000xi32, #tpu.memory_space<hbm>> -> memref<80xi32, #tpu.memory_space<hbm>>
        %dma_start3A_136 = tpu.memref_slice %arg7[%mul3A_104] : memref<320000xi32, #tpu.memory_space<hbm>> -> memref<80xi32, #tpu.memory_space<hbm>>
        tpu.enqueue_dma source(%dma_start3A_136 : memref<80xi32, #tpu.memory_space<hbm>>) target(%arg10 : memref<80xi32, #tpu.memory_space<vmem>>) target_semaphore(%run_scoped3A : memref<!tpu.dma_semaphore, #tpu.memory_space<semaphore_mem>>)
        %dma_wait3A_137 = tpu.memref_slice %arg7[%mul3A_104] : memref<320000xi32, #tpu.memory_space<hbm>> -> memref<80xi32, #tpu.memory_space<hbm>>
        %dma_wait3A_138 = tpu.memref_slice %arg7[%mul3A_104] : memref<320000xi32, #tpu.memory_space<hbm>> -> memref<80xi32, #tpu.memory_space<hbm>>
        tpu.wait_dma2 semaphore(%run_scoped3A : memref<!tpu.dma_semaphore, #tpu.memory_space<semaphore_mem>>) src(%dma_wait3A_138 : memref<80xi32, #tpu.memory_space<hbm>>) dst(%arg10 : memref<80xi32, #tpu.memory_space<vmem>>)
        tpu.yield
      }) : () -> ()
      "tpu.region"() ({
        %run_scoped3A = tpu.sem_alloc : memref<!tpu.dma_semaphore, #tpu.memory_space<semaphore_mem>>
        %dma_start3A_135 = tpu.memref_slice %arg8[%mul3A_104] : memref<320000xi32, #tpu.memory_space<hbm>> -> memref<80xi32, #tpu.memory_space<hbm>>
        %dma_start3A_136 = tpu.memref_slice %arg8[%mul3A_104] : memref<320000xi32, #tpu.memory_space<hbm>> -> memref<80xi32, #tpu.memory_space<hbm>>
        tpu.enqueue_dma source(%dma_start3A_136 : memref<80xi32, #tpu.memory_space<hbm>>) target(%arg11 : memref<80xi32, #tpu.memory_space<vmem>>) target_semaphore(%run_scoped3A : memref<!tpu.dma_semaphore, #tpu.memory_space<semaphore_mem>>)
        %dma_wait3A_137 = tpu.memref_slice %arg8[%mul3A_104] : memref<320000xi32, #tpu.memory_space<hbm>> -> memref<80xi32, #tpu.memory_space<hbm>>
        %dma_wait3A_138 = tpu.memref_slice %arg8[%mul3A_104] : memref<320000xi32, #tpu.memory_space<hbm>> -> memref<80xi32, #tpu.memory_space<hbm>>
        tpu.wait_dma2 semaphore(%run_scoped3A : memref<!tpu.dma_semaphore, #tpu.memory_space<semaphore_mem>>) src(%dma_wait3A_138 : memref<80xi32, #tpu.memory_space<hbm>>) dst(%arg11 : memref<80xi32, #tpu.memory_space<vmem>>)
        tpu.yield
      }) : () -> ()
      %dma_start3A = arith.constant 0 : i32
      %dma_start3A_105 = arith.constant 0 : i32
      %dma_start3A_106 = tpu.memref_slice %arg2[%dma_start3A, %dma_start3A_105] : memref<10000x128xf32, #tpu.memory_space<hbm>> -> memref<10000x128xf32, #tpu.memory_space<hbm>>
      tpu.enqueue_indirect_dma source(%dma_start3A_106 : memref<10000x128xf32, #tpu.memory_space<hbm>>) target(%arg13 : memref<80x128xf32, #tpu.memory_space<vmem>>) offsets(%arg11 : memref<80xi32, #tpu.memory_space<vmem>>) semaphore(%arg18 : memref<!tpu.dma_semaphore, #tpu.memory_space<semaphore_mem>>)
      %dma_start3A_107 = arith.constant 0 : i32
      %dma_start3A_108 = arith.constant 0 : i32
      %dma_start3A_109 = tpu.memref_slice %arg3[%dma_start3A_107, %dma_start3A_108] : memref<10000x128xf32, #tpu.memory_space<hbm>> -> memref<10000x128xf32, #tpu.memory_space<hbm>>
      tpu.enqueue_indirect_dma source(%dma_start3A_109 : memref<10000x128xf32, #tpu.memory_space<hbm>>) target(%arg14 : memref<80x128xf32, #tpu.memory_space<vmem>>) offsets(%arg10 : memref<80xi32, #tpu.memory_space<vmem>>) semaphore(%arg19 : memref<!tpu.dma_semaphore, #tpu.memory_space<semaphore_mem>>)
      %dma_start3A_110 = arith.constant 0 : i32
      %dma_start3A_111 = arith.constant 0 : i32
      %dma_start3A_112 = tpu.memref_slice %arg4[%dma_start3A_110, %dma_start3A_111] : memref<10000x128xf32, #tpu.memory_space<hbm>> -> memref<10000x128xf32, #tpu.memory_space<hbm>>
      tpu.enqueue_indirect_dma source(%dma_start3A_112 : memref<10000x128xf32, #tpu.memory_space<hbm>>) target(%arg15 : memref<80x128xf32, #tpu.memory_space<vmem>>) offsets(%arg10 : memref<80xi32, #tpu.memory_space<vmem>>) semaphore(%arg20 : memref<!tpu.dma_semaphore, #tpu.memory_space<semaphore_mem>>)
      %dma_start3A_113 = arith.constant 0 : i32
      %dma_start3A_114 = tpu.memref_slice %arg5[%mul3A_104, %dma_start3A_113] : memref<320000x128xf32, #tpu.memory_space<hbm>> -> memref<80x128xf32, #tpu.memory_space<hbm>>
      %dma_start3A_115 = arith.constant 0 : i32
      %dma_start3A_116 = tpu.memref_slice %arg5[%mul3A_104, %dma_start3A_115] : memref<320000x128xf32, #tpu.memory_space<hbm>> -> memref<80x128xf32, #tpu.memory_space<hbm>>
      tpu.enqueue_dma source(%dma_start3A_116 : memref<80x128xf32, #tpu.memory_space<hbm>>) target(%arg16 : memref<80x128xf32, #tpu.memory_space<vmem>>) target_semaphore(%arg21 : memref<!tpu.dma_semaphore, #tpu.memory_space<semaphore_mem>>)
      "tpu.region"() ({
        %run_scoped3A = tpu.sem_alloc : memref<!tpu.dma_semaphore, #tpu.memory_space<semaphore_mem>>
        %dma_start3A_135 = arith.constant 0 : i32
        %dma_start3A_136 = tpu.memref_slice %arg6[%add3A_102, %dma_start3A_135] : memref<4000x128xf32, #tpu.memory_space<hbm>> -> memref<1x128xf32, #tpu.memory_space<hbm>>
        %dma_start3A_137 = arith.constant 0 : i32
        %dma_start3A_138 = tpu.memref_slice %arg6[%add3A_102, %dma_start3A_137] : memref<4000x128xf32, #tpu.memory_space<hbm>> -> memref<1x128xf32, #tpu.memory_space<hbm>>
        tpu.enqueue_dma source(%dma_start3A_138 : memref<1x128xf32, #tpu.memory_space<hbm>>) target(%arg12 : memref<1x128xf32, #tpu.memory_space<vmem>>) target_semaphore(%run_scoped3A : memref<!tpu.dma_semaphore, #tpu.memory_space<semaphore_mem>>)
        %dma_wait3A_139 = arith.constant 0 : i32
        %dma_wait3A_140 = tpu.memref_slice %arg6[%add3A_102, %dma_wait3A_139] : memref<4000x128xf32, #tpu.memory_space<hbm>> -> memref<1x128xf32, #tpu.memory_space<hbm>>
        %dma_wait3A_141 = arith.constant 0 : i32
        %dma_wait3A_142 = tpu.memref_slice %arg6[%add3A_102, %dma_wait3A_141] : memref<4000x128xf32, #tpu.memory_space<hbm>> -> memref<1x128xf32, #tpu.memory_space<hbm>>
        tpu.wait_dma2 semaphore(%run_scoped3A : memref<!tpu.dma_semaphore, #tpu.memory_space<semaphore_mem>>) src(%dma_wait3A_142 : memref<1x128xf32, #tpu.memory_space<hbm>>) dst(%arg12 : memref<1x128xf32, #tpu.memory_space<vmem>>)
        tpu.yield
      }) : () -> ()
      %dma_wait3A = arith.constant 0 : i32
      %dma_wait3A_117 = arith.constant 0 : i32
      %dma_wait3A_118 = tpu.memref_slice %arg2[%dma_wait3A, %dma_wait3A_117] : memref<10000x128xf32, #tpu.memory_space<hbm>> -> memref<10000x128xf32, #tpu.memory_space<hbm>>
      tpu.wait_indirect_dma semaphore(%arg18 : memref<!tpu.dma_semaphore, #tpu.memory_space<semaphore_mem>>) src(%dma_wait3A_118 : memref<10000x128xf32, #tpu.memory_space<hbm>>) dst(%arg13 : memref<80x128xf32, #tpu.memory_space<vmem>>)
      %dma_wait3A_119 = arith.constant 0 : i32
      %dma_wait3A_120 = arith.constant 0 : i32
      %dma_wait3A_121 = tpu.memref_slice %arg3[%dma_wait3A_119, %dma_wait3A_120] : memref<10000x128xf32, #tpu.memory_space<hbm>> -> memref<10000x128xf32, #tpu.memory_space<hbm>>
      tpu.wait_indirect_dma semaphore(%arg19 : memref<!tpu.dma_semaphore, #tpu.memory_space<semaphore_mem>>) src(%dma_wait3A_121 : memref<10000x128xf32, #tpu.memory_space<hbm>>) dst(%arg14 : memref<80x128xf32, #tpu.memory_space<vmem>>)
      %dma_wait3A_122 = arith.constant 0 : i32
      %dma_wait3A_123 = arith.constant 0 : i32
      %dma_wait3A_124 = tpu.memref_slice %arg4[%dma_wait3A_122, %dma_wait3A_123] : memref<10000x128xf32, #tpu.memory_space<hbm>> -> memref<10000x128xf32, #tpu.memory_space<hbm>>
      tpu.wait_indirect_dma semaphore(%arg20 : memref<!tpu.dma_semaphore, #tpu.memory_space<semaphore_mem>>) src(%dma_wait3A_124 : memref<10000x128xf32, #tpu.memory_space<hbm>>) dst(%arg15 : memref<80x128xf32, #tpu.memory_space<vmem>>)
      %dma_wait3A_125 = arith.constant 0 : i32
      %dma_wait3A_126 = tpu.memref_slice %arg5[%mul3A_104, %dma_wait3A_125] : memref<320000x128xf32, #tpu.memory_space<hbm>> -> memref<80x128xf32, #tpu.memory_space<hbm>>
      %dma_wait3A_127 = arith.constant 0 : i32
      %dma_wait3A_128 = tpu.memref_slice %arg5[%mul3A_104, %dma_wait3A_127] : memref<320000x128xf32, #tpu.memory_space<hbm>> -> memref<80x128xf32, #tpu.memory_space<hbm>>
      tpu.wait_dma2 semaphore(%arg21 : memref<!tpu.dma_semaphore, #tpu.memory_space<semaphore_mem>>) src(%dma_wait3A_128 : memref<80x128xf32, #tpu.memory_space<hbm>>) dst(%arg16 : memref<80x128xf32, #tpu.memory_space<vmem>>)
      %scan3A_129 = arith.constant 0 : i32
      %scan3A_130 = arith.constant 0 : i32
      %scan3A_131 = arith.constant 80 : i32
      %scan3A_132 = arith.addi %scan3A_130, %scan3A_131 : i32
      %scan3A_133 = arith.constant 1 : i32
      scf.for %scan3A_135 = %scan3A_130 to %scan3A_132 step %scan3A_133  : i32 {
        %get3A = arith.constant 0 : i32
        %get3A_136 = arith.index_cast %get3A : i32 to index
        %get3A_137 = arith.index_cast %scan3A_135 : i32 to index
        %get3A_138 = tpu.vector_load %arg12[%get3A_136, %get3A_137] {strides = array<i32>} : memref<1x128xf32, #tpu.memory_space<vmem>>, vector<1x16xf32>,
        %get3A_139 = vector.shape_cast %get3A_138 : vector<1x16xf32> to vector<16xf32>
        %gather3A = vector.shape_cast %broadcast_in_dim3A_17 : vector<16x1xi32> to vector<16xi32>
        %gather3A_140 = tpu.dynamic_gather %get3A_139[%gather3A] in [0] : vector<16xf32>, vector<16xi32> -> vector<16xf32>
        %get3A_141 = arith.index_cast %scan3A_135 : i32 to index
        %get3A_142 = arith.constant 0 : index
        %get3A_143 = tpu.vector_load %arg13[%get3A_141, %get3A_142] {strides = array<i32>} : memref<80x128xf32, #tpu.memory_space<vmem>>, vector<1x16xf32>,
        %get3A_144 = vector.shape_cast %get3A_143 : vector<1x16xf32> to vector<16xf32>
        %get3A_145 = arith.index_cast %scan3A_135 : i32 to index
        %get3A_146 = arith.constant 0 : index
        %get3A_147 = tpu.vector_load %arg14[%get3A_145, %get3A_146] {strides = array<i32>} : memref<80x128xf32, #tpu.memory_space<vmem>>, vector<1x16xf32>,
        %get3A_148 = vector.shape_cast %get3A_147 : vector<1x16xf32> to vector<16xf32>
        %get3A_149 = arith.index_cast %scan3A_135 : i32 to index
        %get3A_150 = arith.constant 0 : index
        %get3A_151 = tpu.vector_load %arg16[%get3A_149, %get3A_150] {strides = array<i32>} : memref<80x128xf32, #tpu.memory_space<vmem>>, vector<1x16xf32>,
        %get3A_152 = vector.shape_cast %get3A_151 : vector<1x16xf32> to vector<16xf32>
        %add3A_153 = arith.addf %get3A_148, %get3A_152 : vector<16xf32>
        %mul3A_154 = arith.mulf %get3A_144, %add3A_153 : vector<16xf32>
        %gather3A_155 = vector.shape_cast %broadcast_in_dim3A : vector<16x1xi32> to vector<16xi32>
        %gather3A_156 = tpu.dynamic_gather %mul3A_154[%gather3A_155] in [0] : vector<16xf32>, vector<16xi32> -> vector<16xf32>
        %add3A_157 = arith.addf %mul3A_154, %gather3A_156 : vector<16xf32>
        %gather3A_158 = vector.shape_cast %broadcast_in_dim3A_6 : vector<16x1xi32> to vector<16xi32>
        %gather3A_159 = tpu.dynamic_gather %add3A_157[%gather3A_158] in [0] : vector<16xf32>, vector<16xi32> -> vector<16xf32>
        %add3A_160 = arith.addf %add3A_157, %gather3A_159 : vector<16xf32>
        %gather3A_161 = vector.shape_cast %broadcast_in_dim3A_10 : vector<16x1xi32> to vector<16xi32>
        %gather3A_162 = tpu.dynamic_gather %add3A_160[%gather3A_161] in [0] : vector<16xf32>, vector<16xi32> -> vector<16xf32>
        %add3A_163 = arith.addf %add3A_160, %gather3A_162 : vector<16xf32>
        %gather3A_164 = vector.shape_cast %broadcast_in_dim3A_14 : vector<16x1xi32> to vector<16xi32>
        %gather3A_165 = tpu.dynamic_gather %add3A_163[%gather3A_164] in [0] : vector<16xf32>, vector<16xi32> -> vector<16xf32>
        %add3A_166 = arith.addf %add3A_163, %gather3A_165 : vector<16xf32>
        %get3A_167 = arith.index_cast %scan3A_135 : i32 to index
        %get3A_168 = arith.constant 0 : index
        %get3A_169 = tpu.vector_load %arg15[%get3A_167, %get3A_168] {strides = array<i32>} : memref<80x128xf32, #tpu.memory_space<vmem>>, vector<1x16xf32>,
        %get3A_170 = vector.shape_cast %get3A_169 : vector<1x16xf32> to vector<16xf32>
        %add3A_171 = arith.addf %get3A_170, %get3A_152 : vector<16xf32>
        %mul3A_172 = arith.mulf %add3A_166, %gather3A_140 : vector<16xf32>
        %mul3A_173 = arith.mulf %add3A_171, %mul3A_172 : vector<16xf32>
        %swap3A = arith.index_cast %scan3A_135 : i32 to index
        %swap3A_174 = arith.constant 0 : index
        %swap3A_175 = tpu.vector_load %arg15[%swap3A, %swap3A_174] {strides = array<i32>} : memref<80x128xf32, #tpu.memory_space<vmem>>, vector<1x16xf32>,
        %swap3A_176 = vector.shape_cast %swap3A_175 : vector<1x16xf32> to vector<16xf32>
        %swap3A_177 = vector.shape_cast %mul3A_173 : vector<16xf32> to vector<1x16xf32>
        tpu.vector_store %arg15[%swap3A, %swap3A_174], %swap3A_177 {strides = array<i32>} : memref<80x128xf32, #tpu.memory_space<vmem>>, vector<1x16xf32>,
        %get3A_178 = arith.index_cast %scan3A_135 : i32 to index
        %get3A_179 = arith.constant 16 : index
        %get3A_180 = tpu.vector_load %arg13[%get3A_178, %get3A_179] {strides = array<i32>} : memref<80x128xf32, #tpu.memory_space<vmem>>, vector<1x16xf32>,
        %get3A_181 = vector.shape_cast %get3A_180 : vector<1x16xf32> to vector<16xf32>
        %get3A_182 = arith.index_cast %scan3A_135 : i32 to index
        %get3A_183 = arith.constant 16 : index
        %get3A_184 = tpu.vector_load %arg14[%get3A_182, %get3A_183] {strides = array<i32>} : memref<80x128xf32, #tpu.memory_space<vmem>>, vector<1x16xf32>,
        %get3A_185 = vector.shape_cast %get3A_184 : vector<1x16xf32> to vector<16xf32>
        %get3A_186 = arith.index_cast %scan3A_135 : i32 to index
        %get3A_187 = arith.constant 16 : index
        %get3A_188 = tpu.vector_load %arg16[%get3A_186, %get3A_187] {strides = array<i32>} : memref<80x128xf32, #tpu.memory_space<vmem>>, vector<1x16xf32>,
        %get3A_189 = vector.shape_cast %get3A_188 : vector<1x16xf32> to vector<16xf32>
        %add3A_190 = arith.addf %get3A_185, %get3A_189 : vector<16xf32>
        %mul3A_191 = arith.mulf %get3A_181, %add3A_190 : vector<16xf32>
        %gather3A_192 = vector.shape_cast %broadcast_in_dim3A : vector<16x1xi32> to vector<16xi32>
        %gather3A_193 = tpu.dynamic_gather %mul3A_191[%gather3A_192] in [0] : vector<16xf32>, vector<16xi32> -> vector<16xf32>
        %add3A_194 = arith.addf %mul3A_191, %gather3A_193 : vector<16xf32>
        %gather3A_195 = vector.shape_cast %broadcast_in_dim3A_6 : vector<16x1xi32> to vector<16xi32>
        %gather3A_196 = tpu.dynamic_gather %add3A_194[%gather3A_195] in [0] : vector<16xf32>, vector<16xi32> -> vector<16xf32>
        %add3A_197 = arith.addf %add3A_194, %gather3A_196 : vector<16xf32>
        %gather3A_198 = vector.shape_cast %broadcast_in_dim3A_10 : vector<16x1xi32> to vector<16xi32>
        %gather3A_199 = tpu.dynamic_gather %add3A_197[%gather3A_198] in [0] : vector<16xf32>, vector<16xi32> -> vector<16xf32>
        %add3A_200 = arith.addf %add3A_197, %gather3A_199 : vector<16xf32>
        %gather3A_201 = vector.shape_cast %broadcast_in_dim3A_14 : vector<16x1xi32> to vector<16xi32>
        %gather3A_202 = tpu.dynamic_gather %add3A_200[%gather3A_201] in [0] : vector<16xf32>, vector<16xi32> -> vector<16xf32>
        %add3A_203 = arith.addf %add3A_200, %gather3A_202 : vector<16xf32>
        %get3A_204 = arith.index_cast %scan3A_135 : i32 to index
        %get3A_205 = arith.constant 16 : index
        %get3A_206 = tpu.vector_load %arg15[%get3A_204, %get3A_205] {strides = array<i32>} : memref<80x128xf32, #tpu.memory_space<vmem>>, vector<1x16xf32>,
        %get3A_207 = vector.shape_cast %get3A_206 : vector<1x16xf32> to vector<16xf32>
        %add3A_208 = arith.addf %get3A_207, %get3A_189 : vector<16xf32>
        %mul3A_209 = arith.mulf %add3A_203, %gather3A_140 : vector<16xf32>
        %mul3A_210 = arith.mulf %add3A_208, %mul3A_209 : vector<16xf32>
        %swap3A_211 = arith.index_cast %scan3A_135 : i32 to index
        %swap3A_212 = arith.constant 16 : index
        %swap3A_213 = tpu.vector_load %arg15[%swap3A_211, %swap3A_212] {strides = array<i32>} : memref<80x128xf32, #tpu.memory_space<vmem>>, vector<1x16xf32>,
        %swap3A_214 = vector.shape_cast %swap3A_213 : vector<1x16xf32> to vector<16xf32>
        %swap3A_215 = vector.shape_cast %mul3A_210 : vector<16xf32> to vector<1x16xf32>
        tpu.vector_store %arg15[%swap3A_211, %swap3A_212], %swap3A_215 {strides = array<i32>} : memref<80x128xf32, #tpu.memory_space<vmem>>, vector<1x16xf32>,
        %get3A_216 = arith.index_cast %scan3A_135 : i32 to index
        %get3A_217 = arith.constant 32 : index
        %get3A_218 = tpu.vector_load %arg13[%get3A_216, %get3A_217] {strides = array<i32>} : memref<80x128xf32, #tpu.memory_space<vmem>>, vector<1x16xf32>,
        %get3A_219 = vector.shape_cast %get3A_218 : vector<1x16xf32> to vector<16xf32>
        %get3A_220 = arith.index_cast %scan3A_135 : i32 to index
        %get3A_221 = arith.constant 32 : index
        %get3A_222 = tpu.vector_load %arg14[%get3A_220, %get3A_221] {strides = array<i32>} : memref<80x128xf32, #tpu.memory_space<vmem>>, vector<1x16xf32>,
        %get3A_223 = vector.shape_cast %get3A_222 : vector<1x16xf32> to vector<16xf32>
        %get3A_224 = arith.index_cast %scan3A_135 : i32 to index
        %get3A_225 = arith.constant 32 : index
        %get3A_226 = tpu.vector_load %arg16[%get3A_224, %get3A_225] {strides = array<i32>} : memref<80x128xf32, #tpu.memory_space<vmem>>, vector<1x16xf32>,
        %get3A_227 = vector.shape_cast %get3A_226 : vector<1x16xf32> to vector<16xf32>
        %add3A_228 = arith.addf %get3A_223, %get3A_227 : vector<16xf32>
        %mul3A_229 = arith.mulf %get3A_219, %add3A_228 : vector<16xf32>
        %gather3A_230 = vector.shape_cast %broadcast_in_dim3A : vector<16x1xi32> to vector<16xi32>
        %gather3A_231 = tpu.dynamic_gather %mul3A_229[%gather3A_230] in [0] : vector<16xf32>, vector<16xi32> -> vector<16xf32>
        %add3A_232 = arith.addf %mul3A_229, %gather3A_231 : vector<16xf32>
        %gather3A_233 = vector.shape_cast %broadcast_in_dim3A_6 : vector<16x1xi32> to vector<16xi32>
        %gather3A_234 = tpu.dynamic_gather %add3A_232[%gather3A_233] in [0] : vector<16xf32>, vector<16xi32> -> vector<16xf32>
        %add3A_235 = arith.addf %add3A_232, %gather3A_234 : vector<16xf32>
        %gather3A_236 = vector.shape_cast %broadcast_in_dim3A_10 : vector<16x1xi32> to vector<16xi32>
        %gather3A_237 = tpu.dynamic_gather %add3A_235[%gather3A_236] in [0] : vector<16xf32>, vector<16xi32> -> vector<16xf32>
        %add3A_238 = arith.addf %add3A_235, %gather3A_237 : vector<16xf32>
        %gather3A_239 = vector.shape_cast %broadcast_in_dim3A_14 : vector<16x1xi32> to vector<16xi32>
        %gather3A_240 = tpu.dynamic_gather %add3A_238[%gather3A_239] in [0] : vector<16xf32>, vector<16xi32> -> vector<16xf32>
        %add3A_241 = arith.addf %add3A_238, %gather3A_240 : vector<16xf32>
        %get3A_242 = arith.index_cast %scan3A_135 : i32 to index
        %get3A_243 = arith.constant 32 : index
        %get3A_244 = tpu.vector_load %arg15[%get3A_242, %get3A_243] {strides = array<i32>} : memref<80x128xf32, #tpu.memory_space<vmem>>, vector<1x16xf32>,
        %get3A_245 = vector.shape_cast %get3A_244 : vector<1x16xf32> to vector<16xf32>
        %add3A_246 = arith.addf %get3A_245, %get3A_227 : vector<16xf32>
        %mul3A_247 = arith.mulf %add3A_241, %gather3A_140 : vector<16xf32>
        %mul3A_248 = arith.mulf %add3A_246, %mul3A_247 : vector<16xf32>
        %swap3A_249 = arith.index_cast %scan3A_135 : i32 to index
        %swap3A_250 = arith.constant 32 : index
        %swap3A_251 = tpu.vector_load %arg15[%swap3A_249, %swap3A_250] {strides = array<i32>} : memref<80x128xf32, #tpu.memory_space<vmem>>, vector<1x16xf32>,
        %swap3A_252 = vector.shape_cast %swap3A_251 : vector<1x16xf32> to vector<16xf32>
        %swap3A_253 = vector.shape_cast %mul3A_248 : vector<16xf32> to vector<1x16xf32>
        tpu.vector_store %arg15[%swap3A_249, %swap3A_250], %swap3A_253 {strides = array<i32>} : memref<80x128xf32, #tpu.memory_space<vmem>>, vector<1x16xf32>,
        %get3A_254 = arith.index_cast %scan3A_135 : i32 to index
        %get3A_255 = arith.constant 48 : index
        %get3A_256 = tpu.vector_load %arg13[%get3A_254, %get3A_255] {strides = array<i32>} : memref<80x128xf32, #tpu.memory_space<vmem>>, vector<1x16xf32>,
        %get3A_257 = vector.shape_cast %get3A_256 : vector<1x16xf32> to vector<16xf32>
        %get3A_258 = arith.index_cast %scan3A_135 : i32 to index
        %get3A_259 = arith.constant 48 : index
        %get3A_260 = tpu.vector_load %arg14[%get3A_258, %get3A_259] {strides = array<i32>} : memref<80x128xf32, #tpu.memory_space<vmem>>, vector<1x16xf32>,
        %get3A_261 = vector.shape_cast %get3A_260 : vector<1x16xf32> to vector<16xf32>
        %get3A_262 = arith.index_cast %scan3A_135 : i32 to index
        %get3A_263 = arith.constant 48 : index
        %get3A_264 = tpu.vector_load %arg16[%get3A_262, %get3A_263] {strides = array<i32>} : memref<80x128xf32, #tpu.memory_space<vmem>>, vector<1x16xf32>,
        %get3A_265 = vector.shape_cast %get3A_264 : vector<1x16xf32> to vector<16xf32>
        %add3A_266 = arith.addf %get3A_261, %get3A_265 : vector<16xf32>
        %mul3A_267 = arith.mulf %get3A_257, %add3A_266 : vector<16xf32>
        %gather3A_268 = vector.shape_cast %broadcast_in_dim3A : vector<16x1xi32> to vector<16xi32>
        %gather3A_269 = tpu.dynamic_gather %mul3A_267[%gather3A_268] in [0] : vector<16xf32>, vector<16xi32> -> vector<16xf32>
        %add3A_270 = arith.addf %mul3A_267, %gather3A_269 : vector<16xf32>
        %gather3A_271 = vector.shape_cast %broadcast_in_dim3A_6 : vector<16x1xi32> to vector<16xi32>
        %gather3A_272 = tpu.dynamic_gather %add3A_270[%gather3A_271] in [0] : vector<16xf32>, vector<16xi32> -> vector<16xf32>
        %add3A_273 = arith.addf %add3A_270, %gather3A_272 : vector<16xf32>
        %gather3A_274 = vector.shape_cast %broadcast_in_dim3A_10 : vector<16x1xi32> to vector<16xi32>
        %gather3A_275 = tpu.dynamic_gather %add3A_273[%gather3A_274] in [0] : vector<16xf32>, vector<16xi32> -> vector<16xf32>
        %add3A_276 = arith.addf %add3A_273, %gather3A_275 : vector<16xf32>
        %gather3A_277 = vector.shape_cast %broadcast_in_dim3A_14 : vector<16x1xi32> to vector<16xi32>
        %gather3A_278 = tpu.dynamic_gather %add3A_276[%gather3A_277] in [0] : vector<16xf32>, vector<16xi32> -> vector<16xf32>
        %add3A_279 = arith.addf %add3A_276, %gather3A_278 : vector<16xf32>
        %get3A_280 = arith.index_cast %scan3A_135 : i32 to index
        %get3A_281 = arith.constant 48 : index
        %get3A_282 = tpu.vector_load %arg15[%get3A_280, %get3A_281] {strides = array<i32>} : memref<80x128xf32, #tpu.memory_space<vmem>>, vector<1x16xf32>,
        %get3A_283 = vector.shape_cast %get3A_282 : vector<1x16xf32> to vector<16xf32>
        %add3A_284 = arith.addf %get3A_283, %get3A_265 : vector<16xf32>
        %mul3A_285 = arith.mulf %add3A_279, %gather3A_140 : vector<16xf32>
        %mul3A_286 = arith.mulf %add3A_284, %mul3A_285 : vector<16xf32>
        %swap3A_287 = arith.index_cast %scan3A_135 : i32 to index
        %swap3A_288 = arith.constant 48 : index
        %swap3A_289 = tpu.vector_load %arg15[%swap3A_287, %swap3A_288] {strides = array<i32>} : memref<80x128xf32, #tpu.memory_space<vmem>>, vector<1x16xf32>,
        %swap3A_290 = vector.shape_cast %swap3A_289 : vector<1x16xf32> to vector<16xf32>
        %swap3A_291 = vector.shape_cast %mul3A_286 : vector<16xf32> to vector<1x16xf32>
        tpu.vector_store %arg15[%swap3A_287, %swap3A_288], %swap3A_291 {strides = array<i32>} : memref<80x128xf32, #tpu.memory_space<vmem>>, vector<1x16xf32>,
        %get3A_292 = arith.index_cast %scan3A_135 : i32 to index
        %get3A_293 = arith.constant 64 : index
        %get3A_294 = tpu.vector_load %arg13[%get3A_292, %get3A_293] {strides = array<i32>} : memref<80x128xf32, #tpu.memory_space<vmem>>, vector<1x16xf32>,
        %get3A_295 = vector.shape_cast %get3A_294 : vector<1x16xf32> to vector<16xf32>
        %get3A_296 = arith.index_cast %scan3A_135 : i32 to index
        %get3A_297 = arith.constant 64 : index
        %get3A_298 = tpu.vector_load %arg14[%get3A_296, %get3A_297] {strides = array<i32>} : memref<80x128xf32, #tpu.memory_space<vmem>>, vector<1x16xf32>,
        %get3A_299 = vector.shape_cast %get3A_298 : vector<1x16xf32> to vector<16xf32>
        %get3A_300 = arith.index_cast %scan3A_135 : i32 to index
        %get3A_301 = arith.constant 64 : index
        %get3A_302 = tpu.vector_load %arg16[%get3A_300, %get3A_301] {strides = array<i32>} : memref<80x128xf32, #tpu.memory_space<vmem>>, vector<1x16xf32>,
        %get3A_303 = vector.shape_cast %get3A_302 : vector<1x16xf32> to vector<16xf32>
        %add3A_304 = arith.addf %get3A_299, %get3A_303 : vector<16xf32>
        %mul3A_305 = arith.mulf %get3A_295, %add3A_304 : vector<16xf32>
        %gather3A_306 = vector.shape_cast %broadcast_in_dim3A : vector<16x1xi32> to vector<16xi32>
        %gather3A_307 = tpu.dynamic_gather %mul3A_305[%gather3A_306] in [0] : vector<16xf32>, vector<16xi32> -> vector<16xf32>
        %add3A_308 = arith.addf %mul3A_305, %gather3A_307 : vector<16xf32>
        %gather3A_309 = vector.shape_cast %broadcast_in_dim3A_6 : vector<16x1xi32> to vector<16xi32>
        %gather3A_310 = tpu.dynamic_gather %add3A_308[%gather3A_309] in [0] : vector<16xf32>, vector<16xi32> -> vector<16xf32>
        %add3A_311 = arith.addf %add3A_308, %gather3A_310 : vector<16xf32>
        %gather3A_312 = vector.shape_cast %broadcast_in_dim3A_10 : vector<16x1xi32> to vector<16xi32>
        %gather3A_313 = tpu.dynamic_gather %add3A_311[%gather3A_312] in [0] : vector<16xf32>, vector<16xi32> -> vector<16xf32>
        %add3A_314 = arith.addf %add3A_311, %gather3A_313 : vector<16xf32>
        %gather3A_315 = vector.shape_cast %broadcast_in_dim3A_14 : vector<16x1xi32> to vector<16xi32>
        %gather3A_316 = tpu.dynamic_gather %add3A_314[%gather3A_315] in [0] : vector<16xf32>, vector<16xi32> -> vector<16xf32>
        %add3A_317 = arith.addf %add3A_314, %gather3A_316 : vector<16xf32>
        %get3A_318 = arith.index_cast %scan3A_135 : i32 to index
        %get3A_319 = arith.constant 64 : index
        %get3A_320 = tpu.vector_load %arg15[%get3A_318, %get3A_319] {strides = array<i32>} : memref<80x128xf32, #tpu.memory_space<vmem>>, vector<1x16xf32>,
        %get3A_321 = vector.shape_cast %get3A_320 : vector<1x16xf32> to vector<16xf32>
        %add3A_322 = arith.addf %get3A_321, %get3A_303 : vector<16xf32>
        %mul3A_323 = arith.mulf %add3A_317, %gather3A_140 : vector<16xf32>
        %mul3A_324 = arith.mulf %add3A_322, %mul3A_323 : vector<16xf32>
        %swap3A_325 = arith.index_cast %scan3A_135 : i32 to index
        %swap3A_326 = arith.constant 64 : index
        %swap3A_327 = tpu.vector_load %arg15[%swap3A_325, %swap3A_326] {strides = array<i32>} : memref<80x128xf32, #tpu.memory_space<vmem>>, vector<1x16xf32>,
        %swap3A_328 = vector.shape_cast %swap3A_327 : vector<1x16xf32> to vector<16xf32>
        %swap3A_329 = vector.shape_cast %mul3A_324 : vector<16xf32> to vector<1x16xf32>
        tpu.vector_store %arg15[%swap3A_325, %swap3A_326], %swap3A_329 {strides = array<i32>} : memref<80x128xf32, #tpu.memory_space<vmem>>, vector<1x16xf32>,
        %get3A_330 = arith.index_cast %scan3A_135 : i32 to index
        %get3A_331 = arith.constant 80 : index
        %get3A_332 = tpu.vector_load %arg13[%get3A_330, %get3A_331] {strides = array<i32>} : memref<80x128xf32, #tpu.memory_space<vmem>>, vector<1x16xf32>,
        %get3A_333 = vector.shape_cast %get3A_332 : vector<1x16xf32> to vector<16xf32>
        %get3A_334 = arith.index_cast %scan3A_135 : i32 to index
        %get3A_335 = arith.constant 80 : index
        %get3A_336 = tpu.vector_load %arg14[%get3A_334, %get3A_335] {strides = array<i32>} : memref<80x128xf32, #tpu.memory_space<vmem>>, vector<1x16xf32>,
        %get3A_337 = vector.shape_cast %get3A_336 : vector<1x16xf32> to vector<16xf32>
        %get3A_338 = arith.index_cast %scan3A_135 : i32 to index
        %get3A_339 = arith.constant 80 : index
        %get3A_340 = tpu.vector_load %arg16[%get3A_338, %get3A_339] {strides = array<i32>} : memref<80x128xf32, #tpu.memory_space<vmem>>, vector<1x16xf32>,
        %get3A_341 = vector.shape_cast %get3A_340 : vector<1x16xf32> to vector<16xf32>
        %add3A_342 = arith.addf %get3A_337, %get3A_341 : vector<16xf32>
        %mul3A_343 = arith.mulf %get3A_333, %add3A_342 : vector<16xf32>
        %gather3A_344 = vector.shape_cast %broadcast_in_dim3A : vector<16x1xi32> to vector<16xi32>
        %gather3A_345 = tpu.dynamic_gather %mul3A_343[%gather3A_344] in [0] : vector<16xf32>, vector<16xi32> -> vector<16xf32>
        %add3A_346 = arith.addf %mul3A_343, %gather3A_345 : vector<16xf32>
        %gather3A_347 = vector.shape_cast %broadcast_in_dim3A_6 : vector<16x1xi32> to vector<16xi32>
        %gather3A_348 = tpu.dynamic_gather %add3A_346[%gather3A_347] in [0] : vector<16xf32>, vector<16xi32> -> vector<16xf32>
        %add3A_349 = arith.addf %add3A_346, %gather3A_348 : vector<16xf32>
        %gather3A_350 = vector.shape_cast %broadcast_in_dim3A_10 : vector<16x1xi32> to vector<16xi32>
        %gather3A_351 = tpu.dynamic_gather %add3A_349[%gather3A_350] in [0] : vector<16xf32>, vector<16xi32> -> vector<16xf32>
        %add3A_352 = arith.addf %add3A_349, %gather3A_351 : vector<16xf32>
        %gather3A_353 = vector.shape_cast %broadcast_in_dim3A_14 : vector<16x1xi32> to vector<16xi32>
        %gather3A_354 = tpu.dynamic_gather %add3A_352[%gather3A_353] in [0] : vector<16xf32>, vector<16xi32> -> vector<16xf32>
        %add3A_355 = arith.addf %add3A_352, %gather3A_354 : vector<16xf32>
        %get3A_356 = arith.index_cast %scan3A_135 : i32 to index
        %get3A_357 = arith.constant 80 : index
        %get3A_358 = tpu.vector_load %arg15[%get3A_356, %get3A_357] {strides = array<i32>} : memref<80x128xf32, #tpu.memory_space<vmem>>, vector<1x16xf32>,
        %get3A_359 = vector.shape_cast %get3A_358 : vector<1x16xf32> to vector<16xf32>
        %add3A_360 = arith.addf %get3A_359, %get3A_341 : vector<16xf32>
        %mul3A_361 = arith.mulf %add3A_355, %gather3A_140 : vector<16xf32>
        %mul3A_362 = arith.mulf %add3A_360, %mul3A_361 : vector<16xf32>
        %swap3A_363 = arith.index_cast %scan3A_135 : i32 to index
        %swap3A_364 = arith.constant 80 : index
        %swap3A_365 = tpu.vector_load %arg15[%swap3A_363, %swap3A_364] {strides = array<i32>} : memref<80x128xf32, #tpu.memory_space<vmem>>, vector<1x16xf32>,
        %swap3A_366 = vector.shape_cast %swap3A_365 : vector<1x16xf32> to vector<16xf32>
        %swap3A_367 = vector.shape_cast %mul3A_362 : vector<16xf32> to vector<1x16xf32>
        tpu.vector_store %arg15[%swap3A_363, %swap3A_364], %swap3A_367 {strides = array<i32>} : memref<80x128xf32, #tpu.memory_space<vmem>>, vector<1x16xf32>,
        %get3A_368 = arith.index_cast %scan3A_135 : i32 to index
        %get3A_369 = arith.constant 96 : index
        %get3A_370 = tpu.vector_load %arg13[%get3A_368, %get3A_369] {strides = array<i32>} : memref<80x128xf32, #tpu.memory_space<vmem>>, vector<1x16xf32>,
        %get3A_371 = vector.shape_cast %get3A_370 : vector<1x16xf32> to vector<16xf32>
        %get3A_372 = arith.index_cast %scan3A_135 : i32 to index
        %get3A_373 = arith.constant 96 : index
        %get3A_374 = tpu.vector_load %arg14[%get3A_372, %get3A_373] {strides = array<i32>} : memref<80x128xf32, #tpu.memory_space<vmem>>, vector<1x16xf32>,
        %get3A_375 = vector.shape_cast %get3A_374 : vector<1x16xf32> to vector<16xf32>
        %get3A_376 = arith.index_cast %scan3A_135 : i32 to index
        %get3A_377 = arith.constant 96 : index
        %get3A_378 = tpu.vector_load %arg16[%get3A_376, %get3A_377] {strides = array<i32>} : memref<80x128xf32, #tpu.memory_space<vmem>>, vector<1x16xf32>,
        %get3A_379 = vector.shape_cast %get3A_378 : vector<1x16xf32> to vector<16xf32>
        %add3A_380 = arith.addf %get3A_375, %get3A_379 : vector<16xf32>
        %mul3A_381 = arith.mulf %get3A_371, %add3A_380 : vector<16xf32>
        %gather3A_382 = vector.shape_cast %broadcast_in_dim3A : vector<16x1xi32> to vector<16xi32>
        %gather3A_383 = tpu.dynamic_gather %mul3A_381[%gather3A_382] in [0] : vector<16xf32>, vector<16xi32> -> vector<16xf32>
        %add3A_384 = arith.addf %mul3A_381, %gather3A_383 : vector<16xf32>
        %gather3A_385 = vector.shape_cast %broadcast_in_dim3A_6 : vector<16x1xi32> to vector<16xi32>
        %gather3A_386 = tpu.dynamic_gather %add3A_384[%gather3A_385] in [0] : vector<16xf32>, vector<16xi32> -> vector<16xf32>
        %add3A_387 = arith.addf %add3A_384, %gather3A_386 : vector<16xf32>
        %gather3A_388 = vector.shape_cast %broadcast_in_dim3A_10 : vector<16x1xi32> to vector<16xi32>
        %gather3A_389 = tpu.dynamic_gather %add3A_387[%gather3A_388] in [0] : vector<16xf32>, vector<16xi32> -> vector<16xf32>
        %add3A_390 = arith.addf %add3A_387, %gather3A_389 : vector<16xf32>
        %gather3A_391 = vector.shape_cast %broadcast_in_dim3A_14 : vector<16x1xi32> to vector<16xi32>
        %gather3A_392 = tpu.dynamic_gather %add3A_390[%gather3A_391] in [0] : vector<16xf32>, vector<16xi32> -> vector<16xf32>
        %add3A_393 = arith.addf %add3A_390, %gather3A_392 : vector<16xf32>
        %get3A_394 = arith.index_cast %scan3A_135 : i32 to index
        %get3A_395 = arith.constant 96 : index
        %get3A_396 = tpu.vector_load %arg15[%get3A_394, %get3A_395] {strides = array<i32>} : memref<80x128xf32, #tpu.memory_space<vmem>>, vector<1x16xf32>,
        %get3A_397 = vector.shape_cast %get3A_396 : vector<1x16xf32> to vector<16xf32>
        %add3A_398 = arith.addf %get3A_397, %get3A_379 : vector<16xf32>
        %mul3A_399 = arith.mulf %add3A_393, %gather3A_140 : vector<16xf32>
        %mul3A_400 = arith.mulf %add3A_398, %mul3A_399 : vector<16xf32>
        %swap3A_401 = arith.index_cast %scan3A_135 : i32 to index
        %swap3A_402 = arith.constant 96 : index
        %swap3A_403 = tpu.vector_load %arg15[%swap3A_401, %swap3A_402] {strides = array<i32>} : memref<80x128xf32, #tpu.memory_space<vmem>>, vector<1x16xf32>,
        %swap3A_404 = vector.shape_cast %swap3A_403 : vector<1x16xf32> to vector<16xf32>
        %swap3A_405 = vector.shape_cast %mul3A_400 : vector<16xf32> to vector<1x16xf32>
        tpu.vector_store %arg15[%swap3A_401, %swap3A_402], %swap3A_405 {strides = array<i32>} : memref<80x128xf32, #tpu.memory_space<vmem>>, vector<1x16xf32>,
        %get3A_406 = arith.index_cast %scan3A_135 : i32 to index
        %get3A_407 = arith.constant 112 : index
        %get3A_408 = tpu.vector_load %arg13[%get3A_406, %get3A_407] {strides = array<i32>} : memref<80x128xf32, #tpu.memory_space<vmem>>, vector<1x16xf32>,
        %get3A_409 = vector.shape_cast %get3A_408 : vector<1x16xf32> to vector<16xf32>
        %get3A_410 = arith.index_cast %scan3A_135 : i32 to index
        %get3A_411 = arith.constant 112 : index
        %get3A_412 = tpu.vector_load %arg14[%get3A_410, %get3A_411] {strides = array<i32>} : memref<80x128xf32, #tpu.memory_space<vmem>>, vector<1x16xf32>,
        %get3A_413 = vector.shape_cast %get3A_412 : vector<1x16xf32> to vector<16xf32>
        %get3A_414 = arith.index_cast %scan3A_135 : i32 to index
        %get3A_415 = arith.constant 112 : index
        %get3A_416 = tpu.vector_load %arg16[%get3A_414, %get3A_415] {strides = array<i32>} : memref<80x128xf32, #tpu.memory_space<vmem>>, vector<1x16xf32>,
        %get3A_417 = vector.shape_cast %get3A_416 : vector<1x16xf32> to vector<16xf32>
        %add3A_418 = arith.addf %get3A_413, %get3A_417 : vector<16xf32>
        %mul3A_419 = arith.mulf %get3A_409, %add3A_418 : vector<16xf32>
        %gather3A_420 = vector.shape_cast %broadcast_in_dim3A : vector<16x1xi32> to vector<16xi32>
        %gather3A_421 = tpu.dynamic_gather %mul3A_419[%gather3A_420] in [0] : vector<16xf32>, vector<16xi32> -> vector<16xf32>
        %add3A_422 = arith.addf %mul3A_419, %gather3A_421 : vector<16xf32>
        %gather3A_423 = vector.shape_cast %broadcast_in_dim3A_6 : vector<16x1xi32> to vector<16xi32>
        %gather3A_424 = tpu.dynamic_gather %add3A_422[%gather3A_423] in [0] : vector<16xf32>, vector<16xi32> -> vector<16xf32>
        %add3A_425 = arith.addf %add3A_422, %gather3A_424 : vector<16xf32>
        %gather3A_426 = vector.shape_cast %broadcast_in_dim3A_10 : vector<16x1xi32> to vector<16xi32>
        %gather3A_427 = tpu.dynamic_gather %add3A_425[%gather3A_426] in [0] : vector<16xf32>, vector<16xi32> -> vector<16xf32>
        %add3A_428 = arith.addf %add3A_425, %gather3A_427 : vector<16xf32>
        %gather3A_429 = vector.shape_cast %broadcast_in_dim3A_14 : vector<16x1xi32> to vector<16xi32>
        %gather3A_430 = tpu.dynamic_gather %add3A_428[%gather3A_429] in [0] : vector<16xf32>, vector<16xi32> -> vector<16xf32>
        %add3A_431 = arith.addf %add3A_428, %gather3A_430 : vector<16xf32>
        %get3A_432 = arith.index_cast %scan3A_135 : i32 to index
        %get3A_433 = arith.constant 112 : index
        %get3A_434 = tpu.vector_load %arg15[%get3A_432, %get3A_433] {strides = array<i32>} : memref<80x128xf32, #tpu.memory_space<vmem>>, vector<1x16xf32>,
        %get3A_435 = vector.shape_cast %get3A_434 : vector<1x16xf32> to vector<16xf32>
        %add3A_436 = arith.addf %get3A_435, %get3A_417 : vector<16xf32>
        %mul3A_437 = arith.mulf %add3A_431, %gather3A_140 : vector<16xf32>
        %mul3A_438 = arith.mulf %add3A_436, %mul3A_437 : vector<16xf32>
        %swap3A_439 = arith.index_cast %scan3A_135 : i32 to index
        %swap3A_440 = arith.constant 112 : index
        %swap3A_441 = tpu.vector_load %arg15[%swap3A_439, %swap3A_440] {strides = array<i32>} : memref<80x128xf32, #tpu.memory_space<vmem>>, vector<1x16xf32>,
        %swap3A_442 = vector.shape_cast %swap3A_441 : vector<1x16xf32> to vector<16xf32>
        %swap3A_443 = vector.shape_cast %mul3A_438 : vector<16xf32> to vector<1x16xf32>
        tpu.vector_store %arg15[%swap3A_439, %swap3A_440], %swap3A_443 {strides = array<i32>} : memref<80x128xf32, #tpu.memory_space<vmem>>, vector<1x16xf32>,
      }
      %scan3A_134 = arith.constant 80 : i32
      "tpu.region"() ({
        %run_scoped3A = tpu.sem_alloc : memref<!tpu.dma_semaphore, #tpu.memory_space<semaphore_mem>>
        %dma_start3A_135 = arith.constant 0 : i32
        %dma_start3A_136 = arith.constant 0 : i32
        %dma_start3A_137 = tpu.memref_slice %arg17[%dma_start3A_135, %dma_start3A_136] : memref<10240x128xf32, #tpu.memory_space<vmem_shared>> -> memref<10240x128xf32, #tpu.memory_space<vmem_shared>>
        tpu.enqueue_indirect_dma source(%arg15 : memref<80x128xf32, #tpu.memory_space<vmem>>) target(%dma_start3A_137 : memref<10240x128xf32, #tpu.memory_space<vmem_shared>>) offsets(%arg11 : memref<80xi32, #tpu.memory_space<vmem>>) semaphore(%run_scoped3A : memref<!tpu.dma_semaphore, #tpu.memory_space<semaphore_mem>>) {add = true}
        %dma_wait3A_138 = arith.constant 0 : i32
        %dma_wait3A_139 = arith.constant 0 : i32
        %dma_wait3A_140 = tpu.memref_slice %arg17[%dma_wait3A_138, %dma_wait3A_139] : memref<10240x128xf32, #tpu.memory_space<vmem_shared>> -> memref<10240x128xf32, #tpu.memory_space<vmem_shared>>
        tpu.wait_indirect_dma semaphore(%run_scoped3A : memref<!tpu.dma_semaphore, #tpu.memory_space<semaphore_mem>>) src(%arg15 : memref<80x128xf32, #tpu.memory_space<vmem>>) dst(%dma_wait3A_140 : memref<10240x128xf32, #tpu.memory_space<vmem_shared>>)
        tpu.yield
      }) : () -> ()
    }
    %scan3A_62 = arith.constant 125 : i32
    %barrier3A_63 = arith.constant 0 : index
    tpu.barrier barrier_id(%barrier3A_63)
    %mul3A_64 = arith.constant 640 : i32
    %mul3A_65 = arith.muli %arg1, %mul3A_64 : i32
    %add3A_66 = arith.constant 0 : i32
    %add3A_67 = arith.addi %mul3A_65, %add3A_66 : i32
    %mul3A_68 = arith.constant 10240 : i32
    %mul3A_69 = arith.muli %arg0, %mul3A_68 : i32
    %add3A_70 = arith.addi %mul3A_69, %add3A_67 : i32
    "tpu.region"() ({
      %run_scoped3A = tpu.sem_alloc : memref<!tpu.dma_semaphore, #tpu.memory_space<semaphore_mem>>
      %dma_start3A = arith.constant 0 : i32
      %dma_start3A_99 = tpu.memref_slice %arg9[%add3A_70, %dma_start3A] : memref<20480x128xf32, #tpu.memory_space<hbm>> -> memref<128x128xf32, #tpu.memory_space<hbm>>
      %dma_start3A_100 = arith.constant 0 : i32
      %dma_start3A_101 = tpu.memref_slice %arg17[%add3A_67, %dma_start3A_100] : memref<10240x128xf32, #tpu.memory_space<vmem_shared>> -> memref<128x128xf32, #tpu.memory_space<vmem_shared>>
      tpu.enqueue_dma source(%dma_start3A_101 : memref<128x128xf32, #tpu.memory_space<vmem_shared>>) target(%dma_start3A_99 : memref<128x128xf32, #tpu.memory_space<hbm>>) target_semaphore(%run_scoped3A : memref<!tpu.dma_semaphore, #tpu.memory_space<semaphore_mem>>)
      %dma_wait3A = arith.constant 0 : i32
      %dma_wait3A_102 = tpu.memref_slice %arg9[%add3A_70, %dma_wait3A] : memref<20480x128xf32, #tpu.memory_space<hbm>> -> memref<128x128xf32, #tpu.memory_space<hbm>>
      %dma_wait3A_103 = arith.constant 0 : i32
      %dma_wait3A_104 = tpu.memref_slice %arg17[%add3A_67, %dma_wait3A_103] : memref<10240x128xf32, #tpu.memory_space<vmem_shared>> -> memref<128x128xf32, #tpu.memory_space<vmem_shared>>
      tpu.wait_dma2 semaphore(%run_scoped3A : memref<!tpu.dma_semaphore, #tpu.memory_space<semaphore_mem>>) src(%dma_wait3A_104 : memref<128x128xf32, #tpu.memory_space<vmem_shared>>) dst(%dma_wait3A_102 : memref<128x128xf32, #tpu.memory_space<hbm>>)
      tpu.yield
    }) : () -> ()
    %mul3A_71 = arith.constant 640 : i32
    %mul3A_72 = arith.muli %arg1, %mul3A_71 : i32
    %add3A_73 = arith.constant 128 : i32
    %add3A_74 = arith.addi %mul3A_72, %add3A_73 : i32
    %mul3A_75 = arith.constant 10240 : i32
    %mul3A_76 = arith.muli %arg0, %mul3A_75 : i32
    %add3A_77 = arith.addi %mul3A_76, %add3A_74 : i32
    "tpu.region"() ({
      %run_scoped3A = tpu.sem_alloc : memref<!tpu.dma_semaphore, #tpu.memory_space<semaphore_mem>>
      %dma_start3A = arith.constant 0 : i32
      %dma_start3A_99 = tpu.memref_slice %arg9[%add3A_77, %dma_start3A] : memref<20480x128xf32, #tpu.memory_space<hbm>> -> memref<128x128xf32, #tpu.memory_space<hbm>>
      %dma_start3A_100 = arith.constant 0 : i32
      %dma_start3A_101 = tpu.memref_slice %arg17[%add3A_74, %dma_start3A_100] : memref<10240x128xf32, #tpu.memory_space<vmem_shared>> -> memref<128x128xf32, #tpu.memory_space<vmem_shared>>
      tpu.enqueue_dma source(%dma_start3A_101 : memref<128x128xf32, #tpu.memory_space<vmem_shared>>) target(%dma_start3A_99 : memref<128x128xf32, #tpu.memory_space<hbm>>) target_semaphore(%run_scoped3A : memref<!tpu.dma_semaphore, #tpu.memory_space<semaphore_mem>>)
      %dma_wait3A = arith.constant 0 : i32
      %dma_wait3A_102 = tpu.memref_slice %arg9[%add3A_77, %dma_wait3A] : memref<20480x128xf32, #tpu.memory_space<hbm>> -> memref<128x128xf32, #tpu.memory_space<hbm>>
      %dma_wait3A_103 = arith.constant 0 : i32
      %dma_wait3A_104 = tpu.memref_slice %arg17[%add3A_74, %dma_wait3A_103] : memref<10240x128xf32, #tpu.memory_space<vmem_shared>> -> memref<128x128xf32, #tpu.memory_space<vmem_shared>>
      tpu.wait_dma2 semaphore(%run_scoped3A : memref<!tpu.dma_semaphore, #tpu.memory_space<semaphore_mem>>) src(%dma_wait3A_104 : memref<128x128xf32, #tpu.memory_space<vmem_shared>>) dst(%dma_wait3A_102 : memref<128x128xf32, #tpu.memory_space<hbm>>)
      tpu.yield
    }) : () -> ()
    %mul3A_78 = arith.constant 640 : i32
    %mul3A_79 = arith.muli %arg1, %mul3A_78 : i32
    %add3A_80 = arith.constant 256 : i32
    %add3A_81 = arith.addi %mul3A_79, %add3A_80 : i32
    %mul3A_82 = arith.constant 10240 : i32
    %mul3A_83 = arith.muli %arg0, %mul3A_82 : i32
    %add3A_84 = arith.addi %mul3A_83, %add3A_81 : i32
    "tpu.region"() ({
      %run_scoped3A = tpu.sem_alloc : memref<!tpu.dma_semaphore, #tpu.memory_space<semaphore_mem>>
      %dma_start3A = arith.constant 0 : i32
      %dma_start3A_99 = tpu.memref_slice %arg9[%add3A_84, %dma_start3A] : memref<20480x128xf32, #tpu.memory_space<hbm>> -> memref<128x128xf32, #tpu.memory_space<hbm>>
      %dma_start3A_100 = arith.constant 0 : i32
      %dma_start3A_101 = tpu.memref_slice %arg17[%add3A_81, %dma_start3A_100] : memref<10240x128xf32, #tpu.memory_space<vmem_shared>> -> memref<128x128xf32, #tpu.memory_space<vmem_shared>>
      tpu.enqueue_dma source(%dma_start3A_101 : memref<128x128xf32, #tpu.memory_space<vmem_shared>>) target(%dma_start3A_99 : memref<128x128xf32, #tpu.memory_space<hbm>>) target_semaphore(%run_scoped3A : memref<!tpu.dma_semaphore, #tpu.memory_space<semaphore_mem>>)
      %dma_wait3A = arith.constant 0 : i32
      %dma_wait3A_102 = tpu.memref_slice %arg9[%add3A_84, %dma_wait3A] : memref<20480x128xf32, #tpu.memory_space<hbm>> -> memref<128x128xf32, #tpu.memory_space<hbm>>
      %dma_wait3A_103 = arith.constant 0 : i32
      %dma_wait3A_104 = tpu.memref_slice %arg17[%add3A_81, %dma_wait3A_103] : memref<10240x128xf32, #tpu.memory_space<vmem_shared>> -> memref<128x128xf32, #tpu.memory_space<vmem_shared>>
      tpu.wait_dma2 semaphore(%run_scoped3A : memref<!tpu.dma_semaphore, #tpu.memory_space<semaphore_mem>>) src(%dma_wait3A_104 : memref<128x128xf32, #tpu.memory_space<vmem_shared>>) dst(%dma_wait3A_102 : memref<128x128xf32, #tpu.memory_space<hbm>>)
      tpu.yield
    }) : () -> ()
    %mul3A_85 = arith.constant 640 : i32
    %mul3A_86 = arith.muli %arg1, %mul3A_85 : i32
    %add3A_87 = arith.constant 384 : i32
    %add3A_88 = arith.addi %mul3A_86, %add3A_87 : i32
    %mul3A_89 = arith.constant 10240 : i32
    %mul3A_90 = arith.muli %arg0, %mul3A_89 : i32
    %add3A_91 = arith.addi %mul3A_90, %add3A_88 : i32
    "tpu.region"() ({
      %run_scoped3A = tpu.sem_alloc : memref<!tpu.dma_semaphore, #tpu.memory_space<semaphore_mem>>
      %dma_start3A = arith.constant 0 : i32
      %dma_start3A_99 = tpu.memref_slice %arg9[%add3A_91, %dma_start3A] : memref<20480x128xf32, #tpu.memory_space<hbm>> -> memref<128x128xf32, #tpu.memory_space<hbm>>
      %dma_start3A_100 = arith.constant 0 : i32
      %dma_start3A_101 = tpu.memref_slice %arg17[%add3A_88, %dma_start3A_100] : memref<10240x128xf32, #tpu.memory_space<vmem_shared>> -> memref<128x128xf32, #tpu.memory_space<vmem_shared>>
      tpu.enqueue_dma source(%dma_start3A_101 : memref<128x128xf32, #tpu.memory_space<vmem_shared>>) target(%dma_start3A_99 : memref<128x128xf32, #tpu.memory_space<hbm>>) target_semaphore(%run_scoped3A : memref<!tpu.dma_semaphore, #tpu.memory_space<semaphore_mem>>)
      %dma_wait3A = arith.constant 0 : i32
      %dma_wait3A_102 = tpu.memref_slice %arg9[%add3A_91, %dma_wait3A] : memref<20480x128xf32, #tpu.memory_space<hbm>> -> memref<128x128xf32, #tpu.memory_space<hbm>>
      %dma_wait3A_103 = arith.constant 0 : i32
      %dma_wait3A_104 = tpu.memref_slice %arg17[%add3A_88, %dma_wait3A_103] : memref<10240x128xf32, #tpu.memory_space<vmem_shared>> -> memref<128x128xf32, #tpu.memory_space<vmem_shared>>
      tpu.wait_dma2 semaphore(%run_scoped3A : memref<!tpu.dma_semaphore, #tpu.memory_space<semaphore_mem>>) src(%dma_wait3A_104 : memref<128x128xf32, #tpu.memory_space<vmem_shared>>) dst(%dma_wait3A_102 : memref<128x128xf32, #tpu.memory_space<hbm>>)
      tpu.yield
    }) : () -> ()
    %mul3A_92 = arith.constant 640 : i32
    %mul3A_93 = arith.muli %arg1, %mul3A_92 : i32
    %add3A_94 = arith.constant 512 : i32
    %add3A_95 = arith.addi %mul3A_93, %add3A_94 : i32
    %mul3A_96 = arith.constant 10240 : i32
    %mul3A_97 = arith.muli %arg0, %mul3A_96 : i32
    %add3A_98 = arith.addi %mul3A_97, %add3A_95 : i32
    "tpu.region"() ({
      %run_scoped3A = tpu.sem_alloc : memref<!tpu.dma_semaphore, #tpu.memory_space<semaphore_mem>>
      %dma_start3A = arith.constant 0 : i32
      %dma_start3A_99 = tpu.memref_slice %arg9[%add3A_98, %dma_start3A] : memref<20480x128xf32, #tpu.memory_space<hbm>> -> memref<128x128xf32, #tpu.memory_space<hbm>>
      %dma_start3A_100 = arith.constant 0 : i32
      %dma_start3A_101 = tpu.memref_slice %arg17[%add3A_95, %dma_start3A_100] : memref<10240x128xf32, #tpu.memory_space<vmem_shared>> -> memref<128x128xf32, #tpu.memory_space<vmem_shared>>
      tpu.enqueue_dma source(%dma_start3A_101 : memref<128x128xf32, #tpu.memory_space<vmem_shared>>) target(%dma_start3A_99 : memref<128x128xf32, #tpu.memory_space<hbm>>) target_semaphore(%run_scoped3A : memref<!tpu.dma_semaphore, #tpu.memory_space<semaphore_mem>>)
      %dma_wait3A = arith.constant 0 : i32
      %dma_wait3A_102 = tpu.memref_slice %arg9[%add3A_98, %dma_wait3A] : memref<20480x128xf32, #tpu.memory_space<hbm>> -> memref<128x128xf32, #tpu.memory_space<hbm>>
      %dma_wait3A_103 = arith.constant 0 : i32
      %dma_wait3A_104 = tpu.memref_slice %arg17[%add3A_95, %dma_wait3A_103] : memref<10240x128xf32, #tpu.memory_space<vmem_shared>> -> memref<128x128xf32, #tpu.memory_space<vmem_shared>>
      tpu.wait_dma2 semaphore(%run_scoped3A : memref<!tpu.dma_semaphore, #tpu.memory_space<semaphore_mem>>) src(%dma_wait3A_104 : memref<128x128xf32, #tpu.memory_space<vmem_shared>>) dst(%dma_wait3A_102 : memref<128x128xf32, #tpu.memory_space<hbm>>)
      tpu.yield
    }) : () -> ()
    return
  }
}

#map = affine_map<(d0, d1) -> (0, 0)>
#map1 = affine_map<(d0, d1) -> (0)>
module attributes {stable_mosaic.version = 14 : i64} {
  func.func @_sc_edge_body(%arg0: i32, %arg1: i32, %arg2: memref<10000x128xf32, #tpu.memory_space<hbm>>, %arg3: memref<10000x128xf32, #tpu.memory_space<hbm>>, %arg4: memref<10000x128xf32, #tpu.memory_space<hbm>>, %arg5: memref<320000x128xf32, #tpu.memory_space<hbm>>, %arg6: memref<4000x128xf32, #tpu.memory_space<hbm>>, %arg7: memref<320000xi32, #tpu.memory_space<hbm>>, %arg8: memref<320000xi32, #tpu.memory_space<hbm>>, %arg9: memref<20480x128xf32, #tpu.memory_space<hbm>>, %arg10: memref<80xi32, #tpu.memory_space<vmem>>, %arg11: memref<80xi32, #tpu.memory_space<vmem>>, %arg12: memref<1x128xf32, #tpu.memory_space<vmem>>, %arg13: memref<80x128xf32, #tpu.memory_space<vmem>>, %arg14: memref<80x128xf32, #tpu.memory_space<vmem>>, %arg15: memref<80x128xf32, #tpu.memory_space<vmem>>, %arg16: memref<80x128xf32, #tpu.memory_space<vmem>>, %arg17: memref<10240x128xf32, #tpu.memory_space<vmem_shared>>, %arg18: memref<!tpu.dma_semaphore, #tpu.memory_space<semaphore_mem>>, %arg19: memref<!tpu.dma_semaphore, #tpu.memory_space<semaphore_mem>>, %arg20: memref<!tpu.dma_semaphore, #tpu.memory_space<semaphore_mem>>, %arg21: memref<!tpu.dma_semaphore, #tpu.memory_space<semaphore_mem>>) attributes {dimension_semantics = [#tpu.dimension_semantics<core_parallel>, #tpu.dimension_semantics<subcore_parallel>], iteration_bounds = array<i64: 2, 16>, scalar_prefetch = 0 : i64, scratch_operands = 12 : i64, tpu.core_type = #tpu.core_type<sc_vector_subcore>, window_params = [{transform_indices = #map}, {transform_indices = #map}, {transform_indices = #map}, {transform_indices = #map}, {transform_indices = #map}, {transform_indices = #map1}, {transform_indices = #map1}, {transform_indices = #map}]} {
    %mul3A = arith.constant 2 : i32
    %mul3A_0 = arith.muli %arg1, %mul3A : i32
    %add3A = arith.addi %mul3A_0, %arg0 : i32
    %iota3A = tpu.iota {dimensions = array<i32: 0>} : vector<16xi32>
    %xor3A = arith.constant 8 : i32
    %xor3A_1 = vector.broadcast %xor3A : i32 to vector<16xi32>
    %xor3A_2 = arith.xori %iota3A, %xor3A_1 : vector<16xi32>
    %broadcast_in_dim3A = vector.shape_cast %xor3A_2 : vector<16xi32> to vector<16x1xi32>
    %xor3A_3 = arith.constant 4 : i32
    %xor3A_4 = vector.broadcast %xor3A_3 : i32 to vector<16xi32>
    %xor3A_5 = arith.xori %iota3A, %xor3A_4 : vector<16xi32>
    %broadcast_in_dim3A_6 = vector.shape_cast %xor3A_5 : vector<16xi32> to vector<16x1xi32>
    %xor3A_7 = arith.constant 2 : i32
    %xor3A_8 = vector.broadcast %xor3A_7 : i32 to vector<16xi32>
    %xor3A_9 = arith.xori %iota3A, %xor3A_8 : vector<16xi32>
    %broadcast_in_dim3A_10 = vector.shape_cast %xor3A_9 : vector<16xi32> to vector<16x1xi32>
    %xor3A_11 = arith.constant 1 : i32
    %xor3A_12 = vector.broadcast %xor3A_11 : i32 to vector<16xi32>
    %xor3A_13 = arith.xori %iota3A, %xor3A_12 : vector<16xi32>
    %broadcast_in_dim3A_14 = vector.shape_cast %xor3A_13 : vector<16xi32> to vector<16x1xi32>
    %and3A = arith.constant 0 : i32
    %and3A_15 = vector.broadcast %and3A : i32 to vector<16xi32>
    %and3A_16 = arith.andi %iota3A, %and3A_15 : vector<16xi32>
    %broadcast_in_dim3A_17 = vector.shape_cast %and3A_16 : vector<16xi32> to vector<16x1xi32>
    %broadcast_in_dim3A_18 = arith.constant 0.000000e+00 : f32
    %broadcast_in_dim3A_19 = vector.broadcast %broadcast_in_dim3A_18 : f32 to vector<16xf32>
    %scan3A = arith.constant 0 : i32
    %scan3A_20 = arith.constant 0 : i32
    %scan3A_21 = arith.constant 80 : i32
    %scan3A_22 = arith.addi %scan3A_20, %scan3A_21 : i32
    %scan3A_23 = arith.constant 1 : i32
    scf.for %scan3A_99 = %scan3A_20 to %scan3A_22 step %scan3A_23  : i32 {
      %swap3A = arith.index_cast %scan3A_99 : i32 to index
      %swap3A_100 = arith.constant 0 : index
      %swap3A_101 = tpu.vector_load %arg15[%swap3A, %swap3A_100] {strides = array<i32>} : memref<80x128xf32, #tpu.memory_space<vmem>>, vector<1x16xf32>,
      %swap3A_102 = vector.shape_cast %swap3A_101 : vector<1x16xf32> to vector<16xf32>
      %swap3A_103 = vector.shape_cast %broadcast_in_dim3A_19 : vector<16xf32> to vector<1x16xf32>
      tpu.vector_store %arg15[%swap3A, %swap3A_100], %swap3A_103 {strides = array<i32>} : memref<80x128xf32, #tpu.memory_space<vmem>>, vector<1x16xf32>,
      %swap3A_104 = arith.index_cast %scan3A_99 : i32 to index
      %swap3A_105 = arith.constant 16 : index
      %swap3A_106 = tpu.vector_load %arg15[%swap3A_104, %swap3A_105] {strides = array<i32>} : memref<80x128xf32, #tpu.memory_space<vmem>>, vector<1x16xf32>,
      %swap3A_107 = vector.shape_cast %swap3A_106 : vector<1x16xf32> to vector<16xf32>
      %swap3A_108 = vector.shape_cast %broadcast_in_dim3A_19 : vector<16xf32> to vector<1x16xf32>
      tpu.vector_store %arg15[%swap3A_104, %swap3A_105], %swap3A_108 {strides = array<i32>} : memref<80x128xf32, #tpu.memory_space<vmem>>, vector<1x16xf32>,
      %swap3A_109 = arith.index_cast %scan3A_99 : i32 to index
      %swap3A_110 = arith.constant 32 : index
      %swap3A_111 = tpu.vector_load %arg15[%swap3A_109, %swap3A_110] {strides = array<i32>} : memref<80x128xf32, #tpu.memory_space<vmem>>, vector<1x16xf32>,
      %swap3A_112 = vector.shape_cast %swap3A_111 : vector<1x16xf32> to vector<16xf32>
      %swap3A_113 = vector.shape_cast %broadcast_in_dim3A_19 : vector<16xf32> to vector<1x16xf32>
      tpu.vector_store %arg15[%swap3A_109, %swap3A_110], %swap3A_113 {strides = array<i32>} : memref<80x128xf32, #tpu.memory_space<vmem>>, vector<1x16xf32>,
      %swap3A_114 = arith.index_cast %scan3A_99 : i32 to index
      %swap3A_115 = arith.constant 48 : index
      %swap3A_116 = tpu.vector_load %arg15[%swap3A_114, %swap3A_115] {strides = array<i32>} : memref<80x128xf32, #tpu.memory_space<vmem>>, vector<1x16xf32>,
      %swap3A_117 = vector.shape_cast %swap3A_116 : vector<1x16xf32> to vector<16xf32>
      %swap3A_118 = vector.shape_cast %broadcast_in_dim3A_19 : vector<16xf32> to vector<1x16xf32>
      tpu.vector_store %arg15[%swap3A_114, %swap3A_115], %swap3A_118 {strides = array<i32>} : memref<80x128xf32, #tpu.memory_space<vmem>>, vector<1x16xf32>,
      %swap3A_119 = arith.index_cast %scan3A_99 : i32 to index
      %swap3A_120 = arith.constant 64 : index
      %swap3A_121 = tpu.vector_load %arg15[%swap3A_119, %swap3A_120] {strides = array<i32>} : memref<80x128xf32, #tpu.memory_space<vmem>>, vector<1x16xf32>,
      %swap3A_122 = vector.shape_cast %swap3A_121 : vector<1x16xf32> to vector<16xf32>
      %swap3A_123 = vector.shape_cast %broadcast_in_dim3A_19 : vector<16xf32> to vector<1x16xf32>
      tpu.vector_store %arg15[%swap3A_119, %swap3A_120], %swap3A_123 {strides = array<i32>} : memref<80x128xf32, #tpu.memory_space<vmem>>, vector<1x16xf32>,
      %swap3A_124 = arith.index_cast %scan3A_99 : i32 to index
      %swap3A_125 = arith.constant 80 : index
      %swap3A_126 = tpu.vector_load %arg15[%swap3A_124, %swap3A_125] {strides = array<i32>} : memref<80x128xf32, #tpu.memory_space<vmem>>, vector<1x16xf32>,
      %swap3A_127 = vector.shape_cast %swap3A_126 : vector<1x16xf32> to vector<16xf32>
      %swap3A_128 = vector.shape_cast %broadcast_in_dim3A_19 : vector<16xf32> to vector<1x16xf32>
      tpu.vector_store %arg15[%swap3A_124, %swap3A_125], %swap3A_128 {strides = array<i32>} : memref<80x128xf32, #tpu.memory_space<vmem>>, vector<1x16xf32>,
      %swap3A_129 = arith.index_cast %scan3A_99 : i32 to index
      %swap3A_130 = arith.constant 96 : index
      %swap3A_131 = tpu.vector_load %arg15[%swap3A_129, %swap3A_130] {strides = array<i32>} : memref<80x128xf32, #tpu.memory_space<vmem>>, vector<1x16xf32>,
      %swap3A_132 = vector.shape_cast %swap3A_131 : vector<1x16xf32> to vector<16xf32>
      %swap3A_133 = vector.shape_cast %broadcast_in_dim3A_19 : vector<16xf32> to vector<1x16xf32>
      tpu.vector_store %arg15[%swap3A_129, %swap3A_130], %swap3A_133 {strides = array<i32>} : memref<80x128xf32, #tpu.memory_space<vmem>>, vector<1x16xf32>,
      %swap3A_134 = arith.index_cast %scan3A_99 : i32 to index
      %swap3A_135 = arith.constant 112 : index
      %swap3A_136 = tpu.vector_load %arg15[%swap3A_134, %swap3A_135] {strides = array<i32>} : memref<80x128xf32, #tpu.memory_space<vmem>>, vector<1x16xf32>,
      %swap3A_137 = vector.shape_cast %swap3A_136 : vector<1x16xf32> to vector<16xf32>
      %swap3A_138 = vector.shape_cast %broadcast_in_dim3A_19 : vector<16xf32> to vector<1x16xf32>
      tpu.vector_store %arg15[%swap3A_134, %swap3A_135], %swap3A_138 {strides = array<i32>} : memref<80x128xf32, #tpu.memory_space<vmem>>, vector<1x16xf32>,
    }
    %scan3A_24 = arith.constant 80 : i32
    %mul3A_25 = arith.constant 640 : i32
    %mul3A_26 = arith.muli %arg1, %mul3A_25 : i32
    %add3A_27 = arith.constant 0 : i32
    %add3A_28 = arith.addi %mul3A_26, %add3A_27 : i32
    "tpu.region"() ({
      %run_scoped3A = tpu.sem_alloc : memref<!tpu.dma_semaphore, #tpu.memory_space<semaphore_mem>>
      %dma_start3A = arith.constant 0 : i32
      %dma_start3A_99 = tpu.memref_slice %arg17[%add3A_28, %dma_start3A] : memref<10240x128xf32, #tpu.memory_space<vmem_shared>> -> memref<80x128xf32, #tpu.memory_space<vmem_shared>>
      %dma_start3A_100 = arith.constant 0 : i32
      %dma_start3A_101 = tpu.memref_slice %arg17[%add3A_28, %dma_start3A_100] : memref<10240x128xf32, #tpu.memory_space<vmem_shared>> -> memref<80x128xf32, #tpu.memory_space<vmem_shared>>
      tpu.enqueue_dma source(%arg15 : memref<80x128xf32, #tpu.memory_space<vmem>>) target(%dma_start3A_101 : memref<80x128xf32, #tpu.memory_space<vmem_shared>>) target_semaphore(%run_scoped3A : memref<!tpu.dma_semaphore, #tpu.memory_space<semaphore_mem>>)
      %dma_wait3A = arith.constant 0 : i32
      %dma_wait3A_102 = tpu.memref_slice %arg17[%add3A_28, %dma_wait3A] : memref<10240x128xf32, #tpu.memory_space<vmem_shared>> -> memref<80x128xf32, #tpu.memory_space<vmem_shared>>
      %dma_wait3A_103 = arith.constant 0 : i32
      %dma_wait3A_104 = tpu.memref_slice %arg17[%add3A_28, %dma_wait3A_103] : memref<10240x128xf32, #tpu.memory_space<vmem_shared>> -> memref<80x128xf32, #tpu.memory_space<vmem_shared>>
      tpu.wait_dma2 semaphore(%run_scoped3A : memref<!tpu.dma_semaphore, #tpu.memory_space<semaphore_mem>>) src(%arg15 : memref<80x128xf32, #tpu.memory_space<vmem>>) dst(%dma_wait3A_104 : memref<80x128xf32, #tpu.memory_space<vmem_shared>>)
      tpu.yield
    }) : () -> ()
    %mul3A_29 = arith.constant 640 : i32
    %mul3A_30 = arith.muli %arg1, %mul3A_29 : i32
    %add3A_31 = arith.constant 80 : i32
    %add3A_32 = arith.addi %mul3A_30, %add3A_31 : i32
    "tpu.region"() ({
      %run_scoped3A = tpu.sem_alloc : memref<!tpu.dma_semaphore, #tpu.memory_space<semaphore_mem>>
      %dma_start3A = arith.constant 0 : i32
      %dma_start3A_99 = tpu.memref_slice %arg17[%add3A_32, %dma_start3A] : memref<10240x128xf32, #tpu.memory_space<vmem_shared>> -> memref<80x128xf32, #tpu.memory_space<vmem_shared>>
      %dma_start3A_100 = arith.constant 0 : i32
      %dma_start3A_101 = tpu.memref_slice %arg17[%add3A_32, %dma_start3A_100] : memref<10240x128xf32, #tpu.memory_space<vmem_shared>> -> memref<80x128xf32, #tpu.memory_space<vmem_shared>>
      tpu.enqueue_dma source(%arg15 : memref<80x128xf32, #tpu.memory_space<vmem>>) target(%dma_start3A_101 : memref<80x128xf32, #tpu.memory_space<vmem_shared>>) target_semaphore(%run_scoped3A : memref<!tpu.dma_semaphore, #tpu.memory_space<semaphore_mem>>)
      %dma_wait3A = arith.constant 0 : i32
      %dma_wait3A_102 = tpu.memref_slice %arg17[%add3A_32, %dma_wait3A] : memref<10240x128xf32, #tpu.memory_space<vmem_shared>> -> memref<80x128xf32, #tpu.memory_space<vmem_shared>>
      %dma_wait3A_103 = arith.constant 0 : i32
      %dma_wait3A_104 = tpu.memref_slice %arg17[%add3A_32, %dma_wait3A_103] : memref<10240x128xf32, #tpu.memory_space<vmem_shared>> -> memref<80x128xf32, #tpu.memory_space<vmem_shared>>
      tpu.wait_dma2 semaphore(%run_scoped3A : memref<!tpu.dma_semaphore, #tpu.memory_space<semaphore_mem>>) src(%arg15 : memref<80x128xf32, #tpu.memory_space<vmem>>) dst(%dma_wait3A_104 : memref<80x128xf32, #tpu.memory_space<vmem_shared>>)
      tpu.yield
    }) : () -> ()
    %mul3A_33 = arith.constant 640 : i32
    %mul3A_34 = arith.muli %arg1, %mul3A_33 : i32
    %add3A_35 = arith.constant 160 : i32
    %add3A_36 = arith.addi %mul3A_34, %add3A_35 : i32
    "tpu.region"() ({
      %run_scoped3A = tpu.sem_alloc : memref<!tpu.dma_semaphore, #tpu.memory_space<semaphore_mem>>
      %dma_start3A = arith.constant 0 : i32
      %dma_start3A_99 = tpu.memref_slice %arg17[%add3A_36, %dma_start3A] : memref<10240x128xf32, #tpu.memory_space<vmem_shared>> -> memref<80x128xf32, #tpu.memory_space<vmem_shared>>
      %dma_start3A_100 = arith.constant 0 : i32
      %dma_start3A_101 = tpu.memref_slice %arg17[%add3A_36, %dma_start3A_100] : memref<10240x128xf32, #tpu.memory_space<vmem_shared>> -> memref<80x128xf32, #tpu.memory_space<vmem_shared>>
      tpu.enqueue_dma source(%arg15 : memref<80x128xf32, #tpu.memory_space<vmem>>) target(%dma_start3A_101 : memref<80x128xf32, #tpu.memory_space<vmem_shared>>) target_semaphore(%run_scoped3A : memref<!tpu.dma_semaphore, #tpu.memory_space<semaphore_mem>>)
      %dma_wait3A = arith.constant 0 : i32
      %dma_wait3A_102 = tpu.memref_slice %arg17[%add3A_36, %dma_wait3A] : memref<10240x128xf32, #tpu.memory_space<vmem_shared>> -> memref<80x128xf32, #tpu.memory_space<vmem_shared>>
      %dma_wait3A_103 = arith.constant 0 : i32
      %dma_wait3A_104 = tpu.memref_slice %arg17[%add3A_36, %dma_wait3A_103] : memref<10240x128xf32, #tpu.memory_space<vmem_shared>> -> memref<80x128xf32, #tpu.memory_space<vmem_shared>>
      tpu.wait_dma2 semaphore(%run_scoped3A : memref<!tpu.dma_semaphore, #tpu.memory_space<semaphore_mem>>) src(%arg15 : memref<80x128xf32, #tpu.memory_space<vmem>>) dst(%dma_wait3A_104 : memref<80x128xf32, #tpu.memory_space<vmem_shared>>)
      tpu.yield
    }) : () -> ()
    %mul3A_37 = arith.constant 640 : i32
    %mul3A_38 = arith.muli %arg1, %mul3A_37 : i32
    %add3A_39 = arith.constant 240 : i32
    %add3A_40 = arith.addi %mul3A_38, %add3A_39 : i32
    "tpu.region"() ({
      %run_scoped3A = tpu.sem_alloc : memref<!tpu.dma_semaphore, #tpu.memory_space<semaphore_mem>>
      %dma_start3A = arith.constant 0 : i32
      %dma_start3A_99 = tpu.memref_slice %arg17[%add3A_40, %dma_start3A] : memref<10240x128xf32, #tpu.memory_space<vmem_shared>> -> memref<80x128xf32, #tpu.memory_space<vmem_shared>>
      %dma_start3A_100 = arith.constant 0 : i32
      %dma_start3A_101 = tpu.memref_slice %arg17[%add3A_40, %dma_start3A_100] : memref<10240x128xf32, #tpu.memory_space<vmem_shared>> -> memref<80x128xf32, #tpu.memory_space<vmem_shared>>
      tpu.enqueue_dma source(%arg15 : memref<80x128xf32, #tpu.memory_space<vmem>>) target(%dma_start3A_101 : memref<80x128xf32, #tpu.memory_space<vmem_shared>>) target_semaphore(%run_scoped3A : memref<!tpu.dma_semaphore, #tpu.memory_space<semaphore_mem>>)
      %dma_wait3A = arith.constant 0 : i32
      %dma_wait3A_102 = tpu.memref_slice %arg17[%add3A_40, %dma_wait3A] : memref<10240x128xf32, #tpu.memory_space<vmem_shared>> -> memref<80x128xf32, #tpu.memory_space<vmem_shared>>
      %dma_wait3A_103 = arith.constant 0 : i32
      %dma_wait3A_104 = tpu.memref_slice %arg17[%add3A_40, %dma_wait3A_103] : memref<10240x128xf32, #tpu.memory_space<vmem_shared>> -> memref<80x128xf32, #tpu.memory_space<vmem_shared>>
      tpu.wait_dma2 semaphore(%run_scoped3A : memref<!tpu.dma_semaphore, #tpu.memory_space<semaphore_mem>>) src(%arg15 : memref<80x128xf32, #tpu.memory_space<vmem>>) dst(%dma_wait3A_104 : memref<80x128xf32, #tpu.memory_space<vmem_shared>>)
      tpu.yield
    }) : () -> ()
    %mul3A_41 = arith.constant 640 : i32
    %mul3A_42 = arith.muli %arg1, %mul3A_41 : i32
    %add3A_43 = arith.constant 320 : i32
    %add3A_44 = arith.addi %mul3A_42, %add3A_43 : i32
    "tpu.region"() ({
      %run_scoped3A = tpu.sem_alloc : memref<!tpu.dma_semaphore, #tpu.memory_space<semaphore_mem>>
      %dma_start3A = arith.constant 0 : i32
      %dma_start3A_99 = tpu.memref_slice %arg17[%add3A_44, %dma_start3A] : memref<10240x128xf32, #tpu.memory_space<vmem_shared>> -> memref<80x128xf32, #tpu.memory_space<vmem_shared>>
      %dma_start3A_100 = arith.constant 0 : i32
      %dma_start3A_101 = tpu.memref_slice %arg17[%add3A_44, %dma_start3A_100] : memref<10240x128xf32, #tpu.memory_space<vmem_shared>> -> memref<80x128xf32, #tpu.memory_space<vmem_shared>>
      tpu.enqueue_dma source(%arg15 : memref<80x128xf32, #tpu.memory_space<vmem>>) target(%dma_start3A_101 : memref<80x128xf32, #tpu.memory_space<vmem_shared>>) target_semaphore(%run_scoped3A : memref<!tpu.dma_semaphore, #tpu.memory_space<semaphore_mem>>)
      %dma_wait3A = arith.constant 0 : i32
      %dma_wait3A_102 = tpu.memref_slice %arg17[%add3A_44, %dma_wait3A] : memref<10240x128xf32, #tpu.memory_space<vmem_shared>> -> memref<80x128xf32, #tpu.memory_space<vmem_shared>>
      %dma_wait3A_103 = arith.constant 0 : i32
      %dma_wait3A_104 = tpu.memref_slice %arg17[%add3A_44, %dma_wait3A_103] : memref<10240x128xf32, #tpu.memory_space<vmem_shared>> -> memref<80x128xf32, #tpu.memory_space<vmem_shared>>
      tpu.wait_dma2 semaphore(%run_scoped3A : memref<!tpu.dma_semaphore, #tpu.memory_space<semaphore_mem>>) src(%arg15 : memref<80x128xf32, #tpu.memory_space<vmem>>) dst(%dma_wait3A_104 : memref<80x128xf32, #tpu.memory_space<vmem_shared>>)
      tpu.yield
    }) : () -> ()
    %mul3A_45 = arith.constant 640 : i32
    %mul3A_46 = arith.muli %arg1, %mul3A_45 : i32
    %add3A_47 = arith.constant 400 : i32
    %add3A_48 = arith.addi %mul3A_46, %add3A_47 : i32
    "tpu.region"() ({
      %run_scoped3A = tpu.sem_alloc : memref<!tpu.dma_semaphore, #tpu.memory_space<semaphore_mem>>
      %dma_start3A = arith.constant 0 : i32
      %dma_start3A_99 = tpu.memref_slice %arg17[%add3A_48, %dma_start3A] : memref<10240x128xf32, #tpu.memory_space<vmem_shared>> -> memref<80x128xf32, #tpu.memory_space<vmem_shared>>
      %dma_start3A_100 = arith.constant 0 : i32
      %dma_start3A_101 = tpu.memref_slice %arg17[%add3A_48, %dma_start3A_100] : memref<10240x128xf32, #tpu.memory_space<vmem_shared>> -> memref<80x128xf32, #tpu.memory_space<vmem_shared>>
      tpu.enqueue_dma source(%arg15 : memref<80x128xf32, #tpu.memory_space<vmem>>) target(%dma_start3A_101 : memref<80x128xf32, #tpu.memory_space<vmem_shared>>) target_semaphore(%run_scoped3A : memref<!tpu.dma_semaphore, #tpu.memory_space<semaphore_mem>>)
      %dma_wait3A = arith.constant 0 : i32
      %dma_wait3A_102 = tpu.memref_slice %arg17[%add3A_48, %dma_wait3A] : memref<10240x128xf32, #tpu.memory_space<vmem_shared>> -> memref<80x128xf32, #tpu.memory_space<vmem_shared>>
      %dma_wait3A_103 = arith.constant 0 : i32
      %dma_wait3A_104 = tpu.memref_slice %arg17[%add3A_48, %dma_wait3A_103] : memref<10240x128xf32, #tpu.memory_space<vmem_shared>> -> memref<80x128xf32, #tpu.memory_space<vmem_shared>>
      tpu.wait_dma2 semaphore(%run_scoped3A : memref<!tpu.dma_semaphore, #tpu.memory_space<semaphore_mem>>) src(%arg15 : memref<80x128xf32, #tpu.memory_space<vmem>>) dst(%dma_wait3A_104 : memref<80x128xf32, #tpu.memory_space<vmem_shared>>)
      tpu.yield
    }) : () -> ()
    %mul3A_49 = arith.constant 640 : i32
    %mul3A_50 = arith.muli %arg1, %mul3A_49 : i32
    %add3A_51 = arith.constant 480 : i32
    %add3A_52 = arith.addi %mul3A_50, %add3A_51 : i32
    "tpu.region"() ({
      %run_scoped3A = tpu.sem_alloc : memref<!tpu.dma_semaphore, #tpu.memory_space<semaphore_mem>>
      %dma_start3A = arith.constant 0 : i32
      %dma_start3A_99 = tpu.memref_slice %arg17[%add3A_52, %dma_start3A] : memref<10240x128xf32, #tpu.memory_space<vmem_shared>> -> memref<80x128xf32, #tpu.memory_space<vmem_shared>>
      %dma_start3A_100 = arith.constant 0 : i32
      %dma_start3A_101 = tpu.memref_slice %arg17[%add3A_52, %dma_start3A_100] : memref<10240x128xf32, #tpu.memory_space<vmem_shared>> -> memref<80x128xf32, #tpu.memory_space<vmem_shared>>
      tpu.enqueue_dma source(%arg15 : memref<80x128xf32, #tpu.memory_space<vmem>>) target(%dma_start3A_101 : memref<80x128xf32, #tpu.memory_space<vmem_shared>>) target_semaphore(%run_scoped3A : memref<!tpu.dma_semaphore, #tpu.memory_space<semaphore_mem>>)
      %dma_wait3A = arith.constant 0 : i32
      %dma_wait3A_102 = tpu.memref_slice %arg17[%add3A_52, %dma_wait3A] : memref<10240x128xf32, #tpu.memory_space<vmem_shared>> -> memref<80x128xf32, #tpu.memory_space<vmem_shared>>
      %dma_wait3A_103 = arith.constant 0 : i32
      %dma_wait3A_104 = tpu.memref_slice %arg17[%add3A_52, %dma_wait3A_103] : memref<10240x128xf32, #tpu.memory_space<vmem_shared>> -> memref<80x128xf32, #tpu.memory_space<vmem_shared>>
      tpu.wait_dma2 semaphore(%run_scoped3A : memref<!tpu.dma_semaphore, #tpu.memory_space<semaphore_mem>>) src(%arg15 : memref<80x128xf32, #tpu.memory_space<vmem>>) dst(%dma_wait3A_104 : memref<80x128xf32, #tpu.memory_space<vmem_shared>>)
      tpu.yield
    }) : () -> ()
    %mul3A_53 = arith.constant 640 : i32
    %mul3A_54 = arith.muli %arg1, %mul3A_53 : i32
    %add3A_55 = arith.constant 560 : i32
    %add3A_56 = arith.addi %mul3A_54, %add3A_55 : i32
    "tpu.region"() ({
      %run_scoped3A = tpu.sem_alloc : memref<!tpu.dma_semaphore, #tpu.memory_space<semaphore_mem>>
      %dma_start3A = arith.constant 0 : i32
      %dma_start3A_99 = tpu.memref_slice %arg17[%add3A_56, %dma_start3A] : memref<10240x128xf32, #tpu.memory_space<vmem_shared>> -> memref<80x128xf32, #tpu.memory_space<vmem_shared>>
      %dma_start3A_100 = arith.constant 0 : i32
      %dma_start3A_101 = tpu.memref_slice %arg17[%add3A_56, %dma_start3A_100] : memref<10240x128xf32, #tpu.memory_space<vmem_shared>> -> memref<80x128xf32, #tpu.memory_space<vmem_shared>>
      tpu.enqueue_dma source(%arg15 : memref<80x128xf32, #tpu.memory_space<vmem>>) target(%dma_start3A_101 : memref<80x128xf32, #tpu.memory_space<vmem_shared>>) target_semaphore(%run_scoped3A : memref<!tpu.dma_semaphore, #tpu.memory_space<semaphore_mem>>)
      %dma_wait3A = arith.constant 0 : i32
      %dma_wait3A_102 = tpu.memref_slice %arg17[%add3A_56, %dma_wait3A] : memref<10240x128xf32, #tpu.memory_space<vmem_shared>> -> memref<80x128xf32, #tpu.memory_space<vmem_shared>>
      %dma_wait3A_103 = arith.constant 0 : i32
      %dma_wait3A_104 = tpu.memref_slice %arg17[%add3A_56, %dma_wait3A_103] : memref<10240x128xf32, #tpu.memory_space<vmem_shared>> -> memref<80x128xf32, #tpu.memory_space<vmem_shared>>
      tpu.wait_dma2 semaphore(%run_scoped3A : memref<!tpu.dma_semaphore, #tpu.memory_space<semaphore_mem>>) src(%arg15 : memref<80x128xf32, #tpu.memory_space<vmem>>) dst(%dma_wait3A_104 : memref<80x128xf32, #tpu.memory_space<vmem_shared>>)
      tpu.yield
    }) : () -> ()
    %barrier3A = arith.constant 0 : index
    tpu.barrier barrier_id(%barrier3A)
    %scan3A_57 = arith.constant 0 : i32
    %scan3A_58 = arith.constant 0 : i32
    %scan3A_59 = arith.constant 125 : i32
    %scan3A_60 = arith.addi %scan3A_58, %scan3A_59 : i32
    %scan3A_61 = arith.constant 1 : i32
    scf.for %scan3A_99 = %scan3A_58 to %scan3A_60 step %scan3A_61  : i32 {
      %mul3A_100 = arith.constant 125 : i32
      %mul3A_101 = arith.muli %add3A, %mul3A_100 : i32
      %add3A_102 = arith.addi %mul3A_101, %scan3A_99 : i32
      %mul3A_103 = arith.constant 80 : i32
      %mul3A_104 = arith.muli %add3A_102, %mul3A_103 : i32
      "tpu.region"() ({
        %run_scoped3A = tpu.sem_alloc : memref<!tpu.dma_semaphore, #tpu.memory_space<semaphore_mem>>
        %dma_start3A_135 = tpu.memref_slice %arg7[%mul3A_104] : memref<320000xi32, #tpu.memory_space<hbm>> -> memref<80xi32, #tpu.memory_space<hbm>>
        %dma_start3A_136 = tpu.memref_slice %arg7[%mul3A_104] : memref<320000xi32, #tpu.memory_space<hbm>> -> memref<80xi32, #tpu.memory_space<hbm>>
        tpu.enqueue_dma source(%dma_start3A_136 : memref<80xi32, #tpu.memory_space<hbm>>) target(%arg10 : memref<80xi32, #tpu.memory_space<vmem>>) target_semaphore(%run_scoped3A : memref<!tpu.dma_semaphore, #tpu.memory_space<semaphore_mem>>)
        %dma_wait3A_137 = tpu.memref_slice %arg7[%mul3A_104] : memref<320000xi32, #tpu.memory_space<hbm>> -> memref<80xi32, #tpu.memory_space<hbm>>
        %dma_wait3A_138 = tpu.memref_slice %arg7[%mul3A_104] : memref<320000xi32, #tpu.memory_space<hbm>> -> memref<80xi32, #tpu.memory_space<hbm>>
        tpu.wait_dma2 semaphore(%run_scoped3A : memref<!tpu.dma_semaphore, #tpu.memory_space<semaphore_mem>>) src(%dma_wait3A_138 : memref<80xi32, #tpu.memory_space<hbm>>) dst(%arg10 : memref<80xi32, #tpu.memory_space<vmem>>)
        tpu.yield
      }) : () -> ()
      "tpu.region"() ({
        %run_scoped3A = tpu.sem_alloc : memref<!tpu.dma_semaphore, #tpu.memory_space<semaphore_mem>>
        %dma_start3A_135 = tpu.memref_slice %arg8[%mul3A_104] : memref<320000xi32, #tpu.memory_space<hbm>> -> memref<80xi32, #tpu.memory_space<hbm>>
        %dma_start3A_136 = tpu.memref_slice %arg8[%mul3A_104] : memref<320000xi32, #tpu.memory_space<hbm>> -> memref<80xi32, #tpu.memory_space<hbm>>
        tpu.enqueue_dma source(%dma_start3A_136 : memref<80xi32, #tpu.memory_space<hbm>>) target(%arg11 : memref<80xi32, #tpu.memory_space<vmem>>) target_semaphore(%run_scoped3A : memref<!tpu.dma_semaphore, #tpu.memory_space<semaphore_mem>>)
        %dma_wait3A_137 = tpu.memref_slice %arg8[%mul3A_104] : memref<320000xi32, #tpu.memory_space<hbm>> -> memref<80xi32, #tpu.memory_space<hbm>>
        %dma_wait3A_138 = tpu.memref_slice %arg8[%mul3A_104] : memref<320000xi32, #tpu.memory_space<hbm>> -> memref<80xi32, #tpu.memory_space<hbm>>
        tpu.wait_dma2 semaphore(%run_scoped3A : memref<!tpu.dma_semaphore, #tpu.memory_space<semaphore_mem>>) src(%dma_wait3A_138 : memref<80xi32, #tpu.memory_space<hbm>>) dst(%arg11 : memref<80xi32, #tpu.memory_space<vmem>>)
        tpu.yield
      }) : () -> ()
      %dma_start3A = arith.constant 0 : i32
      %dma_start3A_105 = arith.constant 0 : i32
      %dma_start3A_106 = tpu.memref_slice %arg2[%dma_start3A, %dma_start3A_105] : memref<10000x128xf32, #tpu.memory_space<hbm>> -> memref<10000x128xf32, #tpu.memory_space<hbm>>
      tpu.enqueue_indirect_dma source(%dma_start3A_106 : memref<10000x128xf32, #tpu.memory_space<hbm>>) target(%arg13 : memref<80x128xf32, #tpu.memory_space<vmem>>) offsets(%arg11 : memref<80xi32, #tpu.memory_space<vmem>>) semaphore(%arg18 : memref<!tpu.dma_semaphore, #tpu.memory_space<semaphore_mem>>)
      %dma_start3A_107 = arith.constant 0 : i32
      %dma_start3A_108 = arith.constant 0 : i32
      %dma_start3A_109 = tpu.memref_slice %arg3[%dma_start3A_107, %dma_start3A_108] : memref<10000x128xf32, #tpu.memory_space<hbm>> -> memref<10000x128xf32, #tpu.memory_space<hbm>>
      tpu.enqueue_indirect_dma source(%dma_start3A_109 : memref<10000x128xf32, #tpu.memory_space<hbm>>) target(%arg14 : memref<80x128xf32, #tpu.memory_space<vmem>>) offsets(%arg10 : memref<80xi32, #tpu.memory_space<vmem>>) semaphore(%arg19 : memref<!tpu.dma_semaphore, #tpu.memory_space<semaphore_mem>>)
      %dma_start3A_110 = arith.constant 0 : i32
      %dma_start3A_111 = arith.constant 0 : i32
      %dma_start3A_112 = tpu.memref_slice %arg4[%dma_start3A_110, %dma_start3A_111] : memref<10000x128xf32, #tpu.memory_space<hbm>> -> memref<10000x128xf32, #tpu.memory_space<hbm>>
      tpu.enqueue_indirect_dma source(%dma_start3A_112 : memref<10000x128xf32, #tpu.memory_space<hbm>>) target(%arg15 : memref<80x128xf32, #tpu.memory_space<vmem>>) offsets(%arg10 : memref<80xi32, #tpu.memory_space<vmem>>) semaphore(%arg20 : memref<!tpu.dma_semaphore, #tpu.memory_space<semaphore_mem>>)
      %dma_start3A_113 = arith.constant 0 : i32
      %dma_start3A_114 = tpu.memref_slice %arg5[%mul3A_104, %dma_start3A_113] : memref<320000x128xf32, #tpu.memory_space<hbm>> -> memref<80x128xf32, #tpu.memory_space<hbm>>
      %dma_start3A_115 = arith.constant 0 : i32
      %dma_start3A_116 = tpu.memref_slice %arg5[%mul3A_104, %dma_start3A_115] : memref<320000x128xf32, #tpu.memory_space<hbm>> -> memref<80x128xf32, #tpu.memory_space<hbm>>
      tpu.enqueue_dma source(%dma_start3A_116 : memref<80x128xf32, #tpu.memory_space<hbm>>) target(%arg16 : memref<80x128xf32, #tpu.memory_space<vmem>>) target_semaphore(%arg21 : memref<!tpu.dma_semaphore, #tpu.memory_space<semaphore_mem>>)
      "tpu.region"() ({
        %run_scoped3A = tpu.sem_alloc : memref<!tpu.dma_semaphore, #tpu.memory_space<semaphore_mem>>
        %dma_start3A_135 = arith.constant 0 : i32
        %dma_start3A_136 = tpu.memref_slice %arg6[%add3A_102, %dma_start3A_135] : memref<4000x128xf32, #tpu.memory_space<hbm>> -> memref<1x128xf32, #tpu.memory_space<hbm>>
        %dma_start3A_137 = arith.constant 0 : i32
        %dma_start3A_138 = tpu.memref_slice %arg6[%add3A_102, %dma_start3A_137] : memref<4000x128xf32, #tpu.memory_space<hbm>> -> memref<1x128xf32, #tpu.memory_space<hbm>>
        tpu.enqueue_dma source(%dma_start3A_138 : memref<1x128xf32, #tpu.memory_space<hbm>>) target(%arg12 : memref<1x128xf32, #tpu.memory_space<vmem>>) target_semaphore(%run_scoped3A : memref<!tpu.dma_semaphore, #tpu.memory_space<semaphore_mem>>)
        %dma_wait3A_139 = arith.constant 0 : i32
        %dma_wait3A_140 = tpu.memref_slice %arg6[%add3A_102, %dma_wait3A_139] : memref<4000x128xf32, #tpu.memory_space<hbm>> -> memref<1x128xf32, #tpu.memory_space<hbm>>
        %dma_wait3A_141 = arith.constant 0 : i32
        %dma_wait3A_142 = tpu.memref_slice %arg6[%add3A_102, %dma_wait3A_141] : memref<4000x128xf32, #tpu.memory_space<hbm>> -> memref<1x128xf32, #tpu.memory_space<hbm>>
        tpu.wait_dma2 semaphore(%run_scoped3A : memref<!tpu.dma_semaphore, #tpu.memory_space<semaphore_mem>>) src(%dma_wait3A_142 : memref<1x128xf32, #tpu.memory_space<hbm>>) dst(%arg12 : memref<1x128xf32, #tpu.memory_space<vmem>>)
        tpu.yield
      }) : () -> ()
      %dma_wait3A = arith.constant 0 : i32
      %dma_wait3A_117 = arith.constant 0 : i32
      %dma_wait3A_118 = tpu.memref_slice %arg2[%dma_wait3A, %dma_wait3A_117] : memref<10000x128xf32, #tpu.memory_space<hbm>> -> memref<10000x128xf32, #tpu.memory_space<hbm>>
      tpu.wait_indirect_dma semaphore(%arg18 : memref<!tpu.dma_semaphore, #tpu.memory_space<semaphore_mem>>) src(%dma_wait3A_118 : memref<10000x128xf32, #tpu.memory_space<hbm>>) dst(%arg13 : memref<80x128xf32, #tpu.memory_space<vmem>>)
      %dma_wait3A_119 = arith.constant 0 : i32
      %dma_wait3A_120 = arith.constant 0 : i32
      %dma_wait3A_121 = tpu.memref_slice %arg3[%dma_wait3A_119, %dma_wait3A_120] : memref<10000x128xf32, #tpu.memory_space<hbm>> -> memref<10000x128xf32, #tpu.memory_space<hbm>>
      tpu.wait_indirect_dma semaphore(%arg19 : memref<!tpu.dma_semaphore, #tpu.memory_space<semaphore_mem>>) src(%dma_wait3A_121 : memref<10000x128xf32, #tpu.memory_space<hbm>>) dst(%arg14 : memref<80x128xf32, #tpu.memory_space<vmem>>)
      %dma_wait3A_122 = arith.constant 0 : i32
      %dma_wait3A_123 = arith.constant 0 : i32
      %dma_wait3A_124 = tpu.memref_slice %arg4[%dma_wait3A_122, %dma_wait3A_123] : memref<10000x128xf32, #tpu.memory_space<hbm>> -> memref<10000x128xf32, #tpu.memory_space<hbm>>
      tpu.wait_indirect_dma semaphore(%arg20 : memref<!tpu.dma_semaphore, #tpu.memory_space<semaphore_mem>>) src(%dma_wait3A_124 : memref<10000x128xf32, #tpu.memory_space<hbm>>) dst(%arg15 : memref<80x128xf32, #tpu.memory_space<vmem>>)
      %dma_wait3A_125 = arith.constant 0 : i32
      %dma_wait3A_126 = tpu.memref_slice %arg5[%mul3A_104, %dma_wait3A_125] : memref<320000x128xf32, #tpu.memory_space<hbm>> -> memref<80x128xf32, #tpu.memory_space<hbm>>
      %dma_wait3A_127 = arith.constant 0 : i32
      %dma_wait3A_128 = tpu.memref_slice %arg5[%mul3A_104, %dma_wait3A_127] : memref<320000x128xf32, #tpu.memory_space<hbm>> -> memref<80x128xf32, #tpu.memory_space<hbm>>
      tpu.wait_dma2 semaphore(%arg21 : memref<!tpu.dma_semaphore, #tpu.memory_space<semaphore_mem>>) src(%dma_wait3A_128 : memref<80x128xf32, #tpu.memory_space<hbm>>) dst(%arg16 : memref<80x128xf32, #tpu.memory_space<vmem>>)
      %scan3A_129 = arith.constant 0 : i32
      %scan3A_130 = arith.constant 0 : i32
      %scan3A_131 = arith.constant 80 : i32
      %scan3A_132 = arith.addi %scan3A_130, %scan3A_131 : i32
      %scan3A_133 = arith.constant 1 : i32
      scf.for %scan3A_135 = %scan3A_130 to %scan3A_132 step %scan3A_133  : i32 {
        %get3A = arith.constant 0 : i32
        %get3A_136 = arith.index_cast %get3A : i32 to index
        %get3A_137 = arith.index_cast %scan3A_135 : i32 to index
        %get3A_138 = tpu.vector_load %arg12[%get3A_136, %get3A_137] {strides = array<i32>} : memref<1x128xf32, #tpu.memory_space<vmem>>, vector<1x16xf32>,
        %get3A_139 = vector.shape_cast %get3A_138 : vector<1x16xf32> to vector<16xf32>
        %gather3A = vector.shape_cast %broadcast_in_dim3A_17 : vector<16x1xi32> to vector<16xi32>
        %gather3A_140 = tpu.dynamic_gather %get3A_139[%gather3A] in [0] : vector<16xf32>, vector<16xi32> -> vector<16xf32>
        %get3A_141 = arith.index_cast %scan3A_135 : i32 to index
        %get3A_142 = arith.constant 0 : index
        %get3A_143 = tpu.vector_load %arg13[%get3A_141, %get3A_142] {strides = array<i32>} : memref<80x128xf32, #tpu.memory_space<vmem>>, vector<1x16xf32>,
        %get3A_144 = vector.shape_cast %get3A_143 : vector<1x16xf32> to vector<16xf32>
        %get3A_145 = arith.index_cast %scan3A_135 : i32 to index
        %get3A_146 = arith.constant 0 : index
        %get3A_147 = tpu.vector_load %arg14[%get3A_145, %get3A_146] {strides = array<i32>} : memref<80x128xf32, #tpu.memory_space<vmem>>, vector<1x16xf32>,
        %get3A_148 = vector.shape_cast %get3A_147 : vector<1x16xf32> to vector<16xf32>
        %get3A_149 = arith.index_cast %scan3A_135 : i32 to index
        %get3A_150 = arith.constant 0 : index
        %get3A_151 = tpu.vector_load %arg16[%get3A_149, %get3A_150] {strides = array<i32>} : memref<80x128xf32, #tpu.memory_space<vmem>>, vector<1x16xf32>,
        %get3A_152 = vector.shape_cast %get3A_151 : vector<1x16xf32> to vector<16xf32>
        %add3A_153 = arith.addf %get3A_148, %get3A_152 : vector<16xf32>
        %mul3A_154 = arith.mulf %get3A_144, %add3A_153 : vector<16xf32>
        %gather3A_155 = vector.shape_cast %broadcast_in_dim3A : vector<16x1xi32> to vector<16xi32>
        %gather3A_156 = tpu.dynamic_gather %mul3A_154[%gather3A_155] in [0] : vector<16xf32>, vector<16xi32> -> vector<16xf32>
        %add3A_157 = arith.addf %mul3A_154, %gather3A_156 : vector<16xf32>
        %gather3A_158 = vector.shape_cast %broadcast_in_dim3A_6 : vector<16x1xi32> to vector<16xi32>
        %gather3A_159 = tpu.dynamic_gather %add3A_157[%gather3A_158] in [0] : vector<16xf32>, vector<16xi32> -> vector<16xf32>
        %add3A_160 = arith.addf %add3A_157, %gather3A_159 : vector<16xf32>
        %gather3A_161 = vector.shape_cast %broadcast_in_dim3A_10 : vector<16x1xi32> to vector<16xi32>
        %gather3A_162 = tpu.dynamic_gather %add3A_160[%gather3A_161] in [0] : vector<16xf32>, vector<16xi32> -> vector<16xf32>
        %add3A_163 = arith.addf %add3A_160, %gather3A_162 : vector<16xf32>
        %gather3A_164 = vector.shape_cast %broadcast_in_dim3A_14 : vector<16x1xi32> to vector<16xi32>
        %gather3A_165 = tpu.dynamic_gather %add3A_163[%gather3A_164] in [0] : vector<16xf32>, vector<16xi32> -> vector<16xf32>
        %add3A_166 = arith.addf %add3A_163, %gather3A_165 : vector<16xf32>
        %get3A_167 = arith.index_cast %scan3A_135 : i32 to index
        %get3A_168 = arith.constant 0 : index
        %get3A_169 = tpu.vector_load %arg15[%get3A_167, %get3A_168] {strides = array<i32>} : memref<80x128xf32, #tpu.memory_space<vmem>>, vector<1x16xf32>,
        %get3A_170 = vector.shape_cast %get3A_169 : vector<1x16xf32> to vector<16xf32>
        %add3A_171 = arith.addf %get3A_170, %get3A_152 : vector<16xf32>
        %mul3A_172 = arith.mulf %add3A_166, %gather3A_140 : vector<16xf32>
        %mul3A_173 = arith.mulf %add3A_171, %mul3A_172 : vector<16xf32>
        %swap3A = arith.index_cast %scan3A_135 : i32 to index
        %swap3A_174 = arith.constant 0 : index
        %swap3A_175 = tpu.vector_load %arg15[%swap3A, %swap3A_174] {strides = array<i32>} : memref<80x128xf32, #tpu.memory_space<vmem>>, vector<1x16xf32>,
        %swap3A_176 = vector.shape_cast %swap3A_175 : vector<1x16xf32> to vector<16xf32>
        %swap3A_177 = vector.shape_cast %mul3A_173 : vector<16xf32> to vector<1x16xf32>
        tpu.vector_store %arg15[%swap3A, %swap3A_174], %swap3A_177 {strides = array<i32>} : memref<80x128xf32, #tpu.memory_space<vmem>>, vector<1x16xf32>,
        %get3A_178 = arith.index_cast %scan3A_135 : i32 to index
        %get3A_179 = arith.constant 16 : index
        %get3A_180 = tpu.vector_load %arg13[%get3A_178, %get3A_179] {strides = array<i32>} : memref<80x128xf32, #tpu.memory_space<vmem>>, vector<1x16xf32>,
        %get3A_181 = vector.shape_cast %get3A_180 : vector<1x16xf32> to vector<16xf32>
        %get3A_182 = arith.index_cast %scan3A_135 : i32 to index
        %get3A_183 = arith.constant 16 : index
        %get3A_184 = tpu.vector_load %arg14[%get3A_182, %get3A_183] {strides = array<i32>} : memref<80x128xf32, #tpu.memory_space<vmem>>, vector<1x16xf32>,
        %get3A_185 = vector.shape_cast %get3A_184 : vector<1x16xf32> to vector<16xf32>
        %get3A_186 = arith.index_cast %scan3A_135 : i32 to index
        %get3A_187 = arith.constant 16 : index
        %get3A_188 = tpu.vector_load %arg16[%get3A_186, %get3A_187] {strides = array<i32>} : memref<80x128xf32, #tpu.memory_space<vmem>>, vector<1x16xf32>,
        %get3A_189 = vector.shape_cast %get3A_188 : vector<1x16xf32> to vector<16xf32>
        %add3A_190 = arith.addf %get3A_185, %get3A_189 : vector<16xf32>
        %mul3A_191 = arith.mulf %get3A_181, %add3A_190 : vector<16xf32>
        %gather3A_192 = vector.shape_cast %broadcast_in_dim3A : vector<16x1xi32> to vector<16xi32>
        %gather3A_193 = tpu.dynamic_gather %mul3A_191[%gather3A_192] in [0] : vector<16xf32>, vector<16xi32> -> vector<16xf32>
        %add3A_194 = arith.addf %mul3A_191, %gather3A_193 : vector<16xf32>
        %gather3A_195 = vector.shape_cast %broadcast_in_dim3A_6 : vector<16x1xi32> to vector<16xi32>
        %gather3A_196 = tpu.dynamic_gather %add3A_194[%gather3A_195] in [0] : vector<16xf32>, vector<16xi32> -> vector<16xf32>
        %add3A_197 = arith.addf %add3A_194, %gather3A_196 : vector<16xf32>
        %gather3A_198 = vector.shape_cast %broadcast_in_dim3A_10 : vector<16x1xi32> to vector<16xi32>
        %gather3A_199 = tpu.dynamic_gather %add3A_197[%gather3A_198] in [0] : vector<16xf32>, vector<16xi32> -> vector<16xf32>
        %add3A_200 = arith.addf %add3A_197, %gather3A_199 : vector<16xf32>
        %gather3A_201 = vector.shape_cast %broadcast_in_dim3A_14 : vector<16x1xi32> to vector<16xi32>
        %gather3A_202 = tpu.dynamic_gather %add3A_200[%gather3A_201] in [0] : vector<16xf32>, vector<16xi32> -> vector<16xf32>
        %add3A_203 = arith.addf %add3A_200, %gather3A_202 : vector<16xf32>
        %get3A_204 = arith.index_cast %scan3A_135 : i32 to index
        %get3A_205 = arith.constant 16 : index
        %get3A_206 = tpu.vector_load %arg15[%get3A_204, %get3A_205] {strides = array<i32>} : memref<80x128xf32, #tpu.memory_space<vmem>>, vector<1x16xf32>,
        %get3A_207 = vector.shape_cast %get3A_206 : vector<1x16xf32> to vector<16xf32>
        %add3A_208 = arith.addf %get3A_207, %get3A_189 : vector<16xf32>
        %mul3A_209 = arith.mulf %add3A_203, %gather3A_140 : vector<16xf32>
        %mul3A_210 = arith.mulf %add3A_208, %mul3A_209 : vector<16xf32>
        %swap3A_211 = arith.index_cast %scan3A_135 : i32 to index
        %swap3A_212 = arith.constant 16 : index
        %swap3A_213 = tpu.vector_load %arg15[%swap3A_211, %swap3A_212] {strides = array<i32>} : memref<80x128xf32, #tpu.memory_space<vmem>>, vector<1x16xf32>,
        %swap3A_214 = vector.shape_cast %swap3A_213 : vector<1x16xf32> to vector<16xf32>
        %swap3A_215 = vector.shape_cast %mul3A_210 : vector<16xf32> to vector<1x16xf32>
        tpu.vector_store %arg15[%swap3A_211, %swap3A_212], %swap3A_215 {strides = array<i32>} : memref<80x128xf32, #tpu.memory_space<vmem>>, vector<1x16xf32>,
        %get3A_216 = arith.index_cast %scan3A_135 : i32 to index
        %get3A_217 = arith.constant 32 : index
        %get3A_218 = tpu.vector_load %arg13[%get3A_216, %get3A_217] {strides = array<i32>} : memref<80x128xf32, #tpu.memory_space<vmem>>, vector<1x16xf32>,
        %get3A_219 = vector.shape_cast %get3A_218 : vector<1x16xf32> to vector<16xf32>
        %get3A_220 = arith.index_cast %scan3A_135 : i32 to index
        %get3A_221 = arith.constant 32 : index
        %get3A_222 = tpu.vector_load %arg14[%get3A_220, %get3A_221] {strides = array<i32>} : memref<80x128xf32, #tpu.memory_space<vmem>>, vector<1x16xf32>,
        %get3A_223 = vector.shape_cast %get3A_222 : vector<1x16xf32> to vector<16xf32>
        %get3A_224 = arith.index_cast %scan3A_135 : i32 to index
        %get3A_225 = arith.constant 32 : index
        %get3A_226 = tpu.vector_load %arg16[%get3A_224, %get3A_225] {strides = array<i32>} : memref<80x128xf32, #tpu.memory_space<vmem>>, vector<1x16xf32>,
        %get3A_227 = vector.shape_cast %get3A_226 : vector<1x16xf32> to vector<16xf32>
        %add3A_228 = arith.addf %get3A_223, %get3A_227 : vector<16xf32>
        %mul3A_229 = arith.mulf %get3A_219, %add3A_228 : vector<16xf32>
        %gather3A_230 = vector.shape_cast %broadcast_in_dim3A : vector<16x1xi32> to vector<16xi32>
        %gather3A_231 = tpu.dynamic_gather %mul3A_229[%gather3A_230] in [0] : vector<16xf32>, vector<16xi32> -> vector<16xf32>
        %add3A_232 = arith.addf %mul3A_229, %gather3A_231 : vector<16xf32>
        %gather3A_233 = vector.shape_cast %broadcast_in_dim3A_6 : vector<16x1xi32> to vector<16xi32>
        %gather3A_234 = tpu.dynamic_gather %add3A_232[%gather3A_233] in [0] : vector<16xf32>, vector<16xi32> -> vector<16xf32>
        %add3A_235 = arith.addf %add3A_232, %gather3A_234 : vector<16xf32>
        %gather3A_236 = vector.shape_cast %broadcast_in_dim3A_10 : vector<16x1xi32> to vector<16xi32>
        %gather3A_237 = tpu.dynamic_gather %add3A_235[%gather3A_236] in [0] : vector<16xf32>, vector<16xi32> -> vector<16xf32>
        %add3A_238 = arith.addf %add3A_235, %gather3A_237 : vector<16xf32>
        %gather3A_239 = vector.shape_cast %broadcast_in_dim3A_14 : vector<16x1xi32> to vector<16xi32>
        %gather3A_240 = tpu.dynamic_gather %add3A_238[%gather3A_239] in [0] : vector<16xf32>, vector<16xi32> -> vector<16xf32>
        %add3A_241 = arith.addf %add3A_238, %gather3A_240 : vector<16xf32>
        %get3A_242 = arith.index_cast %scan3A_135 : i32 to index
        %get3A_243 = arith.constant 32 : index
        %get3A_244 = tpu.vector_load %arg15[%get3A_242, %get3A_243] {strides = array<i32>} : memref<80x128xf32, #tpu.memory_space<vmem>>, vector<1x16xf32>,
        %get3A_245 = vector.shape_cast %get3A_244 : vector<1x16xf32> to vector<16xf32>
        %add3A_246 = arith.addf %get3A_245, %get3A_227 : vector<16xf32>
        %mul3A_247 = arith.mulf %add3A_241, %gather3A_140 : vector<16xf32>
        %mul3A_248 = arith.mulf %add3A_246, %mul3A_247 : vector<16xf32>
        %swap3A_249 = arith.index_cast %scan3A_135 : i32 to index
        %swap3A_250 = arith.constant 32 : index
        %swap3A_251 = tpu.vector_load %arg15[%swap3A_249, %swap3A_250] {strides = array<i32>} : memref<80x128xf32, #tpu.memory_space<vmem>>, vector<1x16xf32>,
        %swap3A_252 = vector.shape_cast %swap3A_251 : vector<1x16xf32> to vector<16xf32>
        %swap3A_253 = vector.shape_cast %mul3A_248 : vector<16xf32> to vector<1x16xf32>
        tpu.vector_store %arg15[%swap3A_249, %swap3A_250], %swap3A_253 {strides = array<i32>} : memref<80x128xf32, #tpu.memory_space<vmem>>, vector<1x16xf32>,
        %get3A_254 = arith.index_cast %scan3A_135 : i32 to index
        %get3A_255 = arith.constant 48 : index
        %get3A_256 = tpu.vector_load %arg13[%get3A_254, %get3A_255] {strides = array<i32>} : memref<80x128xf32, #tpu.memory_space<vmem>>, vector<1x16xf32>,
        %get3A_257 = vector.shape_cast %get3A_256 : vector<1x16xf32> to vector<16xf32>
        %get3A_258 = arith.index_cast %scan3A_135 : i32 to index
        %get3A_259 = arith.constant 48 : index
        %get3A_260 = tpu.vector_load %arg14[%get3A_258, %get3A_259] {strides = array<i32>} : memref<80x128xf32, #tpu.memory_space<vmem>>, vector<1x16xf32>,
        %get3A_261 = vector.shape_cast %get3A_260 : vector<1x16xf32> to vector<16xf32>
        %get3A_262 = arith.index_cast %scan3A_135 : i32 to index
        %get3A_263 = arith.constant 48 : index
        %get3A_264 = tpu.vector_load %arg16[%get3A_262, %get3A_263] {strides = array<i32>} : memref<80x128xf32, #tpu.memory_space<vmem>>, vector<1x16xf32>,
        %get3A_265 = vector.shape_cast %get3A_264 : vector<1x16xf32> to vector<16xf32>
        %add3A_266 = arith.addf %get3A_261, %get3A_265 : vector<16xf32>
        %mul3A_267 = arith.mulf %get3A_257, %add3A_266 : vector<16xf32>
        %gather3A_268 = vector.shape_cast %broadcast_in_dim3A : vector<16x1xi32> to vector<16xi32>
        %gather3A_269 = tpu.dynamic_gather %mul3A_267[%gather3A_268] in [0] : vector<16xf32>, vector<16xi32> -> vector<16xf32>
        %add3A_270 = arith.addf %mul3A_267, %gather3A_269 : vector<16xf32>
        %gather3A_271 = vector.shape_cast %broadcast_in_dim3A_6 : vector<16x1xi32> to vector<16xi32>
        %gather3A_272 = tpu.dynamic_gather %add3A_270[%gather3A_271] in [0] : vector<16xf32>, vector<16xi32> -> vector<16xf32>
        %add3A_273 = arith.addf %add3A_270, %gather3A_272 : vector<16xf32>
        %gather3A_274 = vector.shape_cast %broadcast_in_dim3A_10 : vector<16x1xi32> to vector<16xi32>
        %gather3A_275 = tpu.dynamic_gather %add3A_273[%gather3A_274] in [0] : vector<16xf32>, vector<16xi32> -> vector<16xf32>
        %add3A_276 = arith.addf %add3A_273, %gather3A_275 : vector<16xf32>
        %gather3A_277 = vector.shape_cast %broadcast_in_dim3A_14 : vector<16x1xi32> to vector<16xi32>
        %gather3A_278 = tpu.dynamic_gather %add3A_276[%gather3A_277] in [0] : vector<16xf32>, vector<16xi32> -> vector<16xf32>
        %add3A_279 = arith.addf %add3A_276, %gather3A_278 : vector<16xf32>
        %get3A_280 = arith.index_cast %scan3A_135 : i32 to index
        %get3A_281 = arith.constant 48 : index
        %get3A_282 = tpu.vector_load %arg15[%get3A_280, %get3A_281] {strides = array<i32>} : memref<80x128xf32, #tpu.memory_space<vmem>>, vector<1x16xf32>,
        %get3A_283 = vector.shape_cast %get3A_282 : vector<1x16xf32> to vector<16xf32>
        %add3A_284 = arith.addf %get3A_283, %get3A_265 : vector<16xf32>
        %mul3A_285 = arith.mulf %add3A_279, %gather3A_140 : vector<16xf32>
        %mul3A_286 = arith.mulf %add3A_284, %mul3A_285 : vector<16xf32>
        %swap3A_287 = arith.index_cast %scan3A_135 : i32 to index
        %swap3A_288 = arith.constant 48 : index
        %swap3A_289 = tpu.vector_load %arg15[%swap3A_287, %swap3A_288] {strides = array<i32>} : memref<80x128xf32, #tpu.memory_space<vmem>>, vector<1x16xf32>,
        %swap3A_290 = vector.shape_cast %swap3A_289 : vector<1x16xf32> to vector<16xf32>
        %swap3A_291 = vector.shape_cast %mul3A_286 : vector<16xf32> to vector<1x16xf32>
        tpu.vector_store %arg15[%swap3A_287, %swap3A_288], %swap3A_291 {strides = array<i32>} : memref<80x128xf32, #tpu.memory_space<vmem>>, vector<1x16xf32>,
        %get3A_292 = arith.index_cast %scan3A_135 : i32 to index
        %get3A_293 = arith.constant 64 : index
        %get3A_294 = tpu.vector_load %arg13[%get3A_292, %get3A_293] {strides = array<i32>} : memref<80x128xf32, #tpu.memory_space<vmem>>, vector<1x16xf32>,
        %get3A_295 = vector.shape_cast %get3A_294 : vector<1x16xf32> to vector<16xf32>
        %get3A_296 = arith.index_cast %scan3A_135 : i32 to index
        %get3A_297 = arith.constant 64 : index
        %get3A_298 = tpu.vector_load %arg14[%get3A_296, %get3A_297] {strides = array<i32>} : memref<80x128xf32, #tpu.memory_space<vmem>>, vector<1x16xf32>,
        %get3A_299 = vector.shape_cast %get3A_298 : vector<1x16xf32> to vector<16xf32>
        %get3A_300 = arith.index_cast %scan3A_135 : i32 to index
        %get3A_301 = arith.constant 64 : index
        %get3A_302 = tpu.vector_load %arg16[%get3A_300, %get3A_301] {strides = array<i32>} : memref<80x128xf32, #tpu.memory_space<vmem>>, vector<1x16xf32>,
        %get3A_303 = vector.shape_cast %get3A_302 : vector<1x16xf32> to vector<16xf32>
        %add3A_304 = arith.addf %get3A_299, %get3A_303 : vector<16xf32>
        %mul3A_305 = arith.mulf %get3A_295, %add3A_304 : vector<16xf32>
        %gather3A_306 = vector.shape_cast %broadcast_in_dim3A : vector<16x1xi32> to vector<16xi32>
        %gather3A_307 = tpu.dynamic_gather %mul3A_305[%gather3A_306] in [0] : vector<16xf32>, vector<16xi32> -> vector<16xf32>
        %add3A_308 = arith.addf %mul3A_305, %gather3A_307 : vector<16xf32>
        %gather3A_309 = vector.shape_cast %broadcast_in_dim3A_6 : vector<16x1xi32> to vector<16xi32>
        %gather3A_310 = tpu.dynamic_gather %add3A_308[%gather3A_309] in [0] : vector<16xf32>, vector<16xi32> -> vector<16xf32>
        %add3A_311 = arith.addf %add3A_308, %gather3A_310 : vector<16xf32>
        %gather3A_312 = vector.shape_cast %broadcast_in_dim3A_10 : vector<16x1xi32> to vector<16xi32>
        %gather3A_313 = tpu.dynamic_gather %add3A_311[%gather3A_312] in [0] : vector<16xf32>, vector<16xi32> -> vector<16xf32>
        %add3A_314 = arith.addf %add3A_311, %gather3A_313 : vector<16xf32>
        %gather3A_315 = vector.shape_cast %broadcast_in_dim3A_14 : vector<16x1xi32> to vector<16xi32>
        %gather3A_316 = tpu.dynamic_gather %add3A_314[%gather3A_315] in [0] : vector<16xf32>, vector<16xi32> -> vector<16xf32>
        %add3A_317 = arith.addf %add3A_314, %gather3A_316 : vector<16xf32>
        %get3A_318 = arith.index_cast %scan3A_135 : i32 to index
        %get3A_319 = arith.constant 64 : index
        %get3A_320 = tpu.vector_load %arg15[%get3A_318, %get3A_319] {strides = array<i32>} : memref<80x128xf32, #tpu.memory_space<vmem>>, vector<1x16xf32>,
        %get3A_321 = vector.shape_cast %get3A_320 : vector<1x16xf32> to vector<16xf32>
        %add3A_322 = arith.addf %get3A_321, %get3A_303 : vector<16xf32>
        %mul3A_323 = arith.mulf %add3A_317, %gather3A_140 : vector<16xf32>
        %mul3A_324 = arith.mulf %add3A_322, %mul3A_323 : vector<16xf32>
        %swap3A_325 = arith.index_cast %scan3A_135 : i32 to index
        %swap3A_326 = arith.constant 64 : index
        %swap3A_327 = tpu.vector_load %arg15[%swap3A_325, %swap3A_326] {strides = array<i32>} : memref<80x128xf32, #tpu.memory_space<vmem>>, vector<1x16xf32>,
        %swap3A_328 = vector.shape_cast %swap3A_327 : vector<1x16xf32> to vector<16xf32>
        %swap3A_329 = vector.shape_cast %mul3A_324 : vector<16xf32> to vector<1x16xf32>
        tpu.vector_store %arg15[%swap3A_325, %swap3A_326], %swap3A_329 {strides = array<i32>} : memref<80x128xf32, #tpu.memory_space<vmem>>, vector<1x16xf32>,
        %get3A_330 = arith.index_cast %scan3A_135 : i32 to index
        %get3A_331 = arith.constant 80 : index
        %get3A_332 = tpu.vector_load %arg13[%get3A_330, %get3A_331] {strides = array<i32>} : memref<80x128xf32, #tpu.memory_space<vmem>>, vector<1x16xf32>,
        %get3A_333 = vector.shape_cast %get3A_332 : vector<1x16xf32> to vector<16xf32>
        %get3A_334 = arith.index_cast %scan3A_135 : i32 to index
        %get3A_335 = arith.constant 80 : index
        %get3A_336 = tpu.vector_load %arg14[%get3A_334, %get3A_335] {strides = array<i32>} : memref<80x128xf32, #tpu.memory_space<vmem>>, vector<1x16xf32>,
        %get3A_337 = vector.shape_cast %get3A_336 : vector<1x16xf32> to vector<16xf32>
        %get3A_338 = arith.index_cast %scan3A_135 : i32 to index
        %get3A_339 = arith.constant 80 : index
        %get3A_340 = tpu.vector_load %arg16[%get3A_338, %get3A_339] {strides = array<i32>} : memref<80x128xf32, #tpu.memory_space<vmem>>, vector<1x16xf32>,
        %get3A_341 = vector.shape_cast %get3A_340 : vector<1x16xf32> to vector<16xf32>
        %add3A_342 = arith.addf %get3A_337, %get3A_341 : vector<16xf32>
        %mul3A_343 = arith.mulf %get3A_333, %add3A_342 : vector<16xf32>
        %gather3A_344 = vector.shape_cast %broadcast_in_dim3A : vector<16x1xi32> to vector<16xi32>
        %gather3A_345 = tpu.dynamic_gather %mul3A_343[%gather3A_344] in [0] : vector<16xf32>, vector<16xi32> -> vector<16xf32>
        %add3A_346 = arith.addf %mul3A_343, %gather3A_345 : vector<16xf32>
        %gather3A_347 = vector.shape_cast %broadcast_in_dim3A_6 : vector<16x1xi32> to vector<16xi32>
        %gather3A_348 = tpu.dynamic_gather %add3A_346[%gather3A_347] in [0] : vector<16xf32>, vector<16xi32> -> vector<16xf32>
        %add3A_349 = arith.addf %add3A_346, %gather3A_348 : vector<16xf32>
        %gather3A_350 = vector.shape_cast %broadcast_in_dim3A_10 : vector<16x1xi32> to vector<16xi32>
        %gather3A_351 = tpu.dynamic_gather %add3A_349[%gather3A_350] in [0] : vector<16xf32>, vector<16xi32> -> vector<16xf32>
        %add3A_352 = arith.addf %add3A_349, %gather3A_351 : vector<16xf32>
        %gather3A_353 = vector.shape_cast %broadcast_in_dim3A_14 : vector<16x1xi32> to vector<16xi32>
        %gather3A_354 = tpu.dynamic_gather %add3A_352[%gather3A_353] in [0] : vector<16xf32>, vector<16xi32> -> vector<16xf32>
        %add3A_355 = arith.addf %add3A_352, %gather3A_354 : vector<16xf32>
        %get3A_356 = arith.index_cast %scan3A_135 : i32 to index
        %get3A_357 = arith.constant 80 : index
        %get3A_358 = tpu.vector_load %arg15[%get3A_356, %get3A_357] {strides = array<i32>} : memref<80x128xf32, #tpu.memory_space<vmem>>, vector<1x16xf32>,
        %get3A_359 = vector.shape_cast %get3A_358 : vector<1x16xf32> to vector<16xf32>
        %add3A_360 = arith.addf %get3A_359, %get3A_341 : vector<16xf32>
        %mul3A_361 = arith.mulf %add3A_355, %gather3A_140 : vector<16xf32>
        %mul3A_362 = arith.mulf %add3A_360, %mul3A_361 : vector<16xf32>
        %swap3A_363 = arith.index_cast %scan3A_135 : i32 to index
        %swap3A_364 = arith.constant 80 : index
        %swap3A_365 = tpu.vector_load %arg15[%swap3A_363, %swap3A_364] {strides = array<i32>} : memref<80x128xf32, #tpu.memory_space<vmem>>, vector<1x16xf32>,
        %swap3A_366 = vector.shape_cast %swap3A_365 : vector<1x16xf32> to vector<16xf32>
        %swap3A_367 = vector.shape_cast %mul3A_362 : vector<16xf32> to vector<1x16xf32>
        tpu.vector_store %arg15[%swap3A_363, %swap3A_364], %swap3A_367 {strides = array<i32>} : memref<80x128xf32, #tpu.memory_space<vmem>>, vector<1x16xf32>,
        %get3A_368 = arith.index_cast %scan3A_135 : i32 to index
        %get3A_369 = arith.constant 96 : index
        %get3A_370 = tpu.vector_load %arg13[%get3A_368, %get3A_369] {strides = array<i32>} : memref<80x128xf32, #tpu.memory_space<vmem>>, vector<1x16xf32>,
        %get3A_371 = vector.shape_cast %get3A_370 : vector<1x16xf32> to vector<16xf32>
        %get3A_372 = arith.index_cast %scan3A_135 : i32 to index
        %get3A_373 = arith.constant 96 : index
        %get3A_374 = tpu.vector_load %arg14[%get3A_372, %get3A_373] {strides = array<i32>} : memref<80x128xf32, #tpu.memory_space<vmem>>, vector<1x16xf32>,
        %get3A_375 = vector.shape_cast %get3A_374 : vector<1x16xf32> to vector<16xf32>
        %get3A_376 = arith.index_cast %scan3A_135 : i32 to index
        %get3A_377 = arith.constant 96 : index
        %get3A_378 = tpu.vector_load %arg16[%get3A_376, %get3A_377] {strides = array<i32>} : memref<80x128xf32, #tpu.memory_space<vmem>>, vector<1x16xf32>,
        %get3A_379 = vector.shape_cast %get3A_378 : vector<1x16xf32> to vector<16xf32>
        %add3A_380 = arith.addf %get3A_375, %get3A_379 : vector<16xf32>
        %mul3A_381 = arith.mulf %get3A_371, %add3A_380 : vector<16xf32>
        %gather3A_382 = vector.shape_cast %broadcast_in_dim3A : vector<16x1xi32> to vector<16xi32>
        %gather3A_383 = tpu.dynamic_gather %mul3A_381[%gather3A_382] in [0] : vector<16xf32>, vector<16xi32> -> vector<16xf32>
        %add3A_384 = arith.addf %mul3A_381, %gather3A_383 : vector<16xf32>
        %gather3A_385 = vector.shape_cast %broadcast_in_dim3A_6 : vector<16x1xi32> to vector<16xi32>
        %gather3A_386 = tpu.dynamic_gather %add3A_384[%gather3A_385] in [0] : vector<16xf32>, vector<16xi32> -> vector<16xf32>
        %add3A_387 = arith.addf %add3A_384, %gather3A_386 : vector<16xf32>
        %gather3A_388 = vector.shape_cast %broadcast_in_dim3A_10 : vector<16x1xi32> to vector<16xi32>
        %gather3A_389 = tpu.dynamic_gather %add3A_387[%gather3A_388] in [0] : vector<16xf32>, vector<16xi32> -> vector<16xf32>
        %add3A_390 = arith.addf %add3A_387, %gather3A_389 : vector<16xf32>
        %gather3A_391 = vector.shape_cast %broadcast_in_dim3A_14 : vector<16x1xi32> to vector<16xi32>
        %gather3A_392 = tpu.dynamic_gather %add3A_390[%gather3A_391] in [0] : vector<16xf32>, vector<16xi32> -> vector<16xf32>
        %add3A_393 = arith.addf %add3A_390, %gather3A_392 : vector<16xf32>
        %get3A_394 = arith.index_cast %scan3A_135 : i32 to index
        %get3A_395 = arith.constant 96 : index
        %get3A_396 = tpu.vector_load %arg15[%get3A_394, %get3A_395] {strides = array<i32>} : memref<80x128xf32, #tpu.memory_space<vmem>>, vector<1x16xf32>,
        %get3A_397 = vector.shape_cast %get3A_396 : vector<1x16xf32> to vector<16xf32>
        %add3A_398 = arith.addf %get3A_397, %get3A_379 : vector<16xf32>
        %mul3A_399 = arith.mulf %add3A_393, %gather3A_140 : vector<16xf32>
        %mul3A_400 = arith.mulf %add3A_398, %mul3A_399 : vector<16xf32>
        %swap3A_401 = arith.index_cast %scan3A_135 : i32 to index
        %swap3A_402 = arith.constant 96 : index
        %swap3A_403 = tpu.vector_load %arg15[%swap3A_401, %swap3A_402] {strides = array<i32>} : memref<80x128xf32, #tpu.memory_space<vmem>>, vector<1x16xf32>,
        %swap3A_404 = vector.shape_cast %swap3A_403 : vector<1x16xf32> to vector<16xf32>
        %swap3A_405 = vector.shape_cast %mul3A_400 : vector<16xf32> to vector<1x16xf32>
        tpu.vector_store %arg15[%swap3A_401, %swap3A_402], %swap3A_405 {strides = array<i32>} : memref<80x128xf32, #tpu.memory_space<vmem>>, vector<1x16xf32>,
        %get3A_406 = arith.index_cast %scan3A_135 : i32 to index
        %get3A_407 = arith.constant 112 : index
        %get3A_408 = tpu.vector_load %arg13[%get3A_406, %get3A_407] {strides = array<i32>} : memref<80x128xf32, #tpu.memory_space<vmem>>, vector<1x16xf32>,
        %get3A_409 = vector.shape_cast %get3A_408 : vector<1x16xf32> to vector<16xf32>
        %get3A_410 = arith.index_cast %scan3A_135 : i32 to index
        %get3A_411 = arith.constant 112 : index
        %get3A_412 = tpu.vector_load %arg14[%get3A_410, %get3A_411] {strides = array<i32>} : memref<80x128xf32, #tpu.memory_space<vmem>>, vector<1x16xf32>,
        %get3A_413 = vector.shape_cast %get3A_412 : vector<1x16xf32> to vector<16xf32>
        %get3A_414 = arith.index_cast %scan3A_135 : i32 to index
        %get3A_415 = arith.constant 112 : index
        %get3A_416 = tpu.vector_load %arg16[%get3A_414, %get3A_415] {strides = array<i32>} : memref<80x128xf32, #tpu.memory_space<vmem>>, vector<1x16xf32>,
        %get3A_417 = vector.shape_cast %get3A_416 : vector<1x16xf32> to vector<16xf32>
        %add3A_418 = arith.addf %get3A_413, %get3A_417 : vector<16xf32>
        %mul3A_419 = arith.mulf %get3A_409, %add3A_418 : vector<16xf32>
        %gather3A_420 = vector.shape_cast %broadcast_in_dim3A : vector<16x1xi32> to vector<16xi32>
        %gather3A_421 = tpu.dynamic_gather %mul3A_419[%gather3A_420] in [0] : vector<16xf32>, vector<16xi32> -> vector<16xf32>
        %add3A_422 = arith.addf %mul3A_419, %gather3A_421 : vector<16xf32>
        %gather3A_423 = vector.shape_cast %broadcast_in_dim3A_6 : vector<16x1xi32> to vector<16xi32>
        %gather3A_424 = tpu.dynamic_gather %add3A_422[%gather3A_423] in [0] : vector<16xf32>, vector<16xi32> -> vector<16xf32>
        %add3A_425 = arith.addf %add3A_422, %gather3A_424 : vector<16xf32>
        %gather3A_426 = vector.shape_cast %broadcast_in_dim3A_10 : vector<16x1xi32> to vector<16xi32>
        %gather3A_427 = tpu.dynamic_gather %add3A_425[%gather3A_426] in [0] : vector<16xf32>, vector<16xi32> -> vector<16xf32>
        %add3A_428 = arith.addf %add3A_425, %gather3A_427 : vector<16xf32>
        %gather3A_429 = vector.shape_cast %broadcast_in_dim3A_14 : vector<16x1xi32> to vector<16xi32>
        %gather3A_430 = tpu.dynamic_gather %add3A_428[%gather3A_429] in [0] : vector<16xf32>, vector<16xi32> -> vector<16xf32>
        %add3A_431 = arith.addf %add3A_428, %gather3A_430 : vector<16xf32>
        %get3A_432 = arith.index_cast %scan3A_135 : i32 to index
        %get3A_433 = arith.constant 112 : index
        %get3A_434 = tpu.vector_load %arg15[%get3A_432, %get3A_433] {strides = array<i32>} : memref<80x128xf32, #tpu.memory_space<vmem>>, vector<1x16xf32>,
        %get3A_435 = vector.shape_cast %get3A_434 : vector<1x16xf32> to vector<16xf32>
        %add3A_436 = arith.addf %get3A_435, %get3A_417 : vector<16xf32>
        %mul3A_437 = arith.mulf %add3A_431, %gather3A_140 : vector<16xf32>
        %mul3A_438 = arith.mulf %add3A_436, %mul3A_437 : vector<16xf32>
        %swap3A_439 = arith.index_cast %scan3A_135 : i32 to index
        %swap3A_440 = arith.constant 112 : index
        %swap3A_441 = tpu.vector_load %arg15[%swap3A_439, %swap3A_440] {strides = array<i32>} : memref<80x128xf32, #tpu.memory_space<vmem>>, vector<1x16xf32>,
        %swap3A_442 = vector.shape_cast %swap3A_441 : vector<1x16xf32> to vector<16xf32>
        %swap3A_443 = vector.shape_cast %mul3A_438 : vector<16xf32> to vector<1x16xf32>
        tpu.vector_store %arg15[%swap3A_439, %swap3A_440], %swap3A_443 {strides = array<i32>} : memref<80x128xf32, #tpu.memory_space<vmem>>, vector<1x16xf32>,
      }
      %scan3A_134 = arith.constant 80 : i32
      "tpu.region"() ({
        %run_scoped3A = tpu.sem_alloc : memref<!tpu.dma_semaphore, #tpu.memory_space<semaphore_mem>>
        %dma_start3A_135 = arith.constant 0 : i32
        %dma_start3A_136 = arith.constant 0 : i32
        %dma_start3A_137 = tpu.memref_slice %arg17[%dma_start3A_135, %dma_start3A_136] : memref<10240x128xf32, #tpu.memory_space<vmem_shared>> -> memref<10240x128xf32, #tpu.memory_space<vmem_shared>>
        tpu.enqueue_indirect_dma source(%arg15 : memref<80x128xf32, #tpu.memory_space<vmem>>) target(%dma_start3A_137 : memref<10240x128xf32, #tpu.memory_space<vmem_shared>>) offsets(%arg11 : memref<80xi32, #tpu.memory_space<vmem>>) semaphore(%run_scoped3A : memref<!tpu.dma_semaphore, #tpu.memory_space<semaphore_mem>>) {add = true}
        %dma_wait3A_138 = arith.constant 0 : i32
        %dma_wait3A_139 = arith.constant 0 : i32
        %dma_wait3A_140 = tpu.memref_slice %arg17[%dma_wait3A_138, %dma_wait3A_139] : memref<10240x128xf32, #tpu.memory_space<vmem_shared>> -> memref<10240x128xf32, #tpu.memory_space<vmem_shared>>
        tpu.wait_indirect_dma semaphore(%run_scoped3A : memref<!tpu.dma_semaphore, #tpu.memory_space<semaphore_mem>>) src(%arg15 : memref<80x128xf32, #tpu.memory_space<vmem>>) dst(%dma_wait3A_140 : memref<10240x128xf32, #tpu.memory_space<vmem_shared>>)
        tpu.yield
      }) : () -> ()
    }
    %scan3A_62 = arith.constant 125 : i32
    %barrier3A_63 = arith.constant 0 : index
    tpu.barrier barrier_id(%barrier3A_63)
    %mul3A_64 = arith.constant 640 : i32
    %mul3A_65 = arith.muli %arg1, %mul3A_64 : i32
    %add3A_66 = arith.constant 0 : i32
    %add3A_67 = arith.addi %mul3A_65, %add3A_66 : i32
    %mul3A_68 = arith.constant 10240 : i32
    %mul3A_69 = arith.muli %arg0, %mul3A_68 : i32
    %add3A_70 = arith.addi %mul3A_69, %add3A_67 : i32
    "tpu.region"() ({
      %run_scoped3A = tpu.sem_alloc : memref<!tpu.dma_semaphore, #tpu.memory_space<semaphore_mem>>
      %dma_start3A = arith.constant 0 : i32
      %dma_start3A_99 = tpu.memref_slice %arg9[%add3A_70, %dma_start3A] : memref<20480x128xf32, #tpu.memory_space<hbm>> -> memref<128x128xf32, #tpu.memory_space<hbm>>
      %dma_start3A_100 = arith.constant 0 : i32
      %dma_start3A_101 = tpu.memref_slice %arg17[%add3A_67, %dma_start3A_100] : memref<10240x128xf32, #tpu.memory_space<vmem_shared>> -> memref<128x128xf32, #tpu.memory_space<vmem_shared>>
      tpu.enqueue_dma source(%dma_start3A_101 : memref<128x128xf32, #tpu.memory_space<vmem_shared>>) target(%dma_start3A_99 : memref<128x128xf32, #tpu.memory_space<hbm>>) target_semaphore(%run_scoped3A : memref<!tpu.dma_semaphore, #tpu.memory_space<semaphore_mem>>)
      %dma_wait3A = arith.constant 0 : i32
      %dma_wait3A_102 = tpu.memref_slice %arg9[%add3A_70, %dma_wait3A] : memref<20480x128xf32, #tpu.memory_space<hbm>> -> memref<128x128xf32, #tpu.memory_space<hbm>>
      %dma_wait3A_103 = arith.constant 0 : i32
      %dma_wait3A_104 = tpu.memref_slice %arg17[%add3A_67, %dma_wait3A_103] : memref<10240x128xf32, #tpu.memory_space<vmem_shared>> -> memref<128x128xf32, #tpu.memory_space<vmem_shared>>
      tpu.wait_dma2 semaphore(%run_scoped3A : memref<!tpu.dma_semaphore, #tpu.memory_space<semaphore_mem>>) src(%dma_wait3A_104 : memref<128x128xf32, #tpu.memory_space<vmem_shared>>) dst(%dma_wait3A_102 : memref<128x128xf32, #tpu.memory_space<hbm>>)
      tpu.yield
    }) : () -> ()
    %mul3A_71 = arith.constant 640 : i32
    %mul3A_72 = arith.muli %arg1, %mul3A_71 : i32
    %add3A_73 = arith.constant 128 : i32
    %add3A_74 = arith.addi %mul3A_72, %add3A_73 : i32
    %mul3A_75 = arith.constant 10240 : i32
    %mul3A_76 = arith.muli %arg0, %mul3A_75 : i32
    %add3A_77 = arith.addi %mul3A_76, %add3A_74 : i32
    "tpu.region"() ({
      %run_scoped3A = tpu.sem_alloc : memref<!tpu.dma_semaphore, #tpu.memory_space<semaphore_mem>>
      %dma_start3A = arith.constant 0 : i32
      %dma_start3A_99 = tpu.memref_slice %arg9[%add3A_77, %dma_start3A] : memref<20480x128xf32, #tpu.memory_space<hbm>> -> memref<128x128xf32, #tpu.memory_space<hbm>>
      %dma_start3A_100 = arith.constant 0 : i32
      %dma_start3A_101 = tpu.memref_slice %arg17[%add3A_74, %dma_start3A_100] : memref<10240x128xf32, #tpu.memory_space<vmem_shared>> -> memref<128x128xf32, #tpu.memory_space<vmem_shared>>
      tpu.enqueue_dma source(%dma_start3A_101 : memref<128x128xf32, #tpu.memory_space<vmem_shared>>) target(%dma_start3A_99 : memref<128x128xf32, #tpu.memory_space<hbm>>) target_semaphore(%run_scoped3A : memref<!tpu.dma_semaphore, #tpu.memory_space<semaphore_mem>>)
      %dma_wait3A = arith.constant 0 : i32
      %dma_wait3A_102 = tpu.memref_slice %arg9[%add3A_77, %dma_wait3A] : memref<20480x128xf32, #tpu.memory_space<hbm>> -> memref<128x128xf32, #tpu.memory_space<hbm>>
      %dma_wait3A_103 = arith.constant 0 : i32
      %dma_wait3A_104 = tpu.memref_slice %arg17[%add3A_74, %dma_wait3A_103] : memref<10240x128xf32, #tpu.memory_space<vmem_shared>> -> memref<128x128xf32, #tpu.memory_space<vmem_shared>>
      tpu.wait_dma2 semaphore(%run_scoped3A : memref<!tpu.dma_semaphore, #tpu.memory_space<semaphore_mem>>) src(%dma_wait3A_104 : memref<128x128xf32, #tpu.memory_space<vmem_shared>>) dst(%dma_wait3A_102 : memref<128x128xf32, #tpu.memory_space<hbm>>)
      tpu.yield
    }) : () -> ()
    %mul3A_78 = arith.constant 640 : i32
    %mul3A_79 = arith.muli %arg1, %mul3A_78 : i32
    %add3A_80 = arith.constant 256 : i32
    %add3A_81 = arith.addi %mul3A_79, %add3A_80 : i32
    %mul3A_82 = arith.constant 10240 : i32
    %mul3A_83 = arith.muli %arg0, %mul3A_82 : i32
    %add3A_84 = arith.addi %mul3A_83, %add3A_81 : i32
    "tpu.region"() ({
      %run_scoped3A = tpu.sem_alloc : memref<!tpu.dma_semaphore, #tpu.memory_space<semaphore_mem>>
      %dma_start3A = arith.constant 0 : i32
      %dma_start3A_99 = tpu.memref_slice %arg9[%add3A_84, %dma_start3A] : memref<20480x128xf32, #tpu.memory_space<hbm>> -> memref<128x128xf32, #tpu.memory_space<hbm>>
      %dma_start3A_100 = arith.constant 0 : i32
      %dma_start3A_101 = tpu.memref_slice %arg17[%add3A_81, %dma_start3A_100] : memref<10240x128xf32, #tpu.memory_space<vmem_shared>> -> memref<128x128xf32, #tpu.memory_space<vmem_shared>>
      tpu.enqueue_dma source(%dma_start3A_101 : memref<128x128xf32, #tpu.memory_space<vmem_shared>>) target(%dma_start3A_99 : memref<128x128xf32, #tpu.memory_space<hbm>>) target_semaphore(%run_scoped3A : memref<!tpu.dma_semaphore, #tpu.memory_space<semaphore_mem>>)
      %dma_wait3A = arith.constant 0 : i32
      %dma_wait3A_102 = tpu.memref_slice %arg9[%add3A_84, %dma_wait3A] : memref<20480x128xf32, #tpu.memory_space<hbm>> -> memref<128x128xf32, #tpu.memory_space<hbm>>
      %dma_wait3A_103 = arith.constant 0 : i32
      %dma_wait3A_104 = tpu.memref_slice %arg17[%add3A_81, %dma_wait3A_103] : memref<10240x128xf32, #tpu.memory_space<vmem_shared>> -> memref<128x128xf32, #tpu.memory_space<vmem_shared>>
      tpu.wait_dma2 semaphore(%run_scoped3A : memref<!tpu.dma_semaphore, #tpu.memory_space<semaphore_mem>>) src(%dma_wait3A_104 : memref<128x128xf32, #tpu.memory_space<vmem_shared>>) dst(%dma_wait3A_102 : memref<128x128xf32, #tpu.memory_space<hbm>>)
      tpu.yield
    }) : () -> ()
    %mul3A_85 = arith.constant 640 : i32
    %mul3A_86 = arith.muli %arg1, %mul3A_85 : i32
    %add3A_87 = arith.constant 384 : i32
    %add3A_88 = arith.addi %mul3A_86, %add3A_87 : i32
    %mul3A_89 = arith.constant 10240 : i32
    %mul3A_90 = arith.muli %arg0, %mul3A_89 : i32
    %add3A_91 = arith.addi %mul3A_90, %add3A_88 : i32
    "tpu.region"() ({
      %run_scoped3A = tpu.sem_alloc : memref<!tpu.dma_semaphore, #tpu.memory_space<semaphore_mem>>
      %dma_start3A = arith.constant 0 : i32
      %dma_start3A_99 = tpu.memref_slice %arg9[%add3A_91, %dma_start3A] : memref<20480x128xf32, #tpu.memory_space<hbm>> -> memref<128x128xf32, #tpu.memory_space<hbm>>
      %dma_start3A_100 = arith.constant 0 : i32
      %dma_start3A_101 = tpu.memref_slice %arg17[%add3A_88, %dma_start3A_100] : memref<10240x128xf32, #tpu.memory_space<vmem_shared>> -> memref<128x128xf32, #tpu.memory_space<vmem_shared>>
      tpu.enqueue_dma source(%dma_start3A_101 : memref<128x128xf32, #tpu.memory_space<vmem_shared>>) target(%dma_start3A_99 : memref<128x128xf32, #tpu.memory_space<hbm>>) target_semaphore(%run_scoped3A : memref<!tpu.dma_semaphore, #tpu.memory_space<semaphore_mem>>)
      %dma_wait3A = arith.constant 0 : i32
      %dma_wait3A_102 = tpu.memref_slice %arg9[%add3A_91, %dma_wait3A] : memref<20480x128xf32, #tpu.memory_space<hbm>> -> memref<128x128xf32, #tpu.memory_space<hbm>>
      %dma_wait3A_103 = arith.constant 0 : i32
      %dma_wait3A_104 = tpu.memref_slice %arg17[%add3A_88, %dma_wait3A_103] : memref<10240x128xf32, #tpu.memory_space<vmem_shared>> -> memref<128x128xf32, #tpu.memory_space<vmem_shared>>
      tpu.wait_dma2 semaphore(%run_scoped3A : memref<!tpu.dma_semaphore, #tpu.memory_space<semaphore_mem>>) src(%dma_wait3A_104 : memref<128x128xf32, #tpu.memory_space<vmem_shared>>) dst(%dma_wait3A_102 : memref<128x128xf32, #tpu.memory_space<hbm>>)
      tpu.yield
    }) : () -> ()
    %mul3A_92 = arith.constant 640 : i32
    %mul3A_93 = arith.muli %arg1, %mul3A_92 : i32
    %add3A_94 = arith.constant 512 : i32
    %add3A_95 = arith.addi %mul3A_93, %add3A_94 : i32
    %mul3A_96 = arith.constant 10240 : i32
    %mul3A_97 = arith.muli %arg0, %mul3A_96 : i32
    %add3A_98 = arith.addi %mul3A_97, %add3A_95 : i32
    "tpu.region"() ({
      %run_scoped3A = tpu.sem_alloc : memref<!tpu.dma_semaphore, #tpu.memory_space<semaphore_mem>>
      %dma_start3A = arith.constant 0 : i32
      %dma_start3A_99 = tpu.memref_slice %arg9[%add3A_98, %dma_start3A] : memref<20480x128xf32, #tpu.memory_space<hbm>> -> memref<128x128xf32, #tpu.memory_space<hbm>>
      %dma_start3A_100 = arith.constant 0 : i32
      %dma_start3A_101 = tpu.memref_slice %arg17[%add3A_95, %dma_start3A_100] : memref<10240x128xf32, #tpu.memory_space<vmem_shared>> -> memref<128x128xf32, #tpu.memory_space<vmem_shared>>
      tpu.enqueue_dma source(%dma_start3A_101 : memref<128x128xf32, #tpu.memory_space<vmem_shared>>) target(%dma_start3A_99 : memref<128x128xf32, #tpu.memory_space<hbm>>) target_semaphore(%run_scoped3A : memref<!tpu.dma_semaphore, #tpu.memory_space<semaphore_mem>>)
      %dma_wait3A = arith.constant 0 : i32
      %dma_wait3A_102 = tpu.memref_slice %arg9[%add3A_98, %dma_wait3A] : memref<20480x128xf32, #tpu.memory_space<hbm>> -> memref<128x128xf32, #tpu.memory_space<hbm>>
      %dma_wait3A_103 = arith.constant 0 : i32
      %dma_wait3A_104 = tpu.memref_slice %arg17[%add3A_95, %dma_wait3A_103] : memref<10240x128xf32, #tpu.memory_space<vmem_shared>> -> memref<128x128xf32, #tpu.memory_space<vmem_shared>>
      tpu.wait_dma2 semaphore(%run_scoped3A : memref<!tpu.dma_semaphore, #tpu.memory_space<semaphore_mem>>) src(%dma_wait3A_104 : memref<128x128xf32, #tpu.memory_space<vmem_shared>>) dst(%dma_wait3A_102 : memref<128x128xf32, #tpu.memory_space<hbm>>)
      tpu.yield
    }) : () -> ()
    return
  }
}

#map = affine_map<(d0, d1) -> (0, 0)>
#map1 = affine_map<(d0, d1) -> (0)>
module attributes {stable_mosaic.version = 14 : i64} {
  func.func @_sc_edge_body(%arg0: i32, %arg1: i32, %arg2: memref<10000x128xf32, #tpu.memory_space<hbm>>, %arg3: memref<10000x128xf32, #tpu.memory_space<hbm>>, %arg4: memref<10000x128xf32, #tpu.memory_space<hbm>>, %arg5: memref<320000x128xf32, #tpu.memory_space<hbm>>, %arg6: memref<4000x128xf32, #tpu.memory_space<hbm>>, %arg7: memref<320000xi32, #tpu.memory_space<hbm>>, %arg8: memref<320000xi32, #tpu.memory_space<hbm>>, %arg9: memref<20480x128xf32, #tpu.memory_space<hbm>>, %arg10: memref<80xi32, #tpu.memory_space<vmem>>, %arg11: memref<80xi32, #tpu.memory_space<vmem>>, %arg12: memref<1x128xf32, #tpu.memory_space<vmem>>, %arg13: memref<80x128xf32, #tpu.memory_space<vmem>>, %arg14: memref<80x128xf32, #tpu.memory_space<vmem>>, %arg15: memref<80x128xf32, #tpu.memory_space<vmem>>, %arg16: memref<80x128xf32, #tpu.memory_space<vmem>>, %arg17: memref<10240x128xf32, #tpu.memory_space<vmem_shared>>, %arg18: memref<!tpu.dma_semaphore, #tpu.memory_space<semaphore_mem>>, %arg19: memref<!tpu.dma_semaphore, #tpu.memory_space<semaphore_mem>>, %arg20: memref<!tpu.dma_semaphore, #tpu.memory_space<semaphore_mem>>, %arg21: memref<!tpu.dma_semaphore, #tpu.memory_space<semaphore_mem>>) attributes {dimension_semantics = [#tpu.dimension_semantics<core_parallel>, #tpu.dimension_semantics<subcore_parallel>], iteration_bounds = array<i64: 2, 16>, scalar_prefetch = 0 : i64, scratch_operands = 12 : i64, tpu.core_type = #tpu.core_type<sc_vector_subcore>, window_params = [{transform_indices = #map}, {transform_indices = #map}, {transform_indices = #map}, {transform_indices = #map}, {transform_indices = #map}, {transform_indices = #map1}, {transform_indices = #map1}, {transform_indices = #map}]} {
    %mul3A = arith.constant 2 : i32
    %mul3A_0 = arith.muli %arg1, %mul3A : i32
    %add3A = arith.addi %mul3A_0, %arg0 : i32
    %iota3A = tpu.iota {dimensions = array<i32: 0>} : vector<16xi32>
    %xor3A = arith.constant 8 : i32
    %xor3A_1 = vector.broadcast %xor3A : i32 to vector<16xi32>
    %xor3A_2 = arith.xori %iota3A, %xor3A_1 : vector<16xi32>
    %broadcast_in_dim3A = vector.shape_cast %xor3A_2 : vector<16xi32> to vector<16x1xi32>
    %xor3A_3 = arith.constant 4 : i32
    %xor3A_4 = vector.broadcast %xor3A_3 : i32 to vector<16xi32>
    %xor3A_5 = arith.xori %iota3A, %xor3A_4 : vector<16xi32>
    %broadcast_in_dim3A_6 = vector.shape_cast %xor3A_5 : vector<16xi32> to vector<16x1xi32>
    %xor3A_7 = arith.constant 2 : i32
    %xor3A_8 = vector.broadcast %xor3A_7 : i32 to vector<16xi32>
    %xor3A_9 = arith.xori %iota3A, %xor3A_8 : vector<16xi32>
    %broadcast_in_dim3A_10 = vector.shape_cast %xor3A_9 : vector<16xi32> to vector<16x1xi32>
    %xor3A_11 = arith.constant 1 : i32
    %xor3A_12 = vector.broadcast %xor3A_11 : i32 to vector<16xi32>
    %xor3A_13 = arith.xori %iota3A, %xor3A_12 : vector<16xi32>
    %broadcast_in_dim3A_14 = vector.shape_cast %xor3A_13 : vector<16xi32> to vector<16x1xi32>
    %and3A = arith.constant 0 : i32
    %and3A_15 = vector.broadcast %and3A : i32 to vector<16xi32>
    %and3A_16 = arith.andi %iota3A, %and3A_15 : vector<16xi32>
    %broadcast_in_dim3A_17 = vector.shape_cast %and3A_16 : vector<16xi32> to vector<16x1xi32>
    %broadcast_in_dim3A_18 = arith.constant 0.000000e+00 : f32
    %broadcast_in_dim3A_19 = vector.broadcast %broadcast_in_dim3A_18 : f32 to vector<16xf32>
    %scan3A = arith.constant 0 : i32
    %scan3A_20 = arith.constant 0 : i32
    %scan3A_21 = arith.constant 80 : i32
    %scan3A_22 = arith.addi %scan3A_20, %scan3A_21 : i32
    %scan3A_23 = arith.constant 1 : i32
    scf.for %scan3A_99 = %scan3A_20 to %scan3A_22 step %scan3A_23  : i32 {
      %swap3A = arith.index_cast %scan3A_99 : i32 to index
      %swap3A_100 = arith.constant 0 : index
      %swap3A_101 = tpu.vector_load %arg15[%swap3A, %swap3A_100] {strides = array<i32>} : memref<80x128xf32, #tpu.memory_space<vmem>>, vector<1x16xf32>,
      %swap3A_102 = vector.shape_cast %swap3A_101 : vector<1x16xf32> to vector<16xf32>
      %swap3A_103 = vector.shape_cast %broadcast_in_dim3A_19 : vector<16xf32> to vector<1x16xf32>
      tpu.vector_store %arg15[%swap3A, %swap3A_100], %swap3A_103 {strides = array<i32>} : memref<80x128xf32, #tpu.memory_space<vmem>>, vector<1x16xf32>,
      %swap3A_104 = arith.index_cast %scan3A_99 : i32 to index
      %swap3A_105 = arith.constant 16 : index
      %swap3A_106 = tpu.vector_load %arg15[%swap3A_104, %swap3A_105] {strides = array<i32>} : memref<80x128xf32, #tpu.memory_space<vmem>>, vector<1x16xf32>,
      %swap3A_107 = vector.shape_cast %swap3A_106 : vector<1x16xf32> to vector<16xf32>
      %swap3A_108 = vector.shape_cast %broadcast_in_dim3A_19 : vector<16xf32> to vector<1x16xf32>
      tpu.vector_store %arg15[%swap3A_104, %swap3A_105], %swap3A_108 {strides = array<i32>} : memref<80x128xf32, #tpu.memory_space<vmem>>, vector<1x16xf32>,
      %swap3A_109 = arith.index_cast %scan3A_99 : i32 to index
      %swap3A_110 = arith.constant 32 : index
      %swap3A_111 = tpu.vector_load %arg15[%swap3A_109, %swap3A_110] {strides = array<i32>} : memref<80x128xf32, #tpu.memory_space<vmem>>, vector<1x16xf32>,
      %swap3A_112 = vector.shape_cast %swap3A_111 : vector<1x16xf32> to vector<16xf32>
      %swap3A_113 = vector.shape_cast %broadcast_in_dim3A_19 : vector<16xf32> to vector<1x16xf32>
      tpu.vector_store %arg15[%swap3A_109, %swap3A_110], %swap3A_113 {strides = array<i32>} : memref<80x128xf32, #tpu.memory_space<vmem>>, vector<1x16xf32>,
      %swap3A_114 = arith.index_cast %scan3A_99 : i32 to index
      %swap3A_115 = arith.constant 48 : index
      %swap3A_116 = tpu.vector_load %arg15[%swap3A_114, %swap3A_115] {strides = array<i32>} : memref<80x128xf32, #tpu.memory_space<vmem>>, vector<1x16xf32>,
      %swap3A_117 = vector.shape_cast %swap3A_116 : vector<1x16xf32> to vector<16xf32>
      %swap3A_118 = vector.shape_cast %broadcast_in_dim3A_19 : vector<16xf32> to vector<1x16xf32>
      tpu.vector_store %arg15[%swap3A_114, %swap3A_115], %swap3A_118 {strides = array<i32>} : memref<80x128xf32, #tpu.memory_space<vmem>>, vector<1x16xf32>,
      %swap3A_119 = arith.index_cast %scan3A_99 : i32 to index
      %swap3A_120 = arith.constant 64 : index
      %swap3A_121 = tpu.vector_load %arg15[%swap3A_119, %swap3A_120] {strides = array<i32>} : memref<80x128xf32, #tpu.memory_space<vmem>>, vector<1x16xf32>,
      %swap3A_122 = vector.shape_cast %swap3A_121 : vector<1x16xf32> to vector<16xf32>
      %swap3A_123 = vector.shape_cast %broadcast_in_dim3A_19 : vector<16xf32> to vector<1x16xf32>
      tpu.vector_store %arg15[%swap3A_119, %swap3A_120], %swap3A_123 {strides = array<i32>} : memref<80x128xf32, #tpu.memory_space<vmem>>, vector<1x16xf32>,
      %swap3A_124 = arith.index_cast %scan3A_99 : i32 to index
      %swap3A_125 = arith.constant 80 : index
      %swap3A_126 = tpu.vector_load %arg15[%swap3A_124, %swap3A_125] {strides = array<i32>} : memref<80x128xf32, #tpu.memory_space<vmem>>, vector<1x16xf32>,
      %swap3A_127 = vector.shape_cast %swap3A_126 : vector<1x16xf32> to vector<16xf32>
      %swap3A_128 = vector.shape_cast %broadcast_in_dim3A_19 : vector<16xf32> to vector<1x16xf32>
      tpu.vector_store %arg15[%swap3A_124, %swap3A_125], %swap3A_128 {strides = array<i32>} : memref<80x128xf32, #tpu.memory_space<vmem>>, vector<1x16xf32>,
      %swap3A_129 = arith.index_cast %scan3A_99 : i32 to index
      %swap3A_130 = arith.constant 96 : index
      %swap3A_131 = tpu.vector_load %arg15[%swap3A_129, %swap3A_130] {strides = array<i32>} : memref<80x128xf32, #tpu.memory_space<vmem>>, vector<1x16xf32>,
      %swap3A_132 = vector.shape_cast %swap3A_131 : vector<1x16xf32> to vector<16xf32>
      %swap3A_133 = vector.shape_cast %broadcast_in_dim3A_19 : vector<16xf32> to vector<1x16xf32>
      tpu.vector_store %arg15[%swap3A_129, %swap3A_130], %swap3A_133 {strides = array<i32>} : memref<80x128xf32, #tpu.memory_space<vmem>>, vector<1x16xf32>,
      %swap3A_134 = arith.index_cast %scan3A_99 : i32 to index
      %swap3A_135 = arith.constant 112 : index
      %swap3A_136 = tpu.vector_load %arg15[%swap3A_134, %swap3A_135] {strides = array<i32>} : memref<80x128xf32, #tpu.memory_space<vmem>>, vector<1x16xf32>,
      %swap3A_137 = vector.shape_cast %swap3A_136 : vector<1x16xf32> to vector<16xf32>
      %swap3A_138 = vector.shape_cast %broadcast_in_dim3A_19 : vector<16xf32> to vector<1x16xf32>
      tpu.vector_store %arg15[%swap3A_134, %swap3A_135], %swap3A_138 {strides = array<i32>} : memref<80x128xf32, #tpu.memory_space<vmem>>, vector<1x16xf32>,
    }
    %scan3A_24 = arith.constant 80 : i32
    %mul3A_25 = arith.constant 640 : i32
    %mul3A_26 = arith.muli %arg1, %mul3A_25 : i32
    %add3A_27 = arith.constant 0 : i32
    %add3A_28 = arith.addi %mul3A_26, %add3A_27 : i32
    "tpu.region"() ({
      %run_scoped3A = tpu.sem_alloc : memref<!tpu.dma_semaphore, #tpu.memory_space<semaphore_mem>>
      %dma_start3A = arith.constant 0 : i32
      %dma_start3A_99 = tpu.memref_slice %arg17[%add3A_28, %dma_start3A] : memref<10240x128xf32, #tpu.memory_space<vmem_shared>> -> memref<80x128xf32, #tpu.memory_space<vmem_shared>>
      %dma_start3A_100 = arith.constant 0 : i32
      %dma_start3A_101 = tpu.memref_slice %arg17[%add3A_28, %dma_start3A_100] : memref<10240x128xf32, #tpu.memory_space<vmem_shared>> -> memref<80x128xf32, #tpu.memory_space<vmem_shared>>
      tpu.enqueue_dma source(%arg15 : memref<80x128xf32, #tpu.memory_space<vmem>>) target(%dma_start3A_101 : memref<80x128xf32, #tpu.memory_space<vmem_shared>>) target_semaphore(%run_scoped3A : memref<!tpu.dma_semaphore, #tpu.memory_space<semaphore_mem>>)
      %dma_wait3A = arith.constant 0 : i32
      %dma_wait3A_102 = tpu.memref_slice %arg17[%add3A_28, %dma_wait3A] : memref<10240x128xf32, #tpu.memory_space<vmem_shared>> -> memref<80x128xf32, #tpu.memory_space<vmem_shared>>
      %dma_wait3A_103 = arith.constant 0 : i32
      %dma_wait3A_104 = tpu.memref_slice %arg17[%add3A_28, %dma_wait3A_103] : memref<10240x128xf32, #tpu.memory_space<vmem_shared>> -> memref<80x128xf32, #tpu.memory_space<vmem_shared>>
      tpu.wait_dma2 semaphore(%run_scoped3A : memref<!tpu.dma_semaphore, #tpu.memory_space<semaphore_mem>>) src(%arg15 : memref<80x128xf32, #tpu.memory_space<vmem>>) dst(%dma_wait3A_104 : memref<80x128xf32, #tpu.memory_space<vmem_shared>>)
      tpu.yield
    }) : () -> ()
    %mul3A_29 = arith.constant 640 : i32
    %mul3A_30 = arith.muli %arg1, %mul3A_29 : i32
    %add3A_31 = arith.constant 80 : i32
    %add3A_32 = arith.addi %mul3A_30, %add3A_31 : i32
    "tpu.region"() ({
      %run_scoped3A = tpu.sem_alloc : memref<!tpu.dma_semaphore, #tpu.memory_space<semaphore_mem>>
      %dma_start3A = arith.constant 0 : i32
      %dma_start3A_99 = tpu.memref_slice %arg17[%add3A_32, %dma_start3A] : memref<10240x128xf32, #tpu.memory_space<vmem_shared>> -> memref<80x128xf32, #tpu.memory_space<vmem_shared>>
      %dma_start3A_100 = arith.constant 0 : i32
      %dma_start3A_101 = tpu.memref_slice %arg17[%add3A_32, %dma_start3A_100] : memref<10240x128xf32, #tpu.memory_space<vmem_shared>> -> memref<80x128xf32, #tpu.memory_space<vmem_shared>>
      tpu.enqueue_dma source(%arg15 : memref<80x128xf32, #tpu.memory_space<vmem>>) target(%dma_start3A_101 : memref<80x128xf32, #tpu.memory_space<vmem_shared>>) target_semaphore(%run_scoped3A : memref<!tpu.dma_semaphore, #tpu.memory_space<semaphore_mem>>)
      %dma_wait3A = arith.constant 0 : i32
      %dma_wait3A_102 = tpu.memref_slice %arg17[%add3A_32, %dma_wait3A] : memref<10240x128xf32, #tpu.memory_space<vmem_shared>> -> memref<80x128xf32, #tpu.memory_space<vmem_shared>>
      %dma_wait3A_103 = arith.constant 0 : i32
      %dma_wait3A_104 = tpu.memref_slice %arg17[%add3A_32, %dma_wait3A_103] : memref<10240x128xf32, #tpu.memory_space<vmem_shared>> -> memref<80x128xf32, #tpu.memory_space<vmem_shared>>
      tpu.wait_dma2 semaphore(%run_scoped3A : memref<!tpu.dma_semaphore, #tpu.memory_space<semaphore_mem>>) src(%arg15 : memref<80x128xf32, #tpu.memory_space<vmem>>) dst(%dma_wait3A_104 : memref<80x128xf32, #tpu.memory_space<vmem_shared>>)
      tpu.yield
    }) : () -> ()
    %mul3A_33 = arith.constant 640 : i32
    %mul3A_34 = arith.muli %arg1, %mul3A_33 : i32
    %add3A_35 = arith.constant 160 : i32
    %add3A_36 = arith.addi %mul3A_34, %add3A_35 : i32
    "tpu.region"() ({
      %run_scoped3A = tpu.sem_alloc : memref<!tpu.dma_semaphore, #tpu.memory_space<semaphore_mem>>
      %dma_start3A = arith.constant 0 : i32
      %dma_start3A_99 = tpu.memref_slice %arg17[%add3A_36, %dma_start3A] : memref<10240x128xf32, #tpu.memory_space<vmem_shared>> -> memref<80x128xf32, #tpu.memory_space<vmem_shared>>
      %dma_start3A_100 = arith.constant 0 : i32
      %dma_start3A_101 = tpu.memref_slice %arg17[%add3A_36, %dma_start3A_100] : memref<10240x128xf32, #tpu.memory_space<vmem_shared>> -> memref<80x128xf32, #tpu.memory_space<vmem_shared>>
      tpu.enqueue_dma source(%arg15 : memref<80x128xf32, #tpu.memory_space<vmem>>) target(%dma_start3A_101 : memref<80x128xf32, #tpu.memory_space<vmem_shared>>) target_semaphore(%run_scoped3A : memref<!tpu.dma_semaphore, #tpu.memory_space<semaphore_mem>>)
      %dma_wait3A = arith.constant 0 : i32
      %dma_wait3A_102 = tpu.memref_slice %arg17[%add3A_36, %dma_wait3A] : memref<10240x128xf32, #tpu.memory_space<vmem_shared>> -> memref<80x128xf32, #tpu.memory_space<vmem_shared>>
      %dma_wait3A_103 = arith.constant 0 : i32
      %dma_wait3A_104 = tpu.memref_slice %arg17[%add3A_36, %dma_wait3A_103] : memref<10240x128xf32, #tpu.memory_space<vmem_shared>> -> memref<80x128xf32, #tpu.memory_space<vmem_shared>>
      tpu.wait_dma2 semaphore(%run_scoped3A : memref<!tpu.dma_semaphore, #tpu.memory_space<semaphore_mem>>) src(%arg15 : memref<80x128xf32, #tpu.memory_space<vmem>>) dst(%dma_wait3A_104 : memref<80x128xf32, #tpu.memory_space<vmem_shared>>)
      tpu.yield
    }) : () -> ()
    %mul3A_37 = arith.constant 640 : i32
    %mul3A_38 = arith.muli %arg1, %mul3A_37 : i32
    %add3A_39 = arith.constant 240 : i32
    %add3A_40 = arith.addi %mul3A_38, %add3A_39 : i32
    "tpu.region"() ({
      %run_scoped3A = tpu.sem_alloc : memref<!tpu.dma_semaphore, #tpu.memory_space<semaphore_mem>>
      %dma_start3A = arith.constant 0 : i32
      %dma_start3A_99 = tpu.memref_slice %arg17[%add3A_40, %dma_start3A] : memref<10240x128xf32, #tpu.memory_space<vmem_shared>> -> memref<80x128xf32, #tpu.memory_space<vmem_shared>>
      %dma_start3A_100 = arith.constant 0 : i32
      %dma_start3A_101 = tpu.memref_slice %arg17[%add3A_40, %dma_start3A_100] : memref<10240x128xf32, #tpu.memory_space<vmem_shared>> -> memref<80x128xf32, #tpu.memory_space<vmem_shared>>
      tpu.enqueue_dma source(%arg15 : memref<80x128xf32, #tpu.memory_space<vmem>>) target(%dma_start3A_101 : memref<80x128xf32, #tpu.memory_space<vmem_shared>>) target_semaphore(%run_scoped3A : memref<!tpu.dma_semaphore, #tpu.memory_space<semaphore_mem>>)
      %dma_wait3A = arith.constant 0 : i32
      %dma_wait3A_102 = tpu.memref_slice %arg17[%add3A_40, %dma_wait3A] : memref<10240x128xf32, #tpu.memory_space<vmem_shared>> -> memref<80x128xf32, #tpu.memory_space<vmem_shared>>
      %dma_wait3A_103 = arith.constant 0 : i32
      %dma_wait3A_104 = tpu.memref_slice %arg17[%add3A_40, %dma_wait3A_103] : memref<10240x128xf32, #tpu.memory_space<vmem_shared>> -> memref<80x128xf32, #tpu.memory_space<vmem_shared>>
      tpu.wait_dma2 semaphore(%run_scoped3A : memref<!tpu.dma_semaphore, #tpu.memory_space<semaphore_mem>>) src(%arg15 : memref<80x128xf32, #tpu.memory_space<vmem>>) dst(%dma_wait3A_104 : memref<80x128xf32, #tpu.memory_space<vmem_shared>>)
      tpu.yield
    }) : () -> ()
    %mul3A_41 = arith.constant 640 : i32
    %mul3A_42 = arith.muli %arg1, %mul3A_41 : i32
    %add3A_43 = arith.constant 320 : i32
    %add3A_44 = arith.addi %mul3A_42, %add3A_43 : i32
    "tpu.region"() ({
      %run_scoped3A = tpu.sem_alloc : memref<!tpu.dma_semaphore, #tpu.memory_space<semaphore_mem>>
      %dma_start3A = arith.constant 0 : i32
      %dma_start3A_99 = tpu.memref_slice %arg17[%add3A_44, %dma_start3A] : memref<10240x128xf32, #tpu.memory_space<vmem_shared>> -> memref<80x128xf32, #tpu.memory_space<vmem_shared>>
      %dma_start3A_100 = arith.constant 0 : i32
      %dma_start3A_101 = tpu.memref_slice %arg17[%add3A_44, %dma_start3A_100] : memref<10240x128xf32, #tpu.memory_space<vmem_shared>> -> memref<80x128xf32, #tpu.memory_space<vmem_shared>>
      tpu.enqueue_dma source(%arg15 : memref<80x128xf32, #tpu.memory_space<vmem>>) target(%dma_start3A_101 : memref<80x128xf32, #tpu.memory_space<vmem_shared>>) target_semaphore(%run_scoped3A : memref<!tpu.dma_semaphore, #tpu.memory_space<semaphore_mem>>)
      %dma_wait3A = arith.constant 0 : i32
      %dma_wait3A_102 = tpu.memref_slice %arg17[%add3A_44, %dma_wait3A] : memref<10240x128xf32, #tpu.memory_space<vmem_shared>> -> memref<80x128xf32, #tpu.memory_space<vmem_shared>>
      %dma_wait3A_103 = arith.constant 0 : i32
      %dma_wait3A_104 = tpu.memref_slice %arg17[%add3A_44, %dma_wait3A_103] : memref<10240x128xf32, #tpu.memory_space<vmem_shared>> -> memref<80x128xf32, #tpu.memory_space<vmem_shared>>
      tpu.wait_dma2 semaphore(%run_scoped3A : memref<!tpu.dma_semaphore, #tpu.memory_space<semaphore_mem>>) src(%arg15 : memref<80x128xf32, #tpu.memory_space<vmem>>) dst(%dma_wait3A_104 : memref<80x128xf32, #tpu.memory_space<vmem_shared>>)
      tpu.yield
    }) : () -> ()
    %mul3A_45 = arith.constant 640 : i32
    %mul3A_46 = arith.muli %arg1, %mul3A_45 : i32
    %add3A_47 = arith.constant 400 : i32
    %add3A_48 = arith.addi %mul3A_46, %add3A_47 : i32
    "tpu.region"() ({
      %run_scoped3A = tpu.sem_alloc : memref<!tpu.dma_semaphore, #tpu.memory_space<semaphore_mem>>
      %dma_start3A = arith.constant 0 : i32
      %dma_start3A_99 = tpu.memref_slice %arg17[%add3A_48, %dma_start3A] : memref<10240x128xf32, #tpu.memory_space<vmem_shared>> -> memref<80x128xf32, #tpu.memory_space<vmem_shared>>
      %dma_start3A_100 = arith.constant 0 : i32
      %dma_start3A_101 = tpu.memref_slice %arg17[%add3A_48, %dma_start3A_100] : memref<10240x128xf32, #tpu.memory_space<vmem_shared>> -> memref<80x128xf32, #tpu.memory_space<vmem_shared>>
      tpu.enqueue_dma source(%arg15 : memref<80x128xf32, #tpu.memory_space<vmem>>) target(%dma_start3A_101 : memref<80x128xf32, #tpu.memory_space<vmem_shared>>) target_semaphore(%run_scoped3A : memref<!tpu.dma_semaphore, #tpu.memory_space<semaphore_mem>>)
      %dma_wait3A = arith.constant 0 : i32
      %dma_wait3A_102 = tpu.memref_slice %arg17[%add3A_48, %dma_wait3A] : memref<10240x128xf32, #tpu.memory_space<vmem_shared>> -> memref<80x128xf32, #tpu.memory_space<vmem_shared>>
      %dma_wait3A_103 = arith.constant 0 : i32
      %dma_wait3A_104 = tpu.memref_slice %arg17[%add3A_48, %dma_wait3A_103] : memref<10240x128xf32, #tpu.memory_space<vmem_shared>> -> memref<80x128xf32, #tpu.memory_space<vmem_shared>>
      tpu.wait_dma2 semaphore(%run_scoped3A : memref<!tpu.dma_semaphore, #tpu.memory_space<semaphore_mem>>) src(%arg15 : memref<80x128xf32, #tpu.memory_space<vmem>>) dst(%dma_wait3A_104 : memref<80x128xf32, #tpu.memory_space<vmem_shared>>)
      tpu.yield
    }) : () -> ()
    %mul3A_49 = arith.constant 640 : i32
    %mul3A_50 = arith.muli %arg1, %mul3A_49 : i32
    %add3A_51 = arith.constant 480 : i32
    %add3A_52 = arith.addi %mul3A_50, %add3A_51 : i32
    "tpu.region"() ({
      %run_scoped3A = tpu.sem_alloc : memref<!tpu.dma_semaphore, #tpu.memory_space<semaphore_mem>>
      %dma_start3A = arith.constant 0 : i32
      %dma_start3A_99 = tpu.memref_slice %arg17[%add3A_52, %dma_start3A] : memref<10240x128xf32, #tpu.memory_space<vmem_shared>> -> memref<80x128xf32, #tpu.memory_space<vmem_shared>>
      %dma_start3A_100 = arith.constant 0 : i32
      %dma_start3A_101 = tpu.memref_slice %arg17[%add3A_52, %dma_start3A_100] : memref<10240x128xf32, #tpu.memory_space<vmem_shared>> -> memref<80x128xf32, #tpu.memory_space<vmem_shared>>
      tpu.enqueue_dma source(%arg15 : memref<80x128xf32, #tpu.memory_space<vmem>>) target(%dma_start3A_101 : memref<80x128xf32, #tpu.memory_space<vmem_shared>>) target_semaphore(%run_scoped3A : memref<!tpu.dma_semaphore, #tpu.memory_space<semaphore_mem>>)
      %dma_wait3A = arith.constant 0 : i32
      %dma_wait3A_102 = tpu.memref_slice %arg17[%add3A_52, %dma_wait3A] : memref<10240x128xf32, #tpu.memory_space<vmem_shared>> -> memref<80x128xf32, #tpu.memory_space<vmem_shared>>
      %dma_wait3A_103 = arith.constant 0 : i32
      %dma_wait3A_104 = tpu.memref_slice %arg17[%add3A_52, %dma_wait3A_103] : memref<10240x128xf32, #tpu.memory_space<vmem_shared>> -> memref<80x128xf32, #tpu.memory_space<vmem_shared>>
      tpu.wait_dma2 semaphore(%run_scoped3A : memref<!tpu.dma_semaphore, #tpu.memory_space<semaphore_mem>>) src(%arg15 : memref<80x128xf32, #tpu.memory_space<vmem>>) dst(%dma_wait3A_104 : memref<80x128xf32, #tpu.memory_space<vmem_shared>>)
      tpu.yield
    }) : () -> ()
    %mul3A_53 = arith.constant 640 : i32
    %mul3A_54 = arith.muli %arg1, %mul3A_53 : i32
    %add3A_55 = arith.constant 560 : i32
    %add3A_56 = arith.addi %mul3A_54, %add3A_55 : i32
    "tpu.region"() ({
      %run_scoped3A = tpu.sem_alloc : memref<!tpu.dma_semaphore, #tpu.memory_space<semaphore_mem>>
      %dma_start3A = arith.constant 0 : i32
      %dma_start3A_99 = tpu.memref_slice %arg17[%add3A_56, %dma_start3A] : memref<10240x128xf32, #tpu.memory_space<vmem_shared>> -> memref<80x128xf32, #tpu.memory_space<vmem_shared>>
      %dma_start3A_100 = arith.constant 0 : i32
      %dma_start3A_101 = tpu.memref_slice %arg17[%add3A_56, %dma_start3A_100] : memref<10240x128xf32, #tpu.memory_space<vmem_shared>> -> memref<80x128xf32, #tpu.memory_space<vmem_shared>>
      tpu.enqueue_dma source(%arg15 : memref<80x128xf32, #tpu.memory_space<vmem>>) target(%dma_start3A_101 : memref<80x128xf32, #tpu.memory_space<vmem_shared>>) target_semaphore(%run_scoped3A : memref<!tpu.dma_semaphore, #tpu.memory_space<semaphore_mem>>)
      %dma_wait3A = arith.constant 0 : i32
      %dma_wait3A_102 = tpu.memref_slice %arg17[%add3A_56, %dma_wait3A] : memref<10240x128xf32, #tpu.memory_space<vmem_shared>> -> memref<80x128xf32, #tpu.memory_space<vmem_shared>>
      %dma_wait3A_103 = arith.constant 0 : i32
      %dma_wait3A_104 = tpu.memref_slice %arg17[%add3A_56, %dma_wait3A_103] : memref<10240x128xf32, #tpu.memory_space<vmem_shared>> -> memref<80x128xf32, #tpu.memory_space<vmem_shared>>
      tpu.wait_dma2 semaphore(%run_scoped3A : memref<!tpu.dma_semaphore, #tpu.memory_space<semaphore_mem>>) src(%arg15 : memref<80x128xf32, #tpu.memory_space<vmem>>) dst(%dma_wait3A_104 : memref<80x128xf32, #tpu.memory_space<vmem_shared>>)
      tpu.yield
    }) : () -> ()
    %barrier3A = arith.constant 0 : index
    tpu.barrier barrier_id(%barrier3A)
    %scan3A_57 = arith.constant 0 : i32
    %scan3A_58 = arith.constant 0 : i32
    %scan3A_59 = arith.constant 125 : i32
    %scan3A_60 = arith.addi %scan3A_58, %scan3A_59 : i32
    %scan3A_61 = arith.constant 1 : i32
    scf.for %scan3A_99 = %scan3A_58 to %scan3A_60 step %scan3A_61  : i32 {
      %mul3A_100 = arith.constant 125 : i32
      %mul3A_101 = arith.muli %add3A, %mul3A_100 : i32
      %add3A_102 = arith.addi %mul3A_101, %scan3A_99 : i32
      %mul3A_103 = arith.constant 80 : i32
      %mul3A_104 = arith.muli %add3A_102, %mul3A_103 : i32
      "tpu.region"() ({
        %run_scoped3A = tpu.sem_alloc : memref<!tpu.dma_semaphore, #tpu.memory_space<semaphore_mem>>
        %dma_start3A_135 = tpu.memref_slice %arg7[%mul3A_104] : memref<320000xi32, #tpu.memory_space<hbm>> -> memref<80xi32, #tpu.memory_space<hbm>>
        %dma_start3A_136 = tpu.memref_slice %arg7[%mul3A_104] : memref<320000xi32, #tpu.memory_space<hbm>> -> memref<80xi32, #tpu.memory_space<hbm>>
        tpu.enqueue_dma source(%dma_start3A_136 : memref<80xi32, #tpu.memory_space<hbm>>) target(%arg10 : memref<80xi32, #tpu.memory_space<vmem>>) target_semaphore(%run_scoped3A : memref<!tpu.dma_semaphore, #tpu.memory_space<semaphore_mem>>)
        %dma_wait3A_137 = tpu.memref_slice %arg7[%mul3A_104] : memref<320000xi32, #tpu.memory_space<hbm>> -> memref<80xi32, #tpu.memory_space<hbm>>
        %dma_wait3A_138 = tpu.memref_slice %arg7[%mul3A_104] : memref<320000xi32, #tpu.memory_space<hbm>> -> memref<80xi32, #tpu.memory_space<hbm>>
        tpu.wait_dma2 semaphore(%run_scoped3A : memref<!tpu.dma_semaphore, #tpu.memory_space<semaphore_mem>>) src(%dma_wait3A_138 : memref<80xi32, #tpu.memory_space<hbm>>) dst(%arg10 : memref<80xi32, #tpu.memory_space<vmem>>)
        tpu.yield
      }) : () -> ()
      "tpu.region"() ({
        %run_scoped3A = tpu.sem_alloc : memref<!tpu.dma_semaphore, #tpu.memory_space<semaphore_mem>>
        %dma_start3A_135 = tpu.memref_slice %arg8[%mul3A_104] : memref<320000xi32, #tpu.memory_space<hbm>> -> memref<80xi32, #tpu.memory_space<hbm>>
        %dma_start3A_136 = tpu.memref_slice %arg8[%mul3A_104] : memref<320000xi32, #tpu.memory_space<hbm>> -> memref<80xi32, #tpu.memory_space<hbm>>
        tpu.enqueue_dma source(%dma_start3A_136 : memref<80xi32, #tpu.memory_space<hbm>>) target(%arg11 : memref<80xi32, #tpu.memory_space<vmem>>) target_semaphore(%run_scoped3A : memref<!tpu.dma_semaphore, #tpu.memory_space<semaphore_mem>>)
        %dma_wait3A_137 = tpu.memref_slice %arg8[%mul3A_104] : memref<320000xi32, #tpu.memory_space<hbm>> -> memref<80xi32, #tpu.memory_space<hbm>>
        %dma_wait3A_138 = tpu.memref_slice %arg8[%mul3A_104] : memref<320000xi32, #tpu.memory_space<hbm>> -> memref<80xi32, #tpu.memory_space<hbm>>
        tpu.wait_dma2 semaphore(%run_scoped3A : memref<!tpu.dma_semaphore, #tpu.memory_space<semaphore_mem>>) src(%dma_wait3A_138 : memref<80xi32, #tpu.memory_space<hbm>>) dst(%arg11 : memref<80xi32, #tpu.memory_space<vmem>>)
        tpu.yield
      }) : () -> ()
      %dma_start3A = arith.constant 0 : i32
      %dma_start3A_105 = arith.constant 0 : i32
      %dma_start3A_106 = tpu.memref_slice %arg2[%dma_start3A, %dma_start3A_105] : memref<10000x128xf32, #tpu.memory_space<hbm>> -> memref<10000x128xf32, #tpu.memory_space<hbm>>
      tpu.enqueue_indirect_dma source(%dma_start3A_106 : memref<10000x128xf32, #tpu.memory_space<hbm>>) target(%arg13 : memref<80x128xf32, #tpu.memory_space<vmem>>) offsets(%arg11 : memref<80xi32, #tpu.memory_space<vmem>>) semaphore(%arg18 : memref<!tpu.dma_semaphore, #tpu.memory_space<semaphore_mem>>)
      %dma_start3A_107 = arith.constant 0 : i32
      %dma_start3A_108 = arith.constant 0 : i32
      %dma_start3A_109 = tpu.memref_slice %arg3[%dma_start3A_107, %dma_start3A_108] : memref<10000x128xf32, #tpu.memory_space<hbm>> -> memref<10000x128xf32, #tpu.memory_space<hbm>>
      tpu.enqueue_indirect_dma source(%dma_start3A_109 : memref<10000x128xf32, #tpu.memory_space<hbm>>) target(%arg14 : memref<80x128xf32, #tpu.memory_space<vmem>>) offsets(%arg10 : memref<80xi32, #tpu.memory_space<vmem>>) semaphore(%arg19 : memref<!tpu.dma_semaphore, #tpu.memory_space<semaphore_mem>>)
      %dma_start3A_110 = arith.constant 0 : i32
      %dma_start3A_111 = arith.constant 0 : i32
      %dma_start3A_112 = tpu.memref_slice %arg4[%dma_start3A_110, %dma_start3A_111] : memref<10000x128xf32, #tpu.memory_space<hbm>> -> memref<10000x128xf32, #tpu.memory_space<hbm>>
      tpu.enqueue_indirect_dma source(%dma_start3A_112 : memref<10000x128xf32, #tpu.memory_space<hbm>>) target(%arg15 : memref<80x128xf32, #tpu.memory_space<vmem>>) offsets(%arg10 : memref<80xi32, #tpu.memory_space<vmem>>) semaphore(%arg20 : memref<!tpu.dma_semaphore, #tpu.memory_space<semaphore_mem>>)
      %dma_start3A_113 = arith.constant 0 : i32
      %dma_start3A_114 = tpu.memref_slice %arg5[%mul3A_104, %dma_start3A_113] : memref<320000x128xf32, #tpu.memory_space<hbm>> -> memref<80x128xf32, #tpu.memory_space<hbm>>
      %dma_start3A_115 = arith.constant 0 : i32
      %dma_start3A_116 = tpu.memref_slice %arg5[%mul3A_104, %dma_start3A_115] : memref<320000x128xf32, #tpu.memory_space<hbm>> -> memref<80x128xf32, #tpu.memory_space<hbm>>
      tpu.enqueue_dma source(%dma_start3A_116 : memref<80x128xf32, #tpu.memory_space<hbm>>) target(%arg16 : memref<80x128xf32, #tpu.memory_space<vmem>>) target_semaphore(%arg21 : memref<!tpu.dma_semaphore, #tpu.memory_space<semaphore_mem>>)
      "tpu.region"() ({
        %run_scoped3A = tpu.sem_alloc : memref<!tpu.dma_semaphore, #tpu.memory_space<semaphore_mem>>
        %dma_start3A_135 = arith.constant 0 : i32
        %dma_start3A_136 = tpu.memref_slice %arg6[%add3A_102, %dma_start3A_135] : memref<4000x128xf32, #tpu.memory_space<hbm>> -> memref<1x128xf32, #tpu.memory_space<hbm>>
        %dma_start3A_137 = arith.constant 0 : i32
        %dma_start3A_138 = tpu.memref_slice %arg6[%add3A_102, %dma_start3A_137] : memref<4000x128xf32, #tpu.memory_space<hbm>> -> memref<1x128xf32, #tpu.memory_space<hbm>>
        tpu.enqueue_dma source(%dma_start3A_138 : memref<1x128xf32, #tpu.memory_space<hbm>>) target(%arg12 : memref<1x128xf32, #tpu.memory_space<vmem>>) target_semaphore(%run_scoped3A : memref<!tpu.dma_semaphore, #tpu.memory_space<semaphore_mem>>)
        %dma_wait3A_139 = arith.constant 0 : i32
        %dma_wait3A_140 = tpu.memref_slice %arg6[%add3A_102, %dma_wait3A_139] : memref<4000x128xf32, #tpu.memory_space<hbm>> -> memref<1x128xf32, #tpu.memory_space<hbm>>
        %dma_wait3A_141 = arith.constant 0 : i32
        %dma_wait3A_142 = tpu.memref_slice %arg6[%add3A_102, %dma_wait3A_141] : memref<4000x128xf32, #tpu.memory_space<hbm>> -> memref<1x128xf32, #tpu.memory_space<hbm>>
        tpu.wait_dma2 semaphore(%run_scoped3A : memref<!tpu.dma_semaphore, #tpu.memory_space<semaphore_mem>>) src(%dma_wait3A_142 : memref<1x128xf32, #tpu.memory_space<hbm>>) dst(%arg12 : memref<1x128xf32, #tpu.memory_space<vmem>>)
        tpu.yield
      }) : () -> ()
      %dma_wait3A = arith.constant 0 : i32
      %dma_wait3A_117 = arith.constant 0 : i32
      %dma_wait3A_118 = tpu.memref_slice %arg2[%dma_wait3A, %dma_wait3A_117] : memref<10000x128xf32, #tpu.memory_space<hbm>> -> memref<10000x128xf32, #tpu.memory_space<hbm>>
      tpu.wait_indirect_dma semaphore(%arg18 : memref<!tpu.dma_semaphore, #tpu.memory_space<semaphore_mem>>) src(%dma_wait3A_118 : memref<10000x128xf32, #tpu.memory_space<hbm>>) dst(%arg13 : memref<80x128xf32, #tpu.memory_space<vmem>>)
      %dma_wait3A_119 = arith.constant 0 : i32
      %dma_wait3A_120 = arith.constant 0 : i32
      %dma_wait3A_121 = tpu.memref_slice %arg3[%dma_wait3A_119, %dma_wait3A_120] : memref<10000x128xf32, #tpu.memory_space<hbm>> -> memref<10000x128xf32, #tpu.memory_space<hbm>>
      tpu.wait_indirect_dma semaphore(%arg19 : memref<!tpu.dma_semaphore, #tpu.memory_space<semaphore_mem>>) src(%dma_wait3A_121 : memref<10000x128xf32, #tpu.memory_space<hbm>>) dst(%arg14 : memref<80x128xf32, #tpu.memory_space<vmem>>)
      %dma_wait3A_122 = arith.constant 0 : i32
      %dma_wait3A_123 = arith.constant 0 : i32
      %dma_wait3A_124 = tpu.memref_slice %arg4[%dma_wait3A_122, %dma_wait3A_123] : memref<10000x128xf32, #tpu.memory_space<hbm>> -> memref<10000x128xf32, #tpu.memory_space<hbm>>
      tpu.wait_indirect_dma semaphore(%arg20 : memref<!tpu.dma_semaphore, #tpu.memory_space<semaphore_mem>>) src(%dma_wait3A_124 : memref<10000x128xf32, #tpu.memory_space<hbm>>) dst(%arg15 : memref<80x128xf32, #tpu.memory_space<vmem>>)
      %dma_wait3A_125 = arith.constant 0 : i32
      %dma_wait3A_126 = tpu.memref_slice %arg5[%mul3A_104, %dma_wait3A_125] : memref<320000x128xf32, #tpu.memory_space<hbm>> -> memref<80x128xf32, #tpu.memory_space<hbm>>
      %dma_wait3A_127 = arith.constant 0 : i32
      %dma_wait3A_128 = tpu.memref_slice %arg5[%mul3A_104, %dma_wait3A_127] : memref<320000x128xf32, #tpu.memory_space<hbm>> -> memref<80x128xf32, #tpu.memory_space<hbm>>
      tpu.wait_dma2 semaphore(%arg21 : memref<!tpu.dma_semaphore, #tpu.memory_space<semaphore_mem>>) src(%dma_wait3A_128 : memref<80x128xf32, #tpu.memory_space<hbm>>) dst(%arg16 : memref<80x128xf32, #tpu.memory_space<vmem>>)
      %scan3A_129 = arith.constant 0 : i32
      %scan3A_130 = arith.constant 0 : i32
      %scan3A_131 = arith.constant 80 : i32
      %scan3A_132 = arith.addi %scan3A_130, %scan3A_131 : i32
      %scan3A_133 = arith.constant 1 : i32
      scf.for %scan3A_135 = %scan3A_130 to %scan3A_132 step %scan3A_133  : i32 {
        %get3A = arith.constant 0 : i32
        %get3A_136 = arith.index_cast %get3A : i32 to index
        %get3A_137 = arith.index_cast %scan3A_135 : i32 to index
        %get3A_138 = tpu.vector_load %arg12[%get3A_136, %get3A_137] {strides = array<i32>} : memref<1x128xf32, #tpu.memory_space<vmem>>, vector<1x16xf32>,
        %get3A_139 = vector.shape_cast %get3A_138 : vector<1x16xf32> to vector<16xf32>
        %gather3A = vector.shape_cast %broadcast_in_dim3A_17 : vector<16x1xi32> to vector<16xi32>
        %gather3A_140 = tpu.dynamic_gather %get3A_139[%gather3A] in [0] : vector<16xf32>, vector<16xi32> -> vector<16xf32>
        %get3A_141 = arith.index_cast %scan3A_135 : i32 to index
        %get3A_142 = arith.constant 0 : index
        %get3A_143 = tpu.vector_load %arg13[%get3A_141, %get3A_142] {strides = array<i32>} : memref<80x128xf32, #tpu.memory_space<vmem>>, vector<1x16xf32>,
        %get3A_144 = vector.shape_cast %get3A_143 : vector<1x16xf32> to vector<16xf32>
        %get3A_145 = arith.index_cast %scan3A_135 : i32 to index
        %get3A_146 = arith.constant 0 : index
        %get3A_147 = tpu.vector_load %arg14[%get3A_145, %get3A_146] {strides = array<i32>} : memref<80x128xf32, #tpu.memory_space<vmem>>, vector<1x16xf32>,
        %get3A_148 = vector.shape_cast %get3A_147 : vector<1x16xf32> to vector<16xf32>
        %get3A_149 = arith.index_cast %scan3A_135 : i32 to index
        %get3A_150 = arith.constant 0 : index
        %get3A_151 = tpu.vector_load %arg16[%get3A_149, %get3A_150] {strides = array<i32>} : memref<80x128xf32, #tpu.memory_space<vmem>>, vector<1x16xf32>,
        %get3A_152 = vector.shape_cast %get3A_151 : vector<1x16xf32> to vector<16xf32>
        %add3A_153 = arith.addf %get3A_148, %get3A_152 : vector<16xf32>
        %mul3A_154 = arith.mulf %get3A_144, %add3A_153 : vector<16xf32>
        %gather3A_155 = vector.shape_cast %broadcast_in_dim3A : vector<16x1xi32> to vector<16xi32>
        %gather3A_156 = tpu.dynamic_gather %mul3A_154[%gather3A_155] in [0] : vector<16xf32>, vector<16xi32> -> vector<16xf32>
        %add3A_157 = arith.addf %mul3A_154, %gather3A_156 : vector<16xf32>
        %gather3A_158 = vector.shape_cast %broadcast_in_dim3A_6 : vector<16x1xi32> to vector<16xi32>
        %gather3A_159 = tpu.dynamic_gather %add3A_157[%gather3A_158] in [0] : vector<16xf32>, vector<16xi32> -> vector<16xf32>
        %add3A_160 = arith.addf %add3A_157, %gather3A_159 : vector<16xf32>
        %gather3A_161 = vector.shape_cast %broadcast_in_dim3A_10 : vector<16x1xi32> to vector<16xi32>
        %gather3A_162 = tpu.dynamic_gather %add3A_160[%gather3A_161] in [0] : vector<16xf32>, vector<16xi32> -> vector<16xf32>
        %add3A_163 = arith.addf %add3A_160, %gather3A_162 : vector<16xf32>
        %gather3A_164 = vector.shape_cast %broadcast_in_dim3A_14 : vector<16x1xi32> to vector<16xi32>
        %gather3A_165 = tpu.dynamic_gather %add3A_163[%gather3A_164] in [0] : vector<16xf32>, vector<16xi32> -> vector<16xf32>
        %add3A_166 = arith.addf %add3A_163, %gather3A_165 : vector<16xf32>
        %get3A_167 = arith.index_cast %scan3A_135 : i32 to index
        %get3A_168 = arith.constant 0 : index
        %get3A_169 = tpu.vector_load %arg15[%get3A_167, %get3A_168] {strides = array<i32>} : memref<80x128xf32, #tpu.memory_space<vmem>>, vector<1x16xf32>,
        %get3A_170 = vector.shape_cast %get3A_169 : vector<1x16xf32> to vector<16xf32>
        %add3A_171 = arith.addf %get3A_170, %get3A_152 : vector<16xf32>
        %mul3A_172 = arith.mulf %add3A_166, %gather3A_140 : vector<16xf32>
        %mul3A_173 = arith.mulf %add3A_171, %mul3A_172 : vector<16xf32>
        %swap3A = arith.index_cast %scan3A_135 : i32 to index
        %swap3A_174 = arith.constant 0 : index
        %swap3A_175 = tpu.vector_load %arg15[%swap3A, %swap3A_174] {strides = array<i32>} : memref<80x128xf32, #tpu.memory_space<vmem>>, vector<1x16xf32>,
        %swap3A_176 = vector.shape_cast %swap3A_175 : vector<1x16xf32> to vector<16xf32>
        %swap3A_177 = vector.shape_cast %mul3A_173 : vector<16xf32> to vector<1x16xf32>
        tpu.vector_store %arg15[%swap3A, %swap3A_174], %swap3A_177 {strides = array<i32>} : memref<80x128xf32, #tpu.memory_space<vmem>>, vector<1x16xf32>,
        %get3A_178 = arith.index_cast %scan3A_135 : i32 to index
        %get3A_179 = arith.constant 16 : index
        %get3A_180 = tpu.vector_load %arg13[%get3A_178, %get3A_179] {strides = array<i32>} : memref<80x128xf32, #tpu.memory_space<vmem>>, vector<1x16xf32>,
        %get3A_181 = vector.shape_cast %get3A_180 : vector<1x16xf32> to vector<16xf32>
        %get3A_182 = arith.index_cast %scan3A_135 : i32 to index
        %get3A_183 = arith.constant 16 : index
        %get3A_184 = tpu.vector_load %arg14[%get3A_182, %get3A_183] {strides = array<i32>} : memref<80x128xf32, #tpu.memory_space<vmem>>, vector<1x16xf32>,
        %get3A_185 = vector.shape_cast %get3A_184 : vector<1x16xf32> to vector<16xf32>
        %get3A_186 = arith.index_cast %scan3A_135 : i32 to index
        %get3A_187 = arith.constant 16 : index
        %get3A_188 = tpu.vector_load %arg16[%get3A_186, %get3A_187] {strides = array<i32>} : memref<80x128xf32, #tpu.memory_space<vmem>>, vector<1x16xf32>,
        %get3A_189 = vector.shape_cast %get3A_188 : vector<1x16xf32> to vector<16xf32>
        %add3A_190 = arith.addf %get3A_185, %get3A_189 : vector<16xf32>
        %mul3A_191 = arith.mulf %get3A_181, %add3A_190 : vector<16xf32>
        %gather3A_192 = vector.shape_cast %broadcast_in_dim3A : vector<16x1xi32> to vector<16xi32>
        %gather3A_193 = tpu.dynamic_gather %mul3A_191[%gather3A_192] in [0] : vector<16xf32>, vector<16xi32> -> vector<16xf32>
        %add3A_194 = arith.addf %mul3A_191, %gather3A_193 : vector<16xf32>
        %gather3A_195 = vector.shape_cast %broadcast_in_dim3A_6 : vector<16x1xi32> to vector<16xi32>
        %gather3A_196 = tpu.dynamic_gather %add3A_194[%gather3A_195] in [0] : vector<16xf32>, vector<16xi32> -> vector<16xf32>
        %add3A_197 = arith.addf %add3A_194, %gather3A_196 : vector<16xf32>
        %gather3A_198 = vector.shape_cast %broadcast_in_dim3A_10 : vector<16x1xi32> to vector<16xi32>
        %gather3A_199 = tpu.dynamic_gather %add3A_197[%gather3A_198] in [0] : vector<16xf32>, vector<16xi32> -> vector<16xf32>
        %add3A_200 = arith.addf %add3A_197, %gather3A_199 : vector<16xf32>
        %gather3A_201 = vector.shape_cast %broadcast_in_dim3A_14 : vector<16x1xi32> to vector<16xi32>
        %gather3A_202 = tpu.dynamic_gather %add3A_200[%gather3A_201] in [0] : vector<16xf32>, vector<16xi32> -> vector<16xf32>
        %add3A_203 = arith.addf %add3A_200, %gather3A_202 : vector<16xf32>
        %get3A_204 = arith.index_cast %scan3A_135 : i32 to index
        %get3A_205 = arith.constant 16 : index
        %get3A_206 = tpu.vector_load %arg15[%get3A_204, %get3A_205] {strides = array<i32>} : memref<80x128xf32, #tpu.memory_space<vmem>>, vector<1x16xf32>,
        %get3A_207 = vector.shape_cast %get3A_206 : vector<1x16xf32> to vector<16xf32>
        %add3A_208 = arith.addf %get3A_207, %get3A_189 : vector<16xf32>
        %mul3A_209 = arith.mulf %add3A_203, %gather3A_140 : vector<16xf32>
        %mul3A_210 = arith.mulf %add3A_208, %mul3A_209 : vector<16xf32>
        %swap3A_211 = arith.index_cast %scan3A_135 : i32 to index
        %swap3A_212 = arith.constant 16 : index
        %swap3A_213 = tpu.vector_load %arg15[%swap3A_211, %swap3A_212] {strides = array<i32>} : memref<80x128xf32, #tpu.memory_space<vmem>>, vector<1x16xf32>,
        %swap3A_214 = vector.shape_cast %swap3A_213 : vector<1x16xf32> to vector<16xf32>
        %swap3A_215 = vector.shape_cast %mul3A_210 : vector<16xf32> to vector<1x16xf32>
        tpu.vector_store %arg15[%swap3A_211, %swap3A_212], %swap3A_215 {strides = array<i32>} : memref<80x128xf32, #tpu.memory_space<vmem>>, vector<1x16xf32>,
        %get3A_216 = arith.index_cast %scan3A_135 : i32 to index
        %get3A_217 = arith.constant 32 : index
        %get3A_218 = tpu.vector_load %arg13[%get3A_216, %get3A_217] {strides = array<i32>} : memref<80x128xf32, #tpu.memory_space<vmem>>, vector<1x16xf32>,
        %get3A_219 = vector.shape_cast %get3A_218 : vector<1x16xf32> to vector<16xf32>
        %get3A_220 = arith.index_cast %scan3A_135 : i32 to index
        %get3A_221 = arith.constant 32 : index
        %get3A_222 = tpu.vector_load %arg14[%get3A_220, %get3A_221] {strides = array<i32>} : memref<80x128xf32, #tpu.memory_space<vmem>>, vector<1x16xf32>,
        %get3A_223 = vector.shape_cast %get3A_222 : vector<1x16xf32> to vector<16xf32>
        %get3A_224 = arith.index_cast %scan3A_135 : i32 to index
        %get3A_225 = arith.constant 32 : index
        %get3A_226 = tpu.vector_load %arg16[%get3A_224, %get3A_225] {strides = array<i32>} : memref<80x128xf32, #tpu.memory_space<vmem>>, vector<1x16xf32>,
        %get3A_227 = vector.shape_cast %get3A_226 : vector<1x16xf32> to vector<16xf32>
        %add3A_228 = arith.addf %get3A_223, %get3A_227 : vector<16xf32>
        %mul3A_229 = arith.mulf %get3A_219, %add3A_228 : vector<16xf32>
        %gather3A_230 = vector.shape_cast %broadcast_in_dim3A : vector<16x1xi32> to vector<16xi32>
        %gather3A_231 = tpu.dynamic_gather %mul3A_229[%gather3A_230] in [0] : vector<16xf32>, vector<16xi32> -> vector<16xf32>
        %add3A_232 = arith.addf %mul3A_229, %gather3A_231 : vector<16xf32>
        %gather3A_233 = vector.shape_cast %broadcast_in_dim3A_6 : vector<16x1xi32> to vector<16xi32>
        %gather3A_234 = tpu.dynamic_gather %add3A_232[%gather3A_233] in [0] : vector<16xf32>, vector<16xi32> -> vector<16xf32>
        %add3A_235 = arith.addf %add3A_232, %gather3A_234 : vector<16xf32>
        %gather3A_236 = vector.shape_cast %broadcast_in_dim3A_10 : vector<16x1xi32> to vector<16xi32>
        %gather3A_237 = tpu.dynamic_gather %add3A_235[%gather3A_236] in [0] : vector<16xf32>, vector<16xi32> -> vector<16xf32>
        %add3A_238 = arith.addf %add3A_235, %gather3A_237 : vector<16xf32>
        %gather3A_239 = vector.shape_cast %broadcast_in_dim3A_14 : vector<16x1xi32> to vector<16xi32>
        %gather3A_240 = tpu.dynamic_gather %add3A_238[%gather3A_239] in [0] : vector<16xf32>, vector<16xi32> -> vector<16xf32>
        %add3A_241 = arith.addf %add3A_238, %gather3A_240 : vector<16xf32>
        %get3A_242 = arith.index_cast %scan3A_135 : i32 to index
        %get3A_243 = arith.constant 32 : index
        %get3A_244 = tpu.vector_load %arg15[%get3A_242, %get3A_243] {strides = array<i32>} : memref<80x128xf32, #tpu.memory_space<vmem>>, vector<1x16xf32>,
        %get3A_245 = vector.shape_cast %get3A_244 : vector<1x16xf32> to vector<16xf32>
        %add3A_246 = arith.addf %get3A_245, %get3A_227 : vector<16xf32>
        %mul3A_247 = arith.mulf %add3A_241, %gather3A_140 : vector<16xf32>
        %mul3A_248 = arith.mulf %add3A_246, %mul3A_247 : vector<16xf32>
        %swap3A_249 = arith.index_cast %scan3A_135 : i32 to index
        %swap3A_250 = arith.constant 32 : index
        %swap3A_251 = tpu.vector_load %arg15[%swap3A_249, %swap3A_250] {strides = array<i32>} : memref<80x128xf32, #tpu.memory_space<vmem>>, vector<1x16xf32>,
        %swap3A_252 = vector.shape_cast %swap3A_251 : vector<1x16xf32> to vector<16xf32>
        %swap3A_253 = vector.shape_cast %mul3A_248 : vector<16xf32> to vector<1x16xf32>
        tpu.vector_store %arg15[%swap3A_249, %swap3A_250], %swap3A_253 {strides = array<i32>} : memref<80x128xf32, #tpu.memory_space<vmem>>, vector<1x16xf32>,
        %get3A_254 = arith.index_cast %scan3A_135 : i32 to index
        %get3A_255 = arith.constant 48 : index
        %get3A_256 = tpu.vector_load %arg13[%get3A_254, %get3A_255] {strides = array<i32>} : memref<80x128xf32, #tpu.memory_space<vmem>>, vector<1x16xf32>,
        %get3A_257 = vector.shape_cast %get3A_256 : vector<1x16xf32> to vector<16xf32>
        %get3A_258 = arith.index_cast %scan3A_135 : i32 to index
        %get3A_259 = arith.constant 48 : index
        %get3A_260 = tpu.vector_load %arg14[%get3A_258, %get3A_259] {strides = array<i32>} : memref<80x128xf32, #tpu.memory_space<vmem>>, vector<1x16xf32>,
        %get3A_261 = vector.shape_cast %get3A_260 : vector<1x16xf32> to vector<16xf32>
        %get3A_262 = arith.index_cast %scan3A_135 : i32 to index
        %get3A_263 = arith.constant 48 : index
        %get3A_264 = tpu.vector_load %arg16[%get3A_262, %get3A_263] {strides = array<i32>} : memref<80x128xf32, #tpu.memory_space<vmem>>, vector<1x16xf32>,
        %get3A_265 = vector.shape_cast %get3A_264 : vector<1x16xf32> to vector<16xf32>
        %add3A_266 = arith.addf %get3A_261, %get3A_265 : vector<16xf32>
        %mul3A_267 = arith.mulf %get3A_257, %add3A_266 : vector<16xf32>
        %gather3A_268 = vector.shape_cast %broadcast_in_dim3A : vector<16x1xi32> to vector<16xi32>
        %gather3A_269 = tpu.dynamic_gather %mul3A_267[%gather3A_268] in [0] : vector<16xf32>, vector<16xi32> -> vector<16xf32>
        %add3A_270 = arith.addf %mul3A_267, %gather3A_269 : vector<16xf32>
        %gather3A_271 = vector.shape_cast %broadcast_in_dim3A_6 : vector<16x1xi32> to vector<16xi32>
        %gather3A_272 = tpu.dynamic_gather %add3A_270[%gather3A_271] in [0] : vector<16xf32>, vector<16xi32> -> vector<16xf32>
        %add3A_273 = arith.addf %add3A_270, %gather3A_272 : vector<16xf32>
        %gather3A_274 = vector.shape_cast %broadcast_in_dim3A_10 : vector<16x1xi32> to vector<16xi32>
        %gather3A_275 = tpu.dynamic_gather %add3A_273[%gather3A_274] in [0] : vector<16xf32>, vector<16xi32> -> vector<16xf32>
        %add3A_276 = arith.addf %add3A_273, %gather3A_275 : vector<16xf32>
        %gather3A_277 = vector.shape_cast %broadcast_in_dim3A_14 : vector<16x1xi32> to vector<16xi32>
        %gather3A_278 = tpu.dynamic_gather %add3A_276[%gather3A_277] in [0] : vector<16xf32>, vector<16xi32> -> vector<16xf32>
        %add3A_279 = arith.addf %add3A_276, %gather3A_278 : vector<16xf32>
        %get3A_280 = arith.index_cast %scan3A_135 : i32 to index
        %get3A_281 = arith.constant 48 : index
        %get3A_282 = tpu.vector_load %arg15[%get3A_280, %get3A_281] {strides = array<i32>} : memref<80x128xf32, #tpu.memory_space<vmem>>, vector<1x16xf32>,
        %get3A_283 = vector.shape_cast %get3A_282 : vector<1x16xf32> to vector<16xf32>
        %add3A_284 = arith.addf %get3A_283, %get3A_265 : vector<16xf32>
        %mul3A_285 = arith.mulf %add3A_279, %gather3A_140 : vector<16xf32>
        %mul3A_286 = arith.mulf %add3A_284, %mul3A_285 : vector<16xf32>
        %swap3A_287 = arith.index_cast %scan3A_135 : i32 to index
        %swap3A_288 = arith.constant 48 : index
        %swap3A_289 = tpu.vector_load %arg15[%swap3A_287, %swap3A_288] {strides = array<i32>} : memref<80x128xf32, #tpu.memory_space<vmem>>, vector<1x16xf32>,
        %swap3A_290 = vector.shape_cast %swap3A_289 : vector<1x16xf32> to vector<16xf32>
        %swap3A_291 = vector.shape_cast %mul3A_286 : vector<16xf32> to vector<1x16xf32>
        tpu.vector_store %arg15[%swap3A_287, %swap3A_288], %swap3A_291 {strides = array<i32>} : memref<80x128xf32, #tpu.memory_space<vmem>>, vector<1x16xf32>,
        %get3A_292 = arith.index_cast %scan3A_135 : i32 to index
        %get3A_293 = arith.constant 64 : index
        %get3A_294 = tpu.vector_load %arg13[%get3A_292, %get3A_293] {strides = array<i32>} : memref<80x128xf32, #tpu.memory_space<vmem>>, vector<1x16xf32>,
        %get3A_295 = vector.shape_cast %get3A_294 : vector<1x16xf32> to vector<16xf32>
        %get3A_296 = arith.index_cast %scan3A_135 : i32 to index
        %get3A_297 = arith.constant 64 : index
        %get3A_298 = tpu.vector_load %arg14[%get3A_296, %get3A_297] {strides = array<i32>} : memref<80x128xf32, #tpu.memory_space<vmem>>, vector<1x16xf32>,
        %get3A_299 = vector.shape_cast %get3A_298 : vector<1x16xf32> to vector<16xf32>
        %get3A_300 = arith.index_cast %scan3A_135 : i32 to index
        %get3A_301 = arith.constant 64 : index
        %get3A_302 = tpu.vector_load %arg16[%get3A_300, %get3A_301] {strides = array<i32>} : memref<80x128xf32, #tpu.memory_space<vmem>>, vector<1x16xf32>,
        %get3A_303 = vector.shape_cast %get3A_302 : vector<1x16xf32> to vector<16xf32>
        %add3A_304 = arith.addf %get3A_299, %get3A_303 : vector<16xf32>
        %mul3A_305 = arith.mulf %get3A_295, %add3A_304 : vector<16xf32>
        %gather3A_306 = vector.shape_cast %broadcast_in_dim3A : vector<16x1xi32> to vector<16xi32>
        %gather3A_307 = tpu.dynamic_gather %mul3A_305[%gather3A_306] in [0] : vector<16xf32>, vector<16xi32> -> vector<16xf32>
        %add3A_308 = arith.addf %mul3A_305, %gather3A_307 : vector<16xf32>
        %gather3A_309 = vector.shape_cast %broadcast_in_dim3A_6 : vector<16x1xi32> to vector<16xi32>
        %gather3A_310 = tpu.dynamic_gather %add3A_308[%gather3A_309] in [0] : vector<16xf32>, vector<16xi32> -> vector<16xf32>
        %add3A_311 = arith.addf %add3A_308, %gather3A_310 : vector<16xf32>
        %gather3A_312 = vector.shape_cast %broadcast_in_dim3A_10 : vector<16x1xi32> to vector<16xi32>
        %gather3A_313 = tpu.dynamic_gather %add3A_311[%gather3A_312] in [0] : vector<16xf32>, vector<16xi32> -> vector<16xf32>
        %add3A_314 = arith.addf %add3A_311, %gather3A_313 : vector<16xf32>
        %gather3A_315 = vector.shape_cast %broadcast_in_dim3A_14 : vector<16x1xi32> to vector<16xi32>
        %gather3A_316 = tpu.dynamic_gather %add3A_314[%gather3A_315] in [0] : vector<16xf32>, vector<16xi32> -> vector<16xf32>
        %add3A_317 = arith.addf %add3A_314, %gather3A_316 : vector<16xf32>
        %get3A_318 = arith.index_cast %scan3A_135 : i32 to index
        %get3A_319 = arith.constant 64 : index
        %get3A_320 = tpu.vector_load %arg15[%get3A_318, %get3A_319] {strides = array<i32>} : memref<80x128xf32, #tpu.memory_space<vmem>>, vector<1x16xf32>,
        %get3A_321 = vector.shape_cast %get3A_320 : vector<1x16xf32> to vector<16xf32>
        %add3A_322 = arith.addf %get3A_321, %get3A_303 : vector<16xf32>
        %mul3A_323 = arith.mulf %add3A_317, %gather3A_140 : vector<16xf32>
        %mul3A_324 = arith.mulf %add3A_322, %mul3A_323 : vector<16xf32>
        %swap3A_325 = arith.index_cast %scan3A_135 : i32 to index
        %swap3A_326 = arith.constant 64 : index
        %swap3A_327 = tpu.vector_load %arg15[%swap3A_325, %swap3A_326] {strides = array<i32>} : memref<80x128xf32, #tpu.memory_space<vmem>>, vector<1x16xf32>,
        %swap3A_328 = vector.shape_cast %swap3A_327 : vector<1x16xf32> to vector<16xf32>
        %swap3A_329 = vector.shape_cast %mul3A_324 : vector<16xf32> to vector<1x16xf32>
        tpu.vector_store %arg15[%swap3A_325, %swap3A_326], %swap3A_329 {strides = array<i32>} : memref<80x128xf32, #tpu.memory_space<vmem>>, vector<1x16xf32>,
        %get3A_330 = arith.index_cast %scan3A_135 : i32 to index
        %get3A_331 = arith.constant 80 : index
        %get3A_332 = tpu.vector_load %arg13[%get3A_330, %get3A_331] {strides = array<i32>} : memref<80x128xf32, #tpu.memory_space<vmem>>, vector<1x16xf32>,
        %get3A_333 = vector.shape_cast %get3A_332 : vector<1x16xf32> to vector<16xf32>
        %get3A_334 = arith.index_cast %scan3A_135 : i32 to index
        %get3A_335 = arith.constant 80 : index
        %get3A_336 = tpu.vector_load %arg14[%get3A_334, %get3A_335] {strides = array<i32>} : memref<80x128xf32, #tpu.memory_space<vmem>>, vector<1x16xf32>,
        %get3A_337 = vector.shape_cast %get3A_336 : vector<1x16xf32> to vector<16xf32>
        %get3A_338 = arith.index_cast %scan3A_135 : i32 to index
        %get3A_339 = arith.constant 80 : index
        %get3A_340 = tpu.vector_load %arg16[%get3A_338, %get3A_339] {strides = array<i32>} : memref<80x128xf32, #tpu.memory_space<vmem>>, vector<1x16xf32>,
        %get3A_341 = vector.shape_cast %get3A_340 : vector<1x16xf32> to vector<16xf32>
        %add3A_342 = arith.addf %get3A_337, %get3A_341 : vector<16xf32>
        %mul3A_343 = arith.mulf %get3A_333, %add3A_342 : vector<16xf32>
        %gather3A_344 = vector.shape_cast %broadcast_in_dim3A : vector<16x1xi32> to vector<16xi32>
        %gather3A_345 = tpu.dynamic_gather %mul3A_343[%gather3A_344] in [0] : vector<16xf32>, vector<16xi32> -> vector<16xf32>
        %add3A_346 = arith.addf %mul3A_343, %gather3A_345 : vector<16xf32>
        %gather3A_347 = vector.shape_cast %broadcast_in_dim3A_6 : vector<16x1xi32> to vector<16xi32>
        %gather3A_348 = tpu.dynamic_gather %add3A_346[%gather3A_347] in [0] : vector<16xf32>, vector<16xi32> -> vector<16xf32>
        %add3A_349 = arith.addf %add3A_346, %gather3A_348 : vector<16xf32>
        %gather3A_350 = vector.shape_cast %broadcast_in_dim3A_10 : vector<16x1xi32> to vector<16xi32>
        %gather3A_351 = tpu.dynamic_gather %add3A_349[%gather3A_350] in [0] : vector<16xf32>, vector<16xi32> -> vector<16xf32>
        %add3A_352 = arith.addf %add3A_349, %gather3A_351 : vector<16xf32>
        %gather3A_353 = vector.shape_cast %broadcast_in_dim3A_14 : vector<16x1xi32> to vector<16xi32>
        %gather3A_354 = tpu.dynamic_gather %add3A_352[%gather3A_353] in [0] : vector<16xf32>, vector<16xi32> -> vector<16xf32>
        %add3A_355 = arith.addf %add3A_352, %gather3A_354 : vector<16xf32>
        %get3A_356 = arith.index_cast %scan3A_135 : i32 to index
        %get3A_357 = arith.constant 80 : index
        %get3A_358 = tpu.vector_load %arg15[%get3A_356, %get3A_357] {strides = array<i32>} : memref<80x128xf32, #tpu.memory_space<vmem>>, vector<1x16xf32>,
        %get3A_359 = vector.shape_cast %get3A_358 : vector<1x16xf32> to vector<16xf32>
        %add3A_360 = arith.addf %get3A_359, %get3A_341 : vector<16xf32>
        %mul3A_361 = arith.mulf %add3A_355, %gather3A_140 : vector<16xf32>
        %mul3A_362 = arith.mulf %add3A_360, %mul3A_361 : vector<16xf32>
        %swap3A_363 = arith.index_cast %scan3A_135 : i32 to index
        %swap3A_364 = arith.constant 80 : index
        %swap3A_365 = tpu.vector_load %arg15[%swap3A_363, %swap3A_364] {strides = array<i32>} : memref<80x128xf32, #tpu.memory_space<vmem>>, vector<1x16xf32>,
        %swap3A_366 = vector.shape_cast %swap3A_365 : vector<1x16xf32> to vector<16xf32>
        %swap3A_367 = vector.shape_cast %mul3A_362 : vector<16xf32> to vector<1x16xf32>
        tpu.vector_store %arg15[%swap3A_363, %swap3A_364], %swap3A_367 {strides = array<i32>} : memref<80x128xf32, #tpu.memory_space<vmem>>, vector<1x16xf32>,
        %get3A_368 = arith.index_cast %scan3A_135 : i32 to index
        %get3A_369 = arith.constant 96 : index
        %get3A_370 = tpu.vector_load %arg13[%get3A_368, %get3A_369] {strides = array<i32>} : memref<80x128xf32, #tpu.memory_space<vmem>>, vector<1x16xf32>,
        %get3A_371 = vector.shape_cast %get3A_370 : vector<1x16xf32> to vector<16xf32>
        %get3A_372 = arith.index_cast %scan3A_135 : i32 to index
        %get3A_373 = arith.constant 96 : index
        %get3A_374 = tpu.vector_load %arg14[%get3A_372, %get3A_373] {strides = array<i32>} : memref<80x128xf32, #tpu.memory_space<vmem>>, vector<1x16xf32>,
        %get3A_375 = vector.shape_cast %get3A_374 : vector<1x16xf32> to vector<16xf32>
        %get3A_376 = arith.index_cast %scan3A_135 : i32 to index
        %get3A_377 = arith.constant 96 : index
        %get3A_378 = tpu.vector_load %arg16[%get3A_376, %get3A_377] {strides = array<i32>} : memref<80x128xf32, #tpu.memory_space<vmem>>, vector<1x16xf32>,
        %get3A_379 = vector.shape_cast %get3A_378 : vector<1x16xf32> to vector<16xf32>
        %add3A_380 = arith.addf %get3A_375, %get3A_379 : vector<16xf32>
        %mul3A_381 = arith.mulf %get3A_371, %add3A_380 : vector<16xf32>
        %gather3A_382 = vector.shape_cast %broadcast_in_dim3A : vector<16x1xi32> to vector<16xi32>
        %gather3A_383 = tpu.dynamic_gather %mul3A_381[%gather3A_382] in [0] : vector<16xf32>, vector<16xi32> -> vector<16xf32>
        %add3A_384 = arith.addf %mul3A_381, %gather3A_383 : vector<16xf32>
        %gather3A_385 = vector.shape_cast %broadcast_in_dim3A_6 : vector<16x1xi32> to vector<16xi32>
        %gather3A_386 = tpu.dynamic_gather %add3A_384[%gather3A_385] in [0] : vector<16xf32>, vector<16xi32> -> vector<16xf32>
        %add3A_387 = arith.addf %add3A_384, %gather3A_386 : vector<16xf32>
        %gather3A_388 = vector.shape_cast %broadcast_in_dim3A_10 : vector<16x1xi32> to vector<16xi32>
        %gather3A_389 = tpu.dynamic_gather %add3A_387[%gather3A_388] in [0] : vector<16xf32>, vector<16xi32> -> vector<16xf32>
        %add3A_390 = arith.addf %add3A_387, %gather3A_389 : vector<16xf32>
        %gather3A_391 = vector.shape_cast %broadcast_in_dim3A_14 : vector<16x1xi32> to vector<16xi32>
        %gather3A_392 = tpu.dynamic_gather %add3A_390[%gather3A_391] in [0] : vector<16xf32>, vector<16xi32> -> vector<16xf32>
        %add3A_393 = arith.addf %add3A_390, %gather3A_392 : vector<16xf32>
        %get3A_394 = arith.index_cast %scan3A_135 : i32 to index
        %get3A_395 = arith.constant 96 : index
        %get3A_396 = tpu.vector_load %arg15[%get3A_394, %get3A_395] {strides = array<i32>} : memref<80x128xf32, #tpu.memory_space<vmem>>, vector<1x16xf32>,
        %get3A_397 = vector.shape_cast %get3A_396 : vector<1x16xf32> to vector<16xf32>
        %add3A_398 = arith.addf %get3A_397, %get3A_379 : vector<16xf32>
        %mul3A_399 = arith.mulf %add3A_393, %gather3A_140 : vector<16xf32>
        %mul3A_400 = arith.mulf %add3A_398, %mul3A_399 : vector<16xf32>
        %swap3A_401 = arith.index_cast %scan3A_135 : i32 to index
        %swap3A_402 = arith.constant 96 : index
        %swap3A_403 = tpu.vector_load %arg15[%swap3A_401, %swap3A_402] {strides = array<i32>} : memref<80x128xf32, #tpu.memory_space<vmem>>, vector<1x16xf32>,
        %swap3A_404 = vector.shape_cast %swap3A_403 : vector<1x16xf32> to vector<16xf32>
        %swap3A_405 = vector.shape_cast %mul3A_400 : vector<16xf32> to vector<1x16xf32>
        tpu.vector_store %arg15[%swap3A_401, %swap3A_402], %swap3A_405 {strides = array<i32>} : memref<80x128xf32, #tpu.memory_space<vmem>>, vector<1x16xf32>,
        %get3A_406 = arith.index_cast %scan3A_135 : i32 to index
        %get3A_407 = arith.constant 112 : index
        %get3A_408 = tpu.vector_load %arg13[%get3A_406, %get3A_407] {strides = array<i32>} : memref<80x128xf32, #tpu.memory_space<vmem>>, vector<1x16xf32>,
        %get3A_409 = vector.shape_cast %get3A_408 : vector<1x16xf32> to vector<16xf32>
        %get3A_410 = arith.index_cast %scan3A_135 : i32 to index
        %get3A_411 = arith.constant 112 : index
        %get3A_412 = tpu.vector_load %arg14[%get3A_410, %get3A_411] {strides = array<i32>} : memref<80x128xf32, #tpu.memory_space<vmem>>, vector<1x16xf32>,
        %get3A_413 = vector.shape_cast %get3A_412 : vector<1x16xf32> to vector<16xf32>
        %get3A_414 = arith.index_cast %scan3A_135 : i32 to index
        %get3A_415 = arith.constant 112 : index
        %get3A_416 = tpu.vector_load %arg16[%get3A_414, %get3A_415] {strides = array<i32>} : memref<80x128xf32, #tpu.memory_space<vmem>>, vector<1x16xf32>,
        %get3A_417 = vector.shape_cast %get3A_416 : vector<1x16xf32> to vector<16xf32>
        %add3A_418 = arith.addf %get3A_413, %get3A_417 : vector<16xf32>
        %mul3A_419 = arith.mulf %get3A_409, %add3A_418 : vector<16xf32>
        %gather3A_420 = vector.shape_cast %broadcast_in_dim3A : vector<16x1xi32> to vector<16xi32>
        %gather3A_421 = tpu.dynamic_gather %mul3A_419[%gather3A_420] in [0] : vector<16xf32>, vector<16xi32> -> vector<16xf32>
        %add3A_422 = arith.addf %mul3A_419, %gather3A_421 : vector<16xf32>
        %gather3A_423 = vector.shape_cast %broadcast_in_dim3A_6 : vector<16x1xi32> to vector<16xi32>
        %gather3A_424 = tpu.dynamic_gather %add3A_422[%gather3A_423] in [0] : vector<16xf32>, vector<16xi32> -> vector<16xf32>
        %add3A_425 = arith.addf %add3A_422, %gather3A_424 : vector<16xf32>
        %gather3A_426 = vector.shape_cast %broadcast_in_dim3A_10 : vector<16x1xi32> to vector<16xi32>
        %gather3A_427 = tpu.dynamic_gather %add3A_425[%gather3A_426] in [0] : vector<16xf32>, vector<16xi32> -> vector<16xf32>
        %add3A_428 = arith.addf %add3A_425, %gather3A_427 : vector<16xf32>
        %gather3A_429 = vector.shape_cast %broadcast_in_dim3A_14 : vector<16x1xi32> to vector<16xi32>
        %gather3A_430 = tpu.dynamic_gather %add3A_428[%gather3A_429] in [0] : vector<16xf32>, vector<16xi32> -> vector<16xf32>
        %add3A_431 = arith.addf %add3A_428, %gather3A_430 : vector<16xf32>
        %get3A_432 = arith.index_cast %scan3A_135 : i32 to index
        %get3A_433 = arith.constant 112 : index
        %get3A_434 = tpu.vector_load %arg15[%get3A_432, %get3A_433] {strides = array<i32>} : memref<80x128xf32, #tpu.memory_space<vmem>>, vector<1x16xf32>,
        %get3A_435 = vector.shape_cast %get3A_434 : vector<1x16xf32> to vector<16xf32>
        %add3A_436 = arith.addf %get3A_435, %get3A_417 : vector<16xf32>
        %mul3A_437 = arith.mulf %add3A_431, %gather3A_140 : vector<16xf32>
        %mul3A_438 = arith.mulf %add3A_436, %mul3A_437 : vector<16xf32>
        %swap3A_439 = arith.index_cast %scan3A_135 : i32 to index
        %swap3A_440 = arith.constant 112 : index
        %swap3A_441 = tpu.vector_load %arg15[%swap3A_439, %swap3A_440] {strides = array<i32>} : memref<80x128xf32, #tpu.memory_space<vmem>>, vector<1x16xf32>,
        %swap3A_442 = vector.shape_cast %swap3A_441 : vector<1x16xf32> to vector<16xf32>
        %swap3A_443 = vector.shape_cast %mul3A_438 : vector<16xf32> to vector<1x16xf32>
        tpu.vector_store %arg15[%swap3A_439, %swap3A_440], %swap3A_443 {strides = array<i32>} : memref<80x128xf32, #tpu.memory_space<vmem>>, vector<1x16xf32>,
      }
      %scan3A_134 = arith.constant 80 : i32
      "tpu.region"() ({
        %run_scoped3A = tpu.sem_alloc : memref<!tpu.dma_semaphore, #tpu.memory_space<semaphore_mem>>
        %dma_start3A_135 = arith.constant 0 : i32
        %dma_start3A_136 = arith.constant 0 : i32
        %dma_start3A_137 = tpu.memref_slice %arg17[%dma_start3A_135, %dma_start3A_136] : memref<10240x128xf32, #tpu.memory_space<vmem_shared>> -> memref<10240x128xf32, #tpu.memory_space<vmem_shared>>
        tpu.enqueue_indirect_dma source(%arg15 : memref<80x128xf32, #tpu.memory_space<vmem>>) target(%dma_start3A_137 : memref<10240x128xf32, #tpu.memory_space<vmem_shared>>) offsets(%arg11 : memref<80xi32, #tpu.memory_space<vmem>>) semaphore(%run_scoped3A : memref<!tpu.dma_semaphore, #tpu.memory_space<semaphore_mem>>) {add = true}
        %dma_wait3A_138 = arith.constant 0 : i32
        %dma_wait3A_139 = arith.constant 0 : i32
        %dma_wait3A_140 = tpu.memref_slice %arg17[%dma_wait3A_138, %dma_wait3A_139] : memref<10240x128xf32, #tpu.memory_space<vmem_shared>> -> memref<10240x128xf32, #tpu.memory_space<vmem_shared>>
        tpu.wait_indirect_dma semaphore(%run_scoped3A : memref<!tpu.dma_semaphore, #tpu.memory_space<semaphore_mem>>) src(%arg15 : memref<80x128xf32, #tpu.memory_space<vmem>>) dst(%dma_wait3A_140 : memref<10240x128xf32, #tpu.memory_space<vmem_shared>>)
        tpu.yield
      }) : () -> ()
    }
    %scan3A_62 = arith.constant 125 : i32
    %barrier3A_63 = arith.constant 0 : index
    tpu.barrier barrier_id(%barrier3A_63)
    %mul3A_64 = arith.constant 640 : i32
    %mul3A_65 = arith.muli %arg1, %mul3A_64 : i32
    %add3A_66 = arith.constant 0 : i32
    %add3A_67 = arith.addi %mul3A_65, %add3A_66 : i32
    %mul3A_68 = arith.constant 10240 : i32
    %mul3A_69 = arith.muli %arg0, %mul3A_68 : i32
    %add3A_70 = arith.addi %mul3A_69, %add3A_67 : i32
    "tpu.region"() ({
      %run_scoped3A = tpu.sem_alloc : memref<!tpu.dma_semaphore, #tpu.memory_space<semaphore_mem>>
      %dma_start3A = arith.constant 0 : i32
      %dma_start3A_99 = tpu.memref_slice %arg9[%add3A_70, %dma_start3A] : memref<20480x128xf32, #tpu.memory_space<hbm>> -> memref<128x128xf32, #tpu.memory_space<hbm>>
      %dma_start3A_100 = arith.constant 0 : i32
      %dma_start3A_101 = tpu.memref_slice %arg17[%add3A_67, %dma_start3A_100] : memref<10240x128xf32, #tpu.memory_space<vmem_shared>> -> memref<128x128xf32, #tpu.memory_space<vmem_shared>>
      tpu.enqueue_dma source(%dma_start3A_101 : memref<128x128xf32, #tpu.memory_space<vmem_shared>>) target(%dma_start3A_99 : memref<128x128xf32, #tpu.memory_space<hbm>>) target_semaphore(%run_scoped3A : memref<!tpu.dma_semaphore, #tpu.memory_space<semaphore_mem>>)
      %dma_wait3A = arith.constant 0 : i32
      %dma_wait3A_102 = tpu.memref_slice %arg9[%add3A_70, %dma_wait3A] : memref<20480x128xf32, #tpu.memory_space<hbm>> -> memref<128x128xf32, #tpu.memory_space<hbm>>
      %dma_wait3A_103 = arith.constant 0 : i32
      %dma_wait3A_104 = tpu.memref_slice %arg17[%add3A_67, %dma_wait3A_103] : memref<10240x128xf32, #tpu.memory_space<vmem_shared>> -> memref<128x128xf32, #tpu.memory_space<vmem_shared>>
      tpu.wait_dma2 semaphore(%run_scoped3A : memref<!tpu.dma_semaphore, #tpu.memory_space<semaphore_mem>>) src(%dma_wait3A_104 : memref<128x128xf32, #tpu.memory_space<vmem_shared>>) dst(%dma_wait3A_102 : memref<128x128xf32, #tpu.memory_space<hbm>>)
      tpu.yield
    }) : () -> ()
    %mul3A_71 = arith.constant 640 : i32
    %mul3A_72 = arith.muli %arg1, %mul3A_71 : i32
    %add3A_73 = arith.constant 128 : i32
    %add3A_74 = arith.addi %mul3A_72, %add3A_73 : i32
    %mul3A_75 = arith.constant 10240 : i32
    %mul3A_76 = arith.muli %arg0, %mul3A_75 : i32
    %add3A_77 = arith.addi %mul3A_76, %add3A_74 : i32
    "tpu.region"() ({
      %run_scoped3A = tpu.sem_alloc : memref<!tpu.dma_semaphore, #tpu.memory_space<semaphore_mem>>
      %dma_start3A = arith.constant 0 : i32
      %dma_start3A_99 = tpu.memref_slice %arg9[%add3A_77, %dma_start3A] : memref<20480x128xf32, #tpu.memory_space<hbm>> -> memref<128x128xf32, #tpu.memory_space<hbm>>
      %dma_start3A_100 = arith.constant 0 : i32
      %dma_start3A_101 = tpu.memref_slice %arg17[%add3A_74, %dma_start3A_100] : memref<10240x128xf32, #tpu.memory_space<vmem_shared>> -> memref<128x128xf32, #tpu.memory_space<vmem_shared>>
      tpu.enqueue_dma source(%dma_start3A_101 : memref<128x128xf32, #tpu.memory_space<vmem_shared>>) target(%dma_start3A_99 : memref<128x128xf32, #tpu.memory_space<hbm>>) target_semaphore(%run_scoped3A : memref<!tpu.dma_semaphore, #tpu.memory_space<semaphore_mem>>)
      %dma_wait3A = arith.constant 0 : i32
      %dma_wait3A_102 = tpu.memref_slice %arg9[%add3A_77, %dma_wait3A] : memref<20480x128xf32, #tpu.memory_space<hbm>> -> memref<128x128xf32, #tpu.memory_space<hbm>>
      %dma_wait3A_103 = arith.constant 0 : i32
      %dma_wait3A_104 = tpu.memref_slice %arg17[%add3A_74, %dma_wait3A_103] : memref<10240x128xf32, #tpu.memory_space<vmem_shared>> -> memref<128x128xf32, #tpu.memory_space<vmem_shared>>
      tpu.wait_dma2 semaphore(%run_scoped3A : memref<!tpu.dma_semaphore, #tpu.memory_space<semaphore_mem>>) src(%dma_wait3A_104 : memref<128x128xf32, #tpu.memory_space<vmem_shared>>) dst(%dma_wait3A_102 : memref<128x128xf32, #tpu.memory_space<hbm>>)
      tpu.yield
    }) : () -> ()
    %mul3A_78 = arith.constant 640 : i32
    %mul3A_79 = arith.muli %arg1, %mul3A_78 : i32
    %add3A_80 = arith.constant 256 : i32
    %add3A_81 = arith.addi %mul3A_79, %add3A_80 : i32
    %mul3A_82 = arith.constant 10240 : i32
    %mul3A_83 = arith.muli %arg0, %mul3A_82 : i32
    %add3A_84 = arith.addi %mul3A_83, %add3A_81 : i32
    "tpu.region"() ({
      %run_scoped3A = tpu.sem_alloc : memref<!tpu.dma_semaphore, #tpu.memory_space<semaphore_mem>>
      %dma_start3A = arith.constant 0 : i32
      %dma_start3A_99 = tpu.memref_slice %arg9[%add3A_84, %dma_start3A] : memref<20480x128xf32, #tpu.memory_space<hbm>> -> memref<128x128xf32, #tpu.memory_space<hbm>>
      %dma_start3A_100 = arith.constant 0 : i32
      %dma_start3A_101 = tpu.memref_slice %arg17[%add3A_81, %dma_start3A_100] : memref<10240x128xf32, #tpu.memory_space<vmem_shared>> -> memref<128x128xf32, #tpu.memory_space<vmem_shared>>
      tpu.enqueue_dma source(%dma_start3A_101 : memref<128x128xf32, #tpu.memory_space<vmem_shared>>) target(%dma_start3A_99 : memref<128x128xf32, #tpu.memory_space<hbm>>) target_semaphore(%run_scoped3A : memref<!tpu.dma_semaphore, #tpu.memory_space<semaphore_mem>>)
      %dma_wait3A = arith.constant 0 : i32
      %dma_wait3A_102 = tpu.memref_slice %arg9[%add3A_84, %dma_wait3A] : memref<20480x128xf32, #tpu.memory_space<hbm>> -> memref<128x128xf32, #tpu.memory_space<hbm>>
      %dma_wait3A_103 = arith.constant 0 : i32
      %dma_wait3A_104 = tpu.memref_slice %arg17[%add3A_81, %dma_wait3A_103] : memref<10240x128xf32, #tpu.memory_space<vmem_shared>> -> memref<128x128xf32, #tpu.memory_space<vmem_shared>>
      tpu.wait_dma2 semaphore(%run_scoped3A : memref<!tpu.dma_semaphore, #tpu.memory_space<semaphore_mem>>) src(%dma_wait3A_104 : memref<128x128xf32, #tpu.memory_space<vmem_shared>>) dst(%dma_wait3A_102 : memref<128x128xf32, #tpu.memory_space<hbm>>)
      tpu.yield
    }) : () -> ()
    %mul3A_85 = arith.constant 640 : i32
    %mul3A_86 = arith.muli %arg1, %mul3A_85 : i32
    %add3A_87 = arith.constant 384 : i32
    %add3A_88 = arith.addi %mul3A_86, %add3A_87 : i32
    %mul3A_89 = arith.constant 10240 : i32
    %mul3A_90 = arith.muli %arg0, %mul3A_89 : i32
    %add3A_91 = arith.addi %mul3A_90, %add3A_88 : i32
    "tpu.region"() ({
      %run_scoped3A = tpu.sem_alloc : memref<!tpu.dma_semaphore, #tpu.memory_space<semaphore_mem>>
      %dma_start3A = arith.constant 0 : i32
      %dma_start3A_99 = tpu.memref_slice %arg9[%add3A_91, %dma_start3A] : memref<20480x128xf32, #tpu.memory_space<hbm>> -> memref<128x128xf32, #tpu.memory_space<hbm>>
      %dma_start3A_100 = arith.constant 0 : i32
      %dma_start3A_101 = tpu.memref_slice %arg17[%add3A_88, %dma_start3A_100] : memref<10240x128xf32, #tpu.memory_space<vmem_shared>> -> memref<128x128xf32, #tpu.memory_space<vmem_shared>>
      tpu.enqueue_dma source(%dma_start3A_101 : memref<128x128xf32, #tpu.memory_space<vmem_shared>>) target(%dma_start3A_99 : memref<128x128xf32, #tpu.memory_space<hbm>>) target_semaphore(%run_scoped3A : memref<!tpu.dma_semaphore, #tpu.memory_space<semaphore_mem>>)
      %dma_wait3A = arith.constant 0 : i32
      %dma_wait3A_102 = tpu.memref_slice %arg9[%add3A_91, %dma_wait3A] : memref<20480x128xf32, #tpu.memory_space<hbm>> -> memref<128x128xf32, #tpu.memory_space<hbm>>
      %dma_wait3A_103 = arith.constant 0 : i32
      %dma_wait3A_104 = tpu.memref_slice %arg17[%add3A_88, %dma_wait3A_103] : memref<10240x128xf32, #tpu.memory_space<vmem_shared>> -> memref<128x128xf32, #tpu.memory_space<vmem_shared>>
      tpu.wait_dma2 semaphore(%run_scoped3A : memref<!tpu.dma_semaphore, #tpu.memory_space<semaphore_mem>>) src(%dma_wait3A_104 : memref<128x128xf32, #tpu.memory_space<vmem_shared>>) dst(%dma_wait3A_102 : memref<128x128xf32, #tpu.memory_space<hbm>>)
      tpu.yield
    }) : () -> ()
    %mul3A_92 = arith.constant 640 : i32
    %mul3A_93 = arith.muli %arg1, %mul3A_92 : i32
    %add3A_94 = arith.constant 512 : i32
    %add3A_95 = arith.addi %mul3A_93, %add3A_94 : i32
    %mul3A_96 = arith.constant 10240 : i32
    %mul3A_97 = arith.muli %arg0, %mul3A_96 : i32
    %add3A_98 = arith.addi %mul3A_97, %add3A_95 : i32
    "tpu.region"() ({
      %run_scoped3A = tpu.sem_alloc : memref<!tpu.dma_semaphore, #tpu.memory_space<semaphore_mem>>
      %dma_start3A = arith.constant 0 : i32
      %dma_start3A_99 = tpu.memref_slice %arg9[%add3A_98, %dma_start3A] : memref<20480x128xf32, #tpu.memory_space<hbm>> -> memref<128x128xf32, #tpu.memory_space<hbm>>
      %dma_start3A_100 = arith.constant 0 : i32
      %dma_start3A_101 = tpu.memref_slice %arg17[%add3A_95, %dma_start3A_100] : memref<10240x128xf32, #tpu.memory_space<vmem_shared>> -> memref<128x128xf32, #tpu.memory_space<vmem_shared>>
      tpu.enqueue_dma source(%dma_start3A_101 : memref<128x128xf32, #tpu.memory_space<vmem_shared>>) target(%dma_start3A_99 : memref<128x128xf32, #tpu.memory_space<hbm>>) target_semaphore(%run_scoped3A : memref<!tpu.dma_semaphore, #tpu.memory_space<semaphore_mem>>)
      %dma_wait3A = arith.constant 0 : i32
      %dma_wait3A_102 = tpu.memref_slice %arg9[%add3A_98, %dma_wait3A] : memref<20480x128xf32, #tpu.memory_space<hbm>> -> memref<128x128xf32, #tpu.memory_space<hbm>>
      %dma_wait3A_103 = arith.constant 0 : i32
      %dma_wait3A_104 = tpu.memref_slice %arg17[%add3A_95, %dma_wait3A_103] : memref<10240x128xf32, #tpu.memory_space<vmem_shared>> -> memref<128x128xf32, #tpu.memory_space<vmem_shared>>
      tpu.wait_dma2 semaphore(%run_scoped3A : memref<!tpu.dma_semaphore, #tpu.memory_space<semaphore_mem>>) src(%dma_wait3A_104 : memref<128x128xf32, #tpu.memory_space<vmem_shared>>) dst(%dma_wait3A_102 : memref<128x128xf32, #tpu.memory_space<hbm>>)
      tpu.yield
    }) : () -> ()
    return
  }
}

module attributes {stable_mosaic.version = 14 : i64} {
  func.func @_node_in_body(%arg0: i32, %arg1: memref<1000x128xf32, #tpu.memory_space<vmem>>, %arg2: memref<128x128xf32, #tpu.memory_space<vmem>>, %arg3: memref<1x128xf32, #tpu.memory_space<vmem>>, %arg4: memref<128x128xf32, #tpu.memory_space<vmem>>, %arg5: memref<1x128xf32, #tpu.memory_space<vmem>>, %arg6: memref<128x128xf32, #tpu.memory_space<vmem>>, %arg7: memref<1x128xf32, #tpu.memory_space<vmem>>, %arg8: memref<1000x128xf32, #tpu.memory_space<vmem>>) attributes {dimension_semantics = [#tpu.dimension_semantics<arbitrary>], iteration_bounds = array<i64: 10>, scalar_prefetch = 0 : i64, scratch_operands = 0 : i64, tpu.core_type = #tpu.core_type<tc>, window_params = [{transform_indices = @transform_0, window_bounds = array<i64: 1000, 128>}, {pipeline_mode = #tpu.pipeline_mode<synchronous>, transform_indices = @transform_1, window_bounds = array<i64: 128, 128>}, {pipeline_mode = #tpu.pipeline_mode<synchronous>, transform_indices = @transform_2, window_bounds = array<i64: 1, 128>}, {pipeline_mode = #tpu.pipeline_mode<synchronous>, transform_indices = @transform_3, window_bounds = array<i64: 128, 128>}, {pipeline_mode = #tpu.pipeline_mode<synchronous>, transform_indices = @transform_4, window_bounds = array<i64: 1, 128>}, {pipeline_mode = #tpu.pipeline_mode<synchronous>, transform_indices = @transform_5, window_bounds = array<i64: 128, 128>}, {pipeline_mode = #tpu.pipeline_mode<synchronous>, transform_indices = @transform_6, window_bounds = array<i64: 1, 128>}, {transform_indices = @transform_7, window_bounds = array<i64: 1000, 128>}]} {
    %get3A = arith.constant 0 : index
    %get3A_0 = arith.constant 0 : index
    %get3A_1 = vector.load %arg1[%get3A, %get3A_0] : memref<1000x128xf32, #tpu.memory_space<vmem>>, vector<1000x128xf32>
    %get3A_2 = arith.constant 0 : index
    %get3A_3 = arith.constant 0 : index
    %get3A_4 = vector.load %arg2[%get3A_2, %get3A_3] : memref<128x128xf32, #tpu.memory_space<vmem>>, vector<128x128xf32>
    %dot_general3A = arith.constant dense<0.000000e+00> : vector<1000x128xf32>
    %dot_general3A_5 = tpu.matmul %get3A_1, %get3A_4, %dot_general3A {dimension_numbers = #tpu.dot_dimension_numbers<[1], [0], [0], [1], [0, 0, 1, 1], [], []>, transpose_lhs_hint = false} : vector<1000x128xf32>, vector<128x128xf32>, vector<1000x128xf32> -> vector<1000x128xf32>
    %get3A_6 = arith.constant 0 : index
    %get3A_7 = arith.constant 0 : index
    %get3A_8 = vector.load %arg3[%get3A_6, %get3A_7] : memref<1x128xf32, #tpu.memory_space<vmem>>, vector<1x128xf32>
    %add3A = vector.broadcast %get3A_8 : vector<1x128xf32> to vector<1000x128xf32>
    %add3A_9 = arith.addf %dot_general3A_5, %add3A : vector<1000x128xf32>
    %max3A = arith.constant 0.000000e+00 : f32
    %max3A_10 = vector.broadcast %max3A : f32 to vector<1000x128xf32>
    %max3A_11 = arith.maximumf %add3A_9, %max3A_10 : vector<1000x128xf32>
    %get3A_12 = arith.constant 0 : index
    %get3A_13 = arith.constant 0 : index
    %get3A_14 = vector.load %arg4[%get3A_12, %get3A_13] : memref<128x128xf32, #tpu.memory_space<vmem>>, vector<128x128xf32>
    %dot_general3A_15 = arith.constant dense<0.000000e+00> : vector<1000x128xf32>
    %dot_general3A_16 = tpu.matmul %max3A_11, %get3A_14, %dot_general3A_15 {dimension_numbers = #tpu.dot_dimension_numbers<[1], [0], [0], [1], [0, 0, 1, 1], [], []>, transpose_lhs_hint = false} : vector<1000x128xf32>, vector<128x128xf32>, vector<1000x128xf32> -> vector<1000x128xf32>
    %get3A_17 = arith.constant 0 : index
    %get3A_18 = arith.constant 0 : index
    %get3A_19 = vector.load %arg5[%get3A_17, %get3A_18] : memref<1x128xf32, #tpu.memory_space<vmem>>, vector<1x128xf32>
    %add3A_20 = vector.broadcast %get3A_19 : vector<1x128xf32> to vector<1000x128xf32>
    %add3A_21 = arith.addf %dot_general3A_16, %add3A_20 : vector<1000x128xf32>
    %max3A_22 = arith.constant 0.000000e+00 : f32
    %max3A_23 = vector.broadcast %max3A_22 : f32 to vector<1000x128xf32>
    %max3A_24 = arith.maximumf %add3A_21, %max3A_23 : vector<1000x128xf32>
    %get3A_25 = arith.constant 0 : index
    %get3A_26 = arith.constant 0 : index
    %get3A_27 = vector.load %arg6[%get3A_25, %get3A_26] : memref<128x128xf32, #tpu.memory_space<vmem>>, vector<128x128xf32>
    %dot_general3A_28 = arith.constant dense<0.000000e+00> : vector<1000x128xf32>
    %dot_general3A_29 = tpu.matmul %max3A_24, %get3A_27, %dot_general3A_28 {dimension_numbers = #tpu.dot_dimension_numbers<[1], [0], [0], [1], [0, 0, 1, 1], [], []>, transpose_lhs_hint = false} : vector<1000x128xf32>, vector<128x128xf32>, vector<1000x128xf32> -> vector<1000x128xf32>
    %get3A_30 = arith.constant 0 : index
    %get3A_31 = arith.constant 0 : index
    %get3A_32 = vector.load %arg7[%get3A_30, %get3A_31] : memref<1x128xf32, #tpu.memory_space<vmem>>, vector<1x128xf32>
    %add3A_33 = vector.broadcast %get3A_32 : vector<1x128xf32> to vector<1000x128xf32>
    %add3A_34 = arith.addf %dot_general3A_29, %add3A_33 : vector<1000x128xf32>
    %swap3A = arith.constant 0 : index
    %swap3A_35 = arith.constant 0 : index
    %swap3A_36 = vector.load %arg8[%swap3A, %swap3A_35] : memref<1000x128xf32, #tpu.memory_space<vmem>>, vector<1000x128xf32>
    tpu.vector_store %arg8[%swap3A, %swap3A_35], %add3A_34 {strides = array<i32>} : memref<1000x128xf32, #tpu.memory_space<vmem>>, vector<1000x128xf32>,
    return
  }
  func.func @transform_0(%arg0: i32) -> (i32, i32) {
    %c0_i32 = arith.constant 0 : i32
    %c0_i32_0 = arith.constant 0 : i32
    return %arg0, %c0_i32 : i32, i32
  }
  func.func @transform_1(%arg0: i32) -> (i32, i32) {
    %c0_i32 = arith.constant 0 : i32
    %c0_i32_0 = arith.constant 0 : i32
    %c0_i32_1 = arith.constant 0 : i32
    return %c0_i32, %c0_i32_0 : i32, i32
  }
  func.func @transform_2(%arg0: i32) -> (i32, i32) {
    %c0_i32 = arith.constant 0 : i32
    %c0_i32_0 = arith.constant 0 : i32
    %c0_i32_1 = arith.constant 0 : i32
    return %c0_i32, %c0_i32_0 : i32, i32
  }
  func.func @transform_3(%arg0: i32) -> (i32, i32) {
    %c0_i32 = arith.constant 0 : i32
    %c0_i32_0 = arith.constant 0 : i32
    %c0_i32_1 = arith.constant 0 : i32
    return %c0_i32, %c0_i32_0 : i32, i32
  }
  func.func @transform_4(%arg0: i32) -> (i32, i32) {
    %c0_i32 = arith.constant 0 : i32
    %c0_i32_0 = arith.constant 0 : i32
    %c0_i32_1 = arith.constant 0 : i32
    return %c0_i32, %c0_i32_0 : i32, i32
  }
  func.func @transform_5(%arg0: i32) -> (i32, i32) {
    %c0_i32 = arith.constant 0 : i32
    %c0_i32_0 = arith.constant 0 : i32
    %c0_i32_1 = arith.constant 0 : i32
    return %c0_i32, %c0_i32_0 : i32, i32
  }
  func.func @transform_6(%arg0: i32) -> (i32, i32) {
    %c0_i32 = arith.constant 0 : i32
    %c0_i32_0 = arith.constant 0 : i32
    %c0_i32_1 = arith.constant 0 : i32
    return %c0_i32, %c0_i32_0 : i32, i32
  }
  func.func @transform_7(%arg0: i32) -> (i32, i32) {
    %c0_i32 = arith.constant 0 : i32
    %c0_i32_0 = arith.constant 0 : i32
    return %arg0, %c0_i32 : i32, i32
  }
}

module attributes {stable_mosaic.version = 14 : i64} {
  func.func @_qkv_first_body(%arg0: i32, %arg1: memref<1000x128xf32, #tpu.memory_space<vmem>>, %arg2: memref<128x128xf32, #tpu.memory_space<vmem>>, %arg3: memref<1x128xf32, #tpu.memory_space<vmem>>, %arg4: memref<128x128xf32, #tpu.memory_space<vmem>>, %arg5: memref<1x128xf32, #tpu.memory_space<vmem>>, %arg6: memref<128x128xf32, #tpu.memory_space<vmem>>, %arg7: memref<1x128xf32, #tpu.memory_space<vmem>>, %arg8: memref<128x128xf32, #tpu.memory_space<vmem>>, %arg9: memref<1x128xf32, #tpu.memory_space<vmem>>, %arg10: memref<1000x128xf32, #tpu.memory_space<vmem>>, %arg11: memref<1000x128xf32, #tpu.memory_space<vmem>>, %arg12: memref<1000x128xf32, #tpu.memory_space<vmem>>, %arg13: memref<1000x128xf32, #tpu.memory_space<vmem>>) attributes {dimension_semantics = [#tpu.dimension_semantics<arbitrary>], iteration_bounds = array<i64: 10>, scalar_prefetch = 0 : i64, scratch_operands = 0 : i64, tpu.core_type = #tpu.core_type<tc>, window_params = [{transform_indices = @transform_0, window_bounds = array<i64: 1000, 128>}, {pipeline_mode = #tpu.pipeline_mode<synchronous>, transform_indices = @transform_1, window_bounds = array<i64: 128, 128>}, {pipeline_mode = #tpu.pipeline_mode<synchronous>, transform_indices = @transform_2, window_bounds = array<i64: 1, 128>}, {pipeline_mode = #tpu.pipeline_mode<synchronous>, transform_indices = @transform_3, window_bounds = array<i64: 128, 128>}, {pipeline_mode = #tpu.pipeline_mode<synchronous>, transform_indices = @transform_4, window_bounds = array<i64: 1, 128>}, {pipeline_mode = #tpu.pipeline_mode<synchronous>, transform_indices = @transform_5, window_bounds = array<i64: 128, 128>}, {pipeline_mode = #tpu.pipeline_mode<synchronous>, transform_indices = @transform_6, window_bounds = array<i64: 1, 128>}, {pipeline_mode = #tpu.pipeline_mode<synchronous>, transform_indices = @transform_7, window_bounds = array<i64: 128, 128>}, {pipeline_mode = #tpu.pipeline_mode<synchronous>, transform_indices = @transform_8, window_bounds = array<i64: 1, 128>}, {transform_indices = @transform_9, window_bounds = array<i64: 1000, 128>}, {transform_indices = @transform_10, window_bounds = array<i64: 1000, 128>}, {transform_indices = @transform_11, window_bounds = array<i64: 1000, 128>}, {transform_indices = @transform_12, window_bounds = array<i64: 1000, 128>}]} {
    %get3A = arith.constant 0 : index
    %get3A_0 = arith.constant 0 : index
    %get3A_1 = vector.load %arg1[%get3A, %get3A_0] : memref<1000x128xf32, #tpu.memory_space<vmem>>, vector<1000x128xf32>
    %get3A_2 = arith.constant 0 : index
    %get3A_3 = arith.constant 0 : index
    %get3A_4 = vector.load %arg2[%get3A_2, %get3A_3] : memref<128x128xf32, #tpu.memory_space<vmem>>, vector<128x128xf32>
    %dot_general3A = arith.constant dense<0.000000e+00> : vector<1000x128xf32>
    %dot_general3A_5 = tpu.matmul %get3A_1, %get3A_4, %dot_general3A {dimension_numbers = #tpu.dot_dimension_numbers<[1], [0], [0], [1], [0, 0, 1, 1], [], []>, transpose_lhs_hint = false} : vector<1000x128xf32>, vector<128x128xf32>, vector<1000x128xf32> -> vector<1000x128xf32>
    %get3A_6 = arith.constant 0 : index
    %get3A_7 = arith.constant 0 : index
    %get3A_8 = vector.load %arg3[%get3A_6, %get3A_7] : memref<1x128xf32, #tpu.memory_space<vmem>>, vector<1x128xf32>
    %add3A = vector.broadcast %get3A_8 : vector<1x128xf32> to vector<1000x128xf32>
    %add3A_9 = arith.addf %dot_general3A_5, %add3A : vector<1000x128xf32>
    %swap3A = arith.constant 0 : index
    %swap3A_10 = arith.constant 0 : index
    %swap3A_11 = vector.load %arg10[%swap3A, %swap3A_10] : memref<1000x128xf32, #tpu.memory_space<vmem>>, vector<1000x128xf32>
    tpu.vector_store %arg10[%swap3A, %swap3A_10], %add3A_9 {strides = array<i32>} : memref<1000x128xf32, #tpu.memory_space<vmem>>, vector<1000x128xf32>,
    %get3A_12 = arith.constant 0 : index
    %get3A_13 = arith.constant 0 : index
    %get3A_14 = vector.load %arg4[%get3A_12, %get3A_13] : memref<128x128xf32, #tpu.memory_space<vmem>>, vector<128x128xf32>
    %dot_general3A_15 = arith.constant dense<0.000000e+00> : vector<1000x128xf32>
    %dot_general3A_16 = tpu.matmul %get3A_1, %get3A_14, %dot_general3A_15 {dimension_numbers = #tpu.dot_dimension_numbers<[1], [0], [0], [1], [0, 0, 1, 1], [], []>, transpose_lhs_hint = false} : vector<1000x128xf32>, vector<128x128xf32>, vector<1000x128xf32> -> vector<1000x128xf32>
    %get3A_17 = arith.constant 0 : index
    %get3A_18 = arith.constant 0 : index
    %get3A_19 = vector.load %arg5[%get3A_17, %get3A_18] : memref<1x128xf32, #tpu.memory_space<vmem>>, vector<1x128xf32>
    %add3A_20 = vector.broadcast %get3A_19 : vector<1x128xf32> to vector<1000x128xf32>
    %add3A_21 = arith.addf %dot_general3A_16, %add3A_20 : vector<1000x128xf32>
    %swap3A_22 = arith.constant 0 : index
    %swap3A_23 = arith.constant 0 : index
    %swap3A_24 = vector.load %arg11[%swap3A_22, %swap3A_23] : memref<1000x128xf32, #tpu.memory_space<vmem>>, vector<1000x128xf32>
    tpu.vector_store %arg11[%swap3A_22, %swap3A_23], %add3A_21 {strides = array<i32>} : memref<1000x128xf32, #tpu.memory_space<vmem>>, vector<1000x128xf32>,
    %get3A_25 = arith.constant 0 : index
    %get3A_26 = arith.constant 0 : index
    %get3A_27 = vector.load %arg6[%get3A_25, %get3A_26] : memref<128x128xf32, #tpu.memory_space<vmem>>, vector<128x128xf32>
    %dot_general3A_28 = arith.constant dense<0.000000e+00> : vector<1000x128xf32>
    %dot_general3A_29 = tpu.matmul %get3A_1, %get3A_27, %dot_general3A_28 {dimension_numbers = #tpu.dot_dimension_numbers<[1], [0], [0], [1], [0, 0, 1, 1], [], []>, transpose_lhs_hint = false} : vector<1000x128xf32>, vector<128x128xf32>, vector<1000x128xf32> -> vector<1000x128xf32>
    %get3A_30 = arith.constant 0 : index
    %get3A_31 = arith.constant 0 : index
    %get3A_32 = vector.load %arg7[%get3A_30, %get3A_31] : memref<1x128xf32, #tpu.memory_space<vmem>>, vector<1x128xf32>
    %add3A_33 = vector.broadcast %get3A_32 : vector<1x128xf32> to vector<1000x128xf32>
    %add3A_34 = arith.addf %dot_general3A_29, %add3A_33 : vector<1000x128xf32>
    %swap3A_35 = arith.constant 0 : index
    %swap3A_36 = arith.constant 0 : index
    %swap3A_37 = vector.load %arg12[%swap3A_35, %swap3A_36] : memref<1000x128xf32, #tpu.memory_space<vmem>>, vector<1000x128xf32>
    tpu.vector_store %arg12[%swap3A_35, %swap3A_36], %add3A_34 {strides = array<i32>} : memref<1000x128xf32, #tpu.memory_space<vmem>>, vector<1000x128xf32>,
    %get3A_38 = arith.constant 0 : index
    %get3A_39 = arith.constant 0 : index
    %get3A_40 = vector.load %arg8[%get3A_38, %get3A_39] : memref<128x128xf32, #tpu.memory_space<vmem>>, vector<128x128xf32>
    %dot_general3A_41 = arith.constant dense<0.000000e+00> : vector<1000x128xf32>
    %dot_general3A_42 = tpu.matmul %get3A_1, %get3A_40, %dot_general3A_41 {dimension_numbers = #tpu.dot_dimension_numbers<[1], [0], [0], [1], [0, 0, 1, 1], [], []>, transpose_lhs_hint = false} : vector<1000x128xf32>, vector<128x128xf32>, vector<1000x128xf32> -> vector<1000x128xf32>
    %get3A_43 = arith.constant 0 : index
    %get3A_44 = arith.constant 0 : index
    %get3A_45 = vector.load %arg9[%get3A_43, %get3A_44] : memref<1x128xf32, #tpu.memory_space<vmem>>, vector<1x128xf32>
    %add3A_46 = vector.broadcast %get3A_45 : vector<1x128xf32> to vector<1000x128xf32>
    %add3A_47 = arith.addf %dot_general3A_42, %add3A_46 : vector<1000x128xf32>
    %swap3A_48 = arith.constant 0 : index
    %swap3A_49 = arith.constant 0 : index
    %swap3A_50 = vector.load %arg13[%swap3A_48, %swap3A_49] : memref<1000x128xf32, #tpu.memory_space<vmem>>, vector<1000x128xf32>
    tpu.vector_store %arg13[%swap3A_48, %swap3A_49], %add3A_47 {strides = array<i32>} : memref<1000x128xf32, #tpu.memory_space<vmem>>, vector<1000x128xf32>,
    return
  }
  func.func @transform_0(%arg0: i32) -> (i32, i32) {
    %c0_i32 = arith.constant 0 : i32
    %c0_i32_0 = arith.constant 0 : i32
    return %arg0, %c0_i32 : i32, i32
  }
  func.func @transform_1(%arg0: i32) -> (i32, i32) {
    %c0_i32 = arith.constant 0 : i32
    %c0_i32_0 = arith.constant 0 : i32
    %c0_i32_1 = arith.constant 0 : i32
    return %c0_i32, %c0_i32_0 : i32, i32
  }
  func.func @transform_2(%arg0: i32) -> (i32, i32) {
    %c0_i32 = arith.constant 0 : i32
    %c0_i32_0 = arith.constant 0 : i32
    %c0_i32_1 = arith.constant 0 : i32
    return %c0_i32, %c0_i32_0 : i32, i32
  }
  func.func @transform_3(%arg0: i32) -> (i32, i32) {
    %c0_i32 = arith.constant 0 : i32
    %c0_i32_0 = arith.constant 0 : i32
    %c0_i32_1 = arith.constant 0 : i32
    return %c0_i32, %c0_i32_0 : i32, i32
  }
  func.func @transform_4(%arg0: i32) -> (i32, i32) {
    %c0_i32 = arith.constant 0 : i32
    %c0_i32_0 = arith.constant 0 : i32
    %c0_i32_1 = arith.constant 0 : i32
    return %c0_i32, %c0_i32_0 : i32, i32
  }
  func.func @transform_5(%arg0: i32) -> (i32, i32) {
    %c0_i32 = arith.constant 0 : i32
    %c0_i32_0 = arith.constant 0 : i32
    %c0_i32_1 = arith.constant 0 : i32
    return %c0_i32, %c0_i32_0 : i32, i32
  }
  func.func @transform_6(%arg0: i32) -> (i32, i32) {
    %c0_i32 = arith.constant 0 : i32
    %c0_i32_0 = arith.constant 0 : i32
    %c0_i32_1 = arith.constant 0 : i32
    return %c0_i32, %c0_i32_0 : i32, i32
  }
  func.func @transform_7(%arg0: i32) -> (i32, i32) {
    %c0_i32 = arith.constant 0 : i32
    %c0_i32_0 = arith.constant 0 : i32
    %c0_i32_1 = arith.constant 0 : i32
    return %c0_i32, %c0_i32_0 : i32, i32
  }
  func.func @transform_8(%arg0: i32) -> (i32, i32) {
    %c0_i32 = arith.constant 0 : i32
    %c0_i32_0 = arith.constant 0 : i32
    %c0_i32_1 = arith.constant 0 : i32
    return %c0_i32, %c0_i32_0 : i32, i32
  }
  func.func @transform_9(%arg0: i32) -> (i32, i32) {
    %c0_i32 = arith.constant 0 : i32
    %c0_i32_0 = arith.constant 0 : i32
    return %arg0, %c0_i32 : i32, i32
  }
  func.func @transform_10(%arg0: i32) -> (i32, i32) {
    %c0_i32 = arith.constant 0 : i32
    %c0_i32_0 = arith.constant 0 : i32
    return %arg0, %c0_i32 : i32, i32
  }
  func.func @transform_11(%arg0: i32) -> (i32, i32) {
    %c0_i32 = arith.constant 0 : i32
    %c0_i32_0 = arith.constant 0 : i32
    return %arg0, %c0_i32 : i32, i32
  }
  func.func @transform_12(%arg0: i32) -> (i32, i32) {
    %c0_i32 = arith.constant 0 : i32
    %c0_i32_0 = arith.constant 0 : i32
    return %arg0, %c0_i32 : i32, i32
  }
}

module attributes {stable_mosaic.version = 14 : i64} {
  func.func @_edge_pre_body(%arg0: i32, %arg1: memref<3200x16xf32, #tpu.memory_space<vmem>>, %arg2: memref<14x16xf32, #tpu.memory_space<vmem>>, %arg3: memref<1x16xf32, #tpu.memory_space<vmem>>, %arg4: memref<16x16xf32, #tpu.memory_space<vmem>>, %arg5: memref<1x16xf32, #tpu.memory_space<vmem>>, %arg6: memref<16x16xf32, #tpu.memory_space<vmem>>, %arg7: memref<1x16xf32, #tpu.memory_space<vmem>>, %arg8: memref<16x128xf32, #tpu.memory_space<vmem>>, %arg9: memref<1x128xf32, #tpu.memory_space<vmem>>, %arg10: memref<16x128xf32, #tpu.memory_space<vmem>>, %arg11: memref<1x128xf32, #tpu.memory_space<vmem>>, %arg12: memref<16x128xf32, #tpu.memory_space<vmem>>, %arg13: memref<1x128xf32, #tpu.memory_space<vmem>>, %arg14: memref<3200x128xf32, #tpu.memory_space<vmem>>, %arg15: memref<3200x128xf32, #tpu.memory_space<vmem>>, %arg16: memref<3200x128xf32, #tpu.memory_space<vmem>>, %arg17: memref<40x128xf32, #tpu.memory_space<vmem>>) attributes {dimension_semantics = [#tpu.dimension_semantics<arbitrary>], iteration_bounds = array<i64: 100>, scalar_prefetch = 0 : i64, scratch_operands = 0 : i64, tpu.core_type = #tpu.core_type<tc>, window_params = [{transform_indices = @transform_0, window_bounds = array<i64: 3200, 16>}, {pipeline_mode = #tpu.pipeline_mode<synchronous>, transform_indices = @transform_1, window_bounds = array<i64: 14, 16>}, {pipeline_mode = #tpu.pipeline_mode<synchronous>, transform_indices = @transform_2, window_bounds = array<i64: 1, 16>}, {pipeline_mode = #tpu.pipeline_mode<synchronous>, transform_indices = @transform_3, window_bounds = array<i64: 16, 16>}, {pipeline_mode = #tpu.pipeline_mode<synchronous>, transform_indices = @transform_4, window_bounds = array<i64: 1, 16>}, {pipeline_mode = #tpu.pipeline_mode<synchronous>, transform_indices = @transform_5, window_bounds = array<i64: 16, 16>}, {pipeline_mode = #tpu.pipeline_mode<synchronous>, transform_indices = @transform_6, window_bounds = array<i64: 1, 16>}, {pipeline_mode = #tpu.pipeline_mode<synchronous>, transform_indices = @transform_7, window_bounds = array<i64: 16, 128>}, {pipeline_mode = #tpu.pipeline_mode<synchronous>, transform_indices = @transform_8, window_bounds = array<i64: 1, 128>}, {pipeline_mode = #tpu.pipeline_mode<synchronous>, transform_indices = @transform_9, window_bounds = array<i64: 16, 128>}, {pipeline_mode = #tpu.pipeline_mode<synchronous>, transform_indices = @transform_10, window_bounds = array<i64: 1, 128>}, {pipeline_mode = #tpu.pipeline_mode<synchronous>, transform_indices = @transform_11, window_bounds = array<i64: 16, 128>}, {pipeline_mode = #tpu.pipeline_mode<synchronous>, transform_indices = @transform_12, window_bounds = array<i64: 1, 128>}, {transform_indices = @transform_13, window_bounds = array<i64: 3200, 128>}, {transform_indices = @transform_14, window_bounds = array<i64: 3200, 128>}, {transform_indices = @transform_15, window_bounds = array<i64: 3200, 128>}, {transform_indices = @transform_16, window_bounds = array<i64: 40, 128>}]} {
    %get3A = arith.constant 0 : index
    %get3A_0 = arith.constant 0 : index
    %get3A_1 = vector.load %arg1[%get3A, %get3A_0] : memref<3200x16xf32, #tpu.memory_space<vmem>>, vector<3200x14xf32>
    %get3A_2 = arith.constant 0 : index
    %get3A_3 = arith.constant 0 : index
    %get3A_4 = vector.load %arg2[%get3A_2, %get3A_3] : memref<14x16xf32, #tpu.memory_space<vmem>>, vector<14x16xf32>
    %dot_general3A = arith.constant dense<0.000000e+00> : vector<3200x16xf32>
    %dot_general3A_5 = tpu.matmul %get3A_1, %get3A_4, %dot_general3A {dimension_numbers = #tpu.dot_dimension_numbers<[1], [0], [0], [1], [0, 0, 1, 1], [], []>, transpose_lhs_hint = false} : vector<3200x14xf32>, vector<14x16xf32>, vector<3200x16xf32> -> vector<3200x16xf32>
    %get3A_6 = arith.constant 0 : index
    %get3A_7 = arith.constant 0 : index
    %get3A_8 = vector.load %arg3[%get3A_6, %get3A_7] : memref<1x16xf32, #tpu.memory_space<vmem>>, vector<1x16xf32>
    %add3A = vector.broadcast %get3A_8 : vector<1x16xf32> to vector<3200x16xf32>
    %add3A_9 = arith.addf %dot_general3A_5, %add3A : vector<3200x16xf32>
    %max3A = arith.constant 0.000000e+00 : f32
    %max3A_10 = vector.broadcast %max3A : f32 to vector<3200x16xf32>
    %max3A_11 = arith.maximumf %add3A_9, %max3A_10 : vector<3200x16xf32>
    %get3A_12 = arith.constant 0 : index
    %get3A_13 = arith.constant 0 : index
    %get3A_14 = vector.load %arg4[%get3A_12, %get3A_13] : memref<16x16xf32, #tpu.memory_space<vmem>>, vector<16x16xf32>
    %dot_general3A_15 = arith.constant dense<0.000000e+00> : vector<3200x16xf32>
    %dot_general3A_16 = tpu.matmul %max3A_11, %get3A_14, %dot_general3A_15 {dimension_numbers = #tpu.dot_dimension_numbers<[1], [0], [0], [1], [0, 0, 1, 1], [], []>, transpose_lhs_hint = false} : vector<3200x16xf32>, vector<16x16xf32>, vector<3200x16xf32> -> vector<3200x16xf32>
    %get3A_17 = arith.constant 0 : index
    %get3A_18 = arith.constant 0 : index
    %get3A_19 = vector.load %arg5[%get3A_17, %get3A_18] : memref<1x16xf32, #tpu.memory_space<vmem>>, vector<1x16xf32>
    %add3A_20 = vector.broadcast %get3A_19 : vector<1x16xf32> to vector<3200x16xf32>
    %add3A_21 = arith.addf %dot_general3A_16, %add3A_20 : vector<3200x16xf32>
    %max3A_22 = arith.constant 0.000000e+00 : f32
    %max3A_23 = vector.broadcast %max3A_22 : f32 to vector<3200x16xf32>
    %max3A_24 = arith.maximumf %add3A_21, %max3A_23 : vector<3200x16xf32>
    %get3A_25 = arith.constant 0 : index
    %get3A_26 = arith.constant 0 : index
    %get3A_27 = vector.load %arg6[%get3A_25, %get3A_26] : memref<16x16xf32, #tpu.memory_space<vmem>>, vector<16x16xf32>
    %dot_general3A_28 = arith.constant dense<0.000000e+00> : vector<3200x16xf32>
    %dot_general3A_29 = tpu.matmul %max3A_24, %get3A_27, %dot_general3A_28 {dimension_numbers = #tpu.dot_dimension_numbers<[1], [0], [0], [1], [0, 0, 1, 1], [], []>, transpose_lhs_hint = false} : vector<3200x16xf32>, vector<16x16xf32>, vector<3200x16xf32> -> vector<3200x16xf32>
    %get3A_30 = arith.constant 0 : index
    %get3A_31 = arith.constant 0 : index
    %get3A_32 = vector.load %arg7[%get3A_30, %get3A_31] : memref<1x16xf32, #tpu.memory_space<vmem>>, vector<1x16xf32>
    %add3A_33 = vector.broadcast %get3A_32 : vector<1x16xf32> to vector<3200x16xf32>
    %add3A_34 = arith.addf %dot_general3A_29, %add3A_33 : vector<3200x16xf32>
    %get3A_35 = arith.constant 0 : index
    %get3A_36 = arith.constant 0 : index
    %get3A_37 = vector.load %arg8[%get3A_35, %get3A_36] : memref<16x128xf32, #tpu.memory_space<vmem>>, vector<16x128xf32>
    %dot_general3A_38 = arith.constant dense<0.000000e+00> : vector<3200x128xf32>
    %dot_general3A_39 = tpu.matmul %add3A_34, %get3A_37, %dot_general3A_38 {dimension_numbers = #tpu.dot_dimension_numbers<[1], [0], [0], [1], [0, 0, 1, 1], [], []>, transpose_lhs_hint = false} : vector<3200x16xf32>, vector<16x128xf32>, vector<3200x128xf32> -> vector<3200x128xf32>
    %get3A_40 = arith.constant 0 : index
    %get3A_41 = arith.constant 0 : index
    %get3A_42 = vector.load %arg9[%get3A_40, %get3A_41] : memref<1x128xf32, #tpu.memory_space<vmem>>, vector<1x128xf32>
    %add3A_43 = vector.broadcast %get3A_42 : vector<1x128xf32> to vector<3200x128xf32>
    %add3A_44 = arith.addf %dot_general3A_39, %add3A_43 : vector<3200x128xf32>
    %swap3A = arith.constant 0 : index
    %swap3A_45 = arith.constant 0 : index
    %swap3A_46 = vector.load %arg14[%swap3A, %swap3A_45] : memref<3200x128xf32, #tpu.memory_space<vmem>>, vector<3200x128xf32>
    tpu.vector_store %arg14[%swap3A, %swap3A_45], %add3A_44 {strides = array<i32>} : memref<3200x128xf32, #tpu.memory_space<vmem>>, vector<3200x128xf32>,
    %get3A_47 = arith.constant 0 : index
    %get3A_48 = arith.constant 0 : index
    %get3A_49 = vector.load %arg10[%get3A_47, %get3A_48] : memref<16x128xf32, #tpu.memory_space<vmem>>, vector<16x128xf32>
    %dot_general3A_50 = arith.constant dense<0.000000e+00> : vector<3200x128xf32>
    %dot_general3A_51 = tpu.matmul %add3A_34, %get3A_49, %dot_general3A_50 {dimension_numbers = #tpu.dot_dimension_numbers<[1], [0], [0], [1], [0, 0, 1, 1], [], []>, transpose_lhs_hint = false} : vector<3200x16xf32>, vector<16x128xf32>, vector<3200x128xf32> -> vector<3200x128xf32>
    %get3A_52 = arith.constant 0 : index
    %get3A_53 = arith.constant 0 : index
    %get3A_54 = vector.load %arg11[%get3A_52, %get3A_53] : memref<1x128xf32, #tpu.memory_space<vmem>>, vector<1x128xf32>
    %add3A_55 = vector.broadcast %get3A_54 : vector<1x128xf32> to vector<3200x128xf32>
    %add3A_56 = arith.addf %dot_general3A_51, %add3A_55 : vector<3200x128xf32>
    %swap3A_57 = arith.constant 0 : index
    %swap3A_58 = arith.constant 0 : index
    %swap3A_59 = vector.load %arg15[%swap3A_57, %swap3A_58] : memref<3200x128xf32, #tpu.memory_space<vmem>>, vector<3200x128xf32>
    tpu.vector_store %arg15[%swap3A_57, %swap3A_58], %add3A_56 {strides = array<i32>} : memref<3200x128xf32, #tpu.memory_space<vmem>>, vector<3200x128xf32>,
    %get3A_60 = arith.constant 0 : index
    %get3A_61 = arith.constant 0 : index
    %get3A_62 = vector.load %arg12[%get3A_60, %get3A_61] : memref<16x128xf32, #tpu.memory_space<vmem>>, vector<16x128xf32>
    %dot_general3A_63 = arith.constant dense<0.000000e+00> : vector<3200x128xf32>
    %dot_general3A_64 = tpu.matmul %add3A_34, %get3A_62, %dot_general3A_63 {dimension_numbers = #tpu.dot_dimension_numbers<[1], [0], [0], [1], [0, 0, 1, 1], [], []>, transpose_lhs_hint = false} : vector<3200x16xf32>, vector<16x128xf32>, vector<3200x128xf32> -> vector<3200x128xf32>
    %get3A_65 = arith.constant 0 : index
    %get3A_66 = arith.constant 0 : index
    %get3A_67 = vector.load %arg13[%get3A_65, %get3A_66] : memref<1x128xf32, #tpu.memory_space<vmem>>, vector<1x128xf32>
    %add3A_68 = vector.broadcast %get3A_67 : vector<1x128xf32> to vector<3200x128xf32>
    %add3A_69 = arith.addf %dot_general3A_64, %add3A_68 : vector<3200x128xf32>
    %swap3A_70 = arith.constant 0 : index
    %swap3A_71 = arith.constant 0 : index
    %swap3A_72 = vector.load %arg16[%swap3A_70, %swap3A_71] : memref<3200x128xf32, #tpu.memory_space<vmem>>, vector<3200x128xf32>
    tpu.vector_store %arg16[%swap3A_70, %swap3A_71], %add3A_69 {strides = array<i32>} : memref<3200x128xf32, #tpu.memory_space<vmem>>, vector<3200x128xf32>,
    %get3A_73 = arith.constant 0 : index
    %get3A_74 = arith.constant 14 : index
    %get3A_75 = vector.load %arg1[%get3A_73, %get3A_74] : memref<3200x16xf32, #tpu.memory_space<vmem>>, vector<3200x1xf32>
    %get3A_76 = vector.shape_cast %get3A_75 : vector<3200x1xf32> to vector<3200xf32>
    %get3A_77 = arith.constant 0 : index
    %get3A_78 = arith.constant 15 : index
    %get3A_79 = vector.load %arg1[%get3A_77, %get3A_78] : memref<3200x16xf32, #tpu.memory_space<vmem>>, vector<3200x1xf32>
    %get3A_80 = vector.shape_cast %get3A_79 : vector<3200x1xf32> to vector<3200xf32>
    %sub3A = arith.constant 1.000000e+00 : f32
    %sub3A_81 = vector.broadcast %sub3A : f32 to vector<3200xf32>
    %sub3A_82 = arith.subf %sub3A_81, %get3A_80 : vector<3200xf32>
    %mul3A = arith.mulf %get3A_76, %sub3A_82 : vector<3200xf32>
    %mul3A_83 = arith.constant 2.500000e-01 : f32
    %mul3A_84 = vector.broadcast %mul3A_83 : f32 to vector<3200xf32>
    %mul3A_85 = arith.mulf %mul3A, %mul3A_84 : vector<3200xf32>
    %reshape3A = vector.shape_cast %mul3A_85 : vector<3200xf32> to vector<40x80xf32>
    %broadcast_in_dim3A = arith.constant 0.000000e+00 : f32
    %broadcast_in_dim3A_86 = vector.broadcast %broadcast_in_dim3A : f32 to vector<40x48xf32>
    %concatenate3A = tpu.concatenate %reshape3A, %broadcast_in_dim3A_86 in 1 : vector<40x80xf32>, vector<40x48xf32> -> vector<40x128xf32>
    %swap3A_87 = arith.constant 0 : index
    %swap3A_88 = arith.constant 0 : index
    %swap3A_89 = vector.load %arg17[%swap3A_87, %swap3A_88] : memref<40x128xf32, #tpu.memory_space<vmem>>, vector<40x128xf32>
    tpu.vector_store %arg17[%swap3A_87, %swap3A_88], %concatenate3A {strides = array<i32>} : memref<40x128xf32, #tpu.memory_space<vmem>>, vector<40x128xf32>,
    return
  }
  func.func @transform_0(%arg0: i32) -> (i32, i32) {
    %c0_i32 = arith.constant 0 : i32
    %c0_i32_0 = arith.constant 0 : i32
    return %arg0, %c0_i32 : i32, i32
  }
  func.func @transform_1(%arg0: i32) -> (i32, i32) {
    %c0_i32 = arith.constant 0 : i32
    %c0_i32_0 = arith.constant 0 : i32
    %c0_i32_1 = arith.constant 0 : i32
    return %c0_i32, %c0_i32_0 : i32, i32
  }
  func.func @transform_2(%arg0: i32) -> (i32, i32) {
    %c0_i32 = arith.constant 0 : i32
    %c0_i32_0 = arith.constant 0 : i32
    %c0_i32_1 = arith.constant 0 : i32
    return %c0_i32, %c0_i32_0 : i32, i32
  }
  func.func @transform_3(%arg0: i32) -> (i32, i32) {
    %c0_i32 = arith.constant 0 : i32
    %c0_i32_0 = arith.constant 0 : i32
    %c0_i32_1 = arith.constant 0 : i32
    return %c0_i32, %c0_i32_0 : i32, i32
  }
  func.func @transform_4(%arg0: i32) -> (i32, i32) {
    %c0_i32 = arith.constant 0 : i32
    %c0_i32_0 = arith.constant 0 : i32
    %c0_i32_1 = arith.constant 0 : i32
    return %c0_i32, %c0_i32_0 : i32, i32
  }
  func.func @transform_5(%arg0: i32) -> (i32, i32) {
    %c0_i32 = arith.constant 0 : i32
    %c0_i32_0 = arith.constant 0 : i32
    %c0_i32_1 = arith.constant 0 : i32
    return %c0_i32, %c0_i32_0 : i32, i32
  }
  func.func @transform_6(%arg0: i32) -> (i32, i32) {
    %c0_i32 = arith.constant 0 : i32
    %c0_i32_0 = arith.constant 0 : i32
    %c0_i32_1 = arith.constant 0 : i32
    return %c0_i32, %c0_i32_0 : i32, i32
  }
  func.func @transform_7(%arg0: i32) -> (i32, i32) {
    %c0_i32 = arith.constant 0 : i32
    %c0_i32_0 = arith.constant 0 : i32
    %c0_i32_1 = arith.constant 0 : i32
    return %c0_i32, %c0_i32_0 : i32, i32
  }
  func.func @transform_8(%arg0: i32) -> (i32, i32) {
    %c0_i32 = arith.constant 0 : i32
    %c0_i32_0 = arith.constant 0 : i32
    %c0_i32_1 = arith.constant 0 : i32
    return %c0_i32, %c0_i32_0 : i32, i32
  }
  func.func @transform_9(%arg0: i32) -> (i32, i32) {
    %c0_i32 = arith.constant 0 : i32
    %c0_i32_0 = arith.constant 0 : i32
    %c0_i32_1 = arith.constant 0 : i32
    return %c0_i32, %c0_i32_0 : i32, i32
  }
  func.func @transform_10(%arg0: i32) -> (i32, i32) {
    %c0_i32 = arith.constant 0 : i32
    %c0_i32_0 = arith.constant 0 : i32
    %c0_i32_1 = arith.constant 0 : i32
    return %c0_i32, %c0_i32_0 : i32, i32
  }
  func.func @transform_11(%arg0: i32) -> (i32, i32) {
    %c0_i32 = arith.constant 0 : i32
    %c0_i32_0 = arith.constant 0 : i32
    %c0_i32_1 = arith.constant 0 : i32
    return %c0_i32, %c0_i32_0 : i32, i32
  }
  func.func @transform_12(%arg0: i32) -> (i32, i32) {
    %c0_i32 = arith.constant 0 : i32
    %c0_i32_0 = arith.constant 0 : i32
    %c0_i32_1 = arith.constant 0 : i32
    return %c0_i32, %c0_i32_0 : i32, i32
  }
  func.func @transform_13(%arg0: i32) -> (i32, i32) {
    %c0_i32 = arith.constant 0 : i32
    %c0_i32_0 = arith.constant 0 : i32
    return %arg0, %c0_i32 : i32, i32
  }
  func.func @transform_14(%arg0: i32) -> (i32, i32) {
    %c0_i32 = arith.constant 0 : i32
    %c0_i32_0 = arith.constant 0 : i32
    return %arg0, %c0_i32 : i32, i32
  }
  func.func @transform_15(%arg0: i32) -> (i32, i32) {
    %c0_i32 = arith.constant 0 : i32
    %c0_i32_0 = arith.constant 0 : i32
    return %arg0, %c0_i32 : i32, i32
  }
  func.func @transform_16(%arg0: i32) -> (i32, i32) {
    %c0_i32 = arith.constant 0 : i32
    %c0_i32_0 = arith.constant 0 : i32
    return %arg0, %c0_i32 : i32, i32
  }
}

module attributes {stable_mosaic.version = 14 : i64} {
  func.func @_qkv_next_body(%arg0: i32, %arg1: memref<1000x128xf32, #tpu.memory_space<vmem>>, %arg2: memref<1000x128xf32, #tpu.memory_space<vmem>>, %arg3: memref<1000x128xf32, #tpu.memory_space<vmem>>, %arg4: memref<128x128xf32, #tpu.memory_space<vmem>>, %arg5: memref<1x128xf32, #tpu.memory_space<vmem>>, %arg6: memref<128x128xf32, #tpu.memory_space<vmem>>, %arg7: memref<1x128xf32, #tpu.memory_space<vmem>>, %arg8: memref<128x128xf32, #tpu.memory_space<vmem>>, %arg9: memref<1x128xf32, #tpu.memory_space<vmem>>, %arg10: memref<128x128xf32, #tpu.memory_space<vmem>>, %arg11: memref<1x128xf32, #tpu.memory_space<vmem>>, %arg12: memref<1000x128xf32, #tpu.memory_space<vmem>>, %arg13: memref<1000x128xf32, #tpu.memory_space<vmem>>, %arg14: memref<1000x128xf32, #tpu.memory_space<vmem>>, %arg15: memref<1000x128xf32, #tpu.memory_space<vmem>>) attributes {dimension_semantics = [#tpu.dimension_semantics<arbitrary>], iteration_bounds = array<i64: 10>, scalar_prefetch = 0 : i64, scratch_operands = 0 : i64, tpu.core_type = #tpu.core_type<tc>, window_params = [{transform_indices = @transform_0, window_bounds = array<i64: 1000, 128>}, {transform_indices = @transform_1, window_bounds = array<i64: 1000, 128>}, {transform_indices = @transform_2, window_bounds = array<i64: 1000, 128>}, {pipeline_mode = #tpu.pipeline_mode<synchronous>, transform_indices = @transform_3, window_bounds = array<i64: 128, 128>}, {pipeline_mode = #tpu.pipeline_mode<synchronous>, transform_indices = @transform_4, window_bounds = array<i64: 1, 128>}, {pipeline_mode = #tpu.pipeline_mode<synchronous>, transform_indices = @transform_5, window_bounds = array<i64: 128, 128>}, {pipeline_mode = #tpu.pipeline_mode<synchronous>, transform_indices = @transform_6, window_bounds = array<i64: 1, 128>}, {pipeline_mode = #tpu.pipeline_mode<synchronous>, transform_indices = @transform_7, window_bounds = array<i64: 128, 128>}, {pipeline_mode = #tpu.pipeline_mode<synchronous>, transform_indices = @transform_8, window_bounds = array<i64: 1, 128>}, {pipeline_mode = #tpu.pipeline_mode<synchronous>, transform_indices = @transform_9, window_bounds = array<i64: 128, 128>}, {pipeline_mode = #tpu.pipeline_mode<synchronous>, transform_indices = @transform_10, window_bounds = array<i64: 1, 128>}, {transform_indices = @transform_11, window_bounds = array<i64: 1000, 128>}, {transform_indices = @transform_12, window_bounds = array<i64: 1000, 128>}, {transform_indices = @transform_13, window_bounds = array<i64: 1000, 128>}, {transform_indices = @transform_14, window_bounds = array<i64: 1000, 128>}]} {
    %get3A = arith.constant 0 : index
    %get3A_0 = arith.constant 0 : index
    %get3A_1 = vector.load %arg1[%get3A, %get3A_0] : memref<1000x128xf32, #tpu.memory_space<vmem>>, vector<1000x128xf32>
    %get3A_2 = arith.constant 0 : index
    %get3A_3 = arith.constant 0 : index
    %get3A_4 = vector.load %arg2[%get3A_2, %get3A_3] : memref<1000x128xf32, #tpu.memory_space<vmem>>, vector<1000x128xf32>
    %add3A = arith.addf %get3A_1, %get3A_4 : vector<1000x128xf32>
    %get3A_5 = arith.constant 0 : index
    %get3A_6 = arith.constant 0 : index
    %get3A_7 = vector.load %arg3[%get3A_5, %get3A_6] : memref<1000x128xf32, #tpu.memory_space<vmem>>, vector<1000x128xf32>
    %add3A_8 = arith.addf %add3A, %get3A_7 : vector<1000x128xf32>
    %get3A_9 = arith.constant 0 : index
    %get3A_10 = arith.constant 0 : index
    %get3A_11 = vector.load %arg4[%get3A_9, %get3A_10] : memref<128x128xf32, #tpu.memory_space<vmem>>, vector<128x128xf32>
    %dot_general3A = arith.constant dense<0.000000e+00> : vector<1000x128xf32>
    %dot_general3A_12 = tpu.matmul %add3A_8, %get3A_11, %dot_general3A {dimension_numbers = #tpu.dot_dimension_numbers<[1], [0], [0], [1], [0, 0, 1, 1], [], []>, transpose_lhs_hint = false} : vector<1000x128xf32>, vector<128x128xf32>, vector<1000x128xf32> -> vector<1000x128xf32>
    %get3A_13 = arith.constant 0 : index
    %get3A_14 = arith.constant 0 : index
    %get3A_15 = vector.load %arg5[%get3A_13, %get3A_14] : memref<1x128xf32, #tpu.memory_space<vmem>>, vector<1x128xf32>
    %add3A_16 = vector.broadcast %get3A_15 : vector<1x128xf32> to vector<1000x128xf32>
    %add3A_17 = arith.addf %dot_general3A_12, %add3A_16 : vector<1000x128xf32>
    %swap3A = arith.constant 0 : index
    %swap3A_18 = arith.constant 0 : index
    %swap3A_19 = vector.load %arg12[%swap3A, %swap3A_18] : memref<1000x128xf32, #tpu.memory_space<vmem>>, vector<1000x128xf32>
    tpu.vector_store %arg12[%swap3A, %swap3A_18], %add3A_17 {strides = array<i32>} : memref<1000x128xf32, #tpu.memory_space<vmem>>, vector<1000x128xf32>,
    %get3A_20 = arith.constant 0 : index
    %get3A_21 = arith.constant 0 : index
    %get3A_22 = vector.load %arg6[%get3A_20, %get3A_21] : memref<128x128xf32, #tpu.memory_space<vmem>>, vector<128x128xf32>
    %dot_general3A_23 = arith.constant dense<0.000000e+00> : vector<1000x128xf32>
    %dot_general3A_24 = tpu.matmul %add3A_8, %get3A_22, %dot_general3A_23 {dimension_numbers = #tpu.dot_dimension_numbers<[1], [0], [0], [1], [0, 0, 1, 1], [], []>, transpose_lhs_hint = false} : vector<1000x128xf32>, vector<128x128xf32>, vector<1000x128xf32> -> vector<1000x128xf32>
    %get3A_25 = arith.constant 0 : index
    %get3A_26 = arith.constant 0 : index
    %get3A_27 = vector.load %arg7[%get3A_25, %get3A_26] : memref<1x128xf32, #tpu.memory_space<vmem>>, vector<1x128xf32>
    %add3A_28 = vector.broadcast %get3A_27 : vector<1x128xf32> to vector<1000x128xf32>
    %add3A_29 = arith.addf %dot_general3A_24, %add3A_28 : vector<1000x128xf32>
    %swap3A_30 = arith.constant 0 : index
    %swap3A_31 = arith.constant 0 : index
    %swap3A_32 = vector.load %arg13[%swap3A_30, %swap3A_31] : memref<1000x128xf32, #tpu.memory_space<vmem>>, vector<1000x128xf32>
    tpu.vector_store %arg13[%swap3A_30, %swap3A_31], %add3A_29 {strides = array<i32>} : memref<1000x128xf32, #tpu.memory_space<vmem>>, vector<1000x128xf32>,
    %get3A_33 = arith.constant 0 : index
    %get3A_34 = arith.constant 0 : index
    %get3A_35 = vector.load %arg8[%get3A_33, %get3A_34] : memref<128x128xf32, #tpu.memory_space<vmem>>, vector<128x128xf32>
    %dot_general3A_36 = arith.constant dense<0.000000e+00> : vector<1000x128xf32>
    %dot_general3A_37 = tpu.matmul %add3A_8, %get3A_35, %dot_general3A_36 {dimension_numbers = #tpu.dot_dimension_numbers<[1], [0], [0], [1], [0, 0, 1, 1], [], []>, transpose_lhs_hint = false} : vector<1000x128xf32>, vector<128x128xf32>, vector<1000x128xf32> -> vector<1000x128xf32>
    %get3A_38 = arith.constant 0 : index
    %get3A_39 = arith.constant 0 : index
    %get3A_40 = vector.load %arg9[%get3A_38, %get3A_39] : memref<1x128xf32, #tpu.memory_space<vmem>>, vector<1x128xf32>
    %add3A_41 = vector.broadcast %get3A_40 : vector<1x128xf32> to vector<1000x128xf32>
    %add3A_42 = arith.addf %dot_general3A_37, %add3A_41 : vector<1000x128xf32>
    %swap3A_43 = arith.constant 0 : index
    %swap3A_44 = arith.constant 0 : index
    %swap3A_45 = vector.load %arg14[%swap3A_43, %swap3A_44] : memref<1000x128xf32, #tpu.memory_space<vmem>>, vector<1000x128xf32>
    tpu.vector_store %arg14[%swap3A_43, %swap3A_44], %add3A_42 {strides = array<i32>} : memref<1000x128xf32, #tpu.memory_space<vmem>>, vector<1000x128xf32>,
    %get3A_46 = arith.constant 0 : index
    %get3A_47 = arith.constant 0 : index
    %get3A_48 = vector.load %arg10[%get3A_46, %get3A_47] : memref<128x128xf32, #tpu.memory_space<vmem>>, vector<128x128xf32>
    %dot_general3A_49 = arith.constant dense<0.000000e+00> : vector<1000x128xf32>
    %dot_general3A_50 = tpu.matmul %add3A_8, %get3A_48, %dot_general3A_49 {dimension_numbers = #tpu.dot_dimension_numbers<[1], [0], [0], [1], [0, 0, 1, 1], [], []>, transpose_lhs_hint = false} : vector<1000x128xf32>, vector<128x128xf32>, vector<1000x128xf32> -> vector<1000x128xf32>
    %get3A_51 = arith.constant 0 : index
    %get3A_52 = arith.constant 0 : index
    %get3A_53 = vector.load %arg11[%get3A_51, %get3A_52] : memref<1x128xf32, #tpu.memory_space<vmem>>, vector<1x128xf32>
    %add3A_54 = vector.broadcast %get3A_53 : vector<1x128xf32> to vector<1000x128xf32>
    %add3A_55 = arith.addf %dot_general3A_50, %add3A_54 : vector<1000x128xf32>
    %swap3A_56 = arith.constant 0 : index
    %swap3A_57 = arith.constant 0 : index
    %swap3A_58 = vector.load %arg15[%swap3A_56, %swap3A_57] : memref<1000x128xf32, #tpu.memory_space<vmem>>, vector<1000x128xf32>
    tpu.vector_store %arg15[%swap3A_56, %swap3A_57], %add3A_55 {strides = array<i32>} : memref<1000x128xf32, #tpu.memory_space<vmem>>, vector<1000x128xf32>,
    return
  }
  func.func @transform_0(%arg0: i32) -> (i32, i32) {
    %c0_i32 = arith.constant 0 : i32
    %c0_i32_0 = arith.constant 0 : i32
    return %arg0, %c0_i32 : i32, i32
  }
  func.func @transform_1(%arg0: i32) -> (i32, i32) {
    %c0_i32 = arith.constant 0 : i32
    %c0_i32_0 = arith.constant 0 : i32
    return %arg0, %c0_i32 : i32, i32
  }
  func.func @transform_2(%arg0: i32) -> (i32, i32) {
    %c0_i32 = arith.constant 0 : i32
    %c0_i32_0 = arith.constant 0 : i32
    return %arg0, %c0_i32 : i32, i32
  }
  func.func @transform_3(%arg0: i32) -> (i32, i32) {
    %c0_i32 = arith.constant 0 : i32
    %c0_i32_0 = arith.constant 0 : i32
    %c0_i32_1 = arith.constant 0 : i32
    return %c0_i32, %c0_i32_0 : i32, i32
  }
  func.func @transform_4(%arg0: i32) -> (i32, i32) {
    %c0_i32 = arith.constant 0 : i32
    %c0_i32_0 = arith.constant 0 : i32
    %c0_i32_1 = arith.constant 0 : i32
    return %c0_i32, %c0_i32_0 : i32, i32
  }
  func.func @transform_5(%arg0: i32) -> (i32, i32) {
    %c0_i32 = arith.constant 0 : i32
    %c0_i32_0 = arith.constant 0 : i32
    %c0_i32_1 = arith.constant 0 : i32
    return %c0_i32, %c0_i32_0 : i32, i32
  }
  func.func @transform_6(%arg0: i32) -> (i32, i32) {
    %c0_i32 = arith.constant 0 : i32
    %c0_i32_0 = arith.constant 0 : i32
    %c0_i32_1 = arith.constant 0 : i32
    return %c0_i32, %c0_i32_0 : i32, i32
  }
  func.func @transform_7(%arg0: i32) -> (i32, i32) {
    %c0_i32 = arith.constant 0 : i32
    %c0_i32_0 = arith.constant 0 : i32
    %c0_i32_1 = arith.constant 0 : i32
    return %c0_i32, %c0_i32_0 : i32, i32
  }
  func.func @transform_8(%arg0: i32) -> (i32, i32) {
    %c0_i32 = arith.constant 0 : i32
    %c0_i32_0 = arith.constant 0 : i32
    %c0_i32_1 = arith.constant 0 : i32
    return %c0_i32, %c0_i32_0 : i32, i32
  }
  func.func @transform_9(%arg0: i32) -> (i32, i32) {
    %c0_i32 = arith.constant 0 : i32
    %c0_i32_0 = arith.constant 0 : i32
    %c0_i32_1 = arith.constant 0 : i32
    return %c0_i32, %c0_i32_0 : i32, i32
  }
  func.func @transform_10(%arg0: i32) -> (i32, i32) {
    %c0_i32 = arith.constant 0 : i32
    %c0_i32_0 = arith.constant 0 : i32
    %c0_i32_1 = arith.constant 0 : i32
    return %c0_i32, %c0_i32_0 : i32, i32
  }
  func.func @transform_11(%arg0: i32) -> (i32, i32) {
    %c0_i32 = arith.constant 0 : i32
    %c0_i32_0 = arith.constant 0 : i32
    return %arg0, %c0_i32 : i32, i32
  }
  func.func @transform_12(%arg0: i32) -> (i32, i32) {
    %c0_i32 = arith.constant 0 : i32
    %c0_i32_0 = arith.constant 0 : i32
    return %arg0, %c0_i32 : i32, i32
  }
  func.func @transform_13(%arg0: i32) -> (i32, i32) {
    %c0_i32 = arith.constant 0 : i32
    %c0_i32_0 = arith.constant 0 : i32
    return %arg0, %c0_i32 : i32, i32
  }
  func.func @transform_14(%arg0: i32) -> (i32, i32) {
    %c0_i32 = arith.constant 0 : i32
    %c0_i32_0 = arith.constant 0 : i32
    return %arg0, %c0_i32 : i32, i32
  }
}

module attributes {stable_mosaic.version = 14 : i64} {
  func.func @_out_mlp_body(%arg0: i32, %arg1: memref<1000x128xf32, #tpu.memory_space<vmem>>, %arg2: memref<1000x128xf32, #tpu.memory_space<vmem>>, %arg3: memref<1000x128xf32, #tpu.memory_space<vmem>>, %arg4: memref<128x128xf32, #tpu.memory_space<vmem>>, %arg5: memref<1x128xf32, #tpu.memory_space<vmem>>, %arg6: memref<128x128xf32, #tpu.memory_space<vmem>>, %arg7: memref<1x128xf32, #tpu.memory_space<vmem>>, %arg8: memref<128x1xf32, #tpu.memory_space<vmem>>, %arg9: memref<1x1xf32, #tpu.memory_space<vmem>>, %arg10: memref<1000x1xf32, #tpu.memory_space<vmem>>) attributes {dimension_semantics = [#tpu.dimension_semantics<arbitrary>], iteration_bounds = array<i64: 10>, scalar_prefetch = 0 : i64, scratch_operands = 0 : i64, tpu.core_type = #tpu.core_type<tc>, window_params = [{transform_indices = @transform_0, window_bounds = array<i64: 1000, 128>}, {transform_indices = @transform_1, window_bounds = array<i64: 1000, 128>}, {transform_indices = @transform_2, window_bounds = array<i64: 1000, 128>}, {pipeline_mode = #tpu.pipeline_mode<synchronous>, transform_indices = @transform_3, window_bounds = array<i64: 128, 128>}, {pipeline_mode = #tpu.pipeline_mode<synchronous>, transform_indices = @transform_4, window_bounds = array<i64: 1, 128>}, {pipeline_mode = #tpu.pipeline_mode<synchronous>, transform_indices = @transform_5, window_bounds = array<i64: 128, 128>}, {pipeline_mode = #tpu.pipeline_mode<synchronous>, transform_indices = @transform_6, window_bounds = array<i64: 1, 128>}, {pipeline_mode = #tpu.pipeline_mode<synchronous>, transform_indices = @transform_7, window_bounds = array<i64: 128, 1>}, {pipeline_mode = #tpu.pipeline_mode<synchronous>, transform_indices = @transform_8, window_bounds = array<i64: 1, 1>}, {transform_indices = @transform_9, window_bounds = array<i64: 1000, 1>}]} {
    %get3A = arith.constant 0 : index
    %get3A_0 = arith.constant 0 : index
    %get3A_1 = vector.load %arg1[%get3A, %get3A_0] : memref<1000x128xf32, #tpu.memory_space<vmem>>, vector<1000x128xf32>
    %get3A_2 = arith.constant 0 : index
    %get3A_3 = arith.constant 0 : index
    %get3A_4 = vector.load %arg2[%get3A_2, %get3A_3] : memref<1000x128xf32, #tpu.memory_space<vmem>>, vector<1000x128xf32>
    %add3A = arith.addf %get3A_1, %get3A_4 : vector<1000x128xf32>
    %get3A_5 = arith.constant 0 : index
    %get3A_6 = arith.constant 0 : index
    %get3A_7 = vector.load %arg3[%get3A_5, %get3A_6] : memref<1000x128xf32, #tpu.memory_space<vmem>>, vector<1000x128xf32>
    %add3A_8 = arith.addf %add3A, %get3A_7 : vector<1000x128xf32>
    %get3A_9 = arith.constant 0 : index
    %get3A_10 = arith.constant 0 : index
    %get3A_11 = vector.load %arg4[%get3A_9, %get3A_10] : memref<128x128xf32, #tpu.memory_space<vmem>>, vector<128x128xf32>
    %dot_general3A = arith.constant dense<0.000000e+00> : vector<1000x128xf32>
    %dot_general3A_12 = tpu.matmul %add3A_8, %get3A_11, %dot_general3A {dimension_numbers = #tpu.dot_dimension_numbers<[1], [0], [0], [1], [0, 0, 1, 1], [], []>, transpose_lhs_hint = false} : vector<1000x128xf32>, vector<128x128xf32>, vector<1000x128xf32> -> vector<1000x128xf32>
    %get3A_13 = arith.constant 0 : index
    %get3A_14 = arith.constant 0 : index
    %get3A_15 = vector.load %arg5[%get3A_13, %get3A_14] : memref<1x128xf32, #tpu.memory_space<vmem>>, vector<1x128xf32>
    %add3A_16 = vector.broadcast %get3A_15 : vector<1x128xf32> to vector<1000x128xf32>
    %add3A_17 = arith.addf %dot_general3A_12, %add3A_16 : vector<1000x128xf32>
    %max3A = arith.constant 0.000000e+00 : f32
    %max3A_18 = vector.broadcast %max3A : f32 to vector<1000x128xf32>
    %max3A_19 = arith.maximumf %add3A_17, %max3A_18 : vector<1000x128xf32>
    %get3A_20 = arith.constant 0 : index
    %get3A_21 = arith.constant 0 : index
    %get3A_22 = vector.load %arg6[%get3A_20, %get3A_21] : memref<128x128xf32, #tpu.memory_space<vmem>>, vector<128x128xf32>
    %dot_general3A_23 = arith.constant dense<0.000000e+00> : vector<1000x128xf32>
    %dot_general3A_24 = tpu.matmul %max3A_19, %get3A_22, %dot_general3A_23 {dimension_numbers = #tpu.dot_dimension_numbers<[1], [0], [0], [1], [0, 0, 1, 1], [], []>, transpose_lhs_hint = false} : vector<1000x128xf32>, vector<128x128xf32>, vector<1000x128xf32> -> vector<1000x128xf32>
    %get3A_25 = arith.constant 0 : index
    %get3A_26 = arith.constant 0 : index
    %get3A_27 = vector.load %arg7[%get3A_25, %get3A_26] : memref<1x128xf32, #tpu.memory_space<vmem>>, vector<1x128xf32>
    %add3A_28 = vector.broadcast %get3A_27 : vector<1x128xf32> to vector<1000x128xf32>
    %add3A_29 = arith.addf %dot_general3A_24, %add3A_28 : vector<1000x128xf32>
    %max3A_30 = arith.constant 0.000000e+00 : f32
    %max3A_31 = vector.broadcast %max3A_30 : f32 to vector<1000x128xf32>
    %max3A_32 = arith.maximumf %add3A_29, %max3A_31 : vector<1000x128xf32>
    %get3A_33 = arith.constant 0 : index
    %get3A_34 = arith.constant 0 : index
    %get3A_35 = vector.load %arg8[%get3A_33, %get3A_34] : memref<128x1xf32, #tpu.memory_space<vmem>>, vector<128x1xf32>
    %dot_general3A_36 = arith.constant dense<0.000000e+00> : vector<1000x1xf32>
    %dot_general3A_37 = tpu.matmul %max3A_32, %get3A_35, %dot_general3A_36 {dimension_numbers = #tpu.dot_dimension_numbers<[1], [0], [0], [1], [0, 0, 1, 1], [], []>, transpose_lhs_hint = false} : vector<1000x128xf32>, vector<128x1xf32>, vector<1000x1xf32> -> vector<1000x1xf32>
    %get3A_38 = arith.constant 0 : index
    %get3A_39 = arith.constant 0 : index
    %get3A_40 = vector.load %arg9[%get3A_38, %get3A_39] : memref<1x1xf32, #tpu.memory_space<vmem>>, vector<1x1xf32>
    %add3A_41 = vector.broadcast %get3A_40 : vector<1x1xf32> to vector<1000x1xf32>
    %add3A_42 = arith.addf %dot_general3A_37, %add3A_41 : vector<1000x1xf32>
    %logistic3A = arith.negf %add3A_42 : vector<1000x1xf32>
    %logistic3A_43 = math.exp %logistic3A : vector<1000x1xf32>
    %logistic3A_44 = arith.constant 1.000000e+00 : f32
    %logistic3A_45 = vector.broadcast %logistic3A_44 : f32 to vector<1000x1xf32>
    %logistic3A_46 = arith.addf %logistic3A_45, %logistic3A_43 : vector<1000x1xf32>
    %logistic3A_47 = arith.divf %logistic3A_45, %logistic3A_46 : vector<1000x1xf32>
    %swap3A = arith.constant 0 : index
    %swap3A_48 = arith.constant 0 : index
    %swap3A_49 = vector.load %arg10[%swap3A, %swap3A_48] : memref<1000x1xf32, #tpu.memory_space<vmem>>, vector<1000x1xf32>
    tpu.vector_store %arg10[%swap3A, %swap3A_48], %logistic3A_47 {strides = array<i32>} : memref<1000x1xf32, #tpu.memory_space<vmem>>, vector<1000x1xf32>,
    return
  }
  func.func @transform_0(%arg0: i32) -> (i32, i32) {
    %c0_i32 = arith.constant 0 : i32
    %c0_i32_0 = arith.constant 0 : i32
    return %arg0, %c0_i32 : i32, i32
  }
  func.func @transform_1(%arg0: i32) -> (i32, i32) {
    %c0_i32 = arith.constant 0 : i32
    %c0_i32_0 = arith.constant 0 : i32
    return %arg0, %c0_i32 : i32, i32
  }
  func.func @transform_2(%arg0: i32) -> (i32, i32) {
    %c0_i32 = arith.constant 0 : i32
    %c0_i32_0 = arith.constant 0 : i32
    return %arg0, %c0_i32 : i32, i32
  }
  func.func @transform_3(%arg0: i32) -> (i32, i32) {
    %c0_i32 = arith.constant 0 : i32
    %c0_i32_0 = arith.constant 0 : i32
    %c0_i32_1 = arith.constant 0 : i32
    return %c0_i32, %c0_i32_0 : i32, i32
  }
  func.func @transform_4(%arg0: i32) -> (i32, i32) {
    %c0_i32 = arith.constant 0 : i32
    %c0_i32_0 = arith.constant 0 : i32
    %c0_i32_1 = arith.constant 0 : i32
    return %c0_i32, %c0_i32_0 : i32, i32
  }
  func.func @transform_5(%arg0: i32) -> (i32, i32) {
    %c0_i32 = arith.constant 0 : i32
    %c0_i32_0 = arith.constant 0 : i32
    %c0_i32_1 = arith.constant 0 : i32
    return %c0_i32, %c0_i32_0 : i32, i32
  }
  func.func @transform_6(%arg0: i32) -> (i32, i32) {
    %c0_i32 = arith.constant 0 : i32
    %c0_i32_0 = arith.constant 0 : i32
    %c0_i32_1 = arith.constant 0 : i32
    return %c0_i32, %c0_i32_0 : i32, i32
  }
  func.func @transform_7(%arg0: i32) -> (i32, i32) {
    %c0_i32 = arith.constant 0 : i32
    %c0_i32_0 = arith.constant 0 : i32
    %c0_i32_1 = arith.constant 0 : i32
    return %c0_i32, %c0_i32_0 : i32, i32
  }
  func.func @transform_8(%arg0: i32) -> (i32, i32) {
    %c0_i32 = arith.constant 0 : i32
    %c0_i32_0 = arith.constant 0 : i32
    %c0_i32_1 = arith.constant 0 : i32
    return %c0_i32, %c0_i32_0 : i32, i32
  }
  func.func @transform_9(%arg0: i32) -> (i32, i32) {
    %c0_i32 = arith.constant 0 : i32
    %c0_i32_0 = arith.constant 0 : i32
    return %arg0, %c0_i32 : i32, i32
  }
}

</mosaic_0001>

<sc_bundles>
// kernel: kernel.11.cloned.1.call-start
scs
__scs_entry_jumppad:
0x0: {  	(pc) =	sbr.rel $0x88, $3  }
0x1: {  	(tag) =	ssettag $0x0;
	lr =	simm.s32 $0x1  }
0x2: {  	[smem:$0x3F6E] =	sst lr;
	_ =	strace $0xD0000000  }
0x3: {  	_ = 	snop  }
0x4: {  	_ = 	snop  }
0x5: {  	_ = 	snop  }
0x6: {  	_ = 	snop  }
0x7: {  	_ = 	snop  }
__scs_overlays_trampoline_lowered:
0x8: {  	[smem:$0x3F7D] =	sst s0  }
0x9: {  	[smem:$0x3F7E] =	sst s1  }
0xa: {  	[smem:$0x3F7F] =	sst s2  }
0xb: {  	[smem:$0x3F80] =	sst s3  }
0xc: {  	[smem:$0x3F81] =	sst s4  }
0xd: {  	[smem:$0x3F82] =	sst s5  }
0xe: {  	[smem:$0x3F83] =	sst s6  }
0xf: {  	[smem:$0x3F84] =	sst s7  }
0x10: {  	[smem:$0x3F85] =	sst s8  }
0x11: {  	[smem:$0x3F86] =	sst s9;
	s0 =	simm.s32 @!p0 $0x0  }
0x12: {  	s1 =	sld [smem:$0x3F6C];
	s0 =	simm.s32 @p0 $0x1  }
0x13: {  	[smem:$0x3F87] =	sst s0;
	s0 =	simm.s32 @!p1 $0x0  }
0x14: {  	s2 =	sld [smem:$0x3F6B];
	s0 =	simm.s32 @p1 $0x1  }
0x15: {  	[smem:$0x3F88] =	sst s0;
	s0 =	simm.s32 @!p2 $0x0  }
0x16: {  	s3 =	sld [smem:$0x3FDB];
	s0 =	simm.s32 @p2 $0x1  }
0x17: {  	s4 =	simm.s32 $0x1BF5;
	[smem:$0x3F8A] =	sst s0  }
0x18: {  	s0 =	sld [smem:$0x3F6D];
	_ =	swait.ge [sflag:s4], $0x0  }
0x19: {  	s7 =	sld [smem:$0x3F6E]  }
0x1a: {  	s8 =	sadd.s32 $0xFFFFE003, lr  }
0x1b: {  	s9 =	sadd.s32 $0xFFFFFEF7, lr;
	s5 =	simm.s32 $0xFFFFFFFF;
	p2 =	slt.u32 s8, $0xFFFFF086  }
0x1c: {  	p1 =	slt.u32 s9, $0xF7A;
	s5 =	simm.s32 @!p2 $0x0  }
0x1d: {  	s5 =	simm.s32 @p1 $0x1;
	p0 =	seq.s32 s7, s2  }
0x1e: {  	s7 =	smul.u32 @!p0 $0xF7A, s2;
	p2 =	seq.s32 @!p0 s5, $0x0  }
0x1f: {  	s9 =	smul.u32 $0xF7A, s1;
	s8 =	simm.s32 @!p0 $0x1BF5;
	p2 =	por !p2, p0  }
0x20: {  	[sflag:s8] =	ssyncset.s32 @!p0 $0xFFFFF086;
	s6 =	sadd.s32 @!p0 s3, s7;
	s7 =	simm.s32 @!p0 $0x108  }
0x21: {  	s3 =	sadd.s32 s3, s9;
	s6 =	sadd.s32 @!p0 $0x88, s6;
	s7 =	simm.s32 @p2 $0x1082  }
0x22: {  	[simem:s7], [sflag:s8] =	dma.local @!p0 [hbm:s6], $0xF7A  }
0x23: {  	s9 =	sor.u32 $0xD0000000, s2;
	s6 =	simm.s32 $0x108;
	_ =	swait.ge @!p0 [sflag:s8], $0x0  }
0x24: {  	s3 =	sadd.s32 $0x88, s3;
	s6 =	simm.s32 @!p1 $0x1082;
	[sflag:s4] =	ssyncset.s32 $0xFFFFF086  }
0x25: {  	[simem:s6], [sflag:s4] =	dma.local [hbm:s3], $0xF7A  }
0x26: {  	[smem:$0x3F6E] =	sst s1;
	(tag) =	ssettag s2;
	_ =	strace s9  }
0x27: {  	s1 =	sld [smem:$0x3F7E]  }
0x28: {  	s2 =	sld [smem:$0x3F7F]  }
0x29: {  	s4 =	sld [smem:$0x3F81]  }
0x2a: {  	p0 =	seq.s32 s5, $0x0;
	s5 =	sld [smem:$0x3F82]  }
0x2b: {  	s6 =	sld [smem:$0x3F83]  }
0x2c: {  	s7 =	sld [smem:$0x3F84]  }
0x2d: {  	s3 =	simm.s32 $0x108;
	s8 =	sld [smem:$0x3F85]  }
0x2e: {  	s3 =	simm.s32 @!p0 $0x1082;
	s9 =	sld [smem:$0x3F86]  }
0x2f: {  	lr =	sadd.s32 s0, s3;
	s0 =	sld [smem:$0x3F7D]  }
0x30: {  	s3 =	sld [smem:$0x3F80]  }
0x31: {  	[smem:$0x3F89] =	sst s10  }
0x32: {  	s10 =	sld [smem:$0x3F87];
	_ =	sdelay $0x3  }
0x33: {  	p0 =	seq.s32 s10, $0x1;
	s10 =	sld [smem:$0x3F89];
	_ =	sdelay $0x3  }
0x34: {  	[smem:$0x3F89] =	sst s10  }
0x35: {  	s10 =	sld [smem:$0x3F88];
	_ =	sdelay $0x3  }
0x36: {  	p1 =	seq.s32 s10, $0x1;
	s10 =	sld [smem:$0x3F89];
	_ =	sdelay $0x3  }
0x37: {  	[smem:$0x3F89] =	sst s10  }
0x38: {  	s10 =	sld [smem:$0x3F8A]  }
0x39: {  	_ = 	snop;
	(pc) =	sbr.ind lr, $3  }
0x3a: {  	_ = 	snop  }
0x3b: {  	_ = 	snop  }
0x3c: {  	p2 =	seq.s32 s10, $0x1;
	s10 =	sld [smem:$0x3F89]  }
0x3d: {  	_ =	shalt  }
0x3e: {  	_ =	shalt  }
0x3f: {  	_ =	shalt  }
0x40: {  	_ =	shalt  }
0x41: {  	_ =	shalt  }
0x42: {  	_ =	shalt  }
0x43: {  	_ =	shalt  }
0x44: {  	_ =	shalt  }
0x45: {  	_ =	shalt  }
0x46: {  	_ =	shalt  }
0x47: {  	_ =	shalt  }
0x48: {  	_ =	shalt  }
0x49: {  	_ =	shalt  }
0x4a: {  	_ =	shalt  }
0x4b: {  	_ =	shalt  }
0x4c: {  	_ =	shalt  }
0x4d: {  	_ =	shalt  }
0x4e: {  	_ =	shalt  }
0x4f: {  	_ =	shalt  }
0x50: {  	_ =	shalt  }
0x51: {  	_ =	shalt  }
0x52: {  	_ =	shalt  }
0x53: {  	_ =	shalt  }
0x54: {  	_ =	shalt  }
0x55: {  	_ =	shalt  }
0x56: {  	_ =	shalt  }
0x57: {  	_ =	shalt  }
0x58: {  	_ =	shalt  }
0x59: {  	_ =	shalt  }
0x5a: {  	_ =	shalt  }
0x5b: {  	_ =	shalt  }
0x5c: {  	_ =	shalt  }
0x5d: {  	_ =	shalt  }
0x5e: {  	_ =	shalt  }
0x5f: {  	_ =	shalt  }
0x60: {  	_ =	shalt  }
0x61: {  	_ =	shalt  }
0x62: {  	_ =	shalt  }
0x63: {  	_ =	shalt  }
0x64: {  	_ =	shalt  }
0x65: {  	_ =	shalt  }
0x66: {  	_ =	shalt  }
0x67: {  	_ =	shalt  }
0x68: {  	_ =	shalt  }
0x69: {  	_ =	shalt  }
0x6a: {  	_ =	shalt  }
0x6b: {  	_ =	shalt  }
0x6c: {  	_ =	shalt  }
0x6d: {  	_ =	shalt  }
0x6e: {  	_ =	shalt  }
0x6f: {  	_ =	shalt  }
0x70: {  	_ =	shalt  }
0x71: {  	_ =	shalt  }
0x72: {  	_ =	shalt  }
0x73: {  	_ =	shalt  }
0x74: {  	_ =	shalt  }
0x75: {  	_ =	shalt  }
0x76: {  	_ =	shalt  }
0x77: {  	_ =	shalt  }
0x78: {  	_ =	shalt  }
0x79: {  	_ =	shalt  }
0x7a: {  	_ =	shalt  }
0x7b: {  	_ =	shalt  }
0x7c: {  	_ =	shalt  }
0x7d: {  	_ =	shalt  }
0x7e: {  	_ =	shalt  }
0x7f: {  	_ =	shalt  }
0x80: {  	_ =	shalt  }
0x81: {  	_ =	shalt  }
0x82: {  	_ =	shalt  }
0x83: {  	_ =	shalt  }
0x84: {  	_ =	shalt  }
0x85: {  	_ =	shalt  }
0x86: {  	_ =	shalt  }
0x87: {  	_ =	shalt  }
.Lfunc_end0:
.L_simem_size_0:
called_computation_lowered:
.L_overlay_start_0:
0x88: {  	s2 =	sld [smem:$0x3FD9]  }
0x89: {  	s3 =	sld [smem:$0x3FFE];
	_ =	sdelay $0x1  }
0x8a: {  	s1 =	srdreg.scid  }
0x8b: {  	s0 =	sand.u32 $0x1, s1  }
0x8c: {  	s16 =	sshll.u32 s0, $0xA;
	s2 =	sadd.s32 s3, s2  }
0x8d: {  	s2 =	sadd.s32 s2, s16  }
0x8e: {  	[smem:$0x3F95] =	sst s2  }
0x8f: {  	_ = 	snop  }
0x90: {  	(tm) =	ssettm $0x1  }
0x91: {  	s17 =	sld [smem:$0x3FFB];
	_ =	sdelay $0x3  }
0x92: {  	_ =	strace s17  }
0x93: {  	s2 =	sld [smem:$0x3FFC];
	_ =	sdelay $0x3  }
0x94: {  	_ =	strace s2  }
0x95: {  	s2 =	sld [smem:$0x3FFD];
	_ =	sdelay $0x3  }
0x96: {  	_ =	strace s2  }
0x97: {  	_ =	strace $0x8FFFFFFF  }
0x98: {  	s18 =	sld [smem:$0x3FDB];
	_ =	sdelay $0x1  }
0x99: {  	s19 =	simm.s32 $_scs_section_size  }
0x9a: {  	s4 =	simm.s32 $_size__tile_overlayer_lowered;
	s5 =	simm.s32 $_tile_overlayer_lowered  }
0x9b: {  	s22 =	simm.s32 $0x1BFF;
	s21 =	sshll.u32 s5, $0x1;
	s2 =	sadd.s32 s19, s18  }
0x9c: {  	s6 =	simm.s32 $0x0;
	s20 =	sshll.u32 s4, $0x1;
	s4 =	sadd.s32 s21, s2  }
0x9d: {  	[timem:s6], [sflag:s22] =	dma.local [hbm:s4], s20  }
0x9e: {  	_ =	swait.ge [sflag:s22], s20  }
0x9f: {  	s3 =	ssub.s32 $0x0, s20;
	[sflag:s22] =	ssyncset.done $0x0  }
0xa0: {  	[sflag:s22] =	ssyncadd.s32 s3;
	_ =	sdelay $0x1  }
0xa1: {  	s23 =	simm.s32 $0x1B8B  }
0xa2: {  	_ =	swait.ge [sflag:s23], $0x1  }
0xa3: {  	[sflag:s23] =	ssyncset.done $0x0  }
0xa4: {  	s25 =	simm.s32 $0x1B8E;
	s24 =	sld [smem:$0x3FFE];
	[sflag:s23] =	ssyncadd.s32 $0xFFFFFFFF  }
0xa5: {  	s26 =	simm.s32 $execute0_lowered;
	[smem:$0x3FD2] =	sst s25  }
0xa6: {  	s4 =	sshll.u32 s26, $0x1;
	_ =	strace $0x80000046;
	[dreg:$0x1] =	wrdreg $0xFFFFFFFF  }
0xa7: {  	s28 =	simm.s32 $_size_execute0_lowered;
	s2 =	sadd.s32 s2, s4;
	[dreg:$0x0] =	wrdreg $0x0  }
0xa8: {  	s4 =	sshll.u32 s28, $0x1;
	[dreg:$0x2] =	wrdreg s2  }
0xa9: {  	[dreg:$0x3] =	wrdreg s4  }
0xaa: {  	[dreg:$0x4] =	wrdreg $0xC0  }
0xab: {  	_ =	task [dreg:s6], $0x5FFFF  }
0xac: {  	[dreg:$0x1] =	wrdreg $0xFFFFFFFF  }
0xad: {  	[dreg:$0x0] =	wrdreg $0x60  }
0xae: {  	[dreg:$0x2] =	wrdreg s24  }
0xaf: {  	[dreg:$0x3] =	wrdreg $0xA1800  }
0xb0: {  	[dreg:$0x4] =	wrdreg $0x9  }
0xb1: {  	_ =	task.clear_ibuf [dreg:s6], $0x5FFFF;
	_ =	strace $0x90000046  }
0xb2: {  	s29 =	simm.s32 $0x9;
	_ =	strace $0x80000048  }
0xb3: {  	_ =	swait.ge [sflag:s29], $0x1  }
0xb4: {  	[sflag:s29] =	ssyncadd.s32 $0xFFFFFFFF  }
0xb5: {  	_ =	strace $0x90000048  }
0xb6: {  	_ =	sfence  }
0xb7: {  	s30 =	sld [smem:$0x0];
	_ =	sdelay $0x2  }
0xb8: {  	s31 =	sshll.u32 s1, $0xD;
	s1 =	sshrl.u32 s1, $0x2  }
0xb9: {  	s3 =	sand.u32 $0x4000, s31;
	s1 =	sadd.s32 s1, s30  }
0xba: {  	s0 =	sor.u32 s3, s0;
	s1 =	sshll.u32 s1, $0x11  }
0xbb: {  	s0 =	sor.u32 s1, s0  }
0xbc: {  	s0 =	sadd.s32 $0x8F2B, s0  }
0xbd: {  	[sflag:s0] =	ssyncadd.remote.s32 $0x1  }
0xbe: {  	_ =	sfence.sel $0xFFFF  }
0xbf: {  	[dreg:$0x0] =	wrdreg $0xFFFFFFFF;
	(pc) =	sbr.abs _section_cstart, $3  }
0xc0: {  	[dreg:$0x1] =	wrdreg $0xFFFFFFFF  }
0xc1: {  	_ =	task.clear_ibuf [dreg:s6], $0x2FFFF;
	_ =	strace $0x9FFFFFFF  }
0xc2: {  	(tm) =	ssettm $0x7FFFFFFF  }
0xc3: {  	_ =	shalt  }
tec
execute0_lowered:
.L_overlay_start_1:
0x0: {  	(tag) =	ssettag $0x1  }
0x1: {  	s0 =	rddreg [dreg:$0x0]  }
0x2: {  	s1 =	rddreg [dreg:$0x1];
	s2 =	simm.s32 $0x0  }
0x3: {  	s31 =	simm.s32 $0x5180;
	[smem:$0x7FF] =	sst s2  }
0x4: {  	s5 =	srdreg.scid;
	s3 =	sadd.s32 $0x4FF400, s0;
	s4 =	sadd.s32 $0x526600, s0  }
0x5: {  	s14 =	stileid.u32;
	s6 =	sadd.s32 $0x54D800, s0;
	s7 =	sadd.s32 $0x59BC00, s0  }
0x6: {  	s5 =	sand.u32 $0x1, s5;
	s8 =	sadd.s32 $0x9800, s0;
	s9 =	sadd.s32 $0x4F5600, s0  }
0x7: {  	s13 =	smul.u32 $0x50000, s14;
	s10 =	sadd.s32 $0x4EB800, s0;
	s0 =	sadd.s32 $0x19200, s0  }
0x8: {  	s21 =	sshll.u32 s14, $0x1;
	s15 =	smul.u32 $0x280, s14;
	_ =	strace $0x80000047  }
0x9: {  	s11 =	ssub.s32 $0x2, s5;
	s22 =	sor.u32 s5, s21;
	s5 =	smul.u32 $0x2800, s5  }
0xa: {  	s12 =	sshrl.u32 s11, $0x1;
	s13 =	sshrl.u32 s13, $0x2;
	s24 =	sadd.s32 $0x80, s15  }
0xb: {  	s14 =	smul.u32 $0x7D, s22;
	s18 =	sadd.s32 $0x100, s15;
	s28 =	sadd.s32 $0x180, s15  }
0xc: {  	s12 =	ssub.s32 s11, s12;
	s11 =	sadd.s32 s13, s1;
	s16 =	sadd.s32 s15, s5  }
0xd: {  	s17 =	sadd.s32 s5, s24;
	s26 =	sadd.s32 s5, s18;
	s15 =	sadd.s32 $0x200, s15  }
0xe: {  	s19 =	sadd.s32 s5, s28;
	s20 =	sshll.u32 s24, $0x7;
	s21 =	sshll.u32 s18, $0x7  }
0xf: {  	s22 =	sshll.u32 s28, $0x7;
	s18 =	simm.s32 $0x2;
	s13 =	sadd.s32 $0x2800, s11  }
0x10: {  	s23 =	sadd.s32 $0x5000, s11;
	s16 =	sshll.u32 s16, $0x4;
	s17 =	sshll.u32 s17, $0x4  }
0x11: {  	s5 =	sadd.s32 s5, s15;
	s15 =	sshll.u32 s15, $0x7;
	[dreg:$0x3] =	wrdreg s13  }
0x12: {  	s12 =	smax.u32 s12, $0x1;
	s28 =	sadd.s32 $0xC800, s11;
	[dreg:$0x4] =	wrdreg s23  }
0x13: {  	s29 =	sadd.s32 $0xF000, s11;
	s30 =	sadd.s32 $0x11800, s11;
	[dreg:$0xb] =	wrdreg s12  }
0x14: {  	s16 =	sadd.s32 s0, s16;
	s25 =	sadd.s32 s0, s17;
	[dreg:$0x11] =	wrdreg s28  }
0x15: {  	v0 =	vimm.s32 $0xFEDCBA98;
	v1 =	vimm.s32 $0x76543210;
	v2 =	vimm.s32 $0xBA98FEDC;
	s5 =	sshll.u32 s5, $0x4;
	s13 =	sadd.s32 s22, s1;
	[dreg:$0x5] =	wrdreg s16  }
0x16: {  	v3 =	vimm.s32 $0x32107654;
	v4 =	vimm.s32 $0xDCFE98BA;
	v5 =	vimm.s32 $0x54761032;
	s15 =	sadd.s32 s15, s1;
	[dreg:$0x6] =	wrdreg s25;
	s24 =	sshrl.u32 s13, $0x3  }
0x17: {  	v6 =	vimm.s32 $0xEFCDAB89;
	v7 =	vimm.s32 $0x67452301;
	s12 =	simm.s32 $0x50;
	s25 =	sshrl.u32 s15, $0x3;
	[dreg:$0xe] =	wrdreg s24  }
0x18: {  	v0 =	vunpack.c.l.s4.s8 v0;
	v1 =	vunpack.c.l.s4.s8 v1;
	v2 =	vunpack.c.l.s4.s8 v2;
	s16 =	sshll.u32 s26, $0x4;
	s26 =	sadd.s32 $0xA000, s11;
	[dreg:$0xf] =	wrdreg s25  }
0x19: {  	v3 =	vunpack.c.l.s4.s8 v3;
	v4 =	vunpack.c.l.s4.s8 v4;
	v5 =	vunpack.c.l.s4.s8 v5;
	s17 =	simm.s32 $0x1;
	s16 =	sadd.s32 s0, s16;
	[dreg:$0x10] =	wrdreg s26  }
0x1a: {  	v6 =	vunpack.c.l.s4.s8 v6;
	v7 =	vunpack.c.l.s4.s8 v7;
	v0 =	vunpack.c.0.s8.s32 v0;
	[dreg:$0x7] =	wrdreg s16;
	s16 =	sshll.u32 s19, $0x4;
	s19 =	sadd.s32 $0x7800, s11  }
0x1b: {  	v2 =	vunpack.c.0.s8.s32 v2;
	v3 =	vunpack.c.0.s8.s32 v3;
	v4 =	vunpack.c.0.s8.s32 v4;
	s13 =	simm.s32 $0x180;
	[dreg:$0x8] =	wrdreg s19;
	s16 =	sadd.s32 s0, s16  }
0x1c: {  	v5 =	vunpack.c.0.s8.s32 v5;
	v6 =	vunpack.c.0.s8.s32 v6;
	v7 =	vunpack.c.0.s8.s32 v7;
	s15 =	simm.s32 $0x2980;
	s0 =	sadd.s32 s0, s5;
	[dreg:$0x9] =	wrdreg s16  }
0x1d: {  	v3 =	vcombine.low v3, v2;
	v2 =	vunpack.c.0.s8.s32 v1;
	s5 =	sadd.s32 s21, s1;
	s19 =	simm.s32 $0x3;
	[dreg:$0xa] =	wrdreg s0  }
0x1e: {  	v8 =	vand.u32 $0xF, v0;
	v4 =	vcombine.low v5, v4;
	v5 =	vcombine.low v7, v6;
	s0 =	sadd.s32 s20, s1;
	s23 =	sshrl.u32 s5, $0x3;
	s5 =	simm.s32 $0x80  }
0x1f: {  	v0 =	vimm.f32 $0.0e+00;
	v1 =	vimm.s32 $0x0;
	v2 =	vcombine.low v8, v2;
	s16 =	simm.s32 $0x7980;
	s0 =	sshrl.u32 s0, $0x3;
	[dreg:$0xd] =	wrdreg s23  }
0x20: {  	v3 =	vand.u32 $0xF, v3;
	v4 =	vand.u32 $0xF, v4;
	v5 =	vand.u32 $0xF, v5;
	s20 =	simm.s32 $0x4;
	[dreg:$0xc] =	wrdreg s0;
	s0 =	simm.s32 $0x5  }
.LBB2_1:
0x21: {  	s21 =	simm.s32 $0x0;
	s22 =	simm.s32 $0x200  }
.LBB2_2:
0x22: {  	p0 =	sne.s32 s22, $0x9E00;
	[tilespmem:s21+$0x51F0] =	vst v0  }
0x23: {  	[tilespmem:s21+$0x5180] =	vst v0  }
0x24: {  	[tilespmem:s21+$0x5190] =	vst v0  }
.Ltmp0:
0x25: {  	[tilespmem:s21+$0x51A0] =	vst v0;
	(pc) =	sbr.rel @p0 .LBB2_2-.Ltmp0, $4  }
0x26: {  	[tilespmem:s21+$0x51B0] =	vst v0  }
0x27: {  	[tilespmem:s21+$0x51C0] =	vst v0  }
0x28: {  	[tilespmem:s21+$0x51D0] =	vst v0  }
0x29: {  	[tilespmem:s21+$0x51E0] =	vst v0;
	s21 =	sshra.s32 s22, $0x2;
	s22 =	sadd.s32 $0x200, s22  }
0x2a: {  	[tilespmem:s21+$0x51F0] =	vst v0  }
0x2b: {  	[tilespmem:s21+$0x5180] =	vst v0  }
0x2c: {  	[tilespmem:s21+$0x5190] =	vst v0  }
0x2d: {  	[tilespmem:s21+$0x51A0] =	vst v0  }
0x2e: {  	[tilespmem:s21+$0x51B0] =	vst v0  }
0x2f: {  	[tilespmem:s21+$0x51C0] =	vst v0  }
0x30: {  	[tilespmem:s21+$0x51D0] =	vst v0  }
0x31: {  	[tilespmem:s21+$0x51E0] =	vst v0  }
0x32: {  	[spmem:s11] =	stream.linear.scatter [tilespmem:s31], [sflag:$0x5], $0x2800, $0x38;
	[tilespmem:$0x1E180] =	vst v63  }
0x33: {  	_ =	swait.ge [sflag:s0], $0x2800  }
0x34: {  	[sflag:s0] =	ssyncset.done $0x0  }
0x35: {  	s23 =	rddreg [dreg:$0x3];
	[sflag:s0] =	ssyncadd.s32 $0xFFFFD800  }
0x36: {  	[spmem:s23] =	stream.linear.scatter [tilespmem:s31], [sflag:$0x5], $0x2800, $0x38;
	[tilespmem:$0x1E180] =	vst v63  }
0x37: {  	_ =	swait.ge [sflag:s0], $0x2800  }
0x38: {  	[sflag:s0] =	ssyncset.done $0x0  }
0x39: {  	s24 =	rddreg [dreg:$0x4];
	[sflag:s0] =	ssyncadd.s32 $0xFFFFD800  }
0x3a: {  	[spmem:s24] =	stream.linear.scatter [tilespmem:s31], [sflag:$0x5], $0x2800, $0x38;
	[tilespmem:$0x1E180] =	vst v63  }
0x3b: {  	_ =	swait.ge [sflag:s0], $0x2800  }
0x3c: {  	[sflag:s0] =	ssyncset.done $0x0  }
0x3d: {  	s25 =	rddreg [dreg:$0x8];
	[sflag:s0] =	ssyncadd.s32 $0xFFFFD800  }
0x3e: {  	[spmem:s25] =	stream.linear.scatter [tilespmem:s31], [sflag:$0x5], $0x2800, $0x38;
	[tilespmem:$0x1E180] =	vst v63  }
0x3f: {  	_ =	swait.ge [sflag:s0], $0x2800  }
0x40: {  	[sflag:s0] =	ssyncset.done $0x0  }
0x41: {  	s26 =	rddreg [dreg:$0x10];
	[sflag:s0] =	ssyncadd.s32 $0xFFFFD800  }
0x42: {  	[spmem:s26] =	stream.linear.scatter [tilespmem:s31], [sflag:$0x5], $0x2800, $0x38;
	[tilespmem:$0x1E180] =	vst v63  }
0x43: {  	_ =	swait.ge [sflag:s0], $0x2800  }
0x44: {  	[sflag:s0] =	ssyncset.done $0x0  }
0x45: {  	s28 =	rddreg [dreg:$0x11];
	[sflag:s0] =	ssyncadd.s32 $0xFFFFD800  }
0x46: {  	[spmem:s28] =	stream.linear.scatter [tilespmem:s31], [sflag:$0x5], $0x2800, $0x38;
	[tilespmem:$0x1E180] =	vst v63  }
0x47: {  	_ =	swait.ge [sflag:s0], $0x2800  }
0x48: {  	[sflag:s0] =	ssyncset.done $0x0  }
0x49: {  	[sflag:s0] =	ssyncadd.s32 $0xFFFFD800  }
0x4a: {  	[spmem:s29] =	stream.linear.scatter [tilespmem:s31], [sflag:$0x5], $0x2800, $0x38;
	[tilespmem:$0x1E180] =	vst v63  }
0x4b: {  	_ =	swait.ge [sflag:s0], $0x2800  }
0x4c: {  	[sflag:s0] =	ssyncset.done $0x0  }
0x4d: {  	[sflag:s0] =	ssyncadd.s32 $0xFFFFD800  }
0x4e: {  	[spmem:s30] =	stream.linear.scatter [tilespmem:s31], [sflag:$0x5], $0x2800, $0x38;
	[tilespmem:$0x1E180] =	vst v63  }
0x4f: {  	_ =	swait.ge [sflag:s0], $0x2800  }
0x50: {  	[sflag:s0] =	ssyncset.done $0x0  }
0x51: {  	[sflag:s0] =	ssyncadd.s32 $0xFFFFD800  }
0x52: {  	s21 =	simm.s32 $0x0;
	s22 =	simm.s32 $0x0;
	[bflag:$0x0] =	sbarrier.arrive $0xFFFF  }
.LBB2_4:
0x53: {  	s23 =	sadd.s32 s14, s22  }
0x54: {  	s24 =	smul.u32 $0xA, s23;
	_ =	sdelay $0x1  }
0x55: {  	s25 =	sadd.s32 s9, s24  }
0x56: {  	[tilespmem:s21], [sflag:$0x5] =	stream.linear.gather [hbm4b:s25+s21], $0x50, $0x38;
	[tilespmem:$0x1E180] =	vst v63  }
0x57: {  	_ =	swait.ge [sflag:s0], $0x50  }
0x58: {  	[sflag:s0] =	ssyncset.done $0x0  }
0x59: {  	s24 =	sadd.s32 s10, s24;
	[sflag:s0] =	ssyncadd.s32 $0xFFFFFFB0  }
0x5a: {  	[tilespmem:s5], [sflag:$0x5] =	stream.linear.gather [hbm4b:s24+s21], $0x50, $0x38;
	[tilespmem:$0x1E180] =	vst v63  }
0x5b: {  	_ =	swait.ge [sflag:s0], $0x50  }
0x5c: {  	[sflag:s0] =	ssyncset.done $0x0  }
0x5d: {  	[sflag:s0] =	ssyncadd.s32 $0xFFFFFFB0  }
0x5e: {  	[tilespmem:s13], [sflag:$0x1] =	stream.indirect.gather [hbm4b:s3+s12], $0x80, s5, s12, $0xb8;
	[tilespmem:$0x1E180] =	vst v63  }
0x5f: {  	_ = 	snop  }
0x60: {  	[tilespmem:s15], [sflag:$0x2] =	stream.indirect.gather [hbm4b:s4+s12], $0x80, s21, s12, $0xb8;
	[tilespmem:$0x1E180] =	vst v63  }
0x61: {  	s28 =	smul.u32 $0x500, s23  }
0x62: {  	[tilespmem:s31], [sflag:$0x3] =	stream.indirect.gather [hbm4b:s6+s12], $0x80, s21, s12, $0xb8;
	[tilespmem:$0x1E180] =	vst v63  }
0x63: {  	s23 =	sshll.u32 s23, $0x4;
	s24 =	sadd.s32 s7, s28  }
0x64: {  	[tilespmem:s16], [sflag:$0x4] =	stream.linear.gather [hbm4b:s24+s21], $0x2800, $0x38;
	[tilespmem:$0x1E180] =	vst v63  }
0x65: {  	s23 =	sadd.s32 s8, s23;
	s24 =	simm.s32 $0x100  }
0x66: {  	[tilespmem:s24], [sflag:$0x5] =	stream.linear.gather [hbm4b:s23+s21], $0x80, $0x38;
	[tilespmem:$0x1E180] =	vst v63  }
0x67: {  	_ =	swait.ge [sflag:s0], $0x80  }
0x68: {  	[sflag:s0] =	ssyncset.done $0x0  }
0x69: {  	[sflag:s0] =	ssyncadd.s32 $0xFFFFFF80  }
0x6a: {  	_ =	swait.ge [sflag:s17], $0x2800  }
0x6b: {  	[sflag:s17] =	ssyncset.done $0x0  }
0x6c: {  	[sflag:s17] =	ssyncadd.s32 $0xFFFFD800  }
0x6d: {  	_ =	swait.ge [sflag:s18], $0x2800  }
0x6e: {  	[sflag:s18] =	ssyncset.done $0x0  }
0x6f: {  	[sflag:s18] =	ssyncadd.s32 $0xFFFFD800  }
0x70: {  	_ =	swait.ge [sflag:s19], $0x2800  }
0x71: {  	[sflag:s19] =	ssyncset.done $0x0  }
0x72: {  	[sflag:s19] =	ssyncadd.s32 $0xFFFFD800  }
0x73: {  	_ =	swait.ge [sflag:s20], $0x2800  }
0x74: {  	[sflag:s20] =	ssyncset.done $0x0  }
0x75: {  	s23 =	simm.s32 $0x0;
	[sflag:s20] =	ssyncadd.s32 $0xFFFFD800  }
0x76: {  	v13 =	vld [tilespmem:s23+$0x1E0]  }
0x77: {  	v8 =	vld [tilespmem:s23+$0x1F0]  }
0x78: {  	v9 =	vld [tilespmem:s23+$0x180]  }
0x79: {  	v15 =	vld [tilespmem:s23+$0x1D0]  }
0x7a: {  	v16 =	vld [tilespmem:s23+$0x1A0]  }
0x7b: {  	v17 =	vld [tilespmem:s23+$0x1B0]  }
0x7c: {  	v12 =	vld [tilespmem:s23+$0x79F0]  }
0x7d: {  	v6 =	vld [tilespmem:s23+$0x79E0]  }
0x7e: {  	v18 =	vld [tilespmem:s23+$0x1C0]  }
0x7f: {  	v14 =	vld [tilespmem:s23+$0x29F0]  }
0x80: {  	v22 =	vld [tilespmem:s23+$0x79D0]  }
0x81: {  	v19 =	vld [tilespmem:s23+$0x29E0]  }
0x82: {  	v20 =	vld [tilespmem:s23+$0x29C0]  }
0x83: {  	v21 =	vld [tilespmem:s23+$0x29D0]  }
0x84: {  	v7 =	vld [tilespmem:s23+$0x7990]  }
0x85: {  	v10 =	vld [tilespmem:s23+$0x79C0]  }
0x86: {  	v23 =	vld [tilespmem:s23+$0x29B0]  }
0x87: {  	v11 =	vld [tilespmem:s23+$0x79A0]  }
0x88: {  	v24 =	vadd.f32 v12, v14;
	v14 =	vld [tilespmem:s23+$0x79B0]  }
0x89: {  	v25 =	vld [tilespmem:s23+$0x2990];
	v21 =	vadd.f32 v22, v21  }
0x8a: {  	v26 =	vld [tilespmem:s23+$0x29A0];
	v19 =	vadd.f32 v6, v19;
	v24 =	vmul.f32 v24, v8  }
0x8b: {  	v27 =	vld [tilespmem:s23+$0x190];
	v20 =	vadd.f32 v10, v20;
	v15 =	vmul.f32 v21, v15  }
0x8c: {  	v29 =	vld [tilespmem:s23+$0x51D0];
	v13 =	vmul.f32 v19, v13;
	v21 =	vperm.xlane v24, v2  }
0x8d: {  	v8 =	vld [tilespmem:s23+$0x7980];
	v18 =	vmul.f32 v20, v18;
	v20 =	vperm.xlane v15, v2;
	v23 =	vadd.f32 v14, v23  }
0x8e: {  	v19 =	vld [tilespmem:s23+$0x2980];
	v30 =	vperm.xlane v13, v2;
	v28 =	vadd.f32 v24, v21;
	v24 =	vadd.f32 v7, v25  }
0x8f: {  	v25 =	vperm.xlane v18, v2;
	v21 =	vld [tilespmem:s23+$0x51B0];
	v34 =	vadd.f32 v15, v20;
	v32 =	vmul.f32 v23, v17  }
0x90: {  	v15 =	vld [tilespmem:s23+$0x5190];
	v17 =	vadd.f32 v11, v26;
	v24 =	vmul.f32 v24, v27;
	v33 =	vperm.xlane v28, v3  }
0x91: {  	v20 =	vld [tilespmem:s23+$0x51A0];
	v23 =	vadd.f32 v18, v25;
	v18 =	vadd.f32 v29, v22;
	v36 =	vperm.xlane v34, v3  }
0x92: {  	v25 =	vld [tilespmem:s23+$0x51F0];
	v29 =	vadd.f32 v13, v30;
	v26 =	vperm.xlane v32, v2;
	v27 =	vmul.f32 v17, v16  }
0x93: {  	v13 =	vld [tilespmem:s23+$0x5180];
	v17 =	vadd.f32 v8, v19;
	v35 =	vperm.xlane v24, v2;
	v19 =	vperm.xlane v23, v3  }
0x94: {  	v16 =	vld [tilespmem:s23+$0x51C0];
	v30 =	vadd.f32 v34, v36;
	v28 =	vadd.f32 v28, v33;
	v31 =	vperm.xlane v27, v2  }
0x95: {  	s25 =	simm.s32 $0x200;
	v22 =	vadd.f32 v32, v26;
	v26 =	vld [tilespmem:s24+$0x0];
	v32 =	vperm.xlane v29, v3;
	v24 =	vadd.f32 v24, v35  }
.LBB2_5:
0x96: {  	s28 =	smov.u32 s25  }
0x97: {  	s26 =	sshra.s32 s25, $0x2;
	v33 =	vmul.f32 v17, v9;
	v27 =	vadd.f32 v27, v31;
	v31 =	vld [tilespmem:s23+$0x51E0];
	v17 =	vadd.f32 v25, v12;
	s24 =	sadd.s32 $0x1, s24;
	s28 =	sadd.s32 $0x200, s25  }
0x98: {  	p0 =	sne.s32 s25, $0x9E00;
	v23 =	vadd.f32 v23, v19;
	v12 =	vperm.xlane v30, v4;
	v29 =	vadd.f32 v29, v32;
	v25 =	vld [tilespmem:s26+$0x1E0]  }
0x99: {  	v19 =	vperm.xlane v27, v3;
	v16 =	vadd.f32 v16, v10;
	v10 =	vperm.xlane v28, v4;
	v32 =	vld [tilespmem:s26+$0x1F0]  }
0x9a: {  	v34 =	vperm.xlane v33, v2;
	v30 =	vadd.f32 v30, v12;
	v12 =	vperm.xlane v29, v4;
	v9 =	vld [tilespmem:s26+$0x180]  }
0x9b: {  	v36 =	vperm.xlane v24, v3;
	v27 =	vadd.f32 v27, v19;
	v28 =	vadd.f32 v28, v10;
	v35 =	vld [tilespmem:s26+$0x1D0]  }
0x9c: {  	v26 =	vperm.xlane v26, v1;
	v10 =	vadd.f32 v33, v34;
	v33 =	vperm.xlane v30, v5;
	v19 =	vld [tilespmem:s26+$0x1A0]  }
0x9d: {  	v24 =	vadd.f32 v24, v36;
	v29 =	vadd.f32 v29, v12;
	v36 =	vperm.xlane v27, v4;
	v34 =	vld [tilespmem:s26+$0x1B0]  }
0x9e: {  	v21 =	vadd.f32 v21, v14;
	v37 =	vperm.xlane v10, v3;
	v14 =	vadd.f32 v30, v33;
	v12 =	vld [tilespmem:s26+$0x79F0]  }
0x9f: {  	v33 =	vperm.xlane v24, v4;
	v27 =	vadd.f32 v27, v36;
	v36 =	vperm.xlane v22, v3;
	v30 =	vld [tilespmem:s26+$0x79E0]  }
0xa0: {  	v10 =	vadd.f32 v10, v37;
	v37 =	vperm.xlane v28, v5;
	v14 =	vmul.f32 v14, v26;
	v38 =	vld [tilespmem:s26+$0x190]  }
0xa1: {  	v20 =	vadd.f32 v20, v11;
	v24 =	vadd.f32 v24, v33;
	v33 =	vperm.xlane v27, v5;
	v39 =	vld [tilespmem:s26+$0x1C0]  }
0xa2: {  	v40 =	vperm.xlane v10, v4;
	v22 =	vadd.f32 v22, v36;
	v14 =	vmul.f32 v14, v18;
	v11 =	vld [tilespmem:s26+$0x29F0]  }
0xa3: {  	v36 =	vperm.xlane v24, v5;
	v27 =	vadd.f32 v27, v33;
	v33 =	vperm.xlane v29, v5;
	v18 =	vld [tilespmem:s26+$0x79D0]  }
0xa4: {  	v42 =	vperm.xlane v23, v4;
	v40 =	vadd.f32 v10, v40;
	v10 =	vperm.xlane v22, v4;
	v41 =	vld [tilespmem:s26+$0x29E0];
	[tilespmem:s23+$0x51D0] =	vst v14  }
0xa5: {  	v14 =	vmul.f32 v27, v26;
	v27 =	vadd.f32 v29, v33;
	v29 =	vadd.f32 v31, v6;
	v6 =	vmovc v30;
	v43 =	vld [tilespmem:s26+$0x29C0]  }
0xa6: {  	v23 =	vadd.f32 v23, v42;
	v22 =	vadd.f32 v22, v10;
	v30 =	vld [tilespmem:s26+$0x29D0]  }
0xa7: {  	v15 =	vadd.f32 v15, v7;
	v31 =	vperm.xlane v40, v5;
	v27 =	vmul.f32 v27, v26;
	v7 =	vld [tilespmem:s26+$0x7990]  }
0xa8: {  	v24 =	vadd.f32 v24, v36;
	v33 =	vperm.xlane v23, v5;
	v11 =	vadd.f32 v12, v11;
	v10 =	vld [tilespmem:s26+$0x79C0]  }
0xa9: {  	v31 =	vadd.f32 v40, v31;
	v40 =	vperm.xlane v22, v5;
	v27 =	vmul.f32 v27, v29;
	v36 =	vld [tilespmem:s26+$0x7980]  }
0xaa: {  	v24 =	vmul.f32 v24, v26;
	v41 =	vadd.f32 v6, v41;
	v32 =	vmul.f32 v11, v32;
	v29 =	vld [tilespmem:s26+$0x29B0]  }
0xab: {  	v20 =	vmul.f32 v14, v20;
	v22 =	vadd.f32 v22, v40;
	v11 =	vld [tilespmem:s26+$0x79A0];
	v30 =	vadd.f32 v18, v30;
	[tilespmem:s23+$0x51E0] =	vst v27  }
0xac: {  	v13 =	vadd.f32 v13, v8;
	v40 =	vmul.f32 v41, v25;
	v41 =	vmul.f32 v24, v15;
	v14 =	vld [tilespmem:s26+$0x79B0]  }
0xad: {  	v15 =	vld [tilespmem:s26+$0x2990];
	v24 =	vmul.f32 v30, v35;
	[tilespmem:s23+$0x51A0] =	vst v20;
	v20 =	vmul.f32 v22, v26;
	v22 =	vadd.f32 v28, v37  }
0xae: {  	v27 =	vadd.f32 v10, v43;
	v28 =	vperm.xlane v32, v2;
	v30 =	vmul.f32 v31, v26;
	v25 =	vld [tilespmem:s26+$0x2980];
	[tilespmem:s23+$0x5190] =	vst v41  }
0xaf: {  	v23 =	vadd.f32 v23, v33;
	v8 =	vmovc v36;
	v31 =	vld [tilespmem:s26+$0x29A0];
	v35 =	vperm.xlane v24, v2;
	v22 =	vmul.f32 v22, v26  }
0xb0: {  	v33 =	vperm.xlane v40, v2;
	v28 =	vadd.f32 v32, v28;
	v20 =	vmul.f32 v20, v21  }
0xb1: {  	v27 =	vmul.f32 v27, v39;
	v21 =	vadd.f32 v14, v29;
	v22 =	vmul.f32 v22, v17  }
0xb2: {  	v32 =	vadd.f32 v24, v35;
	v15 =	vadd.f32 v7, v15;
	v24 =	vld [tilespmem:s26+$0x51D0];
	[tilespmem:s23+$0x51B0] =	vst v20;
	v20 =	vmul.f32 v23, v26  }
0xb3: {  	v23 =	vperm.xlane v27, v2;
	v17 =	vadd.f32 v8, v25;
	v26 =	vmul.f32 v21, v34;
	[tilespmem:s23+$0x51F0] =	vst v22  }
0xb4: {  	v34 =	vperm.xlane v28, v3;
	v22 =	vmul.f32 v15, v38;
	v29 =	vadd.f32 v11, v31;
	v21 =	vld [tilespmem:s26+$0x51B0]  }
0xb5: {  	v23 =	vadd.f32 v27, v23;
	v16 =	vmul.f32 v20, v16;
	v35 =	vperm.xlane v26, v2;
	v25 =	vld [tilespmem:s26+$0x51F0]  }
.Ltmp1:
0xb6: {  	v13 =	vmul.f32 v30, v13;
	v15 =	vld [tilespmem:s26+$0x5190];
	v27 =	vmul.f32 v29, v19;
	(pc) =	sbr.rel @p0 .LBB2_5-.Ltmp1, $4  }
0xb7: {  	v30 =	vperm.xlane v22, v2;
	v19 =	vperm.xlane v23, v3;
	v20 =	vld [tilespmem:s26+$0x51A0];
	v18 =	vadd.f32 v24, v18;
	[tilespmem:s23+$0x51C0] =	vst v16  }
0xb8: {  	v36 =	vperm.xlane v32, v3;
	v29 =	vadd.f32 v40, v33;
	v31 =	vperm.xlane v27, v2;
	v16 =	vld [tilespmem:s26+$0x51C0];
	[tilespmem:s23+$0x5180] =	vst v13;
	s23 =	smov.u32 s26  }
0xb9: {  	v24 =	vadd.f32 v22, v30;
	v22 =	vadd.f32 v26, v35;
	v13 =	vld [tilespmem:s23+$0x5180]  }
0xba: {  	s25 =	smov.u32 s28;
	v28 =	vadd.f32 v28, v34;
	v30 =	vadd.f32 v32, v36;
	v32 =	vperm.xlane v29, v3;
	v26 =	vld [tilespmem:s24+$0x0]  }
0xbb: {  	v9 =	vmul.f32 v17, v9;
	v61 =	vadd.f32 v27, v31  }
0xbc: {  	v12 =	vadd.f32 v25, v12;
	v19 =	vadd.f32 v23, v19;
	v40 =	vperm.xlane v24, v3  }
0xbd: {  	v45 =	vperm.xlane v22, v3;
	v14 =	vadd.f32 v21, v14;
	v7 =	vadd.f32 v15, v7  }
0xbe: {  	v62 =	vperm.xlane v30, v4;
	v63 =	vadd.f32 v29, v32;
	v37 =	vperm.xlane v28, v4  }
0xbf: {  	v11 =	vadd.f32 v20, v11;
	v36 =	vperm.xlane v61, v3;
	v38 =	vperm.xlane v9, v2  }
0xc0: {  	v47 =	vld [tilespmem:s23+$0x51E0];
	v24 =	vadd.f32 v24, v40;
	v22 =	vadd.f32 v22, v45;
	v54 =	vperm.xlane v19, v4  }
0xc1: {  	v25 =	vadd.f32 v30, v62;
	v39 =	vperm.xlane v63, v4;
	v41 =	vadd.f32 v28, v37  }
0xc2: {  	v17 =	vadd.f32 v61, v36;
	v26 =	vperm.xlane v26, v1;
	v9 =	vadd.f32 v9, v38  }
0xc3: {  	v46 =	vperm.xlane v24, v4;
	v51 =	vperm.xlane v22, v4;
	v19 =	vadd.f32 v19, v54  }
0xc4: {  	v42 =	vperm.xlane v25, v5;
	v27 =	vadd.f32 v63, v39;
	v48 =	vperm.xlane v41, v5  }
0xc5: {  	v6 =	vadd.f32 v47, v6;
	v43 =	vperm.xlane v17, v4;
	v44 =	vperm.xlane v9, v3  }
0xc6: {  	v21 =	vadd.f32 v24, v46;
	v22 =	vadd.f32 v22, v51;
	v58 =	vperm.xlane v19, v5  }
0xc7: {  	v25 =	vadd.f32 v25, v42;
	v52 =	vperm.xlane v27, v5;
	v9 =	vadd.f32 v9, v44  }
0xc8: {  	v17 =	vadd.f32 v17, v43;
	v53 =	vperm.xlane v21, v5;
	v56 =	vperm.xlane v22, v5  }
0xc9: {  	v25 =	vmul.f32 v25, v26;
	v55 =	vadd.f32 v27, v52;
	v50 =	vperm.xlane v9, v4  }
0xca: {  	v49 =	vperm.xlane v17, v5;
	v21 =	vadd.f32 v21, v53;
	v22 =	vadd.f32 v22, v56  }
0xcb: {  	v18 =	vmul.f32 v25, v18;
	v20 =	vmul.f32 v55, v26;
	v9 =	vadd.f32 v9, v50  }
0xcc: {  	v17 =	vadd.f32 v17, v49;
	v59 =	vmul.f32 v21, v26;
	v61 =	vmul.f32 v22, v26  }
0xcd: {  	v60 =	vadd.f32 v41, v48;
	v6 =	vmul.f32 v20, v6;
	v57 =	vperm.xlane v9, v5  }
0xce: {  	v15 =	vadd.f32 v19, v58;
	[tilespmem:s23+$0x51D0] =	vst v18;
	v17 =	vmul.f32 v17, v26;
	v62 =	vmul.f32 v61, v14  }
0xcf: {  	[tilespmem:s23+$0x51E0] =	vst v6;
	v6 =	vmul.f32 v59, v7;
	v7 =	vmul.f32 v60, v26;
	v9 =	vadd.f32 v9, v57  }
0xd0: {  	v10 =	vadd.f32 v16, v10;
	v63 =	vmul.f32 v15, v26;
	v11 =	vmul.f32 v17, v11;
	[tilespmem:s23+$0x51B0] =	vst v62  }
0xd1: {  	v8 =	vadd.f32 v13, v8;
	[tilespmem:s23+$0x5190] =	vst v6;
	v6 =	vmul.f32 v7, v12;
	v9 =	vmul.f32 v9, v26  }
0xd2: {  	v7 =	vmul.f32 v63, v10;
	[tilespmem:s23+$0x51A0] =	vst v11  }
0xd3: {  	s22 =	sadd.s32 $0x1, s22;
	[tilespmem:s23+$0x51F0] =	vst v6;
	v6 =	vmul.f32 v9, v8  }
0xd4: {  	p0 =	sne.s32 s22, $0x7D;
	[tilespmem:s23+$0x51C0] =	vst v7  }
.Ltmp2:
0xd5: {  	[tilespmem:s23+$0x5180] =	vst v6;
	(pc) =	sbr.rel @p0 .LBB2_4-.Ltmp2, $4  }
0xd6: {  	[spmem:s1] =	stream.indirect.scatter.add.f32 [tilespmem:s31], [sflag:$0x5], $0x80, s5, s12, $0xb8;
	[tilespmem:$0x1E180] =	vst v63  }
0xd7: {  	_ =	swait.ge [sflag:s0], $0x2800  }
0xd8: {  	[sflag:s0] =	ssyncset.done $0x0  }
0xd9: {  	[sflag:s0] =	ssyncadd.s32 $0xFFFFD800  }
0xda: {  	s21 =	stileid.u32  }
0xdb: {  	[bflag:$0x0] =	sbarrier.arrive $0xFFFF;
	s21 =	sshll.u32 s21, $0x6  }
0xdc: {  	s22 =	sshrl.u32 s11, $0x3;
	s23 =	rddreg [dreg:$0x5];
	s21 =	sor.u32 $0x1C05, s21  }
0xdd: {  	[hbm:s23], [sflag:s21] =	dma.local [spmem:s22], $0x800  }
0xde: {  	_ =	swait.ge [sflag:s0], $0x800  }
0xdf: {  	[sflag:s0] =	ssyncset.done $0x0;
	s24 =	rddreg [dreg:$0x6]  }
0xe0: {  	s25 =	rddreg [dreg:$0xc];
	[sflag:s0] =	ssyncadd.s32 $0xFFFFF800  }
0xe1: {  	[hbm:s24], [sflag:s21] =	dma.local [spmem:s25], $0x800  }
0xe2: {  	_ =	swait.ge [sflag:s0], $0x800  }
0xe3: {  	[sflag:s0] =	ssyncset.done $0x0;
	s26 =	rddreg [dreg:$0x7]  }
0xe4: {  	s28 =	rddreg [dreg:$0xd];
	[sflag:s0] =	ssyncadd.s32 $0xFFFFF800  }
0xe5: {  	[hbm:s26], [sflag:s21] =	dma.local [spmem:s28], $0x800  }
0xe6: {  	_ =	swait.ge [sflag:s0], $0x800  }
0xe7: {  	[sflag:s0] =	ssyncset.done $0x0;
	s23 =	rddreg [dreg:$0x9]  }
0xe8: {  	s24 =	rddreg [dreg:$0xe];
	[sflag:s0] =	ssyncadd.s32 $0xFFFFF800  }
0xe9: {  	[hbm:s23], [sflag:s21] =	dma.local [spmem:s24], $0x800  }
0xea: {  	_ =	swait.ge [sflag:s0], $0x800  }
0xeb: {  	[sflag:s0] =	ssyncset.done $0x0;
	s25 =	rddreg [dreg:$0xa]  }
0xec: {  	s26 =	rddreg [dreg:$0xf];
	[sflag:s0] =	ssyncadd.s32 $0xFFFFF800  }
0xed: {  	[hbm:s25], [sflag:s21] =	dma.local [spmem:s26], $0x800  }
0xee: {  	_ =	swait.ge [sflag:s0], $0x800  }
0xef: {  	s2 =	sadd.s32 $0x1, s2;
	s28 =	rddreg [dreg:$0xb]  }
0xf0: {  	p0 =	sne.s32 s2, s28  }
.Ltmp3:
0xf1: {  	_ = 	snop;
	(pc) =	sbr.rel @p0 .LBB2_1-.Ltmp3, $3  }
0xf2: {  	_ =	sdelay $0x1  }
0xf3: {  	[sflag:s0] =	ssyncset.done $0x0  }
0xf4: {  	[sflag:s0] =	ssyncadd.s32 $0xFFFFF800  }
0xf5: {  	_ =	sfence.sel $0x180000  }
0xf6: {  	[bflag:$0x0] =	sbarrier.arrive $0xFFFF  }
0xf7: {  	_ =	strace $0x90000047  }
0xf8: {  	s0 =	stileid.u32;
	[bflag:$0x2] =	sbarrier.arrive $0xFFFF  }
0xf9: {  	p0 =	sne.s32 s0, $0x0;
	s0 =	rddreg [dreg:$0x2]  }
0xfa: {  	s0 =	sadd.s32 @!p0 $0x100000, s0  }
0xfb: {  	[sflag:s0] =	ssyncadd.tile.s32 @!p0 $0x1;
	_ =	shalt  }
.Lfunc_end2:
_tile_overlayer_lowered:
.L_overlay_start_2:
0xfc: {  	(tag) =	ssettag $0x2  }
0xfd: {  	s0 =	rddreg [dreg:$0x0];
	s2 =	stileid.u32  }
0xfe: {  	s1 =	rddreg [dreg:$0x1];
	p0 =	sne.s32 s2, $0x0  }
0xff: {  	s3 =	rddreg [dreg:$0x2];
	[bflag:$0x3] =	sbarrier.arrive $0xFFFF;
	s2 =	simm.s32 @!p0 $0x1C05  }
0x100: {  	[timem:s3], [sflag:s2] =	dma.local @!p0 [hbm:s0], s1  }
0x101: {  	s0 =	simm.s32 @!p0 $0x5  }
0x102: {  	_ =	swait.ge @!p0 [sflag:s0], s1  }
0x103: {  	s1 =	ssub.s32 @!p0 $0x0, s1;
	[sflag:s0] =	ssyncset.done @!p0 $0x0  }
0x104: {  	[sflag:s0] =	ssyncadd.s32 @!p0 s1  }
0x105: {  	[bflag:$0x3] =	sbarrier.arrive $0xFFFF  }
0x106: {  	_ =	shalt  }

// kernel: kernel.14.cloned.1.call-start
scs
__scs_entry_jumppad:
0x0: {  	(pc) =	sbr.rel $0x88, $3  }
0x1: {  	(tag) =	ssettag $0x0;
	lr =	simm.s32 $0x1  }
0x2: {  	[smem:$0x3F6E] =	sst lr;
	_ =	strace $0xD0000000  }
0x3: {  	_ = 	snop  }
0x4: {  	_ = 	snop  }
0x5: {  	_ = 	snop  }
0x6: {  	_ = 	snop  }
0x7: {  	_ = 	snop  }
__scs_overlays_trampoline_lowered:
0x8: {  	[smem:$0x3F7D] =	sst s0  }
0x9: {  	[smem:$0x3F7E] =	sst s1  }
0xa: {  	[smem:$0x3F7F] =	sst s2  }
0xb: {  	[smem:$0x3F80] =	sst s3  }
0xc: {  	[smem:$0x3F81] =	sst s4  }
0xd: {  	[smem:$0x3F82] =	sst s5  }
0xe: {  	[smem:$0x3F83] =	sst s6  }
0xf: {  	[smem:$0x3F84] =	sst s7  }
0x10: {  	[smem:$0x3F85] =	sst s8  }
0x11: {  	[smem:$0x3F86] =	sst s9;
	s0 =	simm.s32 @!p0 $0x0  }
0x12: {  	s1 =	sld [smem:$0x3F6C];
	s0 =	simm.s32 @p0 $0x1  }
0x13: {  	[smem:$0x3F87] =	sst s0;
	s0 =	simm.s32 @!p1 $0x0  }
0x14: {  	s2 =	sld [smem:$0x3F6B];
	s0 =	simm.s32 @p1 $0x1  }
0x15: {  	[smem:$0x3F88] =	sst s0;
	s0 =	simm.s32 @!p2 $0x0  }
0x16: {  	s3 =	sld [smem:$0x3FDB];
	s0 =	simm.s32 @p2 $0x1  }
0x17: {  	s4 =	simm.s32 $0x1BF5;
	[smem:$0x3F8A] =	sst s0  }
0x18: {  	s0 =	sld [smem:$0x3F6D];
	_ =	swait.ge [sflag:s4], $0x0  }
0x19: {  	s7 =	sld [smem:$0x3F6E]  }
0x1a: {  	s8 =	sadd.s32 $0xFFFFE003, lr  }
0x1b: {  	s9 =	sadd.s32 $0xFFFFFEF7, lr;
	s5 =	simm.s32 $0xFFFFFFFF;
	p2 =	slt.u32 s8, $0xFFFFF086  }
0x1c: {  	p1 =	slt.u32 s9, $0xF7A;
	s5 =	simm.s32 @!p2 $0x0  }
0x1d: {  	s5 =	simm.s32 @p1 $0x1;
	p0 =	seq.s32 s7, s2  }
0x1e: {  	s7 =	smul.u32 @!p0 $0xF7A, s2;
	p2 =	seq.s32 @!p0 s5, $0x0  }
0x1f: {  	s9 =	smul.u32 $0xF7A, s1;
	s8 =	simm.s32 @!p0 $0x1BF5;
	p2 =	por !p2, p0  }
0x20: {  	[sflag:s8] =	ssyncset.s32 @!p0 $0xFFFFF086;
	s6 =	sadd.s32 @!p0 s3, s7;
	s7 =	simm.s32 @!p0 $0x108  }
0x21: {  	s3 =	sadd.s32 s3, s9;
	s6 =	sadd.s32 @!p0 $0x88, s6;
	s7 =	simm.s32 @p2 $0x1082  }
0x22: {  	[simem:s7], [sflag:s8] =	dma.local @!p0 [hbm:s6], $0xF7A  }
0x23: {  	s9 =	sor.u32 $0xD0000000, s2;
	s6 =	simm.s32 $0x108;
	_ =	swait.ge @!p0 [sflag:s8], $0x0  }
0x24: {  	s3 =	sadd.s32 $0x88, s3;
	s6 =	simm.s32 @!p1 $0x1082;
	[sflag:s4] =	ssyncset.s32 $0xFFFFF086  }
0x25: {  	[simem:s6], [sflag:s4] =	dma.local [hbm:s3], $0xF7A  }
0x26: {  	[smem:$0x3F6E] =	sst s1;
	(tag) =	ssettag s2;
	_ =	strace s9  }
0x27: {  	s1 =	sld [smem:$0x3F7E]  }
0x28: {  	s2 =	sld [smem:$0x3F7F]  }
0x29: {  	s4 =	sld [smem:$0x3F81]  }
0x2a: {  	p0 =	seq.s32 s5, $0x0;
	s5 =	sld [smem:$0x3F82]  }
0x2b: {  	s6 =	sld [smem:$0x3F83]  }
0x2c: {  	s7 =	sld [smem:$0x3F84]  }
0x2d: {  	s3 =	simm.s32 $0x108;
	s8 =	sld [smem:$0x3F85]  }
0x2e: {  	s3 =	simm.s32 @!p0 $0x1082;
	s9 =	sld [smem:$0x3F86]  }
0x2f: {  	lr =	sadd.s32 s0, s3;
	s0 =	sld [smem:$0x3F7D]  }
0x30: {  	s3 =	sld [smem:$0x3F80]  }
0x31: {  	[smem:$0x3F89] =	sst s10  }
0x32: {  	s10 =	sld [smem:$0x3F87];
	_ =	sdelay $0x3  }
0x33: {  	p0 =	seq.s32 s10, $0x1;
	s10 =	sld [smem:$0x3F89];
	_ =	sdelay $0x3  }
0x34: {  	[smem:$0x3F89] =	sst s10  }
0x35: {  	s10 =	sld [smem:$0x3F88];
	_ =	sdelay $0x3  }
0x36: {  	p1 =	seq.s32 s10, $0x1;
	s10 =	sld [smem:$0x3F89];
	_ =	sdelay $0x3  }
0x37: {  	[smem:$0x3F89] =	sst s10  }
0x38: {  	s10 =	sld [smem:$0x3F8A]  }
0x39: {  	_ = 	snop;
	(pc) =	sbr.ind lr, $3  }
0x3a: {  	_ = 	snop  }
0x3b: {  	_ = 	snop  }
0x3c: {  	p2 =	seq.s32 s10, $0x1;
	s10 =	sld [smem:$0x3F89]  }
0x3d: {  	_ =	shalt  }
0x3e: {  	_ =	shalt  }
0x3f: {  	_ =	shalt  }
0x40: {  	_ =	shalt  }
0x41: {  	_ =	shalt  }
0x42: {  	_ =	shalt  }
0x43: {  	_ =	shalt  }
0x44: {  	_ =	shalt  }
0x45: {  	_ =	shalt  }
0x46: {  	_ =	shalt  }
0x47: {  	_ =	shalt  }
0x48: {  	_ =	shalt  }
0x49: {  	_ =	shalt  }
0x4a: {  	_ =	shalt  }
0x4b: {  	_ =	shalt  }
0x4c: {  	_ =	shalt  }
0x4d: {  	_ =	shalt  }
0x4e: {  	_ =	shalt  }
0x4f: {  	_ =	shalt  }
0x50: {  	_ =	shalt  }
0x51: {  	_ =	shalt  }
0x52: {  	_ =	shalt  }
0x53: {  	_ =	shalt  }
0x54: {  	_ =	shalt  }
0x55: {  	_ =	shalt  }
0x56: {  	_ =	shalt  }
0x57: {  	_ =	shalt  }
0x58: {  	_ =	shalt  }
0x59: {  	_ =	shalt  }
0x5a: {  	_ =	shalt  }
0x5b: {  	_ =	shalt  }
0x5c: {  	_ =	shalt  }
0x5d: {  	_ =	shalt  }
0x5e: {  	_ =	shalt  }
0x5f: {  	_ =	shalt  }
0x60: {  	_ =	shalt  }
0x61: {  	_ =	shalt  }
0x62: {  	_ =	shalt  }
0x63: {  	_ =	shalt  }
0x64: {  	_ =	shalt  }
0x65: {  	_ =	shalt  }
0x66: {  	_ =	shalt  }
0x67: {  	_ =	shalt  }
0x68: {  	_ =	shalt  }
0x69: {  	_ =	shalt  }
0x6a: {  	_ =	shalt  }
0x6b: {  	_ =	shalt  }
0x6c: {  	_ =	shalt  }
0x6d: {  	_ =	shalt  }
0x6e: {  	_ =	shalt  }
0x6f: {  	_ =	shalt  }
0x70: {  	_ =	shalt  }
0x71: {  	_ =	shalt  }
0x72: {  	_ =	shalt  }
0x73: {  	_ =	shalt  }
0x74: {  	_ =	shalt  }
0x75: {  	_ =	shalt  }
0x76: {  	_ =	shalt  }
0x77: {  	_ =	shalt  }
0x78: {  	_ =	shalt  }
0x79: {  	_ =	shalt  }
0x7a: {  	_ =	shalt  }
0x7b: {  	_ =	shalt  }
0x7c: {  	_ =	shalt  }
0x7d: {  	_ =	shalt  }
0x7e: {  	_ =	shalt  }
0x7f: {  	_ =	shalt  }
0x80: {  	_ =	shalt  }
0x81: {  	_ =	shalt  }
0x82: {  	_ =	shalt  }
0x83: {  	_ =	shalt  }
0x84: {  	_ =	shalt  }
0x85: {  	_ =	shalt  }
0x86: {  	_ =	shalt  }
0x87: {  	_ =	shalt  }
.Lfunc_end0:
.L_simem_size_0:
called_computation.1_lowered:
.L_overlay_start_0:
0x88: {  	s2 =	sld [smem:$0x3FD9]  }
0x89: {  	s3 =	sld [smem:$0x3FFE];
	_ =	sdelay $0x1  }
0x8a: {  	s1 =	srdreg.scid  }
0x8b: {  	s0 =	sand.u32 $0x1, s1  }
0x8c: {  	s16 =	sshll.u32 s0, $0xA;
	s2 =	sadd.s32 s3, s2  }
0x8d: {  	s2 =	sadd.s32 s2, s16  }
0x8e: {  	[smem:$0x3F95] =	sst s2  }
0x8f: {  	_ = 	snop  }
0x90: {  	(tm) =	ssettm $0x1  }
0x91: {  	s17 =	sld [smem:$0x3FFB];
	_ =	sdelay $0x3  }
0x92: {  	_ =	strace s17  }
0x93: {  	s2 =	sld [smem:$0x3FFC];
	_ =	sdelay $0x3  }
0x94: {  	_ =	strace s2  }
0x95: {  	s2 =	sld [smem:$0x3FFD];
	_ =	sdelay $0x3  }
0x96: {  	_ =	strace s2  }
0x97: {  	_ =	strace $0x8FFFFFFF  }
0x98: {  	s18 =	sld [smem:$0x3FDB];
	_ =	sdelay $0x1  }
0x99: {  	s19 =	simm.s32 $_scs_section_size  }
0x9a: {  	s4 =	simm.s32 $_size__tile_overlayer_lowered;
	s5 =	simm.s32 $_tile_overlayer_lowered  }
0x9b: {  	s22 =	simm.s32 $0x1BFF;
	s21 =	sshll.u32 s5, $0x1;
	s2 =	sadd.s32 s19, s18  }
0x9c: {  	s6 =	simm.s32 $0x0;
	s20 =	sshll.u32 s4, $0x1;
	s4 =	sadd.s32 s21, s2  }
0x9d: {  	[timem:s6], [sflag:s22] =	dma.local [hbm:s4], s20  }
0x9e: {  	_ =	swait.ge [sflag:s22], s20  }
0x9f: {  	s3 =	ssub.s32 $0x0, s20;
	[sflag:s22] =	ssyncset.done $0x0  }
0xa0: {  	[sflag:s22] =	ssyncadd.s32 s3;
	_ =	sdelay $0x1  }
0xa1: {  	s23 =	simm.s32 $0x1B8B  }
0xa2: {  	_ =	swait.ge [sflag:s23], $0x1  }
0xa3: {  	[sflag:s23] =	ssyncset.done $0x0  }
0xa4: {  	s25 =	simm.s32 $0x1B8E;
	s24 =	sld [smem:$0x3FFE];
	[sflag:s23] =	ssyncadd.s32 $0xFFFFFFFF  }
0xa5: {  	s26 =	simm.s32 $execute0_lowered;
	[smem:$0x3FD2] =	sst s25  }
0xa6: {  	s4 =	sshll.u32 s26, $0x1;
	_ =	strace $0x80000049;
	[dreg:$0x1] =	wrdreg $0xFFFFFFFF  }
0xa7: {  	s28 =	simm.s32 $_size_execute0_lowered;
	s2 =	sadd.s32 s2, s4;
	[dreg:$0x0] =	wrdreg $0x0  }
0xa8: {  	s4 =	sshll.u32 s28, $0x1;
	[dreg:$0x2] =	wrdreg s2  }
0xa9: {  	[dreg:$0x3] =	wrdreg s4  }
0xaa: {  	[dreg:$0x4] =	wrdreg $0xC0  }
0xab: {  	_ =	task [dreg:s6], $0x5FFFF  }
0xac: {  	[dreg:$0x1] =	wrdreg $0xFFFFFFFF  }
0xad: {  	[dreg:$0x0] =	wrdreg $0x60  }
0xae: {  	[dreg:$0x2] =	wrdreg s24  }
0xaf: {  	[dreg:$0x3] =	wrdreg $0xA1800  }
0xb0: {  	[dreg:$0x4] =	wrdreg $0x9  }
0xb1: {  	_ =	task.clear_ibuf [dreg:s6], $0x5FFFF;
	_ =	strace $0x90000049  }
0xb2: {  	s29 =	simm.s32 $0x9;
	_ =	strace $0x8000004B  }
0xb3: {  	_ =	swait.ge [sflag:s29], $0x1  }
0xb4: {  	[sflag:s29] =	ssyncadd.s32 $0xFFFFFFFF  }
0xb5: {  	_ =	strace $0x9000004B  }
0xb6: {  	_ =	sfence  }
0xb7: {  	s30 =	sld [smem:$0x0];
	_ =	sdelay $0x2  }
0xb8: {  	s31 =	sshll.u32 s1, $0xD;
	s1 =	sshrl.u32 s1, $0x2  }
0xb9: {  	s3 =	sand.u32 $0x4000, s31;
	s1 =	sadd.s32 s1, s30  }
0xba: {  	s0 =	sor.u32 s3, s0;
	s1 =	sshll.u32 s1, $0x11  }
0xbb: {  	s0 =	sor.u32 s1, s0  }
0xbc: {  	s0 =	sadd.s32 $0x8F2B, s0  }
0xbd: {  	[sflag:s0] =	ssyncadd.remote.s32 $0x1  }
0xbe: {  	_ =	sfence.sel $0xFFFF  }
0xbf: {  	[dreg:$0x0] =	wrdreg $0xFFFFFFFF;
	(pc) =	sbr.abs _section_cstart, $3  }
0xc0: {  	[dreg:$0x1] =	wrdreg $0xFFFFFFFF  }
0xc1: {  	_ =	task.clear_ibuf [dreg:s6], $0x2FFFF;
	_ =	strace $0x9FFFFFFF  }
0xc2: {  	(tm) =	ssettm $0x7FFFFFFF  }
0xc3: {  	_ =	shalt  }
tec
execute0_lowered:
.L_overlay_start_1:
0x0: {  	(tag) =	ssettag $0x1  }
0x1: {  	s0 =	rddreg [dreg:$0x0]  }
0x2: {  	s1 =	rddreg [dreg:$0x1]  }
0x3: {  	s2 =	simm.s32 $0x0;
	s5 =	srdreg.scid;
	s14 =	stileid.u32  }
0x4: {  	s31 =	simm.s32 $0x5180;
	[smem:$0x7FF] =	sst s2;
	s3 =	sadd.s32 $0x19200, s0  }
0x5: {  	s4 =	sadd.s32 $0x40400, s0;
	s6 =	sadd.s32 $0x67600, s0;
	s7 =	sadd.s32 $0xA7DC00, s0  }
0x6: {  	s5 =	sand.u32 $0x1, s5;
	s8 =	sadd.s32 $0x9800, s0;
	s9 =	sadd.s32 $0x4F5600, s0  }
0x7: {  	s13 =	smul.u32 $0x50000, s14;
	s10 =	sadd.s32 $0x4EB800, s0;
	s0 =	sadd.s32 $0xB5A00, s0  }
0x8: {  	s21 =	sshll.u32 s14, $0x1;
	s15 =	smul.u32 $0x280, s14;
	_ =	strace $0x8000004A  }
0x9: {  	s11 =	ssub.s32 $0x2, s5;
	s22 =	sor.u32 s5, s21;
	s5 =	smul.u32 $0x2800, s5  }
0xa: {  	s12 =	sshrl.u32 s11, $0x1;
	s13 =	sshrl.u32 s13, $0x2;
	s24 =	sadd.s32 $0x80, s15  }
0xb: {  	s14 =	smul.u32 $0x7D, s22;
	s18 =	sadd.s32 $0x100, s15;
	s28 =	sadd.s32 $0x180, s15  }
0xc: {  	s12 =	ssub.s32 s11, s12;
	s11 =	sadd.s32 s13, s1;
	s16 =	sadd.s32 s15, s5  }
0xd: {  	s17 =	sadd.s32 s5, s24;
	s26 =	sadd.s32 s5, s18;
	s15 =	sadd.s32 $0x200, s15  }
0xe: {  	s19 =	sadd.s32 s5, s28;
	s20 =	sshll.u32 s24, $0x7;
	s21 =	sshll.u32 s18, $0x7  }
0xf: {  	s22 =	sshll.u32 s28, $0x7;
	s18 =	simm.s32 $0x2;
	s13 =	sadd.s32 $0x2800, s11  }
0x10: {  	s23 =	sadd.s32 $0x5000, s11;
	s16 =	sshll.u32 s16, $0x4;
	s17 =	sshll.u32 s17, $0x4  }
0x11: {  	s5 =	sadd.s32 s5, s15;
	s15 =	sshll.u32 s15, $0x7;
	[dreg:$0x3] =	wrdreg s13  }
0x12: {  	s12 =	smax.u32 s12, $0x1;
	s28 =	sadd.s32 $0xC800, s11;
	[dreg:$0x4] =	wrdreg s23  }
0x13: {  	s29 =	sadd.s32 $0xF000, s11;
	s30 =	sadd.s32 $0x11800, s11;
	[dreg:$0xb] =	wrdreg s12  }
0x14: {  	s16 =	sadd.s32 s0, s16;
	s25 =	sadd.s32 s0, s17;
	[dreg:$0x11] =	wrdreg s28  }
0x15: {  	v0 =	vimm.s32 $0xFEDCBA98;
	v1 =	vimm.s32 $0x76543210;
	v2 =	vimm.s32 $0xBA98FEDC;
	s5 =	sshll.u32 s5, $0x4;
	s13 =	sadd.s32 s22, s1;
	[dreg:$0x5] =	wrdreg s16  }
0x16: {  	v3 =	vimm.s32 $0x32107654;
	v4 =	vimm.s32 $0xDCFE98BA;
	v5 =	vimm.s32 $0x54761032;
	s15 =	sadd.s32 s15, s1;
	[dreg:$0x6] =	wrdreg s25;
	s24 =	sshrl.u32 s13, $0x3  }
0x17: {  	v6 =	vimm.s32 $0xEFCDAB89;
	v7 =	vimm.s32 $0x67452301;
	s12 =	simm.s32 $0x50;
	s25 =	sshrl.u32 s15, $0x3;
	[dreg:$0xe] =	wrdreg s24  }
0x18: {  	v0 =	vunpack.c.l.s4.s8 v0;
	v1 =	vunpack.c.l.s4.s8 v1;
	v2 =	vunpack.c.l.s4.s8 v2;
	s16 =	sshll.u32 s26, $0x4;
	s26 =	sadd.s32 $0xA000, s11;
	[dreg:$0xf] =	wrdreg s25  }
0x19: {  	v3 =	vunpack.c.l.s4.s8 v3;
	v4 =	vunpack.c.l.s4.s8 v4;
	v5 =	vunpack.c.l.s4.s8 v5;
	s17 =	simm.s32 $0x1;
	s16 =	sadd.s32 s0, s16;
	[dreg:$0x10] =	wrdreg s26  }
0x1a: {  	v6 =	vunpack.c.l.s4.s8 v6;
	v7 =	vunpack.c.l.s4.s8 v7;
	v0 =	vunpack.c.0.s8.s32 v0;
	[dreg:$0x7] =	wrdreg s16;
	s16 =	sshll.u32 s19, $0x4;
	s19 =	sadd.s32 $0x7800, s11  }
0x1b: {  	v2 =	vunpack.c.0.s8.s32 v2;
	v3 =	vunpack.c.0.s8.s32 v3;
	v4 =	vunpack.c.0.s8.s32 v4;
	s13 =	simm.s32 $0x180;
	[dreg:$0x8] =	wrdreg s19;
	s16 =	sadd.s32 s0, s16  }
0x1c: {  	v5 =	vunpack.c.0.s8.s32 v5;
	v6 =	vunpack.c.0.s8.s32 v6;
	v7 =	vunpack.c.0.s8.s32 v7;
	s15 =	simm.s32 $0x2980;
	s0 =	sadd.s32 s0, s5;
	[dreg:$0x9] =	wrdreg s16  }
0x1d: {  	v3 =	vcombine.low v3, v2;
	v2 =	vunpack.c.0.s8.s32 v1;
	s5 =	sadd.s32 s21, s1;
	s19 =	simm.s32 $0x3;
	[dreg:$0xa] =	wrdreg s0  }
0x1e: {  	v8 =	vand.u32 $0xF, v0;
	v4 =	vcombine.low v5, v4;
	v5 =	vcombine.low v7, v6;
	s0 =	sadd.s32 s20, s1;
	s23 =	sshrl.u32 s5, $0x3;
	s5 =	simm.s32 $0x80  }
0x1f: {  	v0 =	vimm.f32 $0.0e+00;
	v1 =	vimm.s32 $0x0;
	v2 =	vcombine.low v8, v2;
	s16 =	simm.s32 $0x7980;
	s0 =	sshrl.u32 s0, $0x3;
	[dreg:$0xd] =	wrdreg s23  }
0x20: {  	v3 =	vand.u32 $0xF, v3;
	v4 =	vand.u32 $0xF, v4;
	v5 =	vand.u32 $0xF, v5;
	s20 =	simm.s32 $0x4;
	[dreg:$0xc] =	wrdreg s0;
	s0 =	simm.s32 $0x5  }
.LBB2_1:
0x21: {  	s21 =	simm.s32 $0x0;
	s22 =	simm.s32 $0x200  }
.LBB2_2:
0x22: {  	p0 =	sne.s32 s22, $0x9E00;
	[tilespmem:s21+$0x51F0] =	vst v0  }
0x23: {  	[tilespmem:s21+$0x5180] =	vst v0  }
0x24: {  	[tilespmem:s21+$0x5190] =	vst v0  }
.Ltmp0:
0x25: {  	[tilespmem:s21+$0x51A0] =	vst v0;
	(pc) =	sbr.rel @p0 .LBB2_2-.Ltmp0, $4  }
0x26: {  	[tilespmem:s21+$0x51B0] =	vst v0  }
0x27: {  	[tilespmem:s21+$0x51C0] =	vst v0  }
0x28: {  	[tilespmem:s21+$0x51D0] =	vst v0  }
0x29: {  	[tilespmem:s21+$0x51E0] =	vst v0;
	s21 =	sshra.s32 s22, $0x2;
	s22 =	sadd.s32 $0x200, s22  }
0x2a: {  	[tilespmem:s21+$0x51F0] =	vst v0  }
0x2b: {  	[tilespmem:s21+$0x5180] =	vst v0  }
0x2c: {  	[tilespmem:s21+$0x5190] =	vst v0  }
0x2d: {  	[tilespmem:s21+$0x51A0] =	vst v0  }
0x2e: {  	[tilespmem:s21+$0x51B0] =	vst v0  }
0x2f: {  	[tilespmem:s21+$0x51C0] =	vst v0  }
0x30: {  	[tilespmem:s21+$0x51D0] =	vst v0  }
0x31: {  	[tilespmem:s21+$0x51E0] =	vst v0  }
0x32: {  	[spmem:s11] =	stream.linear.scatter [tilespmem:s31], [sflag:$0x5], $0x2800, $0x38;
	[tilespmem:$0x1E180] =	vst v63  }
0x33: {  	_ =	swait.ge [sflag:s0], $0x2800  }
0x34: {  	[sflag:s0] =	ssyncset.done $0x0  }
0x35: {  	s23 =	rddreg [dreg:$0x3];
	[sflag:s0] =	ssyncadd.s32 $0xFFFFD800  }
0x36: {  	[spmem:s23] =	stream.linear.scatter [tilespmem:s31], [sflag:$0x5], $0x2800, $0x38;
	[tilespmem:$0x1E180] =	vst v63  }
0x37: {  	_ =	swait.ge [sflag:s0], $0x2800  }
0x38: {  	[sflag:s0] =	ssyncset.done $0x0  }
0x39: {  	s24 =	rddreg [dreg:$0x4];
	[sflag:s0] =	ssyncadd.s32 $0xFFFFD800  }
0x3a: {  	[spmem:s24] =	stream.linear.scatter [tilespmem:s31], [sflag:$0x5], $0x2800, $0x38;
	[tilespmem:$0x1E180] =	vst v63  }
0x3b: {  	_ =	swait.ge [sflag:s0], $0x2800  }
0x3c: {  	[sflag:s0] =	ssyncset.done $0x0  }
0x3d: {  	s25 =	rddreg [dreg:$0x8];
	[sflag:s0] =	ssyncadd.s32 $0xFFFFD800  }
0x3e: {  	[spmem:s25] =	stream.linear.scatter [tilespmem:s31], [sflag:$0x5], $0x2800, $0x38;
	[tilespmem:$0x1E180] =	vst v63  }
0x3f: {  	_ =	swait.ge [sflag:s0], $0x2800  }
0x40: {  	[sflag:s0] =	ssyncset.done $0x0  }
0x41: {  	s26 =	rddreg [dreg:$0x10];
	[sflag:s0] =	ssyncadd.s32 $0xFFFFD800  }
0x42: {  	[spmem:s26] =	stream.linear.scatter [tilespmem:s31], [sflag:$0x5], $0x2800, $0x38;
	[tilespmem:$0x1E180] =	vst v63  }
0x43: {  	_ =	swait.ge [sflag:s0], $0x2800  }
0x44: {  	[sflag:s0] =	ssyncset.done $0x0  }
0x45: {  	s28 =	rddreg [dreg:$0x11];
	[sflag:s0] =	ssyncadd.s32 $0xFFFFD800  }
0x46: {  	[spmem:s28] =	stream.linear.scatter [tilespmem:s31], [sflag:$0x5], $0x2800, $0x38;
	[tilespmem:$0x1E180] =	vst v63  }
0x47: {  	_ =	swait.ge [sflag:s0], $0x2800  }
0x48: {  	[sflag:s0] =	ssyncset.done $0x0  }
0x49: {  	[sflag:s0] =	ssyncadd.s32 $0xFFFFD800  }
0x4a: {  	[spmem:s29] =	stream.linear.scatter [tilespmem:s31], [sflag:$0x5], $0x2800, $0x38;
	[tilespmem:$0x1E180] =	vst v63  }
0x4b: {  	_ =	swait.ge [sflag:s0], $0x2800  }
0x4c: {  	[sflag:s0] =	ssyncset.done $0x0  }
0x4d: {  	[sflag:s0] =	ssyncadd.s32 $0xFFFFD800  }
0x4e: {  	[spmem:s30] =	stream.linear.scatter [tilespmem:s31], [sflag:$0x5], $0x2800, $0x38;
	[tilespmem:$0x1E180] =	vst v63  }
0x4f: {  	_ =	swait.ge [sflag:s0], $0x2800  }
0x50: {  	[sflag:s0] =	ssyncset.done $0x0  }
0x51: {  	[sflag:s0] =	ssyncadd.s32 $0xFFFFD800  }
0x52: {  	s21 =	simm.s32 $0x0;
	s22 =	simm.s32 $0x0;
	[bflag:$0x0] =	sbarrier.arrive $0xFFFF  }
.LBB2_4:
0x53: {  	s23 =	sadd.s32 s14, s22  }
0x54: {  	s24 =	smul.u32 $0xA, s23;
	_ =	sdelay $0x1  }
0x55: {  	s25 =	sadd.s32 s9, s24  }
0x56: {  	[tilespmem:s21], [sflag:$0x5] =	stream.linear.gather [hbm4b:s25+s21], $0x50, $0x38;
	[tilespmem:$0x1E180] =	vst v63  }
0x57: {  	_ =	swait.ge [sflag:s0], $0x50  }
0x58: {  	[sflag:s0] =	ssyncset.done $0x0  }
0x59: {  	s24 =	sadd.s32 s10, s24;
	[sflag:s0] =	ssyncadd.s32 $0xFFFFFFB0  }
0x5a: {  	[tilespmem:s5], [sflag:$0x5] =	stream.linear.gather [hbm4b:s24+s21], $0x50, $0x38;
	[tilespmem:$0x1E180] =	vst v63  }
0x5b: {  	_ =	swait.ge [sflag:s0], $0x50  }
0x5c: {  	[sflag:s0] =	ssyncset.done $0x0  }
0x5d: {  	[sflag:s0] =	ssyncadd.s32 $0xFFFFFFB0  }
0x5e: {  	[tilespmem:s13], [sflag:$0x1] =	stream.indirect.gather [hbm4b:s3+s12], $0x80, s5, s12, $0xb8;
	[tilespmem:$0x1E180] =	vst v63  }
0x5f: {  	_ = 	snop  }
0x60: {  	[tilespmem:s15], [sflag:$0x2] =	stream.indirect.gather [hbm4b:s4+s12], $0x80, s21, s12, $0xb8;
	[tilespmem:$0x1E180] =	vst v63  }
0x61: {  	s28 =	smul.u32 $0x500, s23  }
0x62: {  	[tilespmem:s31], [sflag:$0x3] =	stream.indirect.gather [hbm4b:s6+s12], $0x80, s21, s12, $0xb8;
	[tilespmem:$0x1E180] =	vst v63  }
0x63: {  	s23 =	sshll.u32 s23, $0x4;
	s24 =	sadd.s32 s7, s28  }
0x64: {  	[tilespmem:s16], [sflag:$0x4] =	stream.linear.gather [hbm4b:s24+s21], $0x2800, $0x38;
	[tilespmem:$0x1E180] =	vst v63  }
0x65: {  	s23 =	sadd.s32 s8, s23;
	s24 =	simm.s32 $0x100  }
0x66: {  	[tilespmem:s24], [sflag:$0x5] =	stream.linear.gather [hbm4b:s23+s21], $0x80, $0x38;
	[tilespmem:$0x1E180] =	vst v63  }
0x67: {  	_ =	swait.ge [sflag:s0], $0x80  }
0x68: {  	[sflag:s0] =	ssyncset.done $0x0  }
0x69: {  	[sflag:s0] =	ssyncadd.s32 $0xFFFFFF80  }
0x6a: {  	_ =	swait.ge [sflag:s17], $0x2800  }
0x6b: {  	[sflag:s17] =	ssyncset.done $0x0  }
0x6c: {  	[sflag:s17] =	ssyncadd.s32 $0xFFFFD800  }
0x6d: {  	_ =	swait.ge [sflag:s18], $0x2800  }
0x6e: {  	[sflag:s18] =	ssyncset.done $0x0  }
0x6f: {  	[sflag:s18] =	ssyncadd.s32 $0xFFFFD800  }
0x70: {  	_ =	swait.ge [sflag:s19], $0x2800  }
0x71: {  	[sflag:s19] =	ssyncset.done $0x0  }
0x72: {  	[sflag:s19] =	ssyncadd.s32 $0xFFFFD800  }
0x73: {  	_ =	swait.ge [sflag:s20], $0x2800  }
0x74: {  	[sflag:s20] =	ssyncset.done $0x0  }
0x75: {  	s23 =	simm.s32 $0x0;
	[sflag:s20] =	ssyncadd.s32 $0xFFFFD800  }
0x76: {  	v13 =	vld [tilespmem:s23+$0x1E0]  }
0x77: {  	v8 =	vld [tilespmem:s23+$0x1F0]  }
0x78: {  	v9 =	vld [tilespmem:s23+$0x180]  }
0x79: {  	v15 =	vld [tilespmem:s23+$0x1D0]  }
0x7a: {  	v16 =	vld [tilespmem:s23+$0x1A0]  }
0x7b: {  	v17 =	vld [tilespmem:s23+$0x1B0]  }
0x7c: {  	v12 =	vld [tilespmem:s23+$0x79F0]  }
0x7d: {  	v6 =	vld [tilespmem:s23+$0x79E0]  }
0x7e: {  	v18 =	vld [tilespmem:s23+$0x1C0]  }
0x7f: {  	v14 =	vld [tilespmem:s23+$0x29F0]  }
0x80: {  	v22 =	vld [tilespmem:s23+$0x79D0]  }
0x81: {  	v19 =	vld [tilespmem:s23+$0x29E0]  }
0x82: {  	v20 =	vld [tilespmem:s23+$0x29C0]  }
0x83: {  	v21 =	vld [tilespmem:s23+$0x29D0]  }
0x84: {  	v7 =	vld [tilespmem:s23+$0x7990]  }
0x85: {  	v10 =	vld [tilespmem:s23+$0x79C0]  }
0x86: {  	v23 =	vld [tilespmem:s23+$0x29B0]  }
0x87: {  	v11 =	vld [tilespmem:s23+$0x79A0]  }
0x88: {  	v24 =	vadd.f32 v12, v14;
	v14 =	vld [tilespmem:s23+$0x79B0]  }
0x89: {  	v25 =	vld [tilespmem:s23+$0x2990];
	v21 =	vadd.f32 v22, v21  }
0x8a: {  	v26 =	vld [tilespmem:s23+$0x29A0];
	v19 =	vadd.f32 v6, v19;
	v24 =	vmul.f32 v24, v8  }
0x8b: {  	v27 =	vld [tilespmem:s23+$0x190];
	v20 =	vadd.f32 v10, v20;
	v15 =	vmul.f32 v21, v15  }
0x8c: {  	v29 =	vld [tilespmem:s23+$0x51D0];
	v13 =	vmul.f32 v19, v13;
	v21 =	vperm.xlane v24, v2  }
0x8d: {  	v8 =	vld [tilespmem:s23+$0x7980];
	v18 =	vmul.f32 v20, v18;
	v20 =	vperm.xlane v15, v2;
	v23 =	vadd.f32 v14, v23  }
0x8e: {  	v19 =	vld [tilespmem:s23+$0x2980];
	v30 =	vperm.xlane v13, v2;
	v28 =	vadd.f32 v24, v21;
	v24 =	vadd.f32 v7, v25  }
0x8f: {  	v25 =	vperm.xlane v18, v2;
	v21 =	vld [tilespmem:s23+$0x51B0];
	v34 =	vadd.f32 v15, v20;
	v32 =	vmul.f32 v23, v17  }
0x90: {  	v15 =	vld [tilespmem:s23+$0x5190];
	v17 =	vadd.f32 v11, v26;
	v24 =	vmul.f32 v24, v27;
	v33 =	vperm.xlane v28, v3  }
0x91: {  	v20 =	vld [tilespmem:s23+$0x51A0];
	v23 =	vadd.f32 v18, v25;
	v18 =	vadd.f32 v29, v22;
	v36 =	vperm.xlane v34, v3  }
0x92: {  	v25 =	vld [tilespmem:s23+$0x51F0];
	v29 =	vadd.f32 v13, v30;
	v26 =	vperm.xlane v32, v2;
	v27 =	vmul.f32 v17, v16  }
0x93: {  	v13 =	vld [tilespmem:s23+$0x5180];
	v17 =	vadd.f32 v8, v19;
	v35 =	vperm.xlane v24, v2;
	v19 =	vperm.xlane v23, v3  }
0x94: {  	v16 =	vld [tilespmem:s23+$0x51C0];
	v30 =	vadd.f32 v34, v36;
	v28 =	vadd.f32 v28, v33;
	v31 =	vperm.xlane v27, v2  }
0x95: {  	s25 =	simm.s32 $0x200;
	v22 =	vadd.f32 v32, v26;
	v26 =	vld [tilespmem:s24+$0x0];
	v32 =	vperm.xlane v29, v3;
	v24 =	vadd.f32 v24, v35  }
.LBB2_5:
0x96: {  	s28 =	smov.u32 s25  }
0x97: {  	s26 =	sshra.s32 s25, $0x2;
	v33 =	vmul.f32 v17, v9;
	v27 =	vadd.f32 v27, v31;
	v31 =	vld [tilespmem:s23+$0x51E0];
	v17 =	vadd.f32 v25, v12;
	s24 =	sadd.s32 $0x1, s24;
	s28 =	sadd.s32 $0x200, s25  }
0x98: {  	p0 =	sne.s32 s25, $0x9E00;
	v23 =	vadd.f32 v23, v19;
	v12 =	vperm.xlane v30, v4;
	v29 =	vadd.f32 v29, v32;
	v25 =	vld [tilespmem:s26+$0x1E0]  }
0x99: {  	v19 =	vperm.xlane v27, v3;
	v16 =	vadd.f32 v16, v10;
	v10 =	vperm.xlane v28, v4;
	v32 =	vld [tilespmem:s26+$0x1F0]  }
0x9a: {  	v34 =	vperm.xlane v33, v2;
	v30 =	vadd.f32 v30, v12;
	v12 =	vperm.xlane v29, v4;
	v9 =	vld [tilespmem:s26+$0x180]  }
0x9b: {  	v36 =	vperm.xlane v24, v3;
	v27 =	vadd.f32 v27, v19;
	v28 =	vadd.f32 v28, v10;
	v35 =	vld [tilespmem:s26+$0x1D0]  }
0x9c: {  	v26 =	vperm.xlane v26, v1;
	v10 =	vadd.f32 v33, v34;
	v33 =	vperm.xlane v30, v5;
	v19 =	vld [tilespmem:s26+$0x1A0]  }
0x9d: {  	v24 =	vadd.f32 v24, v36;
	v29 =	vadd.f32 v29, v12;
	v36 =	vperm.xlane v27, v4;
	v34 =	vld [tilespmem:s26+$0x1B0]  }
0x9e: {  	v21 =	vadd.f32 v21, v14;
	v37 =	vperm.xlane v10, v3;
	v14 =	vadd.f32 v30, v33;
	v12 =	vld [tilespmem:s26+$0x79F0]  }
0x9f: {  	v33 =	vperm.xlane v24, v4;
	v27 =	vadd.f32 v27, v36;
	v36 =	vperm.xlane v22, v3;
	v30 =	vld [tilespmem:s26+$0x79E0]  }
0xa0: {  	v10 =	vadd.f32 v10, v37;
	v37 =	vperm.xlane v28, v5;
	v14 =	vmul.f32 v14, v26;
	v38 =	vld [tilespmem:s26+$0x190]  }
0xa1: {  	v20 =	vadd.f32 v20, v11;
	v24 =	vadd.f32 v24, v33;
	v33 =	vperm.xlane v27, v5;
	v39 =	vld [tilespmem:s26+$0x1C0]  }
0xa2: {  	v40 =	vperm.xlane v10, v4;
	v22 =	vadd.f32 v22, v36;
	v14 =	vmul.f32 v14, v18;
	v11 =	vld [tilespmem:s26+$0x29F0]  }
0xa3: {  	v36 =	vperm.xlane v24, v5;
	v27 =	vadd.f32 v27, v33;
	v33 =	vperm.xlane v29, v5;
	v18 =	vld [tilespmem:s26+$0x79D0]  }
0xa4: {  	v42 =	vperm.xlane v23, v4;
	v40 =	vadd.f32 v10, v40;
	v10 =	vperm.xlane v22, v4;
	v41 =	vld [tilespmem:s26+$0x29E0];
	[tilespmem:s23+$0x51D0] =	vst v14  }
0xa5: {  	v14 =	vmul.f32 v27, v26;
	v27 =	vadd.f32 v29, v33;
	v29 =	vadd.f32 v31, v6;
	v6 =	vmovc v30;
	v43 =	vld [tilespmem:s26+$0x29C0]  }
0xa6: {  	v23 =	vadd.f32 v23, v42;
	v22 =	vadd.f32 v22, v10;
	v30 =	vld [tilespmem:s26+$0x29D0]  }
0xa7: {  	v15 =	vadd.f32 v15, v7;
	v31 =	vperm.xlane v40, v5;
	v27 =	vmul.f32 v27, v26;
	v7 =	vld [tilespmem:s26+$0x7990]  }
0xa8: {  	v24 =	vadd.f32 v24, v36;
	v33 =	vperm.xlane v23, v5;
	v11 =	vadd.f32 v12, v11;
	v10 =	vld [tilespmem:s26+$0x79C0]  }
0xa9: {  	v31 =	vadd.f32 v40, v31;
	v40 =	vperm.xlane v22, v5;
	v27 =	vmul.f32 v27, v29;
	v36 =	vld [tilespmem:s26+$0x7980]  }
0xaa: {  	v24 =	vmul.f32 v24, v26;
	v41 =	vadd.f32 v6, v41;
	v32 =	vmul.f32 v11, v32;
	v29 =	vld [tilespmem:s26+$0x29B0]  }
0xab: {  	v20 =	vmul.f32 v14, v20;
	v22 =	vadd.f32 v22, v40;
	v11 =	vld [tilespmem:s26+$0x79A0];
	v30 =	vadd.f32 v18, v30;
	[tilespmem:s23+$0x51E0] =	vst v27  }
0xac: {  	v13 =	vadd.f32 v13, v8;
	v40 =	vmul.f32 v41, v25;
	v41 =	vmul.f32 v24, v15;
	v14 =	vld [tilespmem:s26+$0x79B0]  }
0xad: {  	v15 =	vld [tilespmem:s26+$0x2990];
	v24 =	vmul.f32 v30, v35;
	[tilespmem:s23+$0x51A0] =	vst v20;
	v20 =	vmul.f32 v22, v26;
	v22 =	vadd.f32 v28, v37  }
0xae: {  	v27 =	vadd.f32 v10, v43;
	v28 =	vperm.xlane v32, v2;
	v30 =	vmul.f32 v31, v26;
	v25 =	vld [tilespmem:s26+$0x2980];
	[tilespmem:s23+$0x5190] =	vst v41  }
0xaf: {  	v23 =	vadd.f32 v23, v33;
	v8 =	vmovc v36;
	v31 =	vld [tilespmem:s26+$0x29A0];
	v35 =	vperm.xlane v24, v2;
	v22 =	vmul.f32 v22, v26  }
0xb0: {  	v33 =	vperm.xlane v40, v2;
	v28 =	vadd.f32 v32, v28;
	v20 =	vmul.f32 v20, v21  }
0xb1: {  	v27 =	vmul.f32 v27, v39;
	v21 =	vadd.f32 v14, v29;
	v22 =	vmul.f32 v22, v17  }
0xb2: {  	v32 =	vadd.f32 v24, v35;
	v15 =	vadd.f32 v7, v15;
	v24 =	vld [tilespmem:s26+$0x51D0];
	[tilespmem:s23+$0x51B0] =	vst v20;
	v20 =	vmul.f32 v23, v26  }
0xb3: {  	v23 =	vperm.xlane v27, v2;
	v17 =	vadd.f32 v8, v25;
	v26 =	vmul.f32 v21, v34;
	[tilespmem:s23+$0x51F0] =	vst v22  }
0xb4: {  	v34 =	vperm.xlane v28, v3;
	v22 =	vmul.f32 v15, v38;
	v29 =	vadd.f32 v11, v31;
	v21 =	vld [tilespmem:s26+$0x51B0]  }
0xb5: {  	v23 =	vadd.f32 v27, v23;
	v16 =	vmul.f32 v20, v16;
	v35 =	vperm.xlane v26, v2;
	v25 =	vld [tilespmem:s26+$0x51F0]  }
.Ltmp1:
0xb6: {  	v13 =	vmul.f32 v30, v13;
	v15 =	vld [tilespmem:s26+$0x5190];
	v27 =	vmul.f32 v29, v19;
	(pc) =	sbr.rel @p0 .LBB2_5-.Ltmp1, $4  }
0xb7: {  	v30 =	vperm.xlane v22, v2;
	v19 =	vperm.xlane v23, v3;
	v20 =	vld [tilespmem:s26+$0x51A0];
	v18 =	vadd.f32 v24, v18;
	[tilespmem:s23+$0x51C0] =	vst v16  }
0xb8: {  	v36 =	vperm.xlane v32, v3;
	v29 =	vadd.f32 v40, v33;
	v31 =	vperm.xlane v27, v2;
	v16 =	vld [tilespmem:s26+$0x51C0];
	[tilespmem:s23+$0x5180] =	vst v13;
	s23 =	smov.u32 s26  }
0xb9: {  	v24 =	vadd.f32 v22, v30;
	v22 =	vadd.f32 v26, v35;
	v13 =	vld [tilespmem:s23+$0x5180]  }
0xba: {  	s25 =	smov.u32 s28;
	v28 =	vadd.f32 v28, v34;
	v30 =	vadd.f32 v32, v36;
	v32 =	vperm.xlane v29, v3;
	v26 =	vld [tilespmem:s24+$0x0]  }
0xbb: {  	v9 =	vmul.f32 v17, v9;
	v61 =	vadd.f32 v27, v31  }
0xbc: {  	v12 =	vadd.f32 v25, v12;
	v19 =	vadd.f32 v23, v19;
	v40 =	vperm.xlane v24, v3  }
0xbd: {  	v45 =	vperm.xlane v22, v3;
	v14 =	vadd.f32 v21, v14;
	v7 =	vadd.f32 v15, v7  }
0xbe: {  	v62 =	vperm.xlane v30, v4;
	v63 =	vadd.f32 v29, v32;
	v37 =	vperm.xlane v28, v4  }
0xbf: {  	v11 =	vadd.f32 v20, v11;
	v36 =	vperm.xlane v61, v3;
	v38 =	vperm.xlane v9, v2  }
0xc0: {  	v47 =	vld [tilespmem:s23+$0x51E0];
	v24 =	vadd.f32 v24, v40;
	v22 =	vadd.f32 v22, v45;
	v54 =	vperm.xlane v19, v4  }
0xc1: {  	v25 =	vadd.f32 v30, v62;
	v39 =	vperm.xlane v63, v4;
	v41 =	vadd.f32 v28, v37  }
0xc2: {  	v17 =	vadd.f32 v61, v36;
	v26 =	vperm.xlane v26, v1;
	v9 =	vadd.f32 v9, v38  }
0xc3: {  	v46 =	vperm.xlane v24, v4;
	v51 =	vperm.xlane v22, v4;
	v19 =	vadd.f32 v19, v54  }
0xc4: {  	v42 =	vperm.xlane v25, v5;
	v27 =	vadd.f32 v63, v39;
	v48 =	vperm.xlane v41, v5  }
0xc5: {  	v6 =	vadd.f32 v47, v6;
	v43 =	vperm.xlane v17, v4;
	v44 =	vperm.xlane v9, v3  }
0xc6: {  	v21 =	vadd.f32 v24, v46;
	v22 =	vadd.f32 v22, v51;
	v58 =	vperm.xlane v19, v5  }
0xc7: {  	v25 =	vadd.f32 v25, v42;
	v52 =	vperm.xlane v27, v5;
	v9 =	vadd.f32 v9, v44  }
0xc8: {  	v17 =	vadd.f32 v17, v43;
	v53 =	vperm.xlane v21, v5;
	v56 =	vperm.xlane v22, v5  }
0xc9: {  	v25 =	vmul.f32 v25, v26;
	v55 =	vadd.f32 v27, v52;
	v50 =	vperm.xlane v9, v4  }
0xca: {  	v49 =	vperm.xlane v17, v5;
	v21 =	vadd.f32 v21, v53;
	v22 =	vadd.f32 v22, v56  }
0xcb: {  	v18 =	vmul.f32 v25, v18;
	v20 =	vmul.f32 v55, v26;
	v9 =	vadd.f32 v9, v50  }
0xcc: {  	v17 =	vadd.f32 v17, v49;
	v59 =	vmul.f32 v21, v26;
	v61 =	vmul.f32 v22, v26  }
0xcd: {  	v60 =	vadd.f32 v41, v48;
	v6 =	vmul.f32 v20, v6;
	v57 =	vperm.xlane v9, v5  }
0xce: {  	v15 =	vadd.f32 v19, v58;
	[tilespmem:s23+$0x51D0] =	vst v18;
	v17 =	vmul.f32 v17, v26;
	v62 =	vmul.f32 v61, v14  }
0xcf: {  	[tilespmem:s23+$0x51E0] =	vst v6;
	v6 =	vmul.f32 v59, v7;
	v7 =	vmul.f32 v60, v26;
	v9 =	vadd.f32 v9, v57  }
0xd0: {  	v10 =	vadd.f32 v16, v10;
	v63 =	vmul.f32 v15, v26;
	v11 =	vmul.f32 v17, v11;
	[tilespmem:s23+$0x51B0] =	vst v62  }
0xd1: {  	v8 =	vadd.f32 v13, v8;
	[tilespmem:s23+$0x5190] =	vst v6;
	v6 =	vmul.f32 v7, v12;
	v9 =	vmul.f32 v9, v26  }
0xd2: {  	v7 =	vmul.f32 v63, v10;
	[tilespmem:s23+$0x51A0] =	vst v11  }
0xd3: {  	s22 =	sadd.s32 $0x1, s22;
	[tilespmem:s23+$0x51F0] =	vst v6;
	v6 =	vmul.f32 v9, v8  }
0xd4: {  	p0 =	sne.s32 s22, $0x7D;
	[tilespmem:s23+$0x51C0] =	vst v7  }
.Ltmp2:
0xd5: {  	[tilespmem:s23+$0x5180] =	vst v6;
	(pc) =	sbr.rel @p0 .LBB2_4-.Ltmp2, $4  }
0xd6: {  	[spmem:s1] =	stream.indirect.scatter.add.f32 [tilespmem:s31], [sflag:$0x5], $0x80, s5, s12, $0xb8;
	[tilespmem:$0x1E180] =	vst v63  }
0xd7: {  	_ =	swait.ge [sflag:s0], $0x2800  }
0xd8: {  	[sflag:s0] =	ssyncset.done $0x0  }
0xd9: {  	[sflag:s0] =	ssyncadd.s32 $0xFFFFD800  }
0xda: {  	s21 =	stileid.u32  }
0xdb: {  	[bflag:$0x0] =	sbarrier.arrive $0xFFFF;
	s21 =	sshll.u32 s21, $0x6  }
0xdc: {  	s22 =	sshrl.u32 s11, $0x3;
	s23 =	rddreg [dreg:$0x5];
	s21 =	sor.u32 $0x1C05, s21  }
0xdd: {  	[hbm:s23], [sflag:s21] =	dma.local [spmem:s22], $0x800  }
0xde: {  	_ =	swait.ge [sflag:s0], $0x800  }
0xdf: {  	[sflag:s0] =	ssyncset.done $0x0;
	s24 =	rddreg [dreg:$0x6]  }
0xe0: {  	s25 =	rddreg [dreg:$0xc];
	[sflag:s0] =	ssyncadd.s32 $0xFFFFF800  }
0xe1: {  	[hbm:s24], [sflag:s21] =	dma.local [spmem:s25], $0x800  }
0xe2: {  	_ =	swait.ge [sflag:s0], $0x800  }
0xe3: {  	[sflag:s0] =	ssyncset.done $0x0;
	s26 =	rddreg [dreg:$0x7]  }
0xe4: {  	s28 =	rddreg [dreg:$0xd];
	[sflag:s0] =	ssyncadd.s32 $0xFFFFF800  }
0xe5: {  	[hbm:s26], [sflag:s21] =	dma.local [spmem:s28], $0x800  }
0xe6: {  	_ =	swait.ge [sflag:s0], $0x800  }
0xe7: {  	[sflag:s0] =	ssyncset.done $0x0;
	s23 =	rddreg [dreg:$0x9]  }
0xe8: {  	s24 =	rddreg [dreg:$0xe];
	[sflag:s0] =	ssyncadd.s32 $0xFFFFF800  }
0xe9: {  	[hbm:s23], [sflag:s21] =	dma.local [spmem:s24], $0x800  }
0xea: {  	_ =	swait.ge [sflag:s0], $0x800  }
0xeb: {  	[sflag:s0] =	ssyncset.done $0x0;
	s25 =	rddreg [dreg:$0xa]  }
0xec: {  	s26 =	rddreg [dreg:$0xf];
	[sflag:s0] =	ssyncadd.s32 $0xFFFFF800  }
0xed: {  	[hbm:s25], [sflag:s21] =	dma.local [spmem:s26], $0x800  }
0xee: {  	_ =	swait.ge [sflag:s0], $0x800  }
0xef: {  	s2 =	sadd.s32 $0x1, s2;
	s28 =	rddreg [dreg:$0xb]  }
0xf0: {  	p0 =	sne.s32 s2, s28  }
.Ltmp3:
0xf1: {  	_ = 	snop;
	(pc) =	sbr.rel @p0 .LBB2_1-.Ltmp3, $3  }
0xf2: {  	_ =	sdelay $0x1  }
0xf3: {  	[sflag:s0] =	ssyncset.done $0x0  }
0xf4: {  	[sflag:s0] =	ssyncadd.s32 $0xFFFFF800  }
0xf5: {  	_ =	sfence.sel $0x180000  }
0xf6: {  	[bflag:$0x0] =	sbarrier.arrive $0xFFFF  }
0xf7: {  	_ =	strace $0x9000004A  }
0xf8: {  	s0 =	stileid.u32;
	[bflag:$0x2] =	sbarrier.arrive $0xFFFF  }
0xf9: {  	p0 =	sne.s32 s0, $0x0;
	s0 =	rddreg [dreg:$0x2]  }
0xfa: {  	s0 =	sadd.s32 @!p0 $0x100000, s0  }
0xfb: {  	[sflag:s0] =	ssyncadd.tile.s32 @!p0 $0x1;
	_ =	shalt  }
.Lfunc_end2:
_tile_overlayer_lowered:
.L_overlay_start_2:
0xfc: {  	(tag) =	ssettag $0x2  }
0xfd: {  	s0 =	rddreg [dreg:$0x0];
	s2 =	stileid.u32  }
0xfe: {  	s1 =	rddreg [dreg:$0x1];
	p0 =	sne.s32 s2, $0x0  }
0xff: {  	s3 =	rddreg [dreg:$0x2];
	[bflag:$0x3] =	sbarrier.arrive $0xFFFF;
	s2 =	simm.s32 @!p0 $0x1C05  }
0x100: {  	[timem:s3], [sflag:s2] =	dma.local @!p0 [hbm:s0], s1  }
0x101: {  	s0 =	simm.s32 @!p0 $0x5  }
0x102: {  	_ =	swait.ge @!p0 [sflag:s0], s1  }
0x103: {  	s1 =	ssub.s32 @!p0 $0x0, s1;
	[sflag:s0] =	ssyncset.done @!p0 $0x0  }
0x104: {  	[sflag:s0] =	ssyncadd.s32 @!p0 s1  }
0x105: {  	[bflag:$0x3] =	sbarrier.arrive $0xFFFF  }
0x106: {  	_ =	shalt  }

// kernel: kernel.17.cloned.1.call-start
scs
__scs_entry_jumppad:
0x0: {  	(pc) =	sbr.rel $0x88, $3  }
0x1: {  	(tag) =	ssettag $0x0;
	lr =	simm.s32 $0x1  }
0x2: {  	[smem:$0x3F6E] =	sst lr;
	_ =	strace $0xD0000000  }
0x3: {  	_ = 	snop  }
0x4: {  	_ = 	snop  }
0x5: {  	_ = 	snop  }
0x6: {  	_ = 	snop  }
0x7: {  	_ = 	snop  }
__scs_overlays_trampoline_lowered:
0x8: {  	[smem:$0x3F7D] =	sst s0  }
0x9: {  	[smem:$0x3F7E] =	sst s1  }
0xa: {  	[smem:$0x3F7F] =	sst s2  }
0xb: {  	[smem:$0x3F80] =	sst s3  }
0xc: {  	[smem:$0x3F81] =	sst s4  }
0xd: {  	[smem:$0x3F82] =	sst s5  }
0xe: {  	[smem:$0x3F83] =	sst s6  }
0xf: {  	[smem:$0x3F84] =	sst s7  }
0x10: {  	[smem:$0x3F85] =	sst s8  }
0x11: {  	[smem:$0x3F86] =	sst s9;
	s0 =	simm.s32 @!p0 $0x0  }
0x12: {  	s1 =	sld [smem:$0x3F6C];
	s0 =	simm.s32 @p0 $0x1  }
0x13: {  	[smem:$0x3F87] =	sst s0;
	s0 =	simm.s32 @!p1 $0x0  }
0x14: {  	s2 =	sld [smem:$0x3F6B];
	s0 =	simm.s32 @p1 $0x1  }
0x15: {  	[smem:$0x3F88] =	sst s0;
	s0 =	simm.s32 @!p2 $0x0  }
0x16: {  	s3 =	sld [smem:$0x3FDB];
	s0 =	simm.s32 @p2 $0x1  }
0x17: {  	s4 =	simm.s32 $0x1BF5;
	[smem:$0x3F8A] =	sst s0  }
0x18: {  	s0 =	sld [smem:$0x3F6D];
	_ =	swait.ge [sflag:s4], $0x0  }
0x19: {  	s7 =	sld [smem:$0x3F6E]  }
0x1a: {  	s8 =	sadd.s32 $0xFFFFE003, lr  }
0x1b: {  	s9 =	sadd.s32 $0xFFFFFEF7, lr;
	s5 =	simm.s32 $0xFFFFFFFF;
	p2 =	slt.u32 s8, $0xFFFFF086  }
0x1c: {  	p1 =	slt.u32 s9, $0xF7A;
	s5 =	simm.s32 @!p2 $0x0  }
0x1d: {  	s5 =	simm.s32 @p1 $0x1;
	p0 =	seq.s32 s7, s2  }
0x1e: {  	s7 =	smul.u32 @!p0 $0xF7A, s2;
	p2 =	seq.s32 @!p0 s5, $0x0  }
0x1f: {  	s9 =	smul.u32 $0xF7A, s1;
	s8 =	simm.s32 @!p0 $0x1BF5;
	p2 =	por !p2, p0  }
0x20: {  	[sflag:s8] =	ssyncset.s32 @!p0 $0xFFFFF086;
	s6 =	sadd.s32 @!p0 s3, s7;
	s7 =	simm.s32 @!p0 $0x108  }
0x21: {  	s3 =	sadd.s32 s3, s9;
	s6 =	sadd.s32 @!p0 $0x88, s6;
	s7 =	simm.s32 @p2 $0x1082  }
0x22: {  	[simem:s7], [sflag:s8] =	dma.local @!p0 [hbm:s6], $0xF7A  }
0x23: {  	s9 =	sor.u32 $0xD0000000, s2;
	s6 =	simm.s32 $0x108;
	_ =	swait.ge @!p0 [sflag:s8], $0x0  }
0x24: {  	s3 =	sadd.s32 $0x88, s3;
	s6 =	simm.s32 @!p1 $0x1082;
	[sflag:s4] =	ssyncset.s32 $0xFFFFF086  }
0x25: {  	[simem:s6], [sflag:s4] =	dma.local [hbm:s3], $0xF7A  }
0x26: {  	[smem:$0x3F6E] =	sst s1;
	(tag) =	ssettag s2;
	_ =	strace s9  }
0x27: {  	s1 =	sld [smem:$0x3F7E]  }
0x28: {  	s2 =	sld [smem:$0x3F7F]  }
0x29: {  	s4 =	sld [smem:$0x3F81]  }
0x2a: {  	p0 =	seq.s32 s5, $0x0;
	s5 =	sld [smem:$0x3F82]  }
0x2b: {  	s6 =	sld [smem:$0x3F83]  }
0x2c: {  	s7 =	sld [smem:$0x3F84]  }
0x2d: {  	s3 =	simm.s32 $0x108;
	s8 =	sld [smem:$0x3F85]  }
0x2e: {  	s3 =	simm.s32 @!p0 $0x1082;
	s9 =	sld [smem:$0x3F86]  }
0x2f: {  	lr =	sadd.s32 s0, s3;
	s0 =	sld [smem:$0x3F7D]  }
0x30: {  	s3 =	sld [smem:$0x3F80]  }
0x31: {  	[smem:$0x3F89] =	sst s10  }
0x32: {  	s10 =	sld [smem:$0x3F87];
	_ =	sdelay $0x3  }
0x33: {  	p0 =	seq.s32 s10, $0x1;
	s10 =	sld [smem:$0x3F89];
	_ =	sdelay $0x3  }
0x34: {  	[smem:$0x3F89] =	sst s10  }
0x35: {  	s10 =	sld [smem:$0x3F88];
	_ =	sdelay $0x3  }
0x36: {  	p1 =	seq.s32 s10, $0x1;
	s10 =	sld [smem:$0x3F89];
	_ =	sdelay $0x3  }
0x37: {  	[smem:$0x3F89] =	sst s10  }
0x38: {  	s10 =	sld [smem:$0x3F8A]  }
0x39: {  	_ = 	snop;
	(pc) =	sbr.ind lr, $3  }
0x3a: {  	_ = 	snop  }
0x3b: {  	_ = 	snop  }
0x3c: {  	p2 =	seq.s32 s10, $0x1;
	s10 =	sld [smem:$0x3F89]  }
0x3d: {  	_ =	shalt  }
0x3e: {  	_ =	shalt  }
0x3f: {  	_ =	shalt  }
0x40: {  	_ =	shalt  }
0x41: {  	_ =	shalt  }
0x42: {  	_ =	shalt  }
0x43: {  	_ =	shalt  }
0x44: {  	_ =	shalt  }
0x45: {  	_ =	shalt  }
0x46: {  	_ =	shalt  }
0x47: {  	_ =	shalt  }
0x48: {  	_ =	shalt  }
0x49: {  	_ =	shalt  }
0x4a: {  	_ =	shalt  }
0x4b: {  	_ =	shalt  }
0x4c: {  	_ =	shalt  }
0x4d: {  	_ =	shalt  }
0x4e: {  	_ =	shalt  }
0x4f: {  	_ =	shalt  }
0x50: {  	_ =	shalt  }
0x51: {  	_ =	shalt  }
0x52: {  	_ =	shalt  }
0x53: {  	_ =	shalt  }
0x54: {  	_ =	shalt  }
0x55: {  	_ =	shalt  }
0x56: {  	_ =	shalt  }
0x57: {  	_ =	shalt  }
0x58: {  	_ =	shalt  }
0x59: {  	_ =	shalt  }
0x5a: {  	_ =	shalt  }
0x5b: {  	_ =	shalt  }
0x5c: {  	_ =	shalt  }
0x5d: {  	_ =	shalt  }
0x5e: {  	_ =	shalt  }
0x5f: {  	_ =	shalt  }
0x60: {  	_ =	shalt  }
0x61: {  	_ =	shalt  }
0x62: {  	_ =	shalt  }
0x63: {  	_ =	shalt  }
0x64: {  	_ =	shalt  }
0x65: {  	_ =	shalt  }
0x66: {  	_ =	shalt  }
0x67: {  	_ =	shalt  }
0x68: {  	_ =	shalt  }
0x69: {  	_ =	shalt  }
0x6a: {  	_ =	shalt  }
0x6b: {  	_ =	shalt  }
0x6c: {  	_ =	shalt  }
0x6d: {  	_ =	shalt  }
0x6e: {  	_ =	shalt  }
0x6f: {  	_ =	shalt  }
0x70: {  	_ =	shalt  }
0x71: {  	_ =	shalt  }
0x72: {  	_ =	shalt  }
0x73: {  	_ =	shalt  }
0x74: {  	_ =	shalt  }
0x75: {  	_ =	shalt  }
0x76: {  	_ =	shalt  }
0x77: {  	_ =	shalt  }
0x78: {  	_ =	shalt  }
0x79: {  	_ =	shalt  }
0x7a: {  	_ =	shalt  }
0x7b: {  	_ =	shalt  }
0x7c: {  	_ =	shalt  }
0x7d: {  	_ =	shalt  }
0x7e: {  	_ =	shalt  }
0x7f: {  	_ =	shalt  }
0x80: {  	_ =	shalt  }
0x81: {  	_ =	shalt  }
0x82: {  	_ =	shalt  }
0x83: {  	_ =	shalt  }
0x84: {  	_ =	shalt  }
0x85: {  	_ =	shalt  }
0x86: {  	_ =	shalt  }
0x87: {  	_ =	shalt  }
.Lfunc_end0:
.L_simem_size_0:
called_computation.2_lowered:
.L_overlay_start_0:
0x88: {  	s2 =	sld [smem:$0x3FD9]  }
0x89: {  	s3 =	sld [smem:$0x3FFE];
	_ =	sdelay $0x1  }
0x8a: {  	s1 =	srdreg.scid  }
0x8b: {  	s0 =	sand.u32 $0x1, s1  }
0x8c: {  	s16 =	sshll.u32 s0, $0xA;
	s2 =	sadd.s32 s3, s2  }
0x8d: {  	s2 =	sadd.s32 s2, s16  }
0x8e: {  	[smem:$0x3F95] =	sst s2  }
0x8f: {  	_ = 	snop  }
0x90: {  	(tm) =	ssettm $0x1  }
0x91: {  	s17 =	sld [smem:$0x3FFB];
	_ =	sdelay $0x3  }
0x92: {  	_ =	strace s17  }
0x93: {  	s2 =	sld [smem:$0x3FFC];
	_ =	sdelay $0x3  }
0x94: {  	_ =	strace s2  }
0x95: {  	s2 =	sld [smem:$0x3FFD];
	_ =	sdelay $0x3  }
0x96: {  	_ =	strace s2  }
0x97: {  	_ =	strace $0x8FFFFFFF  }
0x98: {  	s18 =	sld [smem:$0x3FDB];
	_ =	sdelay $0x1  }
0x99: {  	s19 =	simm.s32 $_scs_section_size  }
0x9a: {  	s4 =	simm.s32 $_size__tile_overlayer_lowered;
	s5 =	simm.s32 $_tile_overlayer_lowered  }
0x9b: {  	s22 =	simm.s32 $0x1BFF;
	s21 =	sshll.u32 s5, $0x1;
	s2 =	sadd.s32 s19, s18  }
0x9c: {  	s6 =	simm.s32 $0x0;
	s20 =	sshll.u32 s4, $0x1;
	s4 =	sadd.s32 s21, s2  }
0x9d: {  	[timem:s6], [sflag:s22] =	dma.local [hbm:s4], s20  }
0x9e: {  	_ =	swait.ge [sflag:s22], s20  }
0x9f: {  	s3 =	ssub.s32 $0x0, s20;
	[sflag:s22] =	ssyncset.done $0x0  }
0xa0: {  	[sflag:s22] =	ssyncadd.s32 s3;
	_ =	sdelay $0x1  }
0xa1: {  	s23 =	simm.s32 $0x1B8B  }
0xa2: {  	_ =	swait.ge [sflag:s23], $0x1  }
0xa3: {  	[sflag:s23] =	ssyncset.done $0x0  }
0xa4: {  	s25 =	simm.s32 $0x1B8E;
	s24 =	sld [smem:$0x3FFE];
	[sflag:s23] =	ssyncadd.s32 $0xFFFFFFFF  }
0xa5: {  	s26 =	simm.s32 $execute0_lowered;
	[smem:$0x3FD2] =	sst s25  }
0xa6: {  	s4 =	sshll.u32 s26, $0x1;
	_ =	strace $0x8000004C;
	[dreg:$0x1] =	wrdreg $0xFFFFFFFF  }
0xa7: {  	s28 =	simm.s32 $_size_execute0_lowered;
	s2 =	sadd.s32 s2, s4;
	[dreg:$0x0] =	wrdreg $0x0  }
0xa8: {  	s4 =	sshll.u32 s28, $0x1;
	[dreg:$0x2] =	wrdreg s2  }
0xa9: {  	[dreg:$0x3] =	wrdreg s4  }
0xaa: {  	[dreg:$0x4] =	wrdreg $0xC0  }
0xab: {  	_ =	task [dreg:s6], $0x5FFFF  }
0xac: {  	[dreg:$0x1] =	wrdreg $0xFFFFFFFF  }
0xad: {  	[dreg:$0x0] =	wrdreg $0x60  }
0xae: {  	[dreg:$0x2] =	wrdreg s24  }
0xaf: {  	[dreg:$0x3] =	wrdreg $0xA1800  }
0xb0: {  	[dreg:$0x4] =	wrdreg $0x9  }
0xb1: {  	_ =	task.clear_ibuf [dreg:s6], $0x5FFFF;
	_ =	strace $0x9000004C  }
0xb2: {  	s29 =	simm.s32 $0x9;
	_ =	strace $0x8000004E  }
0xb3: {  	_ =	swait.ge [sflag:s29], $0x1  }
0xb4: {  	[sflag:s29] =	ssyncadd.s32 $0xFFFFFFFF  }
0xb5: {  	_ =	strace $0x9000004E  }
0xb6: {  	_ =	sfence  }
0xb7: {  	s30 =	sld [smem:$0x0];
	_ =	sdelay $0x2  }
0xb8: {  	s31 =	sshll.u32 s1, $0xD;
	s1 =	sshrl.u32 s1, $0x2  }
0xb9: {  	s3 =	sand.u32 $0x4000, s31;
	s1 =	sadd.s32 s1, s30  }
0xba: {  	s0 =	sor.u32 s3, s0;
	s1 =	sshll.u32 s1, $0x11  }
0xbb: {  	s0 =	sor.u32 s1, s0  }
0xbc: {  	s0 =	sadd.s32 $0x8F2B, s0  }
0xbd: {  	[sflag:s0] =	ssyncadd.remote.s32 $0x1  }
0xbe: {  	_ =	sfence.sel $0xFFFF  }
0xbf: {  	[dreg:$0x0] =	wrdreg $0xFFFFFFFF;
	(pc) =	sbr.abs _section_cstart, $3  }
0xc0: {  	[dreg:$0x1] =	wrdreg $0xFFFFFFFF  }
0xc1: {  	_ =	task.clear_ibuf [dreg:s6], $0x2FFFF;
	_ =	strace $0x9FFFFFFF  }
0xc2: {  	(tm) =	ssettm $0x7FFFFFFF  }
0xc3: {  	_ =	shalt  }
tec
execute0_lowered:
.L_overlay_start_1:
0x0: {  	(tag) =	ssettag $0x1  }
0x1: {  	s0 =	rddreg [dreg:$0x0]  }
0x2: {  	s1 =	rddreg [dreg:$0x1]  }
0x3: {  	s2 =	simm.s32 $0x0;
	s5 =	srdreg.scid;
	s14 =	stileid.u32  }
0x4: {  	s31 =	simm.s32 $0x5180;
	[smem:$0x7FF] =	sst s2;
	s3 =	sadd.s32 $0x19200, s0  }
0x5: {  	s4 =	sadd.s32 $0x40400, s0;
	s6 =	sadd.s32 $0x67600, s0;
	s7 =	sadd.s32 $0xF5FC00, s0  }
0x6: {  	s5 =	sand.u32 $0x1, s5;
	s8 =	sadd.s32 $0x9800, s0;
	s9 =	sadd.s32 $0x4F5600, s0  }
0x7: {  	s13 =	smul.u32 $0x50000, s14;
	s10 =	sadd.s32 $0x4EB800, s0;
	s0 =	sadd.s32 $0xB5A00, s0  }
0x8: {  	s21 =	sshll.u32 s14, $0x1;
	s15 =	smul.u32 $0x280, s14;
	_ =	strace $0x8000004D  }
0x9: {  	s11 =	ssub.s32 $0x2, s5;
	s22 =	sor.u32 s5, s21;
	s5 =	smul.u32 $0x2800, s5  }
0xa: {  	s12 =	sshrl.u32 s11, $0x1;
	s13 =	sshrl.u32 s13, $0x2;
	s24 =	sadd.s32 $0x80, s15  }
0xb: {  	s14 =	smul.u32 $0x7D, s22;
	s18 =	sadd.s32 $0x100, s15;
	s28 =	sadd.s32 $0x180, s15  }
0xc: {  	s12 =	ssub.s32 s11, s12;
	s11 =	sadd.s32 s13, s1;
	s16 =	sadd.s32 s15, s5  }
0xd: {  	s17 =	sadd.s32 s5, s24;
	s26 =	sadd.s32 s5, s18;
	s15 =	sadd.s32 $0x200, s15  }
0xe: {  	s19 =	sadd.s32 s5, s28;
	s20 =	sshll.u32 s24, $0x7;
	s21 =	sshll.u32 s18, $0x7  }
0xf: {  	s22 =	sshll.u32 s28, $0x7;
	s18 =	simm.s32 $0x2;
	s13 =	sadd.s32 $0x2800, s11  }
0x10: {  	s23 =	sadd.s32 $0x5000, s11;
	s16 =	sshll.u32 s16, $0x4;
	s17 =	sshll.u32 s17, $0x4  }
0x11: {  	s5 =	sadd.s32 s5, s15;
	s15 =	sshll.u32 s15, $0x7;
	[dreg:$0x3] =	wrdreg s13  }
0x12: {  	s12 =	smax.u32 s12, $0x1;
	s28 =	sadd.s32 $0xC800, s11;
	[dreg:$0x4] =	wrdreg s23  }
0x13: {  	s29 =	sadd.s32 $0xF000, s11;
	s30 =	sadd.s32 $0x11800, s11;
	[dreg:$0xb] =	wrdreg s12  }
0x14: {  	s16 =	sadd.s32 s0, s16;
	s25 =	sadd.s32 s0, s17;
	[dreg:$0x11] =	wrdreg s28  }
0x15: {  	v0 =	vimm.s32 $0xFEDCBA98;
	v1 =	vimm.s32 $0x76543210;
	v2 =	vimm.s32 $0xBA98FEDC;
	s5 =	sshll.u32 s5, $0x4;
	s13 =	sadd.s32 s22, s1;
	[dreg:$0x5] =	wrdreg s16  }
0x16: {  	v3 =	vimm.s32 $0x32107654;
	v4 =	vimm.s32 $0xDCFE98BA;
	v5 =	vimm.s32 $0x54761032;
	s15 =	sadd.s32 s15, s1;
	[dreg:$0x6] =	wrdreg s25;
	s24 =	sshrl.u32 s13, $0x3  }
0x17: {  	v6 =	vimm.s32 $0xEFCDAB89;
	v7 =	vimm.s32 $0x67452301;
	s12 =	simm.s32 $0x50;
	s25 =	sshrl.u32 s15, $0x3;
	[dreg:$0xe] =	wrdreg s24  }
0x18: {  	v0 =	vunpack.c.l.s4.s8 v0;
	v1 =	vunpack.c.l.s4.s8 v1;
	v2 =	vunpack.c.l.s4.s8 v2;
	s16 =	sshll.u32 s26, $0x4;
	s26 =	sadd.s32 $0xA000, s11;
	[dreg:$0xf] =	wrdreg s25  }
0x19: {  	v3 =	vunpack.c.l.s4.s8 v3;
	v4 =	vunpack.c.l.s4.s8 v4;
	v5 =	vunpack.c.l.s4.s8 v5;
	s17 =	simm.s32 $0x1;
	s16 =	sadd.s32 s0, s16;
	[dreg:$0x10] =	wrdreg s26  }
0x1a: {  	v6 =	vunpack.c.l.s4.s8 v6;
	v7 =	vunpack.c.l.s4.s8 v7;
	v0 =	vunpack.c.0.s8.s32 v0;
	[dreg:$0x7] =	wrdreg s16;
	s16 =	sshll.u32 s19, $0x4;
	s19 =	sadd.s32 $0x7800, s11  }
0x1b: {  	v2 =	vunpack.c.0.s8.s32 v2;
	v3 =	vunpack.c.0.s8.s32 v3;
	v4 =	vunpack.c.0.s8.s32 v4;
	s13 =	simm.s32 $0x180;
	[dreg:$0x8] =	wrdreg s19;
	s16 =	sadd.s32 s0, s16  }
0x1c: {  	v5 =	vunpack.c.0.s8.s32 v5;
	v6 =	vunpack.c.0.s8.s32 v6;
	v7 =	vunpack.c.0.s8.s32 v7;
	s15 =	simm.s32 $0x2980;
	s0 =	sadd.s32 s0, s5;
	[dreg:$0x9] =	wrdreg s16  }
0x1d: {  	v3 =	vcombine.low v3, v2;
	v2 =	vunpack.c.0.s8.s32 v1;
	s5 =	sadd.s32 s21, s1;
	s19 =	simm.s32 $0x3;
	[dreg:$0xa] =	wrdreg s0  }
0x1e: {  	v8 =	vand.u32 $0xF, v0;
	v4 =	vcombine.low v5, v4;
	v5 =	vcombine.low v7, v6;
	s0 =	sadd.s32 s20, s1;
	s23 =	sshrl.u32 s5, $0x3;
	s5 =	simm.s32 $0x80  }
0x1f: {  	v0 =	vimm.f32 $0.0e+00;
	v1 =	vimm.s32 $0x0;
	v2 =	vcombine.low v8, v2;
	s16 =	simm.s32 $0x7980;
	s0 =	sshrl.u32 s0, $0x3;
	[dreg:$0xd] =	wrdreg s23  }
0x20: {  	v3 =	vand.u32 $0xF, v3;
	v4 =	vand.u32 $0xF, v4;
	v5 =	vand.u32 $0xF, v5;
	s20 =	simm.s32 $0x4;
	[dreg:$0xc] =	wrdreg s0;
	s0 =	simm.s32 $0x5  }
.LBB2_1:
0x21: {  	s21 =	simm.s32 $0x0;
	s22 =	simm.s32 $0x200  }
.LBB2_2:
0x22: {  	p0 =	sne.s32 s22, $0x9E00;
	[tilespmem:s21+$0x51F0] =	vst v0  }
0x23: {  	[tilespmem:s21+$0x5180] =	vst v0  }
0x24: {  	[tilespmem:s21+$0x5190] =	vst v0  }
.Ltmp0:
0x25: {  	[tilespmem:s21+$0x51A0] =	vst v0;
	(pc) =	sbr.rel @p0 .LBB2_2-.Ltmp0, $4  }
0x26: {  	[tilespmem:s21+$0x51B0] =	vst v0  }
0x27: {  	[tilespmem:s21+$0x51C0] =	vst v0  }
0x28: {  	[tilespmem:s21+$0x51D0] =	vst v0  }
0x29: {  	[tilespmem:s21+$0x51E0] =	vst v0;
	s21 =	sshra.s32 s22, $0x2;
	s22 =	sadd.s32 $0x200, s22  }
0x2a: {  	[tilespmem:s21+$0x51F0] =	vst v0  }
0x2b: {  	[tilespmem:s21+$0x5180] =	vst v0  }
0x2c: {  	[tilespmem:s21+$0x5190] =	vst v0  }
0x2d: {  	[tilespmem:s21+$0x51A0] =	vst v0  }
0x2e: {  	[tilespmem:s21+$0x51B0] =	vst v0  }
0x2f: {  	[tilespmem:s21+$0x51C0] =	vst v0  }
0x30: {  	[tilespmem:s21+$0x51D0] =	vst v0  }
0x31: {  	[tilespmem:s21+$0x51E0] =	vst v0  }
0x32: {  	[spmem:s11] =	stream.linear.scatter [tilespmem:s31], [sflag:$0x5], $0x2800, $0x38;
	[tilespmem:$0x1E180] =	vst v63  }
0x33: {  	_ =	swait.ge [sflag:s0], $0x2800  }
0x34: {  	[sflag:s0] =	ssyncset.done $0x0  }
0x35: {  	s23 =	rddreg [dreg:$0x3];
	[sflag:s0] =	ssyncadd.s32 $0xFFFFD800  }
0x36: {  	[spmem:s23] =	stream.linear.scatter [tilespmem:s31], [sflag:$0x5], $0x2800, $0x38;
	[tilespmem:$0x1E180] =	vst v63  }
0x37: {  	_ =	swait.ge [sflag:s0], $0x2800  }
0x38: {  	[sflag:s0] =	ssyncset.done $0x0  }
0x39: {  	s24 =	rddreg [dreg:$0x4];
	[sflag:s0] =	ssyncadd.s32 $0xFFFFD800  }
0x3a: {  	[spmem:s24] =	stream.linear.scatter [tilespmem:s31], [sflag:$0x5], $0x2800, $0x38;
	[tilespmem:$0x1E180] =	vst v63  }
0x3b: {  	_ =	swait.ge [sflag:s0], $0x2800  }
0x3c: {  	[sflag:s0] =	ssyncset.done $0x0  }
0x3d: {  	s25 =	rddreg [dreg:$0x8];
	[sflag:s0] =	ssyncadd.s32 $0xFFFFD800  }
0x3e: {  	[spmem:s25] =	stream.linear.scatter [tilespmem:s31], [sflag:$0x5], $0x2800, $0x38;
	[tilespmem:$0x1E180] =	vst v63  }
0x3f: {  	_ =	swait.ge [sflag:s0], $0x2800  }
0x40: {  	[sflag:s0] =	ssyncset.done $0x0  }
0x41: {  	s26 =	rddreg [dreg:$0x10];
	[sflag:s0] =	ssyncadd.s32 $0xFFFFD800  }
0x42: {  	[spmem:s26] =	stream.linear.scatter [tilespmem:s31], [sflag:$0x5], $0x2800, $0x38;
	[tilespmem:$0x1E180] =	vst v63  }
0x43: {  	_ =	swait.ge [sflag:s0], $0x2800  }
0x44: {  	[sflag:s0] =	ssyncset.done $0x0  }
0x45: {  	s28 =	rddreg [dreg:$0x11];
	[sflag:s0] =	ssyncadd.s32 $0xFFFFD800  }
0x46: {  	[spmem:s28] =	stream.linear.scatter [tilespmem:s31], [sflag:$0x5], $0x2800, $0x38;
	[tilespmem:$0x1E180] =	vst v63  }
0x47: {  	_ =	swait.ge [sflag:s0], $0x2800  }
0x48: {  	[sflag:s0] =	ssyncset.done $0x0  }
0x49: {  	[sflag:s0] =	ssyncadd.s32 $0xFFFFD800  }
0x4a: {  	[spmem:s29] =	stream.linear.scatter [tilespmem:s31], [sflag:$0x5], $0x2800, $0x38;
	[tilespmem:$0x1E180] =	vst v63  }
0x4b: {  	_ =	swait.ge [sflag:s0], $0x2800  }
0x4c: {  	[sflag:s0] =	ssyncset.done $0x0  }
0x4d: {  	[sflag:s0] =	ssyncadd.s32 $0xFFFFD800  }
0x4e: {  	[spmem:s30] =	stream.linear.scatter [tilespmem:s31], [sflag:$0x5], $0x2800, $0x38;
	[tilespmem:$0x1E180] =	vst v63  }
0x4f: {  	_ =	swait.ge [sflag:s0], $0x2800  }
0x50: {  	[sflag:s0] =	ssyncset.done $0x0  }
0x51: {  	[sflag:s0] =	ssyncadd.s32 $0xFFFFD800  }
0x52: {  	s21 =	simm.s32 $0x0;
	s22 =	simm.s32 $0x0;
	[bflag:$0x0] =	sbarrier.arrive $0xFFFF  }
.LBB2_4:
0x53: {  	s23 =	sadd.s32 s14, s22  }
0x54: {  	s24 =	smul.u32 $0xA, s23;
	_ =	sdelay $0x1  }
0x55: {  	s25 =	sadd.s32 s9, s24  }
0x56: {  	[tilespmem:s21], [sflag:$0x5] =	stream.linear.gather [hbm4b:s25+s21], $0x50, $0x38;
	[tilespmem:$0x1E180] =	vst v63  }
0x57: {  	_ =	swait.ge [sflag:s0], $0x50  }
0x58: {  	[sflag:s0] =	ssyncset.done $0x0  }
0x59: {  	s24 =	sadd.s32 s10, s24;
	[sflag:s0] =	ssyncadd.s32 $0xFFFFFFB0  }
0x5a: {  	[tilespmem:s5], [sflag:$0x5] =	stream.linear.gather [hbm4b:s24+s21], $0x50, $0x38;
	[tilespmem:$0x1E180] =	vst v63  }
0x5b: {  	_ =	swait.ge [sflag:s0], $0x50  }
0x5c: {  	[sflag:s0] =	ssyncset.done $0x0  }
0x5d: {  	[sflag:s0] =	ssyncadd.s32 $0xFFFFFFB0  }
0x5e: {  	[tilespmem:s13], [sflag:$0x1] =	stream.indirect.gather [hbm4b:s3+s12], $0x80, s5, s12, $0xb8;
	[tilespmem:$0x1E180] =	vst v63  }
0x5f: {  	_ = 	snop  }
0x60: {  	[tilespmem:s15], [sflag:$0x2] =	stream.indirect.gather [hbm4b:s4+s12], $0x80, s21, s12, $0xb8;
	[tilespmem:$0x1E180] =	vst v63  }
0x61: {  	s28 =	smul.u32 $0x500, s23  }
0x62: {  	[tilespmem:s31], [sflag:$0x3] =	stream.indirect.gather [hbm4b:s6+s12], $0x80, s21, s12, $0xb8;
	[tilespmem:$0x1E180] =	vst v63  }
0x63: {  	s23 =	sshll.u32 s23, $0x4;
	s24 =	sadd.s32 s7, s28  }
0x64: {  	[tilespmem:s16], [sflag:$0x4] =	stream.linear.gather [hbm4b:s24+s21], $0x2800, $0x38;
	[tilespmem:$0x1E180] =	vst v63  }
0x65: {  	s23 =	sadd.s32 s8, s23;
	s24 =	simm.s32 $0x100  }
0x66: {  	[tilespmem:s24], [sflag:$0x5] =	stream.linear.gather [hbm4b:s23+s21], $0x80, $0x38;
	[tilespmem:$0x1E180] =	vst v63  }
0x67: {  	_ =	swait.ge [sflag:s0], $0x80  }
0x68: {  	[sflag:s0] =	ssyncset.done $0x0  }
0x69: {  	[sflag:s0] =	ssyncadd.s32 $0xFFFFFF80  }
0x6a: {  	_ =	swait.ge [sflag:s17], $0x2800  }
0x6b: {  	[sflag:s17] =	ssyncset.done $0x0  }
0x6c: {  	[sflag:s17] =	ssyncadd.s32 $0xFFFFD800  }
0x6d: {  	_ =	swait.ge [sflag:s18], $0x2800  }
0x6e: {  	[sflag:s18] =	ssyncset.done $0x0  }
0x6f: {  	[sflag:s18] =	ssyncadd.s32 $0xFFFFD800  }
0x70: {  	_ =	swait.ge [sflag:s19], $0x2800  }
0x71: {  	[sflag:s19] =	ssyncset.done $0x0  }
0x72: {  	[sflag:s19] =	ssyncadd.s32 $0xFFFFD800  }
0x73: {  	_ =	swait.ge [sflag:s20], $0x2800  }
0x74: {  	[sflag:s20] =	ssyncset.done $0x0  }
0x75: {  	s23 =	simm.s32 $0x0;
	[sflag:s20] =	ssyncadd.s32 $0xFFFFD800  }
0x76: {  	v13 =	vld [tilespmem:s23+$0x1E0]  }
0x77: {  	v8 =	vld [tilespmem:s23+$0x1F0]  }
0x78: {  	v9 =	vld [tilespmem:s23+$0x180]  }
0x79: {  	v15 =	vld [tilespmem:s23+$0x1D0]  }
0x7a: {  	v16 =	vld [tilespmem:s23+$0x1A0]  }
0x7b: {  	v17 =	vld [tilespmem:s23+$0x1B0]  }
0x7c: {  	v12 =	vld [tilespmem:s23+$0x79F0]  }
0x7d: {  	v6 =	vld [tilespmem:s23+$0x79E0]  }
0x7e: {  	v18 =	vld [tilespmem:s23+$0x1C0]  }
0x7f: {  	v14 =	vld [tilespmem:s23+$0x29F0]  }
0x80: {  	v22 =	vld [tilespmem:s23+$0x79D0]  }
0x81: {  	v19 =	vld [tilespmem:s23+$0x29E0]  }
0x82: {  	v20 =	vld [tilespmem:s23+$0x29C0]  }
0x83: {  	v21 =	vld [tilespmem:s23+$0x29D0]  }
0x84: {  	v7 =	vld [tilespmem:s23+$0x7990]  }
0x85: {  	v10 =	vld [tilespmem:s23+$0x79C0]  }
0x86: {  	v23 =	vld [tilespmem:s23+$0x29B0]  }
0x87: {  	v11 =	vld [tilespmem:s23+$0x79A0]  }
0x88: {  	v24 =	vadd.f32 v12, v14;
	v14 =	vld [tilespmem:s23+$0x79B0]  }
0x89: {  	v25 =	vld [tilespmem:s23+$0x2990];
	v21 =	vadd.f32 v22, v21  }
0x8a: {  	v26 =	vld [tilespmem:s23+$0x29A0];
	v19 =	vadd.f32 v6, v19;
	v24 =	vmul.f32 v24, v8  }
0x8b: {  	v27 =	vld [tilespmem:s23+$0x190];
	v20 =	vadd.f32 v10, v20;
	v15 =	vmul.f32 v21, v15  }
0x8c: {  	v29 =	vld [tilespmem:s23+$0x51D0];
	v13 =	vmul.f32 v19, v13;
	v21 =	vperm.xlane v24, v2  }
0x8d: {  	v8 =	vld [tilespmem:s23+$0x7980];
	v18 =	vmul.f32 v20, v18;
	v20 =	vperm.xlane v15, v2;
	v23 =	vadd.f32 v14, v23  }
0x8e: {  	v19 =	vld [tilespmem:s23+$0x2980];
	v30 =	vperm.xlane v13, v2;
	v28 =	vadd.f32 v24, v21;
	v24 =	vadd.f32 v7, v25  }
0x8f: {  	v25 =	vperm.xlane v18, v2;
	v21 =	vld [tilespmem:s23+$0x51B0];
	v34 =	vadd.f32 v15, v20;
	v32 =	vmul.f32 v23, v17  }
0x90: {  	v15 =	vld [tilespmem:s23+$0x5190];
	v17 =	vadd.f32 v11, v26;
	v24 =	vmul.f32 v24, v27;
	v33 =	vperm.xlane v28, v3  }
0x91: {  	v20 =	vld [tilespmem:s23+$0x51A0];
	v23 =	vadd.f32 v18, v25;
	v18 =	vadd.f32 v29, v22;
	v36 =	vperm.xlane v34, v3  }
0x92: {  	v25 =	vld [tilespmem:s23+$0x51F0];
	v29 =	vadd.f32 v13, v30;
	v26 =	vperm.xlane v32, v2;
	v27 =	vmul.f32 v17, v16  }
0x93: {  	v13 =	vld [tilespmem:s23+$0x5180];
	v17 =	vadd.f32 v8, v19;
	v35 =	vperm.xlane v24, v2;
	v19 =	vperm.xlane v23, v3  }
0x94: {  	v16 =	vld [tilespmem:s23+$0x51C0];
	v30 =	vadd.f32 v34, v36;
	v28 =	vadd.f32 v28, v33;
	v31 =	vperm.xlane v27, v2  }
0x95: {  	s25 =	simm.s32 $0x200;
	v22 =	vadd.f32 v32, v26;
	v26 =	vld [tilespmem:s24+$0x0];
	v32 =	vperm.xlane v29, v3;
	v24 =	vadd.f32 v24, v35  }
.LBB2_5:
0x96: {  	s28 =	smov.u32 s25  }
0x97: {  	s26 =	sshra.s32 s25, $0x2;
	v33 =	vmul.f32 v17, v9;
	v27 =	vadd.f32 v27, v31;
	v31 =	vld [tilespmem:s23+$0x51E0];
	v17 =	vadd.f32 v25, v12;
	s24 =	sadd.s32 $0x1, s24;
	s28 =	sadd.s32 $0x200, s25  }
0x98: {  	p0 =	sne.s32 s25, $0x9E00;
	v23 =	vadd.f32 v23, v19;
	v12 =	vperm.xlane v30, v4;
	v29 =	vadd.f32 v29, v32;
	v25 =	vld [tilespmem:s26+$0x1E0]  }
0x99: {  	v19 =	vperm.xlane v27, v3;
	v16 =	vadd.f32 v16, v10;
	v10 =	vperm.xlane v28, v4;
	v32 =	vld [tilespmem:s26+$0x1F0]  }
0x9a: {  	v34 =	vperm.xlane v33, v2;
	v30 =	vadd.f32 v30, v12;
	v12 =	vperm.xlane v29, v4;
	v9 =	vld [tilespmem:s26+$0x180]  }
0x9b: {  	v36 =	vperm.xlane v24, v3;
	v27 =	vadd.f32 v27, v19;
	v28 =	vadd.f32 v28, v10;
	v35 =	vld [tilespmem:s26+$0x1D0]  }
0x9c: {  	v26 =	vperm.xlane v26, v1;
	v10 =	vadd.f32 v33, v34;
	v33 =	vperm.xlane v30, v5;
	v19 =	vld [tilespmem:s26+$0x1A0]  }
0x9d: {  	v24 =	vadd.f32 v24, v36;
	v29 =	vadd.f32 v29, v12;
	v36 =	vperm.xlane v27, v4;
	v34 =	vld [tilespmem:s26+$0x1B0]  }
0x9e: {  	v21 =	vadd.f32 v21, v14;
	v37 =	vperm.xlane v10, v3;
	v14 =	vadd.f32 v30, v33;
	v12 =	vld [tilespmem:s26+$0x79F0]  }
0x9f: {  	v33 =	vperm.xlane v24, v4;
	v27 =	vadd.f32 v27, v36;
	v36 =	vperm.xlane v22, v3;
	v30 =	vld [tilespmem:s26+$0x79E0]  }
0xa0: {  	v10 =	vadd.f32 v10, v37;
	v37 =	vperm.xlane v28, v5;
	v14 =	vmul.f32 v14, v26;
	v38 =	vld [tilespmem:s26+$0x190]  }
0xa1: {  	v20 =	vadd.f32 v20, v11;
	v24 =	vadd.f32 v24, v33;
	v33 =	vperm.xlane v27, v5;
	v39 =	vld [tilespmem:s26+$0x1C0]  }
0xa2: {  	v40 =	vperm.xlane v10, v4;
	v22 =	vadd.f32 v22, v36;
	v14 =	vmul.f32 v14, v18;
	v11 =	vld [tilespmem:s26+$0x29F0]  }
0xa3: {  	v36 =	vperm.xlane v24, v5;
	v27 =	vadd.f32 v27, v33;
	v33 =	vperm.xlane v29, v5;
	v18 =	vld [tilespmem:s26+$0x79D0]  }
0xa4: {  	v42 =	vperm.xlane v23, v4;
	v40 =	vadd.f32 v10, v40;
	v10 =	vperm.xlane v22, v4;
	v41 =	vld [tilespmem:s26+$0x29E0];
	[tilespmem:s23+$0x51D0] =	vst v14  }
0xa5: {  	v14 =	vmul.f32 v27, v26;
	v27 =	vadd.f32 v29, v33;
	v29 =	vadd.f32 v31, v6;
	v6 =	vmovc v30;
	v43 =	vld [tilespmem:s26+$0x29C0]  }
0xa6: {  	v23 =	vadd.f32 v23, v42;
	v22 =	vadd.f32 v22, v10;
	v30 =	vld [tilespmem:s26+$0x29D0]  }
0xa7: {  	v15 =	vadd.f32 v15, v7;
	v31 =	vperm.xlane v40, v5;
	v27 =	vmul.f32 v27, v26;
	v7 =	vld [tilespmem:s26+$0x7990]  }
0xa8: {  	v24 =	vadd.f32 v24, v36;
	v33 =	vperm.xlane v23, v5;
	v11 =	vadd.f32 v12, v11;
	v10 =	vld [tilespmem:s26+$0x79C0]  }
0xa9: {  	v31 =	vadd.f32 v40, v31;
	v40 =	vperm.xlane v22, v5;
	v27 =	vmul.f32 v27, v29;
	v36 =	vld [tilespmem:s26+$0x7980]  }
0xaa: {  	v24 =	vmul.f32 v24, v26;
	v41 =	vadd.f32 v6, v41;
	v32 =	vmul.f32 v11, v32;
	v29 =	vld [tilespmem:s26+$0x29B0]  }
0xab: {  	v20 =	vmul.f32 v14, v20;
	v22 =	vadd.f32 v22, v40;
	v11 =	vld [tilespmem:s26+$0x79A0];
	v30 =	vadd.f32 v18, v30;
	[tilespmem:s23+$0x51E0] =	vst v27  }
0xac: {  	v13 =	vadd.f32 v13, v8;
	v40 =	vmul.f32 v41, v25;
	v41 =	vmul.f32 v24, v15;
	v14 =	vld [tilespmem:s26+$0x79B0]  }
0xad: {  	v15 =	vld [tilespmem:s26+$0x2990];
	v24 =	vmul.f32 v30, v35;
	[tilespmem:s23+$0x51A0] =	vst v20;
	v20 =	vmul.f32 v22, v26;
	v22 =	vadd.f32 v28, v37  }
0xae: {  	v27 =	vadd.f32 v10, v43;
	v28 =	vperm.xlane v32, v2;
	v30 =	vmul.f32 v31, v26;
	v25 =	vld [tilespmem:s26+$0x2980];
	[tilespmem:s23+$0x5190] =	vst v41  }
0xaf: {  	v23 =	vadd.f32 v23, v33;
	v8 =	vmovc v36;
	v31 =	vld [tilespmem:s26+$0x29A0];
	v35 =	vperm.xlane v24, v2;
	v22 =	vmul.f32 v22, v26  }
0xb0: {  	v33 =	vperm.xlane v40, v2;
	v28 =	vadd.f32 v32, v28;
	v20 =	vmul.f32 v20, v21  }
0xb1: {  	v27 =	vmul.f32 v27, v39;
	v21 =	vadd.f32 v14, v29;
	v22 =	vmul.f32 v22, v17  }
0xb2: {  	v32 =	vadd.f32 v24, v35;
	v15 =	vadd.f32 v7, v15;
	v24 =	vld [tilespmem:s26+$0x51D0];
	[tilespmem:s23+$0x51B0] =	vst v20;
	v20 =	vmul.f32 v23, v26  }
0xb3: {  	v23 =	vperm.xlane v27, v2;
	v17 =	vadd.f32 v8, v25;
	v26 =	vmul.f32 v21, v34;
	[tilespmem:s23+$0x51F0] =	vst v22  }
0xb4: {  	v34 =	vperm.xlane v28, v3;
	v22 =	vmul.f32 v15, v38;
	v29 =	vadd.f32 v11, v31;
	v21 =	vld [tilespmem:s26+$0x51B0]  }
0xb5: {  	v23 =	vadd.f32 v27, v23;
	v16 =	vmul.f32 v20, v16;
	v35 =	vperm.xlane v26, v2;
	v25 =	vld [tilespmem:s26+$0x51F0]  }
.Ltmp1:
0xb6: {  	v13 =	vmul.f32 v30, v13;
	v15 =	vld [tilespmem:s26+$0x5190];
	v27 =	vmul.f32 v29, v19;
	(pc) =	sbr.rel @p0 .LBB2_5-.Ltmp1, $4  }
0xb7: {  	v30 =	vperm.xlane v22, v2;
	v19 =	vperm.xlane v23, v3;
	v20 =	vld [tilespmem:s26+$0x51A0];
	v18 =	vadd.f32 v24, v18;
	[tilespmem:s23+$0x51C0] =	vst v16  }
0xb8: {  	v36 =	vperm.xlane v32, v3;
	v29 =	vadd.f32 v40, v33;
	v31 =	vperm.xlane v27, v2;
	v16 =	vld [tilespmem:s26+$0x51C0];
	[tilespmem:s23+$0x5180] =	vst v13;
	s23 =	smov.u32 s26  }
0xb9: {  	v24 =	vadd.f32 v22, v30;
	v22 =	vadd.f32 v26, v35;
	v13 =	vld [tilespmem:s23+$0x5180]  }
0xba: {  	s25 =	smov.u32 s28;
	v28 =	vadd.f32 v28, v34;
	v30 =	vadd.f32 v32, v36;
	v32 =	vperm.xlane v29, v3;
	v26 =	vld [tilespmem:s24+$0x0]  }
0xbb: {  	v9 =	vmul.f32 v17, v9;
	v61 =	vadd.f32 v27, v31  }
0xbc: {  	v12 =	vadd.f32 v25, v12;
	v19 =	vadd.f32 v23, v19;
	v40 =	vperm.xlane v24, v3  }
0xbd: {  	v45 =	vperm.xlane v22, v3;
	v14 =	vadd.f32 v21, v14;
	v7 =	vadd.f32 v15, v7  }
0xbe: {  	v62 =	vperm.xlane v30, v4;
	v63 =	vadd.f32 v29, v32;
	v37 =	vperm.xlane v28, v4  }
0xbf: {  	v11 =	vadd.f32 v20, v11;
	v36 =	vperm.xlane v61, v3;
	v38 =	vperm.xlane v9, v2  }
0xc0: {  	v47 =	vld [tilespmem:s23+$0x51E0];
	v24 =	vadd.f32 v24, v40;
	v22 =	vadd.f32 v22, v45;
	v54 =	vperm.xlane v19, v4  }
0xc1: {  	v25 =	vadd.f32 v30, v62;
	v39 =	vperm.xlane v63, v4;
	v41 =	vadd.f32 v28, v37  }
0xc2: {  	v17 =	vadd.f32 v61, v36;
	v26 =	vperm.xlane v26, v1;
	v9 =	vadd.f32 v9, v38  }
0xc3: {  	v46 =	vperm.xlane v24, v4;
	v51 =	vperm.xlane v22, v4;
	v19 =	vadd.f32 v19, v54  }
0xc4: {  	v42 =	vperm.xlane v25, v5;
	v27 =	vadd.f32 v63, v39;
	v48 =	vperm.xlane v41, v5  }
0xc5: {  	v6 =	vadd.f32 v47, v6;
	v43 =	vperm.xlane v17, v4;
	v44 =	vperm.xlane v9, v3  }
0xc6: {  	v21 =	vadd.f32 v24, v46;
	v22 =	vadd.f32 v22, v51;
	v58 =	vperm.xlane v19, v5  }
0xc7: {  	v25 =	vadd.f32 v25, v42;
	v52 =	vperm.xlane v27, v5;
	v9 =	vadd.f32 v9, v44  }
0xc8: {  	v17 =	vadd.f32 v17, v43;
	v53 =	vperm.xlane v21, v5;
	v56 =	vperm.xlane v22, v5  }
0xc9: {  	v25 =	vmul.f32 v25, v26;
	v55 =	vadd.f32 v27, v52;
	v50 =	vperm.xlane v9, v4  }
0xca: {  	v49 =	vperm.xlane v17, v5;
	v21 =	vadd.f32 v21, v53;
	v22 =	vadd.f32 v22, v56  }
0xcb: {  	v18 =	vmul.f32 v25, v18;
	v20 =	vmul.f32 v55, v26;
	v9 =	vadd.f32 v9, v50  }
0xcc: {  	v17 =	vadd.f32 v17, v49;
	v59 =	vmul.f32 v21, v26;
	v61 =	vmul.f32 v22, v26  }
0xcd: {  	v60 =	vadd.f32 v41, v48;
	v6 =	vmul.f32 v20, v6;
	v57 =	vperm.xlane v9, v5  }
0xce: {  	v15 =	vadd.f32 v19, v58;
	[tilespmem:s23+$0x51D0] =	vst v18;
	v17 =	vmul.f32 v17, v26;
	v62 =	vmul.f32 v61, v14  }
0xcf: {  	[tilespmem:s23+$0x51E0] =	vst v6;
	v6 =	vmul.f32 v59, v7;
	v7 =	vmul.f32 v60, v26;
	v9 =	vadd.f32 v9, v57  }
0xd0: {  	v10 =	vadd.f32 v16, v10;
	v63 =	vmul.f32 v15, v26;
	v11 =	vmul.f32 v17, v11;
	[tilespmem:s23+$0x51B0] =	vst v62  }
0xd1: {  	v8 =	vadd.f32 v13, v8;
	[tilespmem:s23+$0x5190] =	vst v6;
	v6 =	vmul.f32 v7, v12;
	v9 =	vmul.f32 v9, v26  }
0xd2: {  	v7 =	vmul.f32 v63, v10;
	[tilespmem:s23+$0x51A0] =	vst v11  }
0xd3: {  	s22 =	sadd.s32 $0x1, s22;
	[tilespmem:s23+$0x51F0] =	vst v6;
	v6 =	vmul.f32 v9, v8  }
0xd4: {  	p0 =	sne.s32 s22, $0x7D;
	[tilespmem:s23+$0x51C0] =	vst v7  }
.Ltmp2:
0xd5: {  	[tilespmem:s23+$0x5180] =	vst v6;
	(pc) =	sbr.rel @p0 .LBB2_4-.Ltmp2, $4  }
0xd6: {  	[spmem:s1] =	stream.indirect.scatter.add.f32 [tilespmem:s31], [sflag:$0x5], $0x80, s5, s12, $0xb8;
	[tilespmem:$0x1E180] =	vst v63  }
0xd7: {  	_ =	swait.ge [sflag:s0], $0x2800  }
0xd8: {  	[sflag:s0] =	ssyncset.done $0x0  }
0xd9: {  	[sflag:s0] =	ssyncadd.s32 $0xFFFFD800  }
0xda: {  	s21 =	stileid.u32  }
0xdb: {  	[bflag:$0x0] =	sbarrier.arrive $0xFFFF;
	s21 =	sshll.u32 s21, $0x6  }
0xdc: {  	s22 =	sshrl.u32 s11, $0x3;
	s23 =	rddreg [dreg:$0x5];
	s21 =	sor.u32 $0x1C05, s21  }
0xdd: {  	[hbm:s23], [sflag:s21] =	dma.local [spmem:s22], $0x800  }
0xde: {  	_ =	swait.ge [sflag:s0], $0x800  }
0xdf: {  	[sflag:s0] =	ssyncset.done $0x0;
	s24 =	rddreg [dreg:$0x6]  }
0xe0: {  	s25 =	rddreg [dreg:$0xc];
	[sflag:s0] =	ssyncadd.s32 $0xFFFFF800  }
0xe1: {  	[hbm:s24], [sflag:s21] =	dma.local [spmem:s25], $0x800  }
0xe2: {  	_ =	swait.ge [sflag:s0], $0x800  }
0xe3: {  	[sflag:s0] =	ssyncset.done $0x0;
	s26 =	rddreg [dreg:$0x7]  }
0xe4: {  	s28 =	rddreg [dreg:$0xd];
	[sflag:s0] =	ssyncadd.s32 $0xFFFFF800  }
0xe5: {  	[hbm:s26], [sflag:s21] =	dma.local [spmem:s28], $0x800  }
0xe6: {  	_ =	swait.ge [sflag:s0], $0x800  }
0xe7: {  	[sflag:s0] =	ssyncset.done $0x0;
	s23 =	rddreg [dreg:$0x9]  }
0xe8: {  	s24 =	rddreg [dreg:$0xe];
	[sflag:s0] =	ssyncadd.s32 $0xFFFFF800  }
0xe9: {  	[hbm:s23], [sflag:s21] =	dma.local [spmem:s24], $0x800  }
0xea: {  	_ =	swait.ge [sflag:s0], $0x800  }
0xeb: {  	[sflag:s0] =	ssyncset.done $0x0;
	s25 =	rddreg [dreg:$0xa]  }
0xec: {  	s26 =	rddreg [dreg:$0xf];
	[sflag:s0] =	ssyncadd.s32 $0xFFFFF800  }
0xed: {  	[hbm:s25], [sflag:s21] =	dma.local [spmem:s26], $0x800  }
0xee: {  	_ =	swait.ge [sflag:s0], $0x800  }
0xef: {  	s2 =	sadd.s32 $0x1, s2;
	s28 =	rddreg [dreg:$0xb]  }
0xf0: {  	p0 =	sne.s32 s2, s28  }
.Ltmp3:
0xf1: {  	_ = 	snop;
	(pc) =	sbr.rel @p0 .LBB2_1-.Ltmp3, $3  }
0xf2: {  	_ =	sdelay $0x1  }
0xf3: {  	[sflag:s0] =	ssyncset.done $0x0  }
0xf4: {  	[sflag:s0] =	ssyncadd.s32 $0xFFFFF800  }
0xf5: {  	_ =	sfence.sel $0x180000  }
0xf6: {  	[bflag:$0x0] =	sbarrier.arrive $0xFFFF  }
0xf7: {  	_ =	strace $0x9000004D  }
0xf8: {  	s0 =	stileid.u32;
	[bflag:$0x2] =	sbarrier.arrive $0xFFFF  }
0xf9: {  	p0 =	sne.s32 s0, $0x0;
	s0 =	rddreg [dreg:$0x2]  }
0xfa: {  	s0 =	sadd.s32 @!p0 $0x100000, s0  }
0xfb: {  	[sflag:s0] =	ssyncadd.tile.s32 @!p0 $0x1;
	_ =	shalt  }
.Lfunc_end2:
_tile_overlayer_lowered:
.L_overlay_start_2:
0xfc: {  	(tag) =	ssettag $0x2  }
0xfd: {  	s0 =	rddreg [dreg:$0x0];
	s2 =	stileid.u32  }
0xfe: {  	s1 =	rddreg [dreg:$0x1];
	p0 =	sne.s32 s2, $0x0  }
0xff: {  	s3 =	rddreg [dreg:$0x2];
	[bflag:$0x3] =	sbarrier.arrive $0xFFFF;
	s2 =	simm.s32 @!p0 $0x1C05  }
0x100: {  	[timem:s3], [sflag:s2] =	dma.local @!p0 [hbm:s0], s1  }
0x101: {  	s0 =	simm.s32 @!p0 $0x5  }
0x102: {  	_ =	swait.ge @!p0 [sflag:s0], s1  }
0x103: {  	s1 =	ssub.s32 @!p0 $0x0, s1;
	[sflag:s0] =	ssyncset.done @!p0 $0x0  }
0x104: {  	[sflag:s0] =	ssyncadd.s32 @!p0 s1  }
0x105: {  	[bflag:$0x3] =	sbarrier.arrive $0xFFFF  }
0x106: {  	_ =	shalt  }

</sc_bundles>
